<compile_context>
chip_gen: v7x
topology: tpu7x:2x2x1
jax: 0.10.2.dev20260603
libtpu: 0.0.44.dev20260713+nightly
codegen_flags: <defaults>
</compile_context>

<pallas_src>
import functools

import jax
import jax.numpy as jnp
from jax import lax
from jax.experimental import pallas as pl
from jax.experimental.pallas import tpu as pltpu
from jax.experimental.pallas import tpu_sc as plsc

NUM_CORES = 2
NUM_TILES = 16
NBUF = 8
IB = 40
R_BLOCK = 1024

_f32 = jnp.float32
_i32 = jnp.int32



@functools.cache
def _make_seg_sum(n_pad: int, d: int, ck: int, chunks: int):
    rpt = n_pad // NUM_TILES
    nblocks = chunks // IB
    groups = IB // NBUF

    mesh = plsc.VectorSubcoreMesh(
        core_axis_name="c", subcore_axis_name="s",
        num_cores=NUM_CORES, num_subcores=NUM_TILES)

    scratch = [
        pltpu.VMEM((IB, ck), _i32),
        pltpu.VMEM((IB, ck), _i32),
    ]
    scratch += [pltpu.VMEM((ck, d), _f32) for _ in range(NBUF)]
    scratch += [pltpu.SemaphoreType.DMA for _ in range(2 * NBUF)]
    scratch.append(pltpu.VMEM_SHARED((n_pad, d), _f32))

    @functools.partial(
        pl.kernel,
        out_type=jax.ShapeDtypeStruct((NUM_CORES, n_pad, d), _f32),
        mesh=mesh, scratch_types=scratch,
        compiler_params=pltpu.CompilerParams(use_tc_tiling_on_sc=False))
    def body(table_hbm, src_hbm, dst_hbm, zrow_hbm, out_sum,
             src_v, dst_v, *rest):
        rows = rest[:NBUF]
        gsem = rest[NBUF:2 * NBUF]
        ssem = rest[2 * NBUF:3 * NBUF]
        (acc_sh,) = rest[3 * NBUF:]

        cid = lax.axis_index("c")
        sid = lax.axis_index("s")

        pltpu.sync_copy(zrow_hbm, acc_sh.at[pl.ds(sid * rpt, rpt)])
        plsc.subcore_barrier()

        def drain_scatter(j):
            pltpu.make_async_copy(
                rows[j], acc_sh.at[dst_v.at[j]], ssem[j]).wait()

        def block_body(b, carry):
            @pl.when(b > 0)
            def _():
                for j in range(NBUF):
                    drain_scatter(j)

            base = sid * chunks + b * IB
            pltpu.sync_copy(src_hbm.at[cid, pl.ds(base, IB)], src_v)
            pltpu.sync_copy(dst_hbm.at[cid, pl.ds(base, IB)], dst_v)

            def group_body(g, carry2):
                for j in range(NBUF):
                    @pl.when(g > 0)
                    def _():
                        drain_scatter(j)
                    pltpu.async_copy(
                        table_hbm.at[src_v.at[g * NBUF + j]], rows[j],
                        gsem[j])
                for j in range(NBUF):
                    c = g * NBUF + j
                    pltpu.make_async_copy(
                        table_hbm.at[src_v.at[c]], rows[j], gsem[j]).wait()
                    pltpu.async_copy(
                        rows[j], acc_sh.at[dst_v.at[c]], ssem[j], add=True)
                return carry2

            return lax.fori_loop(0, groups, group_body, carry)

        lax.fori_loop(0, nblocks, block_body, 0)
        for j in range(NBUF):
            drain_scatter(j)
        plsc.subcore_barrier()

        sl = pl.ds(sid * rpt, rpt)
        pltpu.sync_copy(acc_sh.at[sl], out_sum.at[cid, sl])

    return body


def _pad_edges(edge_index, e_pad, dummy_dst, ck):
    e = edge_index.shape[1]
    src = jnp.concatenate(
        [edge_index[0], jnp.zeros((e_pad - e,), _i32)]).reshape(-1, ck)
    dst = jnp.concatenate(
        [edge_index[1], jnp.full((e_pad - e,), dummy_dst, _i32)]
    ).reshape(-1, ck)
    return src, dst



def _row_spec(r, cols):
    return pl.BlockSpec((r, cols), lambda i: (i, 0))


def _pick_spec(which, r, cols):
    return pl.BlockSpec((1, r, cols), lambda i, w=which: (w, i, 0))


def _full_spec(shape):
    nd = len(shape)
    return pl.BlockSpec(shape, lambda i: (0,) * nd)


def _recip(sums_ref):
    return 1.0 / jnp.maximum(sums_ref[0][:, 32:33], 1.0)


def _proj_body(x, wa, y):
    xb = x[...]
    r = xb.shape[0]
    one = jnp.ones((r, 1), _f32)
    pad = jnp.zeros((r, 15), _f32)
    y[...] = jnp.concatenate(
        [jnp.dot(xb, wa[0], preferred_element_type=_f32), one, pad], 1)


def _base_dense_body(sum_p, sum_n, x, wpx, wnx, bp, bn, out):
    agg_p = sum_p[0][:, :32] * _recip(sum_p)
    agg_n = sum_n[0][:, :32] * _recip(sum_n)
    xb = x[...]
    hp = jnp.tanh(
        agg_p + jnp.dot(xb, wpx[...], preferred_element_type=_f32) + bp[...])
    hn = jnp.tanh(
        agg_n + jnp.dot(xb, wnx[...], preferred_element_type=_f32) + bn[...])
    out[...] = jnp.concatenate([hp, hn], axis=1)


def _deep_emb(s_p, s_n, cnt_p, cnt_n, hcat, wp, wn, bp, bn):
    rp = _recip(cnt_p)
    rn = _recip(cnt_n)
    sp = s_p[0]
    sn = s_n[0]
    hb = hcat[...]
    hp, hn = hb[:, :32], hb[:, 32:]
    feat = jnp.concatenate([
        sp[:, :32] * rp,
        sn[:, 32:] * rn,
        sp[:, 32:] * rp,
        sn[:, :32] * rn,
        hp, hn, 0.5 * (hp + hn),
    ], axis=1)
    np_ = jnp.tanh(jnp.dot(feat, wp[...], preferred_element_type=_f32) + bp[...])
    nn_ = jnp.tanh(jnp.dot(feat, wn[...], preferred_element_type=_f32) + bn[...])
    return jnp.concatenate([np_, nn_], axis=1)


def _deep_dense_body(s_p, s_n, cnt_p, cnt_n, hcat, wp, wn, bp, bn, out):
    out[...] = _deep_emb(s_p, s_n, cnt_p, cnt_n, hcat, wp, wn, bp, bn)


def _lstm_from(eb, w_ih_t, w_hh_t, bias):
    cells = w_ih_t.shape[0]
    h = jnp.zeros((eb.shape[0], 64), _f32)
    c = jnp.zeros((eb.shape[0], 64), _f32)
    for i in range(cells):
        gates = (jnp.dot(eb, w_ih_t[i], preferred_element_type=_f32)
                 + jnp.dot(h, w_hh_t[i], preferred_element_type=_f32)
                 + bias[i])
        ig = jax.nn.sigmoid(gates[:, :64])
        fg = jax.nn.sigmoid(gates[:, 64:128])
        gg = jnp.tanh(gates[:, 128:192])
        og = jax.nn.sigmoid(gates[:, 192:256])
        c = fg * c + ig * gg
        h = og * jnp.tanh(c)
    return h


def _deep_lstm_body(s_p, s_n, cnt_p, cnt_n, hcat, wp, wn, bp, bn,
                    w_ih_t, w_hh_t, bias, out):
    emb = _deep_emb(s_p, s_n, cnt_p, cnt_n, hcat, wp, wn, bp, bn)
    out[...] = _lstm_from(emb, w_ih_t[...], w_hh_t[...], bias[...])



def kernel(x, pos_edge_index, neg_edge_index, W_pos_base, b_pos_base,
           W_neg_base, b_neg_base, W_pos_deep, b_pos_deep, W_neg_deep,
           b_neg_deep, W_ih, W_hh, b_ih, b_hh):
    n, d_feat = x.shape
    e = pos_edge_index.shape[1]
    hid = W_pos_base.shape[1]
    dcat = 2 * hid

    n_pad = ((n + R_BLOCK - 1) // R_BLOCK) * R_BLOCK
    grid = n_pad // R_BLOCK
    ck = 128
    dproj = hid + 16
    quantum = NUM_TILES * IB * ck
    e_pad = ((e + quantum - 1) // quantum) * quantum
    chunks = e_pad // (NUM_TILES * ck)

    src_p, dst_p = _pad_edges(pos_edge_index, e_pad, n_pad - 1, ck)
    src_n, dst_n = _pad_edges(neg_edge_index, e_pad, n_pad - 1, ck)
    src_d = jnp.stack([src_p, src_n])
    dst_d = jnp.stack([dst_p, dst_n])
    src_b = jnp.stack([src_p, src_n + n_pad])

    rpt = n_pad // NUM_TILES
    zrow_base = jnp.zeros((rpt, dproj), _f32)
    zrow_deep = jnp.zeros((rpt, dcat), _f32)

    x_pad = jnp.pad(x, ((0, n_pad - n), (0, 0)))

    w_agg = jnp.stack([W_pos_base[:d_feat], W_neg_base[:d_feat]])
    ytab = pl.pallas_call(
        _proj_body,
        grid=(2 * grid,),
        in_specs=[
            pl.BlockSpec((R_BLOCK, d_feat), lambda i: (i % grid, 0)),
            pl.BlockSpec((1, d_feat, hid), lambda i: (i // grid, 0, 0)),
        ],
        out_specs=pl.BlockSpec((R_BLOCK, dproj), lambda i: (i, 0)),
        out_shape=jax.ShapeDtypeStruct((2 * n_pad, dproj), _f32),
    )(x_pad, w_agg)

    seg_base = _make_seg_sum(n_pad, dproj, ck, chunks)
    sums = seg_base(ytab, src_b, dst_d, zrow_base)

    bp = b_pos_base.reshape(1, hid)
    bn = b_neg_base.reshape(1, hid)
    hcat = pl.pallas_call(
        _base_dense_body,
        grid=(grid,),
        in_specs=[
            _pick_spec(0, R_BLOCK, dproj), _pick_spec(1, R_BLOCK, dproj),
            _row_spec(R_BLOCK, d_feat),
            _full_spec((d_feat, hid)), _full_spec((d_feat, hid)),
            _full_spec(bp.shape), _full_spec(bn.shape),
        ],
        out_specs=_row_spec(R_BLOCK, dcat),
        out_shape=jax.ShapeDtypeStruct((n_pad, dcat), _f32),
    )(sums, sums, x_pad, W_pos_base[d_feat:], W_neg_base[d_feat:], bp, bn)

    seg_deep = _make_seg_sum(n_pad, dcat, ck, chunks)
    w_ih_t = W_ih.transpose(0, 2, 1)
    w_hh_t = W_hh.transpose(0, 2, 1)
    bias = (b_ih + b_hh).reshape(W_ih.shape[0], 1, W_ih.shape[1])
    layers = W_pos_deep.shape[0]
    for i in range(layers):
        dsums = seg_deep(hcat, src_d, dst_d, zrow_deep)
        bpi = b_pos_deep[i].reshape(1, hid)
        bni = b_neg_deep[i].reshape(1, hid)
        last = i == layers - 1
        in_specs = [
            _pick_spec(0, R_BLOCK, dcat), _pick_spec(1, R_BLOCK, dcat),
            _pick_spec(0, R_BLOCK, dproj), _pick_spec(1, R_BLOCK, dproj),
            _row_spec(R_BLOCK, dcat),
            _full_spec(W_pos_deep[i].shape),
            _full_spec(W_neg_deep[i].shape),
            _full_spec(bpi.shape), _full_spec(bni.shape),
        ]
        args = (dsums, dsums, sums, sums, hcat, W_pos_deep[i],
                W_neg_deep[i], bpi, bni)
        if last:
            in_specs += [_full_spec(w_ih_t.shape), _full_spec(w_hh_t.shape),
                         _full_spec(bias.shape)]
            args += (w_ih_t, w_hh_t, bias)
        hcat = pl.pallas_call(
            _deep_lstm_body if last else _deep_dense_body,
            grid=(grid,),
            in_specs=in_specs,
            out_specs=_row_spec(R_BLOCK, dcat),
            out_shape=jax.ShapeDtypeStruct((n_pad, dcat), _f32),
        )(*args)

    return hcat[:n]

# --- scband reference (transcript-rebuilt; emitter-appended) ---
"""Pipeline reference for scband-sgc-lstm-83056077570605 (READ-ONLY COPY).

The authoritative reference and input builder live on the scoring server;
editing this copy changes nothing except your own understanding.
"""

import jax, jax.numpy as jnp
import numpy as np

N = 10000
E = 320000
D_FEAT = 128
HID = 32
LSTM_H = 64
CELLS = 5


def _mean_agg(h, src, dst, n):
    msg = jnp.take(h, src, axis=0)
    s = jax.ops.segment_sum(msg, dst, num_segments=n)
    cnt = jax.ops.segment_sum(jnp.ones_like(msg[:, 0]), dst, num_segments=n)
    return s / jnp.maximum(cnt, 1.0)[:, None]


def setup_inputs(seed: int = 0) -> dict:
    key = jax.random.key(seed)
    ks = jax.random.split(key, 20)
    x = jax.random.normal(ks[0], (N, D_FEAT), dtype=jnp.float32)
    pos_edge_index = jax.random.randint(ks[1], (2, E), 0, N, dtype=jnp.int32)
    neg_edge_index = jax.random.randint(ks[2], (2, E), 0, N, dtype=jnp.int32)
    sc = 0.1
    W_pos_base = jax.random.normal(ks[3], (2 * D_FEAT, HID), dtype=jnp.float32) * sc
    b_pos_base = jnp.zeros((HID,), dtype=jnp.float32)
    W_neg_base = jax.random.normal(ks[4], (2 * D_FEAT, HID), dtype=jnp.float32) * sc
    b_neg_base = jnp.zeros((HID,), dtype=jnp.float32)
    W_pos_deep = jax.random.normal(ks[5], (2, 7 * HID, HID), dtype=jnp.float32) * sc
    b_pos_deep = jnp.zeros((2, HID), dtype=jnp.float32)
    W_neg_deep = jax.random.normal(ks[6], (2, 7 * HID, HID), dtype=jnp.float32) * sc
    b_neg_deep = jnp.zeros((2, HID), dtype=jnp.float32)
    W_ih = jax.random.normal(ks[7], (CELLS, 4 * LSTM_H, 2 * HID), dtype=jnp.float32) * sc
    W_hh = jax.random.normal(ks[8], (CELLS, 4 * LSTM_H, LSTM_H), dtype=jnp.float32) * sc
    b_ih = jnp.zeros((CELLS, 4 * LSTM_H), dtype=jnp.float32)
    b_hh = jnp.zeros((CELLS, 4 * LSTM_H), dtype=jnp.float32)
    return {
        "x": x,
        "pos_edge_index": pos_edge_index,
        "neg_edge_index": neg_edge_index,
        "W_pos_base": W_pos_base, "b_pos_base": b_pos_base,
        "W_neg_base": W_neg_base, "b_neg_base": b_neg_base,
        "W_pos_deep": W_pos_deep, "b_pos_deep": b_pos_deep,
        "W_neg_deep": W_neg_deep, "b_neg_deep": b_neg_deep,
        "W_ih": W_ih, "W_hh": W_hh, "b_ih": b_ih, "b_hh": b_hh,
    }


def reference(x, pos_edge_index, neg_edge_index, W_pos_base, b_pos_base,
              W_neg_base, b_neg_base, W_pos_deep, b_pos_deep, W_neg_deep,
              b_neg_deep, W_ih, W_hh, b_ih, b_hh):
    n = x.shape[0]
    ps, pd = pos_edge_index[0], pos_edge_index[1]
    qs, qd = neg_edge_index[0], neg_edge_index[1]
    # Base signed SAGE convolution: mean-aggregate neighbors, concat self, linear + tanh
    agg_p = _mean_agg(x, ps, pd, n)
    agg_n = _mean_agg(x, qs, qd, n)
    h_pos = jnp.tanh(jnp.concatenate([agg_p, x], axis=1) @ W_pos_base + b_pos_base)
    h_neg = jnp.tanh(jnp.concatenate([agg_n, x], axis=1) @ W_neg_base + b_neg_base)
    # Deep signed SAGE convolutions (layer_num - 1 = 2 layers), 7-block input (7*32=224)
    for i in range(2):
        ap_p = _mean_agg(h_pos, ps, pd, n)
        an_n = _mean_agg(h_neg, qs, qd, n)
        ap_n = _mean_agg(h_neg, ps, pd, n)
        an_p = _mean_agg(h_pos, qs, qd, n)
        feat = jnp.concatenate([ap_p, an_n, ap_n, an_p, h_pos, h_neg, 0.5 * (h_pos + h_neg)], axis=1)
        new_pos = jnp.tanh(feat @ W_pos_deep[i] + b_pos_deep[i])
        new_neg = jnp.tanh(feat @ W_neg_deep[i] + b_neg_deep[i])
        h_pos, h_neg = new_pos, new_neg
    emb = jnp.concatenate([h_pos, h_neg], axis=1)
    # Stacked LSTMCells (cell_num cells applied sequentially, per node)
    hx = jnp.zeros((n, LSTM_H), dtype=emb.dtype)
    cx = jnp.zeros((n, LSTM_H), dtype=emb.dtype)
    for i in range(CELLS):
        gates = emb @ W_ih[i].T + hx @ W_hh[i].T + b_ih[i] + b_hh[i]
        ig, fg, gg, og = jnp.split(gates, 4, axis=1)
        ig = jax.nn.sigmoid(ig)
        fg = jax.nn.sigmoid(fg)
        gg = jnp.tanh(gg)
        og = jax.nn.sigmoid(og)
        cx = fg * cx + ig * gg
        hx = og * jnp.tanh(cx)
    return hx

if __name__ == "__main__":
    import jax
    _d = setup_inputs()
    print(jax.jit(kernel)(*tuple(_d.values())))

</pallas_src>

<mosaic_0001>
#map = affine_map<(d0, d1) -> (0, 0)>
#map1 = affine_map<(d0, d1) -> (0, 0, 0)>
module attributes {stable_mosaic.version = 14 : i64} {
  func.func @body(%arg0: i32, %arg1: i32, %arg2: memref<20480x48xf32, #tpu.memory_space<hbm>>, %arg3: memref<2x2560x128xi32, #tpu.memory_space<hbm>>, %arg4: memref<2x2560x128xi32, #tpu.memory_space<hbm>>, %arg5: memref<640x48xf32, #tpu.memory_space<hbm>>, %arg6: memref<2x10240x48xf32, #tpu.memory_space<hbm>>, %arg7: memref<40x128xi32, #tpu.memory_space<vmem>>, %arg8: memref<40x128xi32, #tpu.memory_space<vmem>>, %arg9: memref<128x48xf32, #tpu.memory_space<vmem>>, %arg10: memref<128x48xf32, #tpu.memory_space<vmem>>, %arg11: memref<128x48xf32, #tpu.memory_space<vmem>>, %arg12: memref<128x48xf32, #tpu.memory_space<vmem>>, %arg13: memref<128x48xf32, #tpu.memory_space<vmem>>, %arg14: memref<128x48xf32, #tpu.memory_space<vmem>>, %arg15: memref<128x48xf32, #tpu.memory_space<vmem>>, %arg16: memref<128x48xf32, #tpu.memory_space<vmem>>, %arg17: memref<!tpu.dma_semaphore, #tpu.memory_space<semaphore_mem>>, %arg18: memref<!tpu.dma_semaphore, #tpu.memory_space<semaphore_mem>>, %arg19: memref<!tpu.dma_semaphore, #tpu.memory_space<semaphore_mem>>, %arg20: memref<!tpu.dma_semaphore, #tpu.memory_space<semaphore_mem>>, %arg21: memref<!tpu.dma_semaphore, #tpu.memory_space<semaphore_mem>>, %arg22: memref<!tpu.dma_semaphore, #tpu.memory_space<semaphore_mem>>, %arg23: memref<!tpu.dma_semaphore, #tpu.memory_space<semaphore_mem>>, %arg24: memref<!tpu.dma_semaphore, #tpu.memory_space<semaphore_mem>>, %arg25: memref<!tpu.dma_semaphore, #tpu.memory_space<semaphore_mem>>, %arg26: memref<!tpu.dma_semaphore, #tpu.memory_space<semaphore_mem>>, %arg27: memref<!tpu.dma_semaphore, #tpu.memory_space<semaphore_mem>>, %arg28: memref<!tpu.dma_semaphore, #tpu.memory_space<semaphore_mem>>, %arg29: memref<!tpu.dma_semaphore, #tpu.memory_space<semaphore_mem>>, %arg30: memref<!tpu.dma_semaphore, #tpu.memory_space<semaphore_mem>>, %arg31: memref<!tpu.dma_semaphore, #tpu.memory_space<semaphore_mem>>, %arg32: memref<!tpu.dma_semaphore, #tpu.memory_space<semaphore_mem>>, %arg33: memref<10240x48xf32, #tpu.memory_space<vmem_shared>>) attributes {dimension_semantics = [#tpu.dimension_semantics<core_parallel>, #tpu.dimension_semantics<subcore_parallel>], iteration_bounds = array<i64: 2, 16>, scalar_prefetch = 0 : i64, scratch_operands = 27 : i64, tpu.core_type = #tpu.core_type<sc_vector_subcore>, window_params = [{transform_indices = #map}, {transform_indices = #map1}, {transform_indices = #map1}, {transform_indices = #map}, {transform_indices = #map1}]} {
    %mul3A = arith.constant 640 : i32
    %mul3A_0 = arith.muli %arg1, %mul3A : i32
    "tpu.region"() ({
      %run_scoped3A = tpu.sem_alloc : memref<!tpu.dma_semaphore, #tpu.memory_space<semaphore_mem>>
      %dma_start3A = arith.constant 0 : i32
      %dma_start3A_64 = tpu.memref_slice %arg33[%mul3A_0, %dma_start3A] : memref<10240x48xf32, #tpu.memory_space<vmem_shared>> -> memref<640x48xf32, #tpu.memory_space<vmem_shared>>
      tpu.enqueue_dma source(%arg5 : memref<640x48xf32, #tpu.memory_space<hbm>>) target(%dma_start3A_64 : memref<640x48xf32, #tpu.memory_space<vmem_shared>>) target_semaphore(%run_scoped3A : memref<!tpu.dma_semaphore, #tpu.memory_space<semaphore_mem>>)
      %dma_wait3A_65 = arith.constant 0 : i32
      %dma_wait3A_66 = tpu.memref_slice %arg33[%mul3A_0, %dma_wait3A_65] : memref<10240x48xf32, #tpu.memory_space<vmem_shared>> -> memref<640x48xf32, #tpu.memory_space<vmem_shared>>
      tpu.wait_dma2 semaphore(%run_scoped3A : memref<!tpu.dma_semaphore, #tpu.memory_space<semaphore_mem>>) src(%arg5 : memref<640x48xf32, #tpu.memory_space<hbm>>) dst(%dma_wait3A_66 : memref<640x48xf32, #tpu.memory_space<vmem_shared>>)
      tpu.yield
    }) : () -> ()
    %barrier3A = arith.constant 0 : index
    tpu.barrier barrier_id(%barrier3A)
    %scan3A = arith.constant 0 : i32
    %scan3A_1 = arith.constant 0 : i32
    %scan3A_2 = arith.constant 4 : i32
    %scan3A_3 = arith.addi %scan3A_1, %scan3A_2 : i32
    %scan3A_4 = arith.constant 1 : i32
    scf.for %scan3A_64 = %scan3A_1 to %scan3A_3 step %scan3A_4  : i32 {
      %gt3A = arith.constant 0 : i32
      %gt3A_65 = arith.cmpi sgt, %scan3A_64, %gt3A : i32
      %convert_element_type3A = arith.extui %gt3A_65 : i1 to i32
      %cond3A = arith.constant 0 : i32
      %cond3A_66 = arith.cmpi ne, %convert_element_type3A, %cond3A : i32
      scf.if %cond3A_66 {
        %dma_wait3A_76 = arith.constant 0 : i32
        %dma_wait3A_77 = arith.constant 0 : i32
        %dma_wait3A_78 = tpu.memref_slice %arg8[%dma_wait3A_76, %dma_wait3A_77] : memref<40x128xi32, #tpu.memory_space<vmem>> -> memref<1x128xi32, #tpu.memory_space<vmem>>
        %dma_wait3A_79 = tpu.memref_squeeze %dma_wait3A_78 : memref<1x128xi32, #tpu.memory_space<vmem>> -> memref<128xi32, #tpu.memory_space<vmem>>
        %dma_wait3A_80 = arith.constant 0 : i32
        %dma_wait3A_81 = arith.constant 0 : i32
        %dma_wait3A_82 = tpu.memref_slice %arg33[%dma_wait3A_80, %dma_wait3A_81] : memref<10240x48xf32, #tpu.memory_space<vmem_shared>> -> memref<10240x48xf32, #tpu.memory_space<vmem_shared>>
        tpu.wait_indirect_dma semaphore(%arg25 : memref<!tpu.dma_semaphore, #tpu.memory_space<semaphore_mem>>) src(%arg9 : memref<128x48xf32, #tpu.memory_space<vmem>>) dst(%dma_wait3A_82 : memref<10240x48xf32, #tpu.memory_space<vmem_shared>>)
        %dma_wait3A_83 = arith.constant 1 : i32
        %dma_wait3A_84 = arith.constant 0 : i32
        %dma_wait3A_85 = tpu.memref_slice %arg8[%dma_wait3A_83, %dma_wait3A_84] : memref<40x128xi32, #tpu.memory_space<vmem>> -> memref<1x128xi32, #tpu.memory_space<vmem>>
        %dma_wait3A_86 = tpu.memref_squeeze %dma_wait3A_85 : memref<1x128xi32, #tpu.memory_space<vmem>> -> memref<128xi32, #tpu.memory_space<vmem>>
        %dma_wait3A_87 = arith.constant 0 : i32
        %dma_wait3A_88 = arith.constant 0 : i32
        %dma_wait3A_89 = tpu.memref_slice %arg33[%dma_wait3A_87, %dma_wait3A_88] : memref<10240x48xf32, #tpu.memory_space<vmem_shared>> -> memref<10240x48xf32, #tpu.memory_space<vmem_shared>>
        tpu.wait_indirect_dma semaphore(%arg26 : memref<!tpu.dma_semaphore, #tpu.memory_space<semaphore_mem>>) src(%arg10 : memref<128x48xf32, #tpu.memory_space<vmem>>) dst(%dma_wait3A_89 : memref<10240x48xf32, #tpu.memory_space<vmem_shared>>)
        %dma_wait3A_90 = arith.constant 2 : i32
        %dma_wait3A_91 = arith.constant 0 : i32
        %dma_wait3A_92 = tpu.memref_slice %arg8[%dma_wait3A_90, %dma_wait3A_91] : memref<40x128xi32, #tpu.memory_space<vmem>> -> memref<1x128xi32, #tpu.memory_space<vmem>>
        %dma_wait3A_93 = tpu.memref_squeeze %dma_wait3A_92 : memref<1x128xi32, #tpu.memory_space<vmem>> -> memref<128xi32, #tpu.memory_space<vmem>>
        %dma_wait3A_94 = arith.constant 0 : i32
        %dma_wait3A_95 = arith.constant 0 : i32
        %dma_wait3A_96 = tpu.memref_slice %arg33[%dma_wait3A_94, %dma_wait3A_95] : memref<10240x48xf32, #tpu.memory_space<vmem_shared>> -> memref<10240x48xf32, #tpu.memory_space<vmem_shared>>
        tpu.wait_indirect_dma semaphore(%arg27 : memref<!tpu.dma_semaphore, #tpu.memory_space<semaphore_mem>>) src(%arg11 : memref<128x48xf32, #tpu.memory_space<vmem>>) dst(%dma_wait3A_96 : memref<10240x48xf32, #tpu.memory_space<vmem_shared>>)
        %dma_wait3A_97 = arith.constant 3 : i32
        %dma_wait3A_98 = arith.constant 0 : i32
        %dma_wait3A_99 = tpu.memref_slice %arg8[%dma_wait3A_97, %dma_wait3A_98] : memref<40x128xi32, #tpu.memory_space<vmem>> -> memref<1x128xi32, #tpu.memory_space<vmem>>
        %dma_wait3A_100 = tpu.memref_squeeze %dma_wait3A_99 : memref<1x128xi32, #tpu.memory_space<vmem>> -> memref<128xi32, #tpu.memory_space<vmem>>
        %dma_wait3A_101 = arith.constant 0 : i32
        %dma_wait3A_102 = arith.constant 0 : i32
        %dma_wait3A_103 = tpu.memref_slice %arg33[%dma_wait3A_101, %dma_wait3A_102] : memref<10240x48xf32, #tpu.memory_space<vmem_shared>> -> memref<10240x48xf32, #tpu.memory_space<vmem_shared>>
        tpu.wait_indirect_dma semaphore(%arg28 : memref<!tpu.dma_semaphore, #tpu.memory_space<semaphore_mem>>) src(%arg12 : memref<128x48xf32, #tpu.memory_space<vmem>>) dst(%dma_wait3A_103 : memref<10240x48xf32, #tpu.memory_space<vmem_shared>>)
        %dma_wait3A_104 = arith.constant 4 : i32
        %dma_wait3A_105 = arith.constant 0 : i32
        %dma_wait3A_106 = tpu.memref_slice %arg8[%dma_wait3A_104, %dma_wait3A_105] : memref<40x128xi32, #tpu.memory_space<vmem>> -> memref<1x128xi32, #tpu.memory_space<vmem>>
        %dma_wait3A_107 = tpu.memref_squeeze %dma_wait3A_106 : memref<1x128xi32, #tpu.memory_space<vmem>> -> memref<128xi32, #tpu.memory_space<vmem>>
        %dma_wait3A_108 = arith.constant 0 : i32
        %dma_wait3A_109 = arith.constant 0 : i32
        %dma_wait3A_110 = tpu.memref_slice %arg33[%dma_wait3A_108, %dma_wait3A_109] : memref<10240x48xf32, #tpu.memory_space<vmem_shared>> -> memref<10240x48xf32, #tpu.memory_space<vmem_shared>>
        tpu.wait_indirect_dma semaphore(%arg29 : memref<!tpu.dma_semaphore, #tpu.memory_space<semaphore_mem>>) src(%arg13 : memref<128x48xf32, #tpu.memory_space<vmem>>) dst(%dma_wait3A_110 : memref<10240x48xf32, #tpu.memory_space<vmem_shared>>)
        %dma_wait3A_111 = arith.constant 5 : i32
        %dma_wait3A_112 = arith.constant 0 : i32
        %dma_wait3A_113 = tpu.memref_slice %arg8[%dma_wait3A_111, %dma_wait3A_112] : memref<40x128xi32, #tpu.memory_space<vmem>> -> memref<1x128xi32, #tpu.memory_space<vmem>>
        %dma_wait3A_114 = tpu.memref_squeeze %dma_wait3A_113 : memref<1x128xi32, #tpu.memory_space<vmem>> -> memref<128xi32, #tpu.memory_space<vmem>>
        %dma_wait3A_115 = arith.constant 0 : i32
        %dma_wait3A_116 = arith.constant 0 : i32
        %dma_wait3A_117 = tpu.memref_slice %arg33[%dma_wait3A_115, %dma_wait3A_116] : memref<10240x48xf32, #tpu.memory_space<vmem_shared>> -> memref<10240x48xf32, #tpu.memory_space<vmem_shared>>
        tpu.wait_indirect_dma semaphore(%arg30 : memref<!tpu.dma_semaphore, #tpu.memory_space<semaphore_mem>>) src(%arg14 : memref<128x48xf32, #tpu.memory_space<vmem>>) dst(%dma_wait3A_117 : memref<10240x48xf32, #tpu.memory_space<vmem_shared>>)
        %dma_wait3A_118 = arith.constant 6 : i32
        %dma_wait3A_119 = arith.constant 0 : i32
        %dma_wait3A_120 = tpu.memref_slice %arg8[%dma_wait3A_118, %dma_wait3A_119] : memref<40x128xi32, #tpu.memory_space<vmem>> -> memref<1x128xi32, #tpu.memory_space<vmem>>
        %dma_wait3A_121 = tpu.memref_squeeze %dma_wait3A_120 : memref<1x128xi32, #tpu.memory_space<vmem>> -> memref<128xi32, #tpu.memory_space<vmem>>
        %dma_wait3A_122 = arith.constant 0 : i32
        %dma_wait3A_123 = arith.constant 0 : i32
        %dma_wait3A_124 = tpu.memref_slice %arg33[%dma_wait3A_122, %dma_wait3A_123] : memref<10240x48xf32, #tpu.memory_space<vmem_shared>> -> memref<10240x48xf32, #tpu.memory_space<vmem_shared>>
        tpu.wait_indirect_dma semaphore(%arg31 : memref<!tpu.dma_semaphore, #tpu.memory_space<semaphore_mem>>) src(%arg15 : memref<128x48xf32, #tpu.memory_space<vmem>>) dst(%dma_wait3A_124 : memref<10240x48xf32, #tpu.memory_space<vmem_shared>>)
        %dma_wait3A_125 = arith.constant 7 : i32
        %dma_wait3A_126 = arith.constant 0 : i32
        %dma_wait3A_127 = tpu.memref_slice %arg8[%dma_wait3A_125, %dma_wait3A_126] : memref<40x128xi32, #tpu.memory_space<vmem>> -> memref<1x128xi32, #tpu.memory_space<vmem>>
        %dma_wait3A_128 = tpu.memref_squeeze %dma_wait3A_127 : memref<1x128xi32, #tpu.memory_space<vmem>> -> memref<128xi32, #tpu.memory_space<vmem>>
        %dma_wait3A_129 = arith.constant 0 : i32
        %dma_wait3A_130 = arith.constant 0 : i32
        %dma_wait3A_131 = tpu.memref_slice %arg33[%dma_wait3A_129, %dma_wait3A_130] : memref<10240x48xf32, #tpu.memory_space<vmem_shared>> -> memref<10240x48xf32, #tpu.memory_space<vmem_shared>>
        tpu.wait_indirect_dma semaphore(%arg32 : memref<!tpu.dma_semaphore, #tpu.memory_space<semaphore_mem>>) src(%arg16 : memref<128x48xf32, #tpu.memory_space<vmem>>) dst(%dma_wait3A_131 : memref<10240x48xf32, #tpu.memory_space<vmem_shared>>)
      } else {
      }
      %mul3A_67 = arith.constant 160 : i32
      %mul3A_68 = arith.muli %arg1, %mul3A_67 : i32
      %mul3A_69 = arith.constant 40 : i32
      %mul3A_70 = arith.muli %scan3A_64, %mul3A_69 : i32
      %add3A = arith.addi %mul3A_68, %mul3A_70 : i32
      "tpu.region"() ({
        %run_scoped3A = tpu.sem_alloc : memref<!tpu.dma_semaphore, #tpu.memory_space<semaphore_mem>>
        %dma_start3A = arith.constant 0 : i32
        %dma_start3A_76 = tpu.memref_slice %arg3[%arg0, %add3A, %dma_start3A] : memref<2x2560x128xi32, #tpu.memory_space<hbm>> -> memref<1x40x128xi32, #tpu.memory_space<hbm>>
        %dma_start3A_77 = tpu.memref_squeeze %dma_start3A_76 : memref<1x40x128xi32, #tpu.memory_space<hbm>> -> memref<40x128xi32, #tpu.memory_space<hbm>>
        %dma_start3A_78 = arith.constant 0 : i32
        %dma_start3A_79 = tpu.memref_slice %arg3[%arg0, %add3A, %dma_start3A_78] : memref<2x2560x128xi32, #tpu.memory_space<hbm>> -> memref<1x40x128xi32, #tpu.memory_space<hbm>>
        %dma_start3A_80 = tpu.memref_squeeze %dma_start3A_79 : memref<1x40x128xi32, #tpu.memory_space<hbm>> -> memref<40x128xi32, #tpu.memory_space<hbm>>
        tpu.enqueue_dma source(%dma_start3A_80 : memref<40x128xi32, #tpu.memory_space<hbm>>) target(%arg7 : memref<40x128xi32, #tpu.memory_space<vmem>>) target_semaphore(%run_scoped3A : memref<!tpu.dma_semaphore, #tpu.memory_space<semaphore_mem>>)
        %dma_wait3A_81 = arith.constant 0 : i32
        %dma_wait3A_82 = tpu.memref_slice %arg3[%arg0, %add3A, %dma_wait3A_81] : memref<2x2560x128xi32, #tpu.memory_space<hbm>> -> memref<1x40x128xi32, #tpu.memory_space<hbm>>
        %dma_wait3A_83 = tpu.memref_squeeze %dma_wait3A_82 : memref<1x40x128xi32, #tpu.memory_space<hbm>> -> memref<40x128xi32, #tpu.memory_space<hbm>>
        %dma_wait3A_84 = arith.constant 0 : i32
        %dma_wait3A_85 = tpu.memref_slice %arg3[%arg0, %add3A, %dma_wait3A_84] : memref<2x2560x128xi32, #tpu.memory_space<hbm>> -> memref<1x40x128xi32, #tpu.memory_space<hbm>>
        %dma_wait3A_86 = tpu.memref_squeeze %dma_wait3A_85 : memref<1x40x128xi32, #tpu.memory_space<hbm>> -> memref<40x128xi32, #tpu.memory_space<hbm>>
        tpu.wait_dma2 semaphore(%run_scoped3A : memref<!tpu.dma_semaphore, #tpu.memory_space<semaphore_mem>>) src(%dma_wait3A_86 : memref<40x128xi32, #tpu.memory_space<hbm>>) dst(%arg7 : memref<40x128xi32, #tpu.memory_space<vmem>>)
        tpu.yield
      }) : () -> ()
      "tpu.region"() ({
        %run_scoped3A = tpu.sem_alloc : memref<!tpu.dma_semaphore, #tpu.memory_space<semaphore_mem>>
        %dma_start3A = arith.constant 0 : i32
        %dma_start3A_76 = tpu.memref_slice %arg4[%arg0, %add3A, %dma_start3A] : memref<2x2560x128xi32, #tpu.memory_space<hbm>> -> memref<1x40x128xi32, #tpu.memory_space<hbm>>
        %dma_start3A_77 = tpu.memref_squeeze %dma_start3A_76 : memref<1x40x128xi32, #tpu.memory_space<hbm>> -> memref<40x128xi32, #tpu.memory_space<hbm>>
        %dma_start3A_78 = arith.constant 0 : i32
        %dma_start3A_79 = tpu.memref_slice %arg4[%arg0, %add3A, %dma_start3A_78] : memref<2x2560x128xi32, #tpu.memory_space<hbm>> -> memref<1x40x128xi32, #tpu.memory_space<hbm>>
        %dma_start3A_80 = tpu.memref_squeeze %dma_start3A_79 : memref<1x40x128xi32, #tpu.memory_space<hbm>> -> memref<40x128xi32, #tpu.memory_space<hbm>>
        tpu.enqueue_dma source(%dma_start3A_80 : memref<40x128xi32, #tpu.memory_space<hbm>>) target(%arg8 : memref<40x128xi32, #tpu.memory_space<vmem>>) target_semaphore(%run_scoped3A : memref<!tpu.dma_semaphore, #tpu.memory_space<semaphore_mem>>)
        %dma_wait3A_81 = arith.constant 0 : i32
        %dma_wait3A_82 = tpu.memref_slice %arg4[%arg0, %add3A, %dma_wait3A_81] : memref<2x2560x128xi32, #tpu.memory_space<hbm>> -> memref<1x40x128xi32, #tpu.memory_space<hbm>>
        %dma_wait3A_83 = tpu.memref_squeeze %dma_wait3A_82 : memref<1x40x128xi32, #tpu.memory_space<hbm>> -> memref<40x128xi32, #tpu.memory_space<hbm>>
        %dma_wait3A_84 = arith.constant 0 : i32
        %dma_wait3A_85 = tpu.memref_slice %arg4[%arg0, %add3A, %dma_wait3A_84] : memref<2x2560x128xi32, #tpu.memory_space<hbm>> -> memref<1x40x128xi32, #tpu.memory_space<hbm>>
        %dma_wait3A_86 = tpu.memref_squeeze %dma_wait3A_85 : memref<1x40x128xi32, #tpu.memory_space<hbm>> -> memref<40x128xi32, #tpu.memory_space<hbm>>
        tpu.wait_dma2 semaphore(%run_scoped3A : memref<!tpu.dma_semaphore, #tpu.memory_space<semaphore_mem>>) src(%dma_wait3A_86 : memref<40x128xi32, #tpu.memory_space<hbm>>) dst(%arg8 : memref<40x128xi32, #tpu.memory_space<vmem>>)
        tpu.yield
      }) : () -> ()
      %scan3A_71 = arith.constant 0 : i32
      %scan3A_72 = arith.constant 5 : i32
      %scan3A_73 = arith.addi %scan3A_71, %scan3A_72 : i32
      %scan3A_74 = arith.constant 1 : i32
      scf.for %scan3A_76 = %scan3A_71 to %scan3A_73 step %scan3A_74  : i32 {
        %gt3A_77 = arith.constant 0 : i32
        %gt3A_78 = arith.cmpi sgt, %scan3A_76, %gt3A_77 : i32
        %convert_element_type3A_79 = arith.extui %gt3A_78 : i1 to i32
        %cond3A_80 = arith.constant 0 : i32
        %cond3A_81 = arith.cmpi ne, %convert_element_type3A_79, %cond3A_80 : i32
        scf.if %cond3A_81 {
          %dma_wait3A_324 = arith.constant 0 : i32
          %dma_wait3A_325 = arith.constant 0 : i32
          %dma_wait3A_326 = tpu.memref_slice %arg8[%dma_wait3A_324, %dma_wait3A_325] : memref<40x128xi32, #tpu.memory_space<vmem>> -> memref<1x128xi32, #tpu.memory_space<vmem>>
          %dma_wait3A_327 = tpu.memref_squeeze %dma_wait3A_326 : memref<1x128xi32, #tpu.memory_space<vmem>> -> memref<128xi32, #tpu.memory_space<vmem>>
          %dma_wait3A_328 = arith.constant 0 : i32
          %dma_wait3A_329 = arith.constant 0 : i32
          %dma_wait3A_330 = tpu.memref_slice %arg33[%dma_wait3A_328, %dma_wait3A_329] : memref<10240x48xf32, #tpu.memory_space<vmem_shared>> -> memref<10240x48xf32, #tpu.memory_space<vmem_shared>>
          tpu.wait_indirect_dma semaphore(%arg25 : memref<!tpu.dma_semaphore, #tpu.memory_space<semaphore_mem>>) src(%arg9 : memref<128x48xf32, #tpu.memory_space<vmem>>) dst(%dma_wait3A_330 : memref<10240x48xf32, #tpu.memory_space<vmem_shared>>)
        } else {
        }
        %mul3A_82 = arith.constant 8 : i32
        %mul3A_83 = arith.muli %scan3A_76, %mul3A_82 : i32
        %add3A_84 = arith.constant 0 : i32
        %add3A_85 = arith.addi %mul3A_83, %add3A_84 : i32
        %dma_start3A = arith.constant 0 : i32
        %dma_start3A_86 = tpu.memref_slice %arg7[%add3A_85, %dma_start3A] : memref<40x128xi32, #tpu.memory_space<vmem>> -> memref<1x128xi32, #tpu.memory_space<vmem>>
        %dma_start3A_87 = tpu.memref_squeeze %dma_start3A_86 : memref<1x128xi32, #tpu.memory_space<vmem>> -> memref<128xi32, #tpu.memory_space<vmem>>
        %dma_start3A_88 = arith.constant 0 : i32
        %dma_start3A_89 = arith.constant 0 : i32
        %dma_start3A_90 = tpu.memref_slice %arg2[%dma_start3A_88, %dma_start3A_89] : memref<20480x48xf32, #tpu.memory_space<hbm>> -> memref<20480x48xf32, #tpu.memory_space<hbm>>
        tpu.enqueue_indirect_dma source(%dma_start3A_90 : memref<20480x48xf32, #tpu.memory_space<hbm>>) target(%arg9 : memref<128x48xf32, #tpu.memory_space<vmem>>) offsets(%dma_start3A_87 : memref<128xi32, #tpu.memory_space<vmem>>) semaphore(%arg17 : memref<!tpu.dma_semaphore, #tpu.memory_space<semaphore_mem>>)
        %gt3A_91 = arith.constant 0 : i32
        %gt3A_92 = arith.cmpi sgt, %scan3A_76, %gt3A_91 : i32
        %convert_element_type3A_93 = arith.extui %gt3A_92 : i1 to i32
        %cond3A_94 = arith.constant 0 : i32
        %cond3A_95 = arith.cmpi ne, %convert_element_type3A_93, %cond3A_94 : i32
        scf.if %cond3A_95 {
          %dma_wait3A_324 = arith.constant 1 : i32
          %dma_wait3A_325 = arith.constant 0 : i32
          %dma_wait3A_326 = tpu.memref_slice %arg8[%dma_wait3A_324, %dma_wait3A_325] : memref<40x128xi32, #tpu.memory_space<vmem>> -> memref<1x128xi32, #tpu.memory_space<vmem>>
          %dma_wait3A_327 = tpu.memref_squeeze %dma_wait3A_326 : memref<1x128xi32, #tpu.memory_space<vmem>> -> memref<128xi32, #tpu.memory_space<vmem>>
          %dma_wait3A_328 = arith.constant 0 : i32
          %dma_wait3A_329 = arith.constant 0 : i32
          %dma_wait3A_330 = tpu.memref_slice %arg33[%dma_wait3A_328, %dma_wait3A_329] : memref<10240x48xf32, #tpu.memory_space<vmem_shared>> -> memref<10240x48xf32, #tpu.memory_space<vmem_shared>>
          tpu.wait_indirect_dma semaphore(%arg26 : memref<!tpu.dma_semaphore, #tpu.memory_space<semaphore_mem>>) src(%arg10 : memref<128x48xf32, #tpu.memory_space<vmem>>) dst(%dma_wait3A_330 : memref<10240x48xf32, #tpu.memory_space<vmem_shared>>)
        } else {
        }
        %mul3A_96 = arith.constant 8 : i32
        %mul3A_97 = arith.muli %scan3A_76, %mul3A_96 : i32
        %add3A_98 = arith.constant 1 : i32
        %add3A_99 = arith.addi %mul3A_97, %add3A_98 : i32
        %dma_start3A_100 = arith.constant 0 : i32
        %dma_start3A_101 = tpu.memref_slice %arg7[%add3A_99, %dma_start3A_100] : memref<40x128xi32, #tpu.memory_space<vmem>> -> memref<1x128xi32, #tpu.memory_space<vmem>>
        %dma_start3A_102 = tpu.memref_squeeze %dma_start3A_101 : memref<1x128xi32, #tpu.memory_space<vmem>> -> memref<128xi32, #tpu.memory_space<vmem>>
        %dma_start3A_103 = arith.constant 0 : i32
        %dma_start3A_104 = arith.constant 0 : i32
        %dma_start3A_105 = tpu.memref_slice %arg2[%dma_start3A_103, %dma_start3A_104] : memref<20480x48xf32, #tpu.memory_space<hbm>> -> memref<20480x48xf32, #tpu.memory_space<hbm>>
        tpu.enqueue_indirect_dma source(%dma_start3A_105 : memref<20480x48xf32, #tpu.memory_space<hbm>>) target(%arg10 : memref<128x48xf32, #tpu.memory_space<vmem>>) offsets(%dma_start3A_102 : memref<128xi32, #tpu.memory_space<vmem>>) semaphore(%arg18 : memref<!tpu.dma_semaphore, #tpu.memory_space<semaphore_mem>>)
        %gt3A_106 = arith.constant 0 : i32
        %gt3A_107 = arith.cmpi sgt, %scan3A_76, %gt3A_106 : i32
        %convert_element_type3A_108 = arith.extui %gt3A_107 : i1 to i32
        %cond3A_109 = arith.constant 0 : i32
        %cond3A_110 = arith.cmpi ne, %convert_element_type3A_108, %cond3A_109 : i32
        scf.if %cond3A_110 {
          %dma_wait3A_324 = arith.constant 2 : i32
          %dma_wait3A_325 = arith.constant 0 : i32
          %dma_wait3A_326 = tpu.memref_slice %arg8[%dma_wait3A_324, %dma_wait3A_325] : memref<40x128xi32, #tpu.memory_space<vmem>> -> memref<1x128xi32, #tpu.memory_space<vmem>>
          %dma_wait3A_327 = tpu.memref_squeeze %dma_wait3A_326 : memref<1x128xi32, #tpu.memory_space<vmem>> -> memref<128xi32, #tpu.memory_space<vmem>>
          %dma_wait3A_328 = arith.constant 0 : i32
          %dma_wait3A_329 = arith.constant 0 : i32
          %dma_wait3A_330 = tpu.memref_slice %arg33[%dma_wait3A_328, %dma_wait3A_329] : memref<10240x48xf32, #tpu.memory_space<vmem_shared>> -> memref<10240x48xf32, #tpu.memory_space<vmem_shared>>
          tpu.wait_indirect_dma semaphore(%arg27 : memref<!tpu.dma_semaphore, #tpu.memory_space<semaphore_mem>>) src(%arg11 : memref<128x48xf32, #tpu.memory_space<vmem>>) dst(%dma_wait3A_330 : memref<10240x48xf32, #tpu.memory_space<vmem_shared>>)
        } else {
        }
        %mul3A_111 = arith.constant 8 : i32
        %mul3A_112 = arith.muli %scan3A_76, %mul3A_111 : i32
        %add3A_113 = arith.constant 2 : i32
        %add3A_114 = arith.addi %mul3A_112, %add3A_113 : i32
        %dma_start3A_115 = arith.constant 0 : i32
        %dma_start3A_116 = tpu.memref_slice %arg7[%add3A_114, %dma_start3A_115] : memref<40x128xi32, #tpu.memory_space<vmem>> -> memref<1x128xi32, #tpu.memory_space<vmem>>
        %dma_start3A_117 = tpu.memref_squeeze %dma_start3A_116 : memref<1x128xi32, #tpu.memory_space<vmem>> -> memref<128xi32, #tpu.memory_space<vmem>>
        %dma_start3A_118 = arith.constant 0 : i32
        %dma_start3A_119 = arith.constant 0 : i32
        %dma_start3A_120 = tpu.memref_slice %arg2[%dma_start3A_118, %dma_start3A_119] : memref<20480x48xf32, #tpu.memory_space<hbm>> -> memref<20480x48xf32, #tpu.memory_space<hbm>>
        tpu.enqueue_indirect_dma source(%dma_start3A_120 : memref<20480x48xf32, #tpu.memory_space<hbm>>) target(%arg11 : memref<128x48xf32, #tpu.memory_space<vmem>>) offsets(%dma_start3A_117 : memref<128xi32, #tpu.memory_space<vmem>>) semaphore(%arg19 : memref<!tpu.dma_semaphore, #tpu.memory_space<semaphore_mem>>)
        %gt3A_121 = arith.constant 0 : i32
        %gt3A_122 = arith.cmpi sgt, %scan3A_76, %gt3A_121 : i32
        %convert_element_type3A_123 = arith.extui %gt3A_122 : i1 to i32
        %cond3A_124 = arith.constant 0 : i32
        %cond3A_125 = arith.cmpi ne, %convert_element_type3A_123, %cond3A_124 : i32
        scf.if %cond3A_125 {
          %dma_wait3A_324 = arith.constant 3 : i32
          %dma_wait3A_325 = arith.constant 0 : i32
          %dma_wait3A_326 = tpu.memref_slice %arg8[%dma_wait3A_324, %dma_wait3A_325] : memref<40x128xi32, #tpu.memory_space<vmem>> -> memref<1x128xi32, #tpu.memory_space<vmem>>
          %dma_wait3A_327 = tpu.memref_squeeze %dma_wait3A_326 : memref<1x128xi32, #tpu.memory_space<vmem>> -> memref<128xi32, #tpu.memory_space<vmem>>
          %dma_wait3A_328 = arith.constant 0 : i32
          %dma_wait3A_329 = arith.constant 0 : i32
          %dma_wait3A_330 = tpu.memref_slice %arg33[%dma_wait3A_328, %dma_wait3A_329] : memref<10240x48xf32, #tpu.memory_space<vmem_shared>> -> memref<10240x48xf32, #tpu.memory_space<vmem_shared>>
          tpu.wait_indirect_dma semaphore(%arg28 : memref<!tpu.dma_semaphore, #tpu.memory_space<semaphore_mem>>) src(%arg12 : memref<128x48xf32, #tpu.memory_space<vmem>>) dst(%dma_wait3A_330 : memref<10240x48xf32, #tpu.memory_space<vmem_shared>>)
        } else {
        }
        %mul3A_126 = arith.constant 8 : i32
        %mul3A_127 = arith.muli %scan3A_76, %mul3A_126 : i32
        %add3A_128 = arith.constant 3 : i32
        %add3A_129 = arith.addi %mul3A_127, %add3A_128 : i32
        %dma_start3A_130 = arith.constant 0 : i32
        %dma_start3A_131 = tpu.memref_slice %arg7[%add3A_129, %dma_start3A_130] : memref<40x128xi32, #tpu.memory_space<vmem>> -> memref<1x128xi32, #tpu.memory_space<vmem>>
        %dma_start3A_132 = tpu.memref_squeeze %dma_start3A_131 : memref<1x128xi32, #tpu.memory_space<vmem>> -> memref<128xi32, #tpu.memory_space<vmem>>
        %dma_start3A_133 = arith.constant 0 : i32
        %dma_start3A_134 = arith.constant 0 : i32
        %dma_start3A_135 = tpu.memref_slice %arg2[%dma_start3A_133, %dma_start3A_134] : memref<20480x48xf32, #tpu.memory_space<hbm>> -> memref<20480x48xf32, #tpu.memory_space<hbm>>
        tpu.enqueue_indirect_dma source(%dma_start3A_135 : memref<20480x48xf32, #tpu.memory_space<hbm>>) target(%arg12 : memref<128x48xf32, #tpu.memory_space<vmem>>) offsets(%dma_start3A_132 : memref<128xi32, #tpu.memory_space<vmem>>) semaphore(%arg20 : memref<!tpu.dma_semaphore, #tpu.memory_space<semaphore_mem>>)
        %gt3A_136 = arith.constant 0 : i32
        %gt3A_137 = arith.cmpi sgt, %scan3A_76, %gt3A_136 : i32
        %convert_element_type3A_138 = arith.extui %gt3A_137 : i1 to i32
        %cond3A_139 = arith.constant 0 : i32
        %cond3A_140 = arith.cmpi ne, %convert_element_type3A_138, %cond3A_139 : i32
        scf.if %cond3A_140 {
          %dma_wait3A_324 = arith.constant 4 : i32
          %dma_wait3A_325 = arith.constant 0 : i32
          %dma_wait3A_326 = tpu.memref_slice %arg8[%dma_wait3A_324, %dma_wait3A_325] : memref<40x128xi32, #tpu.memory_space<vmem>> -> memref<1x128xi32, #tpu.memory_space<vmem>>
          %dma_wait3A_327 = tpu.memref_squeeze %dma_wait3A_326 : memref<1x128xi32, #tpu.memory_space<vmem>> -> memref<128xi32, #tpu.memory_space<vmem>>
          %dma_wait3A_328 = arith.constant 0 : i32
          %dma_wait3A_329 = arith.constant 0 : i32
          %dma_wait3A_330 = tpu.memref_slice %arg33[%dma_wait3A_328, %dma_wait3A_329] : memref<10240x48xf32, #tpu.memory_space<vmem_shared>> -> memref<10240x48xf32, #tpu.memory_space<vmem_shared>>
          tpu.wait_indirect_dma semaphore(%arg29 : memref<!tpu.dma_semaphore, #tpu.memory_space<semaphore_mem>>) src(%arg13 : memref<128x48xf32, #tpu.memory_space<vmem>>) dst(%dma_wait3A_330 : memref<10240x48xf32, #tpu.memory_space<vmem_shared>>)
        } else {
        }
        %mul3A_141 = arith.constant 8 : i32
        %mul3A_142 = arith.muli %scan3A_76, %mul3A_141 : i32
        %add3A_143 = arith.constant 4 : i32
        %add3A_144 = arith.addi %mul3A_142, %add3A_143 : i32
        %dma_start3A_145 = arith.constant 0 : i32
        %dma_start3A_146 = tpu.memref_slice %arg7[%add3A_144, %dma_start3A_145] : memref<40x128xi32, #tpu.memory_space<vmem>> -> memref<1x128xi32, #tpu.memory_space<vmem>>
        %dma_start3A_147 = tpu.memref_squeeze %dma_start3A_146 : memref<1x128xi32, #tpu.memory_space<vmem>> -> memref<128xi32, #tpu.memory_space<vmem>>
        %dma_start3A_148 = arith.constant 0 : i32
        %dma_start3A_149 = arith.constant 0 : i32
        %dma_start3A_150 = tpu.memref_slice %arg2[%dma_start3A_148, %dma_start3A_149] : memref<20480x48xf32, #tpu.memory_space<hbm>> -> memref<20480x48xf32, #tpu.memory_space<hbm>>
        tpu.enqueue_indirect_dma source(%dma_start3A_150 : memref<20480x48xf32, #tpu.memory_space<hbm>>) target(%arg13 : memref<128x48xf32, #tpu.memory_space<vmem>>) offsets(%dma_start3A_147 : memref<128xi32, #tpu.memory_space<vmem>>) semaphore(%arg21 : memref<!tpu.dma_semaphore, #tpu.memory_space<semaphore_mem>>)
        %gt3A_151 = arith.constant 0 : i32
        %gt3A_152 = arith.cmpi sgt, %scan3A_76, %gt3A_151 : i32
        %convert_element_type3A_153 = arith.extui %gt3A_152 : i1 to i32
        %cond3A_154 = arith.constant 0 : i32
        %cond3A_155 = arith.cmpi ne, %convert_element_type3A_153, %cond3A_154 : i32
        scf.if %cond3A_155 {
          %dma_wait3A_324 = arith.constant 5 : i32
          %dma_wait3A_325 = arith.constant 0 : i32
          %dma_wait3A_326 = tpu.memref_slice %arg8[%dma_wait3A_324, %dma_wait3A_325] : memref<40x128xi32, #tpu.memory_space<vmem>> -> memref<1x128xi32, #tpu.memory_space<vmem>>
          %dma_wait3A_327 = tpu.memref_squeeze %dma_wait3A_326 : memref<1x128xi32, #tpu.memory_space<vmem>> -> memref<128xi32, #tpu.memory_space<vmem>>
          %dma_wait3A_328 = arith.constant 0 : i32
          %dma_wait3A_329 = arith.constant 0 : i32
          %dma_wait3A_330 = tpu.memref_slice %arg33[%dma_wait3A_328, %dma_wait3A_329] : memref<10240x48xf32, #tpu.memory_space<vmem_shared>> -> memref<10240x48xf32, #tpu.memory_space<vmem_shared>>
          tpu.wait_indirect_dma semaphore(%arg30 : memref<!tpu.dma_semaphore, #tpu.memory_space<semaphore_mem>>) src(%arg14 : memref<128x48xf32, #tpu.memory_space<vmem>>) dst(%dma_wait3A_330 : memref<10240x48xf32, #tpu.memory_space<vmem_shared>>)
        } else {
        }
        %mul3A_156 = arith.constant 8 : i32
        %mul3A_157 = arith.muli %scan3A_76, %mul3A_156 : i32
        %add3A_158 = arith.constant 5 : i32
        %add3A_159 = arith.addi %mul3A_157, %add3A_158 : i32
        %dma_start3A_160 = arith.constant 0 : i32
        %dma_start3A_161 = tpu.memref_slice %arg7[%add3A_159, %dma_start3A_160] : memref<40x128xi32, #tpu.memory_space<vmem>> -> memref<1x128xi32, #tpu.memory_space<vmem>>
        %dma_start3A_162 = tpu.memref_squeeze %dma_start3A_161 : memref<1x128xi32, #tpu.memory_space<vmem>> -> memref<128xi32, #tpu.memory_space<vmem>>
        %dma_start3A_163 = arith.constant 0 : i32
        %dma_start3A_164 = arith.constant 0 : i32
        %dma_start3A_165 = tpu.memref_slice %arg2[%dma_start3A_163, %dma_start3A_164] : memref<20480x48xf32, #tpu.memory_space<hbm>> -> memref<20480x48xf32, #tpu.memory_space<hbm>>
        tpu.enqueue_indirect_dma source(%dma_start3A_165 : memref<20480x48xf32, #tpu.memory_space<hbm>>) target(%arg14 : memref<128x48xf32, #tpu.memory_space<vmem>>) offsets(%dma_start3A_162 : memref<128xi32, #tpu.memory_space<vmem>>) semaphore(%arg22 : memref<!tpu.dma_semaphore, #tpu.memory_space<semaphore_mem>>)
        %gt3A_166 = arith.constant 0 : i32
        %gt3A_167 = arith.cmpi sgt, %scan3A_76, %gt3A_166 : i32
        %convert_element_type3A_168 = arith.extui %gt3A_167 : i1 to i32
        %cond3A_169 = arith.constant 0 : i32
        %cond3A_170 = arith.cmpi ne, %convert_element_type3A_168, %cond3A_169 : i32
        scf.if %cond3A_170 {
          %dma_wait3A_324 = arith.constant 6 : i32
          %dma_wait3A_325 = arith.constant 0 : i32
          %dma_wait3A_326 = tpu.memref_slice %arg8[%dma_wait3A_324, %dma_wait3A_325] : memref<40x128xi32, #tpu.memory_space<vmem>> -> memref<1x128xi32, #tpu.memory_space<vmem>>
          %dma_wait3A_327 = tpu.memref_squeeze %dma_wait3A_326 : memref<1x128xi32, #tpu.memory_space<vmem>> -> memref<128xi32, #tpu.memory_space<vmem>>
          %dma_wait3A_328 = arith.constant 0 : i32
          %dma_wait3A_329 = arith.constant 0 : i32
          %dma_wait3A_330 = tpu.memref_slice %arg33[%dma_wait3A_328, %dma_wait3A_329] : memref<10240x48xf32, #tpu.memory_space<vmem_shared>> -> memref<10240x48xf32, #tpu.memory_space<vmem_shared>>
          tpu.wait_indirect_dma semaphore(%arg31 : memref<!tpu.dma_semaphore, #tpu.memory_space<semaphore_mem>>) src(%arg15 : memref<128x48xf32, #tpu.memory_space<vmem>>) dst(%dma_wait3A_330 : memref<10240x48xf32, #tpu.memory_space<vmem_shared>>)
        } else {
        }
        %mul3A_171 = arith.constant 8 : i32
        %mul3A_172 = arith.muli %scan3A_76, %mul3A_171 : i32
        %add3A_173 = arith.constant 6 : i32
        %add3A_174 = arith.addi %mul3A_172, %add3A_173 : i32
        %dma_start3A_175 = arith.constant 0 : i32
        %dma_start3A_176 = tpu.memref_slice %arg7[%add3A_174, %dma_start3A_175] : memref<40x128xi32, #tpu.memory_space<vmem>> -> memref<1x128xi32, #tpu.memory_space<vmem>>
        %dma_start3A_177 = tpu.memref_squeeze %dma_start3A_176 : memref<1x128xi32, #tpu.memory_space<vmem>> -> memref<128xi32, #tpu.memory_space<vmem>>
        %dma_start3A_178 = arith.constant 0 : i32
        %dma_start3A_179 = arith.constant 0 : i32
        %dma_start3A_180 = tpu.memref_slice %arg2[%dma_start3A_178, %dma_start3A_179] : memref<20480x48xf32, #tpu.memory_space<hbm>> -> memref<20480x48xf32, #tpu.memory_space<hbm>>
        tpu.enqueue_indirect_dma source(%dma_start3A_180 : memref<20480x48xf32, #tpu.memory_space<hbm>>) target(%arg15 : memref<128x48xf32, #tpu.memory_space<vmem>>) offsets(%dma_start3A_177 : memref<128xi32, #tpu.memory_space<vmem>>) semaphore(%arg23 : memref<!tpu.dma_semaphore, #tpu.memory_space<semaphore_mem>>)
        %gt3A_181 = arith.constant 0 : i32
        %gt3A_182 = arith.cmpi sgt, %scan3A_76, %gt3A_181 : i32
        %convert_element_type3A_183 = arith.extui %gt3A_182 : i1 to i32
        %cond3A_184 = arith.constant 0 : i32
        %cond3A_185 = arith.cmpi ne, %convert_element_type3A_183, %cond3A_184 : i32
        scf.if %cond3A_185 {
          %dma_wait3A_324 = arith.constant 7 : i32
          %dma_wait3A_325 = arith.constant 0 : i32
          %dma_wait3A_326 = tpu.memref_slice %arg8[%dma_wait3A_324, %dma_wait3A_325] : memref<40x128xi32, #tpu.memory_space<vmem>> -> memref<1x128xi32, #tpu.memory_space<vmem>>
          %dma_wait3A_327 = tpu.memref_squeeze %dma_wait3A_326 : memref<1x128xi32, #tpu.memory_space<vmem>> -> memref<128xi32, #tpu.memory_space<vmem>>
          %dma_wait3A_328 = arith.constant 0 : i32
          %dma_wait3A_329 = arith.constant 0 : i32
          %dma_wait3A_330 = tpu.memref_slice %arg33[%dma_wait3A_328, %dma_wait3A_329] : memref<10240x48xf32, #tpu.memory_space<vmem_shared>> -> memref<10240x48xf32, #tpu.memory_space<vmem_shared>>
          tpu.wait_indirect_dma semaphore(%arg32 : memref<!tpu.dma_semaphore, #tpu.memory_space<semaphore_mem>>) src(%arg16 : memref<128x48xf32, #tpu.memory_space<vmem>>) dst(%dma_wait3A_330 : memref<10240x48xf32, #tpu.memory_space<vmem_shared>>)
        } else {
        }
        %mul3A_186 = arith.constant 8 : i32
        %mul3A_187 = arith.muli %scan3A_76, %mul3A_186 : i32
        %add3A_188 = arith.constant 7 : i32
        %add3A_189 = arith.addi %mul3A_187, %add3A_188 : i32
        %dma_start3A_190 = arith.constant 0 : i32
        %dma_start3A_191 = tpu.memref_slice %arg7[%add3A_189, %dma_start3A_190] : memref<40x128xi32, #tpu.memory_space<vmem>> -> memref<1x128xi32, #tpu.memory_space<vmem>>
        %dma_start3A_192 = tpu.memref_squeeze %dma_start3A_191 : memref<1x128xi32, #tpu.memory_space<vmem>> -> memref<128xi32, #tpu.memory_space<vmem>>
        %dma_start3A_193 = arith.constant 0 : i32
        %dma_start3A_194 = arith.constant 0 : i32
        %dma_start3A_195 = tpu.memref_slice %arg2[%dma_start3A_193, %dma_start3A_194] : memref<20480x48xf32, #tpu.memory_space<hbm>> -> memref<20480x48xf32, #tpu.memory_space<hbm>>
        tpu.enqueue_indirect_dma source(%dma_start3A_195 : memref<20480x48xf32, #tpu.memory_space<hbm>>) target(%arg16 : memref<128x48xf32, #tpu.memory_space<vmem>>) offsets(%dma_start3A_192 : memref<128xi32, #tpu.memory_space<vmem>>) semaphore(%arg24 : memref<!tpu.dma_semaphore, #tpu.memory_space<semaphore_mem>>)
        %mul3A_196 = arith.constant 8 : i32
        %mul3A_197 = arith.muli %scan3A_76, %mul3A_196 : i32
        %add3A_198 = arith.constant 0 : i32
        %add3A_199 = arith.addi %mul3A_197, %add3A_198 : i32
        %dma_wait3A_200 = arith.constant 0 : i32
        %dma_wait3A_201 = tpu.memref_slice %arg7[%add3A_199, %dma_wait3A_200] : memref<40x128xi32, #tpu.memory_space<vmem>> -> memref<1x128xi32, #tpu.memory_space<vmem>>
        %dma_wait3A_202 = tpu.memref_squeeze %dma_wait3A_201 : memref<1x128xi32, #tpu.memory_space<vmem>> -> memref<128xi32, #tpu.memory_space<vmem>>
        %dma_wait3A_203 = arith.constant 0 : i32
        %dma_wait3A_204 = arith.constant 0 : i32
        %dma_wait3A_205 = tpu.memref_slice %arg2[%dma_wait3A_203, %dma_wait3A_204] : memref<20480x48xf32, #tpu.memory_space<hbm>> -> memref<20480x48xf32, #tpu.memory_space<hbm>>
        tpu.wait_indirect_dma semaphore(%arg17 : memref<!tpu.dma_semaphore, #tpu.memory_space<semaphore_mem>>) src(%dma_wait3A_205 : memref<20480x48xf32, #tpu.memory_space<hbm>>) dst(%arg9 : memref<128x48xf32, #tpu.memory_space<vmem>>)
        %dma_start3A_206 = arith.constant 0 : i32
        %dma_start3A_207 = tpu.memref_slice %arg8[%add3A_199, %dma_start3A_206] : memref<40x128xi32, #tpu.memory_space<vmem>> -> memref<1x128xi32, #tpu.memory_space<vmem>>
        %dma_start3A_208 = tpu.memref_squeeze %dma_start3A_207 : memref<1x128xi32, #tpu.memory_space<vmem>> -> memref<128xi32, #tpu.memory_space<vmem>>
        %dma_start3A_209 = arith.constant 0 : i32
        %dma_start3A_210 = arith.constant 0 : i32
        %dma_start3A_211 = tpu.memref_slice %arg33[%dma_start3A_209, %dma_start3A_210] : memref<10240x48xf32, #tpu.memory_space<vmem_shared>> -> memref<10240x48xf32, #tpu.memory_space<vmem_shared>>
        tpu.enqueue_indirect_dma source(%arg9 : memref<128x48xf32, #tpu.memory_space<vmem>>) target(%dma_start3A_211 : memref<10240x48xf32, #tpu.memory_space<vmem_shared>>) offsets(%dma_start3A_208 : memref<128xi32, #tpu.memory_space<vmem>>) semaphore(%arg25 : memref<!tpu.dma_semaphore, #tpu.memory_space<semaphore_mem>>) {add = true}
        %mul3A_212 = arith.constant 8 : i32
        %mul3A_213 = arith.muli %scan3A_76, %mul3A_212 : i32
        %add3A_214 = arith.constant 1 : i32
        %add3A_215 = arith.addi %mul3A_213, %add3A_214 : i32
        %dma_wait3A_216 = arith.constant 0 : i32
        %dma_wait3A_217 = tpu.memref_slice %arg7[%add3A_215, %dma_wait3A_216] : memref<40x128xi32, #tpu.memory_space<vmem>> -> memref<1x128xi32, #tpu.memory_space<vmem>>
        %dma_wait3A_218 = tpu.memref_squeeze %dma_wait3A_217 : memref<1x128xi32, #tpu.memory_space<vmem>> -> memref<128xi32, #tpu.memory_space<vmem>>
        %dma_wait3A_219 = arith.constant 0 : i32
        %dma_wait3A_220 = arith.constant 0 : i32
        %dma_wait3A_221 = tpu.memref_slice %arg2[%dma_wait3A_219, %dma_wait3A_220] : memref<20480x48xf32, #tpu.memory_space<hbm>> -> memref<20480x48xf32, #tpu.memory_space<hbm>>
        tpu.wait_indirect_dma semaphore(%arg18 : memref<!tpu.dma_semaphore, #tpu.memory_space<semaphore_mem>>) src(%dma_wait3A_221 : memref<20480x48xf32, #tpu.memory_space<hbm>>) dst(%arg10 : memref<128x48xf32, #tpu.memory_space<vmem>>)
        %dma_start3A_222 = arith.constant 0 : i32
        %dma_start3A_223 = tpu.memref_slice %arg8[%add3A_215, %dma_start3A_222] : memref<40x128xi32, #tpu.memory_space<vmem>> -> memref<1x128xi32, #tpu.memory_space<vmem>>
        %dma_start3A_224 = tpu.memref_squeeze %dma_start3A_223 : memref<1x128xi32, #tpu.memory_space<vmem>> -> memref<128xi32, #tpu.memory_space<vmem>>
        %dma_start3A_225 = arith.constant 0 : i32
        %dma_start3A_226 = arith.constant 0 : i32
        %dma_start3A_227 = tpu.memref_slice %arg33[%dma_start3A_225, %dma_start3A_226] : memref<10240x48xf32, #tpu.memory_space<vmem_shared>> -> memref<10240x48xf32, #tpu.memory_space<vmem_shared>>
        tpu.enqueue_indirect_dma source(%arg10 : memref<128x48xf32, #tpu.memory_space<vmem>>) target(%dma_start3A_227 : memref<10240x48xf32, #tpu.memory_space<vmem_shared>>) offsets(%dma_start3A_224 : memref<128xi32, #tpu.memory_space<vmem>>) semaphore(%arg26 : memref<!tpu.dma_semaphore, #tpu.memory_space<semaphore_mem>>) {add = true}
        %mul3A_228 = arith.constant 8 : i32
        %mul3A_229 = arith.muli %scan3A_76, %mul3A_228 : i32
        %add3A_230 = arith.constant 2 : i32
        %add3A_231 = arith.addi %mul3A_229, %add3A_230 : i32
        %dma_wait3A_232 = arith.constant 0 : i32
        %dma_wait3A_233 = tpu.memref_slice %arg7[%add3A_231, %dma_wait3A_232] : memref<40x128xi32, #tpu.memory_space<vmem>> -> memref<1x128xi32, #tpu.memory_space<vmem>>
        %dma_wait3A_234 = tpu.memref_squeeze %dma_wait3A_233 : memref<1x128xi32, #tpu.memory_space<vmem>> -> memref<128xi32, #tpu.memory_space<vmem>>
        %dma_wait3A_235 = arith.constant 0 : i32
        %dma_wait3A_236 = arith.constant 0 : i32
        %dma_wait3A_237 = tpu.memref_slice %arg2[%dma_wait3A_235, %dma_wait3A_236] : memref<20480x48xf32, #tpu.memory_space<hbm>> -> memref<20480x48xf32, #tpu.memory_space<hbm>>
        tpu.wait_indirect_dma semaphore(%arg19 : memref<!tpu.dma_semaphore, #tpu.memory_space<semaphore_mem>>) src(%dma_wait3A_237 : memref<20480x48xf32, #tpu.memory_space<hbm>>) dst(%arg11 : memref<128x48xf32, #tpu.memory_space<vmem>>)
        %dma_start3A_238 = arith.constant 0 : i32
        %dma_start3A_239 = tpu.memref_slice %arg8[%add3A_231, %dma_start3A_238] : memref<40x128xi32, #tpu.memory_space<vmem>> -> memref<1x128xi32, #tpu.memory_space<vmem>>
        %dma_start3A_240 = tpu.memref_squeeze %dma_start3A_239 : memref<1x128xi32, #tpu.memory_space<vmem>> -> memref<128xi32, #tpu.memory_space<vmem>>
        %dma_start3A_241 = arith.constant 0 : i32
        %dma_start3A_242 = arith.constant 0 : i32
        %dma_start3A_243 = tpu.memref_slice %arg33[%dma_start3A_241, %dma_start3A_242] : memref<10240x48xf32, #tpu.memory_space<vmem_shared>> -> memref<10240x48xf32, #tpu.memory_space<vmem_shared>>
        tpu.enqueue_indirect_dma source(%arg11 : memref<128x48xf32, #tpu.memory_space<vmem>>) target(%dma_start3A_243 : memref<10240x48xf32, #tpu.memory_space<vmem_shared>>) offsets(%dma_start3A_240 : memref<128xi32, #tpu.memory_space<vmem>>) semaphore(%arg27 : memref<!tpu.dma_semaphore, #tpu.memory_space<semaphore_mem>>) {add = true}
        %mul3A_244 = arith.constant 8 : i32
        %mul3A_245 = arith.muli %scan3A_76, %mul3A_244 : i32
        %add3A_246 = arith.constant 3 : i32
        %add3A_247 = arith.addi %mul3A_245, %add3A_246 : i32
        %dma_wait3A_248 = arith.constant 0 : i32
        %dma_wait3A_249 = tpu.memref_slice %arg7[%add3A_247, %dma_wait3A_248] : memref<40x128xi32, #tpu.memory_space<vmem>> -> memref<1x128xi32, #tpu.memory_space<vmem>>
        %dma_wait3A_250 = tpu.memref_squeeze %dma_wait3A_249 : memref<1x128xi32, #tpu.memory_space<vmem>> -> memref<128xi32, #tpu.memory_space<vmem>>
        %dma_wait3A_251 = arith.constant 0 : i32
        %dma_wait3A_252 = arith.constant 0 : i32
        %dma_wait3A_253 = tpu.memref_slice %arg2[%dma_wait3A_251, %dma_wait3A_252] : memref<20480x48xf32, #tpu.memory_space<hbm>> -> memref<20480x48xf32, #tpu.memory_space<hbm>>
        tpu.wait_indirect_dma semaphore(%arg20 : memref<!tpu.dma_semaphore, #tpu.memory_space<semaphore_mem>>) src(%dma_wait3A_253 : memref<20480x48xf32, #tpu.memory_space<hbm>>) dst(%arg12 : memref<128x48xf32, #tpu.memory_space<vmem>>)
        %dma_start3A_254 = arith.constant 0 : i32
        %dma_start3A_255 = tpu.memref_slice %arg8[%add3A_247, %dma_start3A_254] : memref<40x128xi32, #tpu.memory_space<vmem>> -> memref<1x128xi32, #tpu.memory_space<vmem>>
        %dma_start3A_256 = tpu.memref_squeeze %dma_start3A_255 : memref<1x128xi32, #tpu.memory_space<vmem>> -> memref<128xi32, #tpu.memory_space<vmem>>
        %dma_start3A_257 = arith.constant 0 : i32
        %dma_start3A_258 = arith.constant 0 : i32
        %dma_start3A_259 = tpu.memref_slice %arg33[%dma_start3A_257, %dma_start3A_258] : memref<10240x48xf32, #tpu.memory_space<vmem_shared>> -> memref<10240x48xf32, #tpu.memory_space<vmem_shared>>
        tpu.enqueue_indirect_dma source(%arg12 : memref<128x48xf32, #tpu.memory_space<vmem>>) target(%dma_start3A_259 : memref<10240x48xf32, #tpu.memory_space<vmem_shared>>) offsets(%dma_start3A_256 : memref<128xi32, #tpu.memory_space<vmem>>) semaphore(%arg28 : memref<!tpu.dma_semaphore, #tpu.memory_space<semaphore_mem>>) {add = true}
        %mul3A_260 = arith.constant 8 : i32
        %mul3A_261 = arith.muli %scan3A_76, %mul3A_260 : i32
        %add3A_262 = arith.constant 4 : i32
        %add3A_263 = arith.addi %mul3A_261, %add3A_262 : i32
        %dma_wait3A_264 = arith.constant 0 : i32
        %dma_wait3A_265 = tpu.memref_slice %arg7[%add3A_263, %dma_wait3A_264] : memref<40x128xi32, #tpu.memory_space<vmem>> -> memref<1x128xi32, #tpu.memory_space<vmem>>
        %dma_wait3A_266 = tpu.memref_squeeze %dma_wait3A_265 : memref<1x128xi32, #tpu.memory_space<vmem>> -> memref<128xi32, #tpu.memory_space<vmem>>
        %dma_wait3A_267 = arith.constant 0 : i32
        %dma_wait3A_268 = arith.constant 0 : i32
        %dma_wait3A_269 = tpu.memref_slice %arg2[%dma_wait3A_267, %dma_wait3A_268] : memref<20480x48xf32, #tpu.memory_space<hbm>> -> memref<20480x48xf32, #tpu.memory_space<hbm>>
        tpu.wait_indirect_dma semaphore(%arg21 : memref<!tpu.dma_semaphore, #tpu.memory_space<semaphore_mem>>) src(%dma_wait3A_269 : memref<20480x48xf32, #tpu.memory_space<hbm>>) dst(%arg13 : memref<128x48xf32, #tpu.memory_space<vmem>>)
        %dma_start3A_270 = arith.constant 0 : i32
        %dma_start3A_271 = tpu.memref_slice %arg8[%add3A_263, %dma_start3A_270] : memref<40x128xi32, #tpu.memory_space<vmem>> -> memref<1x128xi32, #tpu.memory_space<vmem>>
        %dma_start3A_272 = tpu.memref_squeeze %dma_start3A_271 : memref<1x128xi32, #tpu.memory_space<vmem>> -> memref<128xi32, #tpu.memory_space<vmem>>
        %dma_start3A_273 = arith.constant 0 : i32
        %dma_start3A_274 = arith.constant 0 : i32
        %dma_start3A_275 = tpu.memref_slice %arg33[%dma_start3A_273, %dma_start3A_274] : memref<10240x48xf32, #tpu.memory_space<vmem_shared>> -> memref<10240x48xf32, #tpu.memory_space<vmem_shared>>
        tpu.enqueue_indirect_dma source(%arg13 : memref<128x48xf32, #tpu.memory_space<vmem>>) target(%dma_start3A_275 : memref<10240x48xf32, #tpu.memory_space<vmem_shared>>) offsets(%dma_start3A_272 : memref<128xi32, #tpu.memory_space<vmem>>) semaphore(%arg29 : memref<!tpu.dma_semaphore, #tpu.memory_space<semaphore_mem>>) {add = true}
        %mul3A_276 = arith.constant 8 : i32
        %mul3A_277 = arith.muli %scan3A_76, %mul3A_276 : i32
        %add3A_278 = arith.constant 5 : i32
        %add3A_279 = arith.addi %mul3A_277, %add3A_278 : i32
        %dma_wait3A_280 = arith.constant 0 : i32
        %dma_wait3A_281 = tpu.memref_slice %arg7[%add3A_279, %dma_wait3A_280] : memref<40x128xi32, #tpu.memory_space<vmem>> -> memref<1x128xi32, #tpu.memory_space<vmem>>
        %dma_wait3A_282 = tpu.memref_squeeze %dma_wait3A_281 : memref<1x128xi32, #tpu.memory_space<vmem>> -> memref<128xi32, #tpu.memory_space<vmem>>
        %dma_wait3A_283 = arith.constant 0 : i32
        %dma_wait3A_284 = arith.constant 0 : i32
        %dma_wait3A_285 = tpu.memref_slice %arg2[%dma_wait3A_283, %dma_wait3A_284] : memref<20480x48xf32, #tpu.memory_space<hbm>> -> memref<20480x48xf32, #tpu.memory_space<hbm>>
        tpu.wait_indirect_dma semaphore(%arg22 : memref<!tpu.dma_semaphore, #tpu.memory_space<semaphore_mem>>) src(%dma_wait3A_285 : memref<20480x48xf32, #tpu.memory_space<hbm>>) dst(%arg14 : memref<128x48xf32, #tpu.memory_space<vmem>>)
        %dma_start3A_286 = arith.constant 0 : i32
        %dma_start3A_287 = tpu.memref_slice %arg8[%add3A_279, %dma_start3A_286] : memref<40x128xi32, #tpu.memory_space<vmem>> -> memref<1x128xi32, #tpu.memory_space<vmem>>
        %dma_start3A_288 = tpu.memref_squeeze %dma_start3A_287 : memref<1x128xi32, #tpu.memory_space<vmem>> -> memref<128xi32, #tpu.memory_space<vmem>>
        %dma_start3A_289 = arith.constant 0 : i32
        %dma_start3A_290 = arith.constant 0 : i32
        %dma_start3A_291 = tpu.memref_slice %arg33[%dma_start3A_289, %dma_start3A_290] : memref<10240x48xf32, #tpu.memory_space<vmem_shared>> -> memref<10240x48xf32, #tpu.memory_space<vmem_shared>>
        tpu.enqueue_indirect_dma source(%arg14 : memref<128x48xf32, #tpu.memory_space<vmem>>) target(%dma_start3A_291 : memref<10240x48xf32, #tpu.memory_space<vmem_shared>>) offsets(%dma_start3A_288 : memref<128xi32, #tpu.memory_space<vmem>>) semaphore(%arg30 : memref<!tpu.dma_semaphore, #tpu.memory_space<semaphore_mem>>) {add = true}
        %mul3A_292 = arith.constant 8 : i32
        %mul3A_293 = arith.muli %scan3A_76, %mul3A_292 : i32
        %add3A_294 = arith.constant 6 : i32
        %add3A_295 = arith.addi %mul3A_293, %add3A_294 : i32
        %dma_wait3A_296 = arith.constant 0 : i32
        %dma_wait3A_297 = tpu.memref_slice %arg7[%add3A_295, %dma_wait3A_296] : memref<40x128xi32, #tpu.memory_space<vmem>> -> memref<1x128xi32, #tpu.memory_space<vmem>>
        %dma_wait3A_298 = tpu.memref_squeeze %dma_wait3A_297 : memref<1x128xi32, #tpu.memory_space<vmem>> -> memref<128xi32, #tpu.memory_space<vmem>>
        %dma_wait3A_299 = arith.constant 0 : i32
        %dma_wait3A_300 = arith.constant 0 : i32
        %dma_wait3A_301 = tpu.memref_slice %arg2[%dma_wait3A_299, %dma_wait3A_300] : memref<20480x48xf32, #tpu.memory_space<hbm>> -> memref<20480x48xf32, #tpu.memory_space<hbm>>
        tpu.wait_indirect_dma semaphore(%arg23 : memref<!tpu.dma_semaphore, #tpu.memory_space<semaphore_mem>>) src(%dma_wait3A_301 : memref<20480x48xf32, #tpu.memory_space<hbm>>) dst(%arg15 : memref<128x48xf32, #tpu.memory_space<vmem>>)
        %dma_start3A_302 = arith.constant 0 : i32
        %dma_start3A_303 = tpu.memref_slice %arg8[%add3A_295, %dma_start3A_302] : memref<40x128xi32, #tpu.memory_space<vmem>> -> memref<1x128xi32, #tpu.memory_space<vmem>>
        %dma_start3A_304 = tpu.memref_squeeze %dma_start3A_303 : memref<1x128xi32, #tpu.memory_space<vmem>> -> memref<128xi32, #tpu.memory_space<vmem>>
        %dma_start3A_305 = arith.constant 0 : i32
        %dma_start3A_306 = arith.constant 0 : i32
        %dma_start3A_307 = tpu.memref_slice %arg33[%dma_start3A_305, %dma_start3A_306] : memref<10240x48xf32, #tpu.memory_space<vmem_shared>> -> memref<10240x48xf32, #tpu.memory_space<vmem_shared>>
        tpu.enqueue_indirect_dma source(%arg15 : memref<128x48xf32, #tpu.memory_space<vmem>>) target(%dma_start3A_307 : memref<10240x48xf32, #tpu.memory_space<vmem_shared>>) offsets(%dma_start3A_304 : memref<128xi32, #tpu.memory_space<vmem>>) semaphore(%arg31 : memref<!tpu.dma_semaphore, #tpu.memory_space<semaphore_mem>>) {add = true}
        %mul3A_308 = arith.constant 8 : i32
        %mul3A_309 = arith.muli %scan3A_76, %mul3A_308 : i32
        %add3A_310 = arith.constant 7 : i32
        %add3A_311 = arith.addi %mul3A_309, %add3A_310 : i32
        %dma_wait3A_312 = arith.constant 0 : i32
        %dma_wait3A_313 = tpu.memref_slice %arg7[%add3A_311, %dma_wait3A_312] : memref<40x128xi32, #tpu.memory_space<vmem>> -> memref<1x128xi32, #tpu.memory_space<vmem>>
        %dma_wait3A_314 = tpu.memref_squeeze %dma_wait3A_313 : memref<1x128xi32, #tpu.memory_space<vmem>> -> memref<128xi32, #tpu.memory_space<vmem>>
        %dma_wait3A_315 = arith.constant 0 : i32
        %dma_wait3A_316 = arith.constant 0 : i32
        %dma_wait3A_317 = tpu.memref_slice %arg2[%dma_wait3A_315, %dma_wait3A_316] : memref<20480x48xf32, #tpu.memory_space<hbm>> -> memref<20480x48xf32, #tpu.memory_space<hbm>>
        tpu.wait_indirect_dma semaphore(%arg24 : memref<!tpu.dma_semaphore, #tpu.memory_space<semaphore_mem>>) src(%dma_wait3A_317 : memref<20480x48xf32, #tpu.memory_space<hbm>>) dst(%arg16 : memref<128x48xf32, #tpu.memory_space<vmem>>)
        %dma_start3A_318 = arith.constant 0 : i32
        %dma_start3A_319 = tpu.memref_slice %arg8[%add3A_311, %dma_start3A_318] : memref<40x128xi32, #tpu.memory_space<vmem>> -> memref<1x128xi32, #tpu.memory_space<vmem>>
        %dma_start3A_320 = tpu.memref_squeeze %dma_start3A_319 : memref<1x128xi32, #tpu.memory_space<vmem>> -> memref<128xi32, #tpu.memory_space<vmem>>
        %dma_start3A_321 = arith.constant 0 : i32
        %dma_start3A_322 = arith.constant 0 : i32
        %dma_start3A_323 = tpu.memref_slice %arg33[%dma_start3A_321, %dma_start3A_322] : memref<10240x48xf32, #tpu.memory_space<vmem_shared>> -> memref<10240x48xf32, #tpu.memory_space<vmem_shared>>
        tpu.enqueue_indirect_dma source(%arg16 : memref<128x48xf32, #tpu.memory_space<vmem>>) target(%dma_start3A_323 : memref<10240x48xf32, #tpu.memory_space<vmem_shared>>) offsets(%dma_start3A_320 : memref<128xi32, #tpu.memory_space<vmem>>) semaphore(%arg32 : memref<!tpu.dma_semaphore, #tpu.memory_space<semaphore_mem>>) {add = true}
      }
      %scan3A_75 = arith.constant 5 : i32
    }
    %scan3A_5 = arith.constant 4 : i32
    %dma_wait3A = arith.constant 0 : i32
    %dma_wait3A_6 = arith.constant 0 : i32
    %dma_wait3A_7 = tpu.memref_slice %arg8[%dma_wait3A, %dma_wait3A_6] : memref<40x128xi32, #tpu.memory_space<vmem>> -> memref<1x128xi32, #tpu.memory_space<vmem>>
    %dma_wait3A_8 = tpu.memref_squeeze %dma_wait3A_7 : memref<1x128xi32, #tpu.memory_space<vmem>> -> memref<128xi32, #tpu.memory_space<vmem>>
    %dma_wait3A_9 = arith.constant 0 : i32
    %dma_wait3A_10 = arith.constant 0 : i32
    %dma_wait3A_11 = tpu.memref_slice %arg33[%dma_wait3A_9, %dma_wait3A_10] : memref<10240x48xf32, #tpu.memory_space<vmem_shared>> -> memref<10240x48xf32, #tpu.memory_space<vmem_shared>>
    tpu.wait_indirect_dma semaphore(%arg25 : memref<!tpu.dma_semaphore, #tpu.memory_space<semaphore_mem>>) src(%arg9 : memref<128x48xf32, #tpu.memory_space<vmem>>) dst(%dma_wait3A_11 : memref<10240x48xf32, #tpu.memory_space<vmem_shared>>)
    %dma_wait3A_12 = arith.constant 1 : i32
    %dma_wait3A_13 = arith.constant 0 : i32
    %dma_wait3A_14 = tpu.memref_slice %arg8[%dma_wait3A_12, %dma_wait3A_13] : memref<40x128xi32, #tpu.memory_space<vmem>> -> memref<1x128xi32, #tpu.memory_space<vmem>>
    %dma_wait3A_15 = tpu.memref_squeeze %dma_wait3A_14 : memref<1x128xi32, #tpu.memory_space<vmem>> -> memref<128xi32, #tpu.memory_space<vmem>>
    %dma_wait3A_16 = arith.constant 0 : i32
    %dma_wait3A_17 = arith.constant 0 : i32
    %dma_wait3A_18 = tpu.memref_slice %arg33[%dma_wait3A_16, %dma_wait3A_17] : memref<10240x48xf32, #tpu.memory_space<vmem_shared>> -> memref<10240x48xf32, #tpu.memory_space<vmem_shared>>
    tpu.wait_indirect_dma semaphore(%arg26 : memref<!tpu.dma_semaphore, #tpu.memory_space<semaphore_mem>>) src(%arg10 : memref<128x48xf32, #tpu.memory_space<vmem>>) dst(%dma_wait3A_18 : memref<10240x48xf32, #tpu.memory_space<vmem_shared>>)
    %dma_wait3A_19 = arith.constant 2 : i32
    %dma_wait3A_20 = arith.constant 0 : i32
    %dma_wait3A_21 = tpu.memref_slice %arg8[%dma_wait3A_19, %dma_wait3A_20] : memref<40x128xi32, #tpu.memory_space<vmem>> -> memref<1x128xi32, #tpu.memory_space<vmem>>
    %dma_wait3A_22 = tpu.memref_squeeze %dma_wait3A_21 : memref<1x128xi32, #tpu.memory_space<vmem>> -> memref<128xi32, #tpu.memory_space<vmem>>
    %dma_wait3A_23 = arith.constant 0 : i32
    %dma_wait3A_24 = arith.constant 0 : i32
    %dma_wait3A_25 = tpu.memref_slice %arg33[%dma_wait3A_23, %dma_wait3A_24] : memref<10240x48xf32, #tpu.memory_space<vmem_shared>> -> memref<10240x48xf32, #tpu.memory_space<vmem_shared>>
    tpu.wait_indirect_dma semaphore(%arg27 : memref<!tpu.dma_semaphore, #tpu.memory_space<semaphore_mem>>) src(%arg11 : memref<128x48xf32, #tpu.memory_space<vmem>>) dst(%dma_wait3A_25 : memref<10240x48xf32, #tpu.memory_space<vmem_shared>>)
    %dma_wait3A_26 = arith.constant 3 : i32
    %dma_wait3A_27 = arith.constant 0 : i32
    %dma_wait3A_28 = tpu.memref_slice %arg8[%dma_wait3A_26, %dma_wait3A_27] : memref<40x128xi32, #tpu.memory_space<vmem>> -> memref<1x128xi32, #tpu.memory_space<vmem>>
    %dma_wait3A_29 = tpu.memref_squeeze %dma_wait3A_28 : memref<1x128xi32, #tpu.memory_space<vmem>> -> memref<128xi32, #tpu.memory_space<vmem>>
    %dma_wait3A_30 = arith.constant 0 : i32
    %dma_wait3A_31 = arith.constant 0 : i32
    %dma_wait3A_32 = tpu.memref_slice %arg33[%dma_wait3A_30, %dma_wait3A_31] : memref<10240x48xf32, #tpu.memory_space<vmem_shared>> -> memref<10240x48xf32, #tpu.memory_space<vmem_shared>>
    tpu.wait_indirect_dma semaphore(%arg28 : memref<!tpu.dma_semaphore, #tpu.memory_space<semaphore_mem>>) src(%arg12 : memref<128x48xf32, #tpu.memory_space<vmem>>) dst(%dma_wait3A_32 : memref<10240x48xf32, #tpu.memory_space<vmem_shared>>)
    %dma_wait3A_33 = arith.constant 4 : i32
    %dma_wait3A_34 = arith.constant 0 : i32
    %dma_wait3A_35 = tpu.memref_slice %arg8[%dma_wait3A_33, %dma_wait3A_34] : memref<40x128xi32, #tpu.memory_space<vmem>> -> memref<1x128xi32, #tpu.memory_space<vmem>>
    %dma_wait3A_36 = tpu.memref_squeeze %dma_wait3A_35 : memref<1x128xi32, #tpu.memory_space<vmem>> -> memref<128xi32, #tpu.memory_space<vmem>>
    %dma_wait3A_37 = arith.constant 0 : i32
    %dma_wait3A_38 = arith.constant 0 : i32
    %dma_wait3A_39 = tpu.memref_slice %arg33[%dma_wait3A_37, %dma_wait3A_38] : memref<10240x48xf32, #tpu.memory_space<vmem_shared>> -> memref<10240x48xf32, #tpu.memory_space<vmem_shared>>
    tpu.wait_indirect_dma semaphore(%arg29 : memref<!tpu.dma_semaphore, #tpu.memory_space<semaphore_mem>>) src(%arg13 : memref<128x48xf32, #tpu.memory_space<vmem>>) dst(%dma_wait3A_39 : memref<10240x48xf32, #tpu.memory_space<vmem_shared>>)
    %dma_wait3A_40 = arith.constant 5 : i32
    %dma_wait3A_41 = arith.constant 0 : i32
    %dma_wait3A_42 = tpu.memref_slice %arg8[%dma_wait3A_40, %dma_wait3A_41] : memref<40x128xi32, #tpu.memory_space<vmem>> -> memref<1x128xi32, #tpu.memory_space<vmem>>
    %dma_wait3A_43 = tpu.memref_squeeze %dma_wait3A_42 : memref<1x128xi32, #tpu.memory_space<vmem>> -> memref<128xi32, #tpu.memory_space<vmem>>
    %dma_wait3A_44 = arith.constant 0 : i32
    %dma_wait3A_45 = arith.constant 0 : i32
    %dma_wait3A_46 = tpu.memref_slice %arg33[%dma_wait3A_44, %dma_wait3A_45] : memref<10240x48xf32, #tpu.memory_space<vmem_shared>> -> memref<10240x48xf32, #tpu.memory_space<vmem_shared>>
    tpu.wait_indirect_dma semaphore(%arg30 : memref<!tpu.dma_semaphore, #tpu.memory_space<semaphore_mem>>) src(%arg14 : memref<128x48xf32, #tpu.memory_space<vmem>>) dst(%dma_wait3A_46 : memref<10240x48xf32, #tpu.memory_space<vmem_shared>>)
    %dma_wait3A_47 = arith.constant 6 : i32
    %dma_wait3A_48 = arith.constant 0 : i32
    %dma_wait3A_49 = tpu.memref_slice %arg8[%dma_wait3A_47, %dma_wait3A_48] : memref<40x128xi32, #tpu.memory_space<vmem>> -> memref<1x128xi32, #tpu.memory_space<vmem>>
    %dma_wait3A_50 = tpu.memref_squeeze %dma_wait3A_49 : memref<1x128xi32, #tpu.memory_space<vmem>> -> memref<128xi32, #tpu.memory_space<vmem>>
    %dma_wait3A_51 = arith.constant 0 : i32
    %dma_wait3A_52 = arith.constant 0 : i32
    %dma_wait3A_53 = tpu.memref_slice %arg33[%dma_wait3A_51, %dma_wait3A_52] : memref<10240x48xf32, #tpu.memory_space<vmem_shared>> -> memref<10240x48xf32, #tpu.memory_space<vmem_shared>>
    tpu.wait_indirect_dma semaphore(%arg31 : memref<!tpu.dma_semaphore, #tpu.memory_space<semaphore_mem>>) src(%arg15 : memref<128x48xf32, #tpu.memory_space<vmem>>) dst(%dma_wait3A_53 : memref<10240x48xf32, #tpu.memory_space<vmem_shared>>)
    %dma_wait3A_54 = arith.constant 7 : i32
    %dma_wait3A_55 = arith.constant 0 : i32
    %dma_wait3A_56 = tpu.memref_slice %arg8[%dma_wait3A_54, %dma_wait3A_55] : memref<40x128xi32, #tpu.memory_space<vmem>> -> memref<1x128xi32, #tpu.memory_space<vmem>>
    %dma_wait3A_57 = tpu.memref_squeeze %dma_wait3A_56 : memref<1x128xi32, #tpu.memory_space<vmem>> -> memref<128xi32, #tpu.memory_space<vmem>>
    %dma_wait3A_58 = arith.constant 0 : i32
    %dma_wait3A_59 = arith.constant 0 : i32
    %dma_wait3A_60 = tpu.memref_slice %arg33[%dma_wait3A_58, %dma_wait3A_59] : memref<10240x48xf32, #tpu.memory_space<vmem_shared>> -> memref<10240x48xf32, #tpu.memory_space<vmem_shared>>
    tpu.wait_indirect_dma semaphore(%arg32 : memref<!tpu.dma_semaphore, #tpu.memory_space<semaphore_mem>>) src(%arg16 : memref<128x48xf32, #tpu.memory_space<vmem>>) dst(%dma_wait3A_60 : memref<10240x48xf32, #tpu.memory_space<vmem_shared>>)
    %barrier3A_61 = arith.constant 0 : index
    tpu.barrier barrier_id(%barrier3A_61)
    %mul3A_62 = arith.constant 640 : i32
    %mul3A_63 = arith.muli %arg1, %mul3A_62 : i32
    "tpu.region"() ({
      %run_scoped3A = tpu.sem_alloc : memref<!tpu.dma_semaphore, #tpu.memory_space<semaphore_mem>>
      %dma_start3A = arith.constant 0 : i32
      %dma_start3A_64 = tpu.memref_slice %arg6[%arg0, %mul3A_63, %dma_start3A] : memref<2x10240x48xf32, #tpu.memory_space<hbm>> -> memref<1x640x48xf32, #tpu.memory_space<hbm>>
      %dma_start3A_65 = tpu.memref_squeeze %dma_start3A_64 : memref<1x640x48xf32, #tpu.memory_space<hbm>> -> memref<640x48xf32, #tpu.memory_space<hbm>>
      %dma_start3A_66 = arith.constant 0 : i32
      %dma_start3A_67 = tpu.memref_slice %arg33[%mul3A_63, %dma_start3A_66] : memref<10240x48xf32, #tpu.memory_space<vmem_shared>> -> memref<640x48xf32, #tpu.memory_space<vmem_shared>>
      tpu.enqueue_dma source(%dma_start3A_67 : memref<640x48xf32, #tpu.memory_space<vmem_shared>>) target(%dma_start3A_65 : memref<640x48xf32, #tpu.memory_space<hbm>>) target_semaphore(%run_scoped3A : memref<!tpu.dma_semaphore, #tpu.memory_space<semaphore_mem>>)
      %dma_wait3A_68 = arith.constant 0 : i32
      %dma_wait3A_69 = tpu.memref_slice %arg6[%arg0, %mul3A_63, %dma_wait3A_68] : memref<2x10240x48xf32, #tpu.memory_space<hbm>> -> memref<1x640x48xf32, #tpu.memory_space<hbm>>
      %dma_wait3A_70 = tpu.memref_squeeze %dma_wait3A_69 : memref<1x640x48xf32, #tpu.memory_space<hbm>> -> memref<640x48xf32, #tpu.memory_space<hbm>>
      %dma_wait3A_71 = arith.constant 0 : i32
      %dma_wait3A_72 = tpu.memref_slice %arg33[%mul3A_63, %dma_wait3A_71] : memref<10240x48xf32, #tpu.memory_space<vmem_shared>> -> memref<640x48xf32, #tpu.memory_space<vmem_shared>>
      tpu.wait_dma2 semaphore(%run_scoped3A : memref<!tpu.dma_semaphore, #tpu.memory_space<semaphore_mem>>) src(%dma_wait3A_72 : memref<640x48xf32, #tpu.memory_space<vmem_shared>>) dst(%dma_wait3A_70 : memref<640x48xf32, #tpu.memory_space<hbm>>)
      tpu.yield
    }) : () -> ()
    return
  }
}

#map = affine_map<(d0, d1) -> (0, 0)>
#map1 = affine_map<(d0, d1) -> (0, 0, 0)>
module attributes {stable_mosaic.version = 14 : i64} {
  func.func @body(%arg0: i32, %arg1: i32, %arg2: memref<10240x64xf32, #tpu.memory_space<hbm>>, %arg3: memref<2x2560x128xi32, #tpu.memory_space<hbm>>, %arg4: memref<2x2560x128xi32, #tpu.memory_space<hbm>>, %arg5: memref<640x64xf32, #tpu.memory_space<hbm>>, %arg6: memref<2x10240x64xf32, #tpu.memory_space<hbm>>, %arg7: memref<40x128xi32, #tpu.memory_space<vmem>>, %arg8: memref<40x128xi32, #tpu.memory_space<vmem>>, %arg9: memref<128x64xf32, #tpu.memory_space<vmem>>, %arg10: memref<128x64xf32, #tpu.memory_space<vmem>>, %arg11: memref<128x64xf32, #tpu.memory_space<vmem>>, %arg12: memref<128x64xf32, #tpu.memory_space<vmem>>, %arg13: memref<128x64xf32, #tpu.memory_space<vmem>>, %arg14: memref<128x64xf32, #tpu.memory_space<vmem>>, %arg15: memref<128x64xf32, #tpu.memory_space<vmem>>, %arg16: memref<128x64xf32, #tpu.memory_space<vmem>>, %arg17: memref<!tpu.dma_semaphore, #tpu.memory_space<semaphore_mem>>, %arg18: memref<!tpu.dma_semaphore, #tpu.memory_space<semaphore_mem>>, %arg19: memref<!tpu.dma_semaphore, #tpu.memory_space<semaphore_mem>>, %arg20: memref<!tpu.dma_semaphore, #tpu.memory_space<semaphore_mem>>, %arg21: memref<!tpu.dma_semaphore, #tpu.memory_space<semaphore_mem>>, %arg22: memref<!tpu.dma_semaphore, #tpu.memory_space<semaphore_mem>>, %arg23: memref<!tpu.dma_semaphore, #tpu.memory_space<semaphore_mem>>, %arg24: memref<!tpu.dma_semaphore, #tpu.memory_space<semaphore_mem>>, %arg25: memref<!tpu.dma_semaphore, #tpu.memory_space<semaphore_mem>>, %arg26: memref<!tpu.dma_semaphore, #tpu.memory_space<semaphore_mem>>, %arg27: memref<!tpu.dma_semaphore, #tpu.memory_space<semaphore_mem>>, %arg28: memref<!tpu.dma_semaphore, #tpu.memory_space<semaphore_mem>>, %arg29: memref<!tpu.dma_semaphore, #tpu.memory_space<semaphore_mem>>, %arg30: memref<!tpu.dma_semaphore, #tpu.memory_space<semaphore_mem>>, %arg31: memref<!tpu.dma_semaphore, #tpu.memory_space<semaphore_mem>>, %arg32: memref<!tpu.dma_semaphore, #tpu.memory_space<semaphore_mem>>, %arg33: memref<10240x64xf32, #tpu.memory_space<vmem_shared>>) attributes {dimension_semantics = [#tpu.dimension_semantics<core_parallel>, #tpu.dimension_semantics<subcore_parallel>], iteration_bounds = array<i64: 2, 16>, scalar_prefetch = 0 : i64, scratch_operands = 27 : i64, tpu.core_type = #tpu.core_type<sc_vector_subcore>, window_params = [{transform_indices = #map}, {transform_indices = #map1}, {transform_indices = #map1}, {transform_indices = #map}, {transform_indices = #map1}]} {
    %mul3A = arith.constant 640 : i32
    %mul3A_0 = arith.muli %arg1, %mul3A : i32
    "tpu.region"() ({
      %run_scoped3A = tpu.sem_alloc : memref<!tpu.dma_semaphore, #tpu.memory_space<semaphore_mem>>
      %dma_start3A = arith.constant 0 : i32
      %dma_start3A_64 = tpu.memref_slice %arg33[%mul3A_0, %dma_start3A] : memref<10240x64xf32, #tpu.memory_space<vmem_shared>> -> memref<640x64xf32, #tpu.memory_space<vmem_shared>>
      tpu.enqueue_dma source(%arg5 : memref<640x64xf32, #tpu.memory_space<hbm>>) target(%dma_start3A_64 : memref<640x64xf32, #tpu.memory_space<vmem_shared>>) target_semaphore(%run_scoped3A : memref<!tpu.dma_semaphore, #tpu.memory_space<semaphore_mem>>)
      %dma_wait3A_65 = arith.constant 0 : i32
      %dma_wait3A_66 = tpu.memref_slice %arg33[%mul3A_0, %dma_wait3A_65] : memref<10240x64xf32, #tpu.memory_space<vmem_shared>> -> memref<640x64xf32, #tpu.memory_space<vmem_shared>>
      tpu.wait_dma2 semaphore(%run_scoped3A : memref<!tpu.dma_semaphore, #tpu.memory_space<semaphore_mem>>) src(%arg5 : memref<640x64xf32, #tpu.memory_space<hbm>>) dst(%dma_wait3A_66 : memref<640x64xf32, #tpu.memory_space<vmem_shared>>)
      tpu.yield
    }) : () -> ()
    %barrier3A = arith.constant 0 : index
    tpu.barrier barrier_id(%barrier3A)
    %scan3A = arith.constant 0 : i32
    %scan3A_1 = arith.constant 0 : i32
    %scan3A_2 = arith.constant 4 : i32
    %scan3A_3 = arith.addi %scan3A_1, %scan3A_2 : i32
    %scan3A_4 = arith.constant 1 : i32
    scf.for %scan3A_64 = %scan3A_1 to %scan3A_3 step %scan3A_4  : i32 {
      %gt3A = arith.constant 0 : i32
      %gt3A_65 = arith.cmpi sgt, %scan3A_64, %gt3A : i32
      %convert_element_type3A = arith.extui %gt3A_65 : i1 to i32
      %cond3A = arith.constant 0 : i32
      %cond3A_66 = arith.cmpi ne, %convert_element_type3A, %cond3A : i32
      scf.if %cond3A_66 {
        %dma_wait3A_76 = arith.constant 0 : i32
        %dma_wait3A_77 = arith.constant 0 : i32
        %dma_wait3A_78 = tpu.memref_slice %arg8[%dma_wait3A_76, %dma_wait3A_77] : memref<40x128xi32, #tpu.memory_space<vmem>> -> memref<1x128xi32, #tpu.memory_space<vmem>>
        %dma_wait3A_79 = tpu.memref_squeeze %dma_wait3A_78 : memref<1x128xi32, #tpu.memory_space<vmem>> -> memref<128xi32, #tpu.memory_space<vmem>>
        %dma_wait3A_80 = arith.constant 0 : i32
        %dma_wait3A_81 = arith.constant 0 : i32
        %dma_wait3A_82 = tpu.memref_slice %arg33[%dma_wait3A_80, %dma_wait3A_81] : memref<10240x64xf32, #tpu.memory_space<vmem_shared>> -> memref<10240x64xf32, #tpu.memory_space<vmem_shared>>
        tpu.wait_indirect_dma semaphore(%arg25 : memref<!tpu.dma_semaphore, #tpu.memory_space<semaphore_mem>>) src(%arg9 : memref<128x64xf32, #tpu.memory_space<vmem>>) dst(%dma_wait3A_82 : memref<10240x64xf32, #tpu.memory_space<vmem_shared>>)
        %dma_wait3A_83 = arith.constant 1 : i32
        %dma_wait3A_84 = arith.constant 0 : i32
        %dma_wait3A_85 = tpu.memref_slice %arg8[%dma_wait3A_83, %dma_wait3A_84] : memref<40x128xi32, #tpu.memory_space<vmem>> -> memref<1x128xi32, #tpu.memory_space<vmem>>
        %dma_wait3A_86 = tpu.memref_squeeze %dma_wait3A_85 : memref<1x128xi32, #tpu.memory_space<vmem>> -> memref<128xi32, #tpu.memory_space<vmem>>
        %dma_wait3A_87 = arith.constant 0 : i32
        %dma_wait3A_88 = arith.constant 0 : i32
        %dma_wait3A_89 = tpu.memref_slice %arg33[%dma_wait3A_87, %dma_wait3A_88] : memref<10240x64xf32, #tpu.memory_space<vmem_shared>> -> memref<10240x64xf32, #tpu.memory_space<vmem_shared>>
        tpu.wait_indirect_dma semaphore(%arg26 : memref<!tpu.dma_semaphore, #tpu.memory_space<semaphore_mem>>) src(%arg10 : memref<128x64xf32, #tpu.memory_space<vmem>>) dst(%dma_wait3A_89 : memref<10240x64xf32, #tpu.memory_space<vmem_shared>>)
        %dma_wait3A_90 = arith.constant 2 : i32
        %dma_wait3A_91 = arith.constant 0 : i32
        %dma_wait3A_92 = tpu.memref_slice %arg8[%dma_wait3A_90, %dma_wait3A_91] : memref<40x128xi32, #tpu.memory_space<vmem>> -> memref<1x128xi32, #tpu.memory_space<vmem>>
        %dma_wait3A_93 = tpu.memref_squeeze %dma_wait3A_92 : memref<1x128xi32, #tpu.memory_space<vmem>> -> memref<128xi32, #tpu.memory_space<vmem>>
        %dma_wait3A_94 = arith.constant 0 : i32
        %dma_wait3A_95 = arith.constant 0 : i32
        %dma_wait3A_96 = tpu.memref_slice %arg33[%dma_wait3A_94, %dma_wait3A_95] : memref<10240x64xf32, #tpu.memory_space<vmem_shared>> -> memref<10240x64xf32, #tpu.memory_space<vmem_shared>>
        tpu.wait_indirect_dma semaphore(%arg27 : memref<!tpu.dma_semaphore, #tpu.memory_space<semaphore_mem>>) src(%arg11 : memref<128x64xf32, #tpu.memory_space<vmem>>) dst(%dma_wait3A_96 : memref<10240x64xf32, #tpu.memory_space<vmem_shared>>)
        %dma_wait3A_97 = arith.constant 3 : i32
        %dma_wait3A_98 = arith.constant 0 : i32
        %dma_wait3A_99 = tpu.memref_slice %arg8[%dma_wait3A_97, %dma_wait3A_98] : memref<40x128xi32, #tpu.memory_space<vmem>> -> memref<1x128xi32, #tpu.memory_space<vmem>>
        %dma_wait3A_100 = tpu.memref_squeeze %dma_wait3A_99 : memref<1x128xi32, #tpu.memory_space<vmem>> -> memref<128xi32, #tpu.memory_space<vmem>>
        %dma_wait3A_101 = arith.constant 0 : i32
        %dma_wait3A_102 = arith.constant 0 : i32
        %dma_wait3A_103 = tpu.memref_slice %arg33[%dma_wait3A_101, %dma_wait3A_102] : memref<10240x64xf32, #tpu.memory_space<vmem_shared>> -> memref<10240x64xf32, #tpu.memory_space<vmem_shared>>
        tpu.wait_indirect_dma semaphore(%arg28 : memref<!tpu.dma_semaphore, #tpu.memory_space<semaphore_mem>>) src(%arg12 : memref<128x64xf32, #tpu.memory_space<vmem>>) dst(%dma_wait3A_103 : memref<10240x64xf32, #tpu.memory_space<vmem_shared>>)
        %dma_wait3A_104 = arith.constant 4 : i32
        %dma_wait3A_105 = arith.constant 0 : i32
        %dma_wait3A_106 = tpu.memref_slice %arg8[%dma_wait3A_104, %dma_wait3A_105] : memref<40x128xi32, #tpu.memory_space<vmem>> -> memref<1x128xi32, #tpu.memory_space<vmem>>
        %dma_wait3A_107 = tpu.memref_squeeze %dma_wait3A_106 : memref<1x128xi32, #tpu.memory_space<vmem>> -> memref<128xi32, #tpu.memory_space<vmem>>
        %dma_wait3A_108 = arith.constant 0 : i32
        %dma_wait3A_109 = arith.constant 0 : i32
        %dma_wait3A_110 = tpu.memref_slice %arg33[%dma_wait3A_108, %dma_wait3A_109] : memref<10240x64xf32, #tpu.memory_space<vmem_shared>> -> memref<10240x64xf32, #tpu.memory_space<vmem_shared>>
        tpu.wait_indirect_dma semaphore(%arg29 : memref<!tpu.dma_semaphore, #tpu.memory_space<semaphore_mem>>) src(%arg13 : memref<128x64xf32, #tpu.memory_space<vmem>>) dst(%dma_wait3A_110 : memref<10240x64xf32, #tpu.memory_space<vmem_shared>>)
        %dma_wait3A_111 = arith.constant 5 : i32
        %dma_wait3A_112 = arith.constant 0 : i32
        %dma_wait3A_113 = tpu.memref_slice %arg8[%dma_wait3A_111, %dma_wait3A_112] : memref<40x128xi32, #tpu.memory_space<vmem>> -> memref<1x128xi32, #tpu.memory_space<vmem>>
        %dma_wait3A_114 = tpu.memref_squeeze %dma_wait3A_113 : memref<1x128xi32, #tpu.memory_space<vmem>> -> memref<128xi32, #tpu.memory_space<vmem>>
        %dma_wait3A_115 = arith.constant 0 : i32
        %dma_wait3A_116 = arith.constant 0 : i32
        %dma_wait3A_117 = tpu.memref_slice %arg33[%dma_wait3A_115, %dma_wait3A_116] : memref<10240x64xf32, #tpu.memory_space<vmem_shared>> -> memref<10240x64xf32, #tpu.memory_space<vmem_shared>>
        tpu.wait_indirect_dma semaphore(%arg30 : memref<!tpu.dma_semaphore, #tpu.memory_space<semaphore_mem>>) src(%arg14 : memref<128x64xf32, #tpu.memory_space<vmem>>) dst(%dma_wait3A_117 : memref<10240x64xf32, #tpu.memory_space<vmem_shared>>)
        %dma_wait3A_118 = arith.constant 6 : i32
        %dma_wait3A_119 = arith.constant 0 : i32
        %dma_wait3A_120 = tpu.memref_slice %arg8[%dma_wait3A_118, %dma_wait3A_119] : memref<40x128xi32, #tpu.memory_space<vmem>> -> memref<1x128xi32, #tpu.memory_space<vmem>>
        %dma_wait3A_121 = tpu.memref_squeeze %dma_wait3A_120 : memref<1x128xi32, #tpu.memory_space<vmem>> -> memref<128xi32, #tpu.memory_space<vmem>>
        %dma_wait3A_122 = arith.constant 0 : i32
        %dma_wait3A_123 = arith.constant 0 : i32
        %dma_wait3A_124 = tpu.memref_slice %arg33[%dma_wait3A_122, %dma_wait3A_123] : memref<10240x64xf32, #tpu.memory_space<vmem_shared>> -> memref<10240x64xf32, #tpu.memory_space<vmem_shared>>
        tpu.wait_indirect_dma semaphore(%arg31 : memref<!tpu.dma_semaphore, #tpu.memory_space<semaphore_mem>>) src(%arg15 : memref<128x64xf32, #tpu.memory_space<vmem>>) dst(%dma_wait3A_124 : memref<10240x64xf32, #tpu.memory_space<vmem_shared>>)
        %dma_wait3A_125 = arith.constant 7 : i32
        %dma_wait3A_126 = arith.constant 0 : i32
        %dma_wait3A_127 = tpu.memref_slice %arg8[%dma_wait3A_125, %dma_wait3A_126] : memref<40x128xi32, #tpu.memory_space<vmem>> -> memref<1x128xi32, #tpu.memory_space<vmem>>
        %dma_wait3A_128 = tpu.memref_squeeze %dma_wait3A_127 : memref<1x128xi32, #tpu.memory_space<vmem>> -> memref<128xi32, #tpu.memory_space<vmem>>
        %dma_wait3A_129 = arith.constant 0 : i32
        %dma_wait3A_130 = arith.constant 0 : i32
        %dma_wait3A_131 = tpu.memref_slice %arg33[%dma_wait3A_129, %dma_wait3A_130] : memref<10240x64xf32, #tpu.memory_space<vmem_shared>> -> memref<10240x64xf32, #tpu.memory_space<vmem_shared>>
        tpu.wait_indirect_dma semaphore(%arg32 : memref<!tpu.dma_semaphore, #tpu.memory_space<semaphore_mem>>) src(%arg16 : memref<128x64xf32, #tpu.memory_space<vmem>>) dst(%dma_wait3A_131 : memref<10240x64xf32, #tpu.memory_space<vmem_shared>>)
      } else {
      }
      %mul3A_67 = arith.constant 160 : i32
      %mul3A_68 = arith.muli %arg1, %mul3A_67 : i32
      %mul3A_69 = arith.constant 40 : i32
      %mul3A_70 = arith.muli %scan3A_64, %mul3A_69 : i32
      %add3A = arith.addi %mul3A_68, %mul3A_70 : i32
      "tpu.region"() ({
        %run_scoped3A = tpu.sem_alloc : memref<!tpu.dma_semaphore, #tpu.memory_space<semaphore_mem>>
        %dma_start3A = arith.constant 0 : i32
        %dma_start3A_76 = tpu.memref_slice %arg3[%arg0, %add3A, %dma_start3A] : memref<2x2560x128xi32, #tpu.memory_space<hbm>> -> memref<1x40x128xi32, #tpu.memory_space<hbm>>
        %dma_start3A_77 = tpu.memref_squeeze %dma_start3A_76 : memref<1x40x128xi32, #tpu.memory_space<hbm>> -> memref<40x128xi32, #tpu.memory_space<hbm>>
        %dma_start3A_78 = arith.constant 0 : i32
        %dma_start3A_79 = tpu.memref_slice %arg3[%arg0, %add3A, %dma_start3A_78] : memref<2x2560x128xi32, #tpu.memory_space<hbm>> -> memref<1x40x128xi32, #tpu.memory_space<hbm>>
        %dma_start3A_80 = tpu.memref_squeeze %dma_start3A_79 : memref<1x40x128xi32, #tpu.memory_space<hbm>> -> memref<40x128xi32, #tpu.memory_space<hbm>>
        tpu.enqueue_dma source(%dma_start3A_80 : memref<40x128xi32, #tpu.memory_space<hbm>>) target(%arg7 : memref<40x128xi32, #tpu.memory_space<vmem>>) target_semaphore(%run_scoped3A : memref<!tpu.dma_semaphore, #tpu.memory_space<semaphore_mem>>)
        %dma_wait3A_81 = arith.constant 0 : i32
        %dma_wait3A_82 = tpu.memref_slice %arg3[%arg0, %add3A, %dma_wait3A_81] : memref<2x2560x128xi32, #tpu.memory_space<hbm>> -> memref<1x40x128xi32, #tpu.memory_space<hbm>>
        %dma_wait3A_83 = tpu.memref_squeeze %dma_wait3A_82 : memref<1x40x128xi32, #tpu.memory_space<hbm>> -> memref<40x128xi32, #tpu.memory_space<hbm>>
        %dma_wait3A_84 = arith.constant 0 : i32
        %dma_wait3A_85 = tpu.memref_slice %arg3[%arg0, %add3A, %dma_wait3A_84] : memref<2x2560x128xi32, #tpu.memory_space<hbm>> -> memref<1x40x128xi32, #tpu.memory_space<hbm>>
        %dma_wait3A_86 = tpu.memref_squeeze %dma_wait3A_85 : memref<1x40x128xi32, #tpu.memory_space<hbm>> -> memref<40x128xi32, #tpu.memory_space<hbm>>
        tpu.wait_dma2 semaphore(%run_scoped3A : memref<!tpu.dma_semaphore, #tpu.memory_space<semaphore_mem>>) src(%dma_wait3A_86 : memref<40x128xi32, #tpu.memory_space<hbm>>) dst(%arg7 : memref<40x128xi32, #tpu.memory_space<vmem>>)
        tpu.yield
      }) : () -> ()
      "tpu.region"() ({
        %run_scoped3A = tpu.sem_alloc : memref<!tpu.dma_semaphore, #tpu.memory_space<semaphore_mem>>
        %dma_start3A = arith.constant 0 : i32
        %dma_start3A_76 = tpu.memref_slice %arg4[%arg0, %add3A, %dma_start3A] : memref<2x2560x128xi32, #tpu.memory_space<hbm>> -> memref<1x40x128xi32, #tpu.memory_space<hbm>>
        %dma_start3A_77 = tpu.memref_squeeze %dma_start3A_76 : memref<1x40x128xi32, #tpu.memory_space<hbm>> -> memref<40x128xi32, #tpu.memory_space<hbm>>
        %dma_start3A_78 = arith.constant 0 : i32
        %dma_start3A_79 = tpu.memref_slice %arg4[%arg0, %add3A, %dma_start3A_78] : memref<2x2560x128xi32, #tpu.memory_space<hbm>> -> memref<1x40x128xi32, #tpu.memory_space<hbm>>
        %dma_start3A_80 = tpu.memref_squeeze %dma_start3A_79 : memref<1x40x128xi32, #tpu.memory_space<hbm>> -> memref<40x128xi32, #tpu.memory_space<hbm>>
        tpu.enqueue_dma source(%dma_start3A_80 : memref<40x128xi32, #tpu.memory_space<hbm>>) target(%arg8 : memref<40x128xi32, #tpu.memory_space<vmem>>) target_semaphore(%run_scoped3A : memref<!tpu.dma_semaphore, #tpu.memory_space<semaphore_mem>>)
        %dma_wait3A_81 = arith.constant 0 : i32
        %dma_wait3A_82 = tpu.memref_slice %arg4[%arg0, %add3A, %dma_wait3A_81] : memref<2x2560x128xi32, #tpu.memory_space<hbm>> -> memref<1x40x128xi32, #tpu.memory_space<hbm>>
        %dma_wait3A_83 = tpu.memref_squeeze %dma_wait3A_82 : memref<1x40x128xi32, #tpu.memory_space<hbm>> -> memref<40x128xi32, #tpu.memory_space<hbm>>
        %dma_wait3A_84 = arith.constant 0 : i32
        %dma_wait3A_85 = tpu.memref_slice %arg4[%arg0, %add3A, %dma_wait3A_84] : memref<2x2560x128xi32, #tpu.memory_space<hbm>> -> memref<1x40x128xi32, #tpu.memory_space<hbm>>
        %dma_wait3A_86 = tpu.memref_squeeze %dma_wait3A_85 : memref<1x40x128xi32, #tpu.memory_space<hbm>> -> memref<40x128xi32, #tpu.memory_space<hbm>>
        tpu.wait_dma2 semaphore(%run_scoped3A : memref<!tpu.dma_semaphore, #tpu.memory_space<semaphore_mem>>) src(%dma_wait3A_86 : memref<40x128xi32, #tpu.memory_space<hbm>>) dst(%arg8 : memref<40x128xi32, #tpu.memory_space<vmem>>)
        tpu.yield
      }) : () -> ()
      %scan3A_71 = arith.constant 0 : i32
      %scan3A_72 = arith.constant 5 : i32
      %scan3A_73 = arith.addi %scan3A_71, %scan3A_72 : i32
      %scan3A_74 = arith.constant 1 : i32
      scf.for %scan3A_76 = %scan3A_71 to %scan3A_73 step %scan3A_74  : i32 {
        %gt3A_77 = arith.constant 0 : i32
        %gt3A_78 = arith.cmpi sgt, %scan3A_76, %gt3A_77 : i32
        %convert_element_type3A_79 = arith.extui %gt3A_78 : i1 to i32
        %cond3A_80 = arith.constant 0 : i32
        %cond3A_81 = arith.cmpi ne, %convert_element_type3A_79, %cond3A_80 : i32
        scf.if %cond3A_81 {
          %dma_wait3A_324 = arith.constant 0 : i32
          %dma_wait3A_325 = arith.constant 0 : i32
          %dma_wait3A_326 = tpu.memref_slice %arg8[%dma_wait3A_324, %dma_wait3A_325] : memref<40x128xi32, #tpu.memory_space<vmem>> -> memref<1x128xi32, #tpu.memory_space<vmem>>
          %dma_wait3A_327 = tpu.memref_squeeze %dma_wait3A_326 : memref<1x128xi32, #tpu.memory_space<vmem>> -> memref<128xi32, #tpu.memory_space<vmem>>
          %dma_wait3A_328 = arith.constant 0 : i32
          %dma_wait3A_329 = arith.constant 0 : i32
          %dma_wait3A_330 = tpu.memref_slice %arg33[%dma_wait3A_328, %dma_wait3A_329] : memref<10240x64xf32, #tpu.memory_space<vmem_shared>> -> memref<10240x64xf32, #tpu.memory_space<vmem_shared>>
          tpu.wait_indirect_dma semaphore(%arg25 : memref<!tpu.dma_semaphore, #tpu.memory_space<semaphore_mem>>) src(%arg9 : memref<128x64xf32, #tpu.memory_space<vmem>>) dst(%dma_wait3A_330 : memref<10240x64xf32, #tpu.memory_space<vmem_shared>>)
        } else {
        }
        %mul3A_82 = arith.constant 8 : i32
        %mul3A_83 = arith.muli %scan3A_76, %mul3A_82 : i32
        %add3A_84 = arith.constant 0 : i32
        %add3A_85 = arith.addi %mul3A_83, %add3A_84 : i32
        %dma_start3A = arith.constant 0 : i32
        %dma_start3A_86 = tpu.memref_slice %arg7[%add3A_85, %dma_start3A] : memref<40x128xi32, #tpu.memory_space<vmem>> -> memref<1x128xi32, #tpu.memory_space<vmem>>
        %dma_start3A_87 = tpu.memref_squeeze %dma_start3A_86 : memref<1x128xi32, #tpu.memory_space<vmem>> -> memref<128xi32, #tpu.memory_space<vmem>>
        %dma_start3A_88 = arith.constant 0 : i32
        %dma_start3A_89 = arith.constant 0 : i32
        %dma_start3A_90 = tpu.memref_slice %arg2[%dma_start3A_88, %dma_start3A_89] : memref<10240x64xf32, #tpu.memory_space<hbm>> -> memref<10240x64xf32, #tpu.memory_space<hbm>>
        tpu.enqueue_indirect_dma source(%dma_start3A_90 : memref<10240x64xf32, #tpu.memory_space<hbm>>) target(%arg9 : memref<128x64xf32, #tpu.memory_space<vmem>>) offsets(%dma_start3A_87 : memref<128xi32, #tpu.memory_space<vmem>>) semaphore(%arg17 : memref<!tpu.dma_semaphore, #tpu.memory_space<semaphore_mem>>)
        %gt3A_91 = arith.constant 0 : i32
        %gt3A_92 = arith.cmpi sgt, %scan3A_76, %gt3A_91 : i32
        %convert_element_type3A_93 = arith.extui %gt3A_92 : i1 to i32
        %cond3A_94 = arith.constant 0 : i32
        %cond3A_95 = arith.cmpi ne, %convert_element_type3A_93, %cond3A_94 : i32
        scf.if %cond3A_95 {
          %dma_wait3A_324 = arith.constant 1 : i32
          %dma_wait3A_325 = arith.constant 0 : i32
          %dma_wait3A_326 = tpu.memref_slice %arg8[%dma_wait3A_324, %dma_wait3A_325] : memref<40x128xi32, #tpu.memory_space<vmem>> -> memref<1x128xi32, #tpu.memory_space<vmem>>
          %dma_wait3A_327 = tpu.memref_squeeze %dma_wait3A_326 : memref<1x128xi32, #tpu.memory_space<vmem>> -> memref<128xi32, #tpu.memory_space<vmem>>
          %dma_wait3A_328 = arith.constant 0 : i32
          %dma_wait3A_329 = arith.constant 0 : i32
          %dma_wait3A_330 = tpu.memref_slice %arg33[%dma_wait3A_328, %dma_wait3A_329] : memref<10240x64xf32, #tpu.memory_space<vmem_shared>> -> memref<10240x64xf32, #tpu.memory_space<vmem_shared>>
          tpu.wait_indirect_dma semaphore(%arg26 : memref<!tpu.dma_semaphore, #tpu.memory_space<semaphore_mem>>) src(%arg10 : memref<128x64xf32, #tpu.memory_space<vmem>>) dst(%dma_wait3A_330 : memref<10240x64xf32, #tpu.memory_space<vmem_shared>>)
        } else {
        }
        %mul3A_96 = arith.constant 8 : i32
        %mul3A_97 = arith.muli %scan3A_76, %mul3A_96 : i32
        %add3A_98 = arith.constant 1 : i32
        %add3A_99 = arith.addi %mul3A_97, %add3A_98 : i32
        %dma_start3A_100 = arith.constant 0 : i32
        %dma_start3A_101 = tpu.memref_slice %arg7[%add3A_99, %dma_start3A_100] : memref<40x128xi32, #tpu.memory_space<vmem>> -> memref<1x128xi32, #tpu.memory_space<vmem>>
        %dma_start3A_102 = tpu.memref_squeeze %dma_start3A_101 : memref<1x128xi32, #tpu.memory_space<vmem>> -> memref<128xi32, #tpu.memory_space<vmem>>
        %dma_start3A_103 = arith.constant 0 : i32
        %dma_start3A_104 = arith.constant 0 : i32
        %dma_start3A_105 = tpu.memref_slice %arg2[%dma_start3A_103, %dma_start3A_104] : memref<10240x64xf32, #tpu.memory_space<hbm>> -> memref<10240x64xf32, #tpu.memory_space<hbm>>
        tpu.enqueue_indirect_dma source(%dma_start3A_105 : memref<10240x64xf32, #tpu.memory_space<hbm>>) target(%arg10 : memref<128x64xf32, #tpu.memory_space<vmem>>) offsets(%dma_start3A_102 : memref<128xi32, #tpu.memory_space<vmem>>) semaphore(%arg18 : memref<!tpu.dma_semaphore, #tpu.memory_space<semaphore_mem>>)
        %gt3A_106 = arith.constant 0 : i32
        %gt3A_107 = arith.cmpi sgt, %scan3A_76, %gt3A_106 : i32
        %convert_element_type3A_108 = arith.extui %gt3A_107 : i1 to i32
        %cond3A_109 = arith.constant 0 : i32
        %cond3A_110 = arith.cmpi ne, %convert_element_type3A_108, %cond3A_109 : i32
        scf.if %cond3A_110 {
          %dma_wait3A_324 = arith.constant 2 : i32
          %dma_wait3A_325 = arith.constant 0 : i32
          %dma_wait3A_326 = tpu.memref_slice %arg8[%dma_wait3A_324, %dma_wait3A_325] : memref<40x128xi32, #tpu.memory_space<vmem>> -> memref<1x128xi32, #tpu.memory_space<vmem>>
          %dma_wait3A_327 = tpu.memref_squeeze %dma_wait3A_326 : memref<1x128xi32, #tpu.memory_space<vmem>> -> memref<128xi32, #tpu.memory_space<vmem>>
          %dma_wait3A_328 = arith.constant 0 : i32
          %dma_wait3A_329 = arith.constant 0 : i32
          %dma_wait3A_330 = tpu.memref_slice %arg33[%dma_wait3A_328, %dma_wait3A_329] : memref<10240x64xf32, #tpu.memory_space<vmem_shared>> -> memref<10240x64xf32, #tpu.memory_space<vmem_shared>>
          tpu.wait_indirect_dma semaphore(%arg27 : memref<!tpu.dma_semaphore, #tpu.memory_space<semaphore_mem>>) src(%arg11 : memref<128x64xf32, #tpu.memory_space<vmem>>) dst(%dma_wait3A_330 : memref<10240x64xf32, #tpu.memory_space<vmem_shared>>)
        } else {
        }
        %mul3A_111 = arith.constant 8 : i32
        %mul3A_112 = arith.muli %scan3A_76, %mul3A_111 : i32
        %add3A_113 = arith.constant 2 : i32
        %add3A_114 = arith.addi %mul3A_112, %add3A_113 : i32
        %dma_start3A_115 = arith.constant 0 : i32
        %dma_start3A_116 = tpu.memref_slice %arg7[%add3A_114, %dma_start3A_115] : memref<40x128xi32, #tpu.memory_space<vmem>> -> memref<1x128xi32, #tpu.memory_space<vmem>>
        %dma_start3A_117 = tpu.memref_squeeze %dma_start3A_116 : memref<1x128xi32, #tpu.memory_space<vmem>> -> memref<128xi32, #tpu.memory_space<vmem>>
        %dma_start3A_118 = arith.constant 0 : i32
        %dma_start3A_119 = arith.constant 0 : i32
        %dma_start3A_120 = tpu.memref_slice %arg2[%dma_start3A_118, %dma_start3A_119] : memref<10240x64xf32, #tpu.memory_space<hbm>> -> memref<10240x64xf32, #tpu.memory_space<hbm>>
        tpu.enqueue_indirect_dma source(%dma_start3A_120 : memref<10240x64xf32, #tpu.memory_space<hbm>>) target(%arg11 : memref<128x64xf32, #tpu.memory_space<vmem>>) offsets(%dma_start3A_117 : memref<128xi32, #tpu.memory_space<vmem>>) semaphore(%arg19 : memref<!tpu.dma_semaphore, #tpu.memory_space<semaphore_mem>>)
        %gt3A_121 = arith.constant 0 : i32
        %gt3A_122 = arith.cmpi sgt, %scan3A_76, %gt3A_121 : i32
        %convert_element_type3A_123 = arith.extui %gt3A_122 : i1 to i32
        %cond3A_124 = arith.constant 0 : i32
        %cond3A_125 = arith.cmpi ne, %convert_element_type3A_123, %cond3A_124 : i32
        scf.if %cond3A_125 {
          %dma_wait3A_324 = arith.constant 3 : i32
          %dma_wait3A_325 = arith.constant 0 : i32
          %dma_wait3A_326 = tpu.memref_slice %arg8[%dma_wait3A_324, %dma_wait3A_325] : memref<40x128xi32, #tpu.memory_space<vmem>> -> memref<1x128xi32, #tpu.memory_space<vmem>>
          %dma_wait3A_327 = tpu.memref_squeeze %dma_wait3A_326 : memref<1x128xi32, #tpu.memory_space<vmem>> -> memref<128xi32, #tpu.memory_space<vmem>>
          %dma_wait3A_328 = arith.constant 0 : i32
          %dma_wait3A_329 = arith.constant 0 : i32
          %dma_wait3A_330 = tpu.memref_slice %arg33[%dma_wait3A_328, %dma_wait3A_329] : memref<10240x64xf32, #tpu.memory_space<vmem_shared>> -> memref<10240x64xf32, #tpu.memory_space<vmem_shared>>
          tpu.wait_indirect_dma semaphore(%arg28 : memref<!tpu.dma_semaphore, #tpu.memory_space<semaphore_mem>>) src(%arg12 : memref<128x64xf32, #tpu.memory_space<vmem>>) dst(%dma_wait3A_330 : memref<10240x64xf32, #tpu.memory_space<vmem_shared>>)
        } else {
        }
        %mul3A_126 = arith.constant 8 : i32
        %mul3A_127 = arith.muli %scan3A_76, %mul3A_126 : i32
        %add3A_128 = arith.constant 3 : i32
        %add3A_129 = arith.addi %mul3A_127, %add3A_128 : i32
        %dma_start3A_130 = arith.constant 0 : i32
        %dma_start3A_131 = tpu.memref_slice %arg7[%add3A_129, %dma_start3A_130] : memref<40x128xi32, #tpu.memory_space<vmem>> -> memref<1x128xi32, #tpu.memory_space<vmem>>
        %dma_start3A_132 = tpu.memref_squeeze %dma_start3A_131 : memref<1x128xi32, #tpu.memory_space<vmem>> -> memref<128xi32, #tpu.memory_space<vmem>>
        %dma_start3A_133 = arith.constant 0 : i32
        %dma_start3A_134 = arith.constant 0 : i32
        %dma_start3A_135 = tpu.memref_slice %arg2[%dma_start3A_133, %dma_start3A_134] : memref<10240x64xf32, #tpu.memory_space<hbm>> -> memref<10240x64xf32, #tpu.memory_space<hbm>>
        tpu.enqueue_indirect_dma source(%dma_start3A_135 : memref<10240x64xf32, #tpu.memory_space<hbm>>) target(%arg12 : memref<128x64xf32, #tpu.memory_space<vmem>>) offsets(%dma_start3A_132 : memref<128xi32, #tpu.memory_space<vmem>>) semaphore(%arg20 : memref<!tpu.dma_semaphore, #tpu.memory_space<semaphore_mem>>)
        %gt3A_136 = arith.constant 0 : i32
        %gt3A_137 = arith.cmpi sgt, %scan3A_76, %gt3A_136 : i32
        %convert_element_type3A_138 = arith.extui %gt3A_137 : i1 to i32
        %cond3A_139 = arith.constant 0 : i32
        %cond3A_140 = arith.cmpi ne, %convert_element_type3A_138, %cond3A_139 : i32
        scf.if %cond3A_140 {
          %dma_wait3A_324 = arith.constant 4 : i32
          %dma_wait3A_325 = arith.constant 0 : i32
          %dma_wait3A_326 = tpu.memref_slice %arg8[%dma_wait3A_324, %dma_wait3A_325] : memref<40x128xi32, #tpu.memory_space<vmem>> -> memref<1x128xi32, #tpu.memory_space<vmem>>
          %dma_wait3A_327 = tpu.memref_squeeze %dma_wait3A_326 : memref<1x128xi32, #tpu.memory_space<vmem>> -> memref<128xi32, #tpu.memory_space<vmem>>
          %dma_wait3A_328 = arith.constant 0 : i32
          %dma_wait3A_329 = arith.constant 0 : i32
          %dma_wait3A_330 = tpu.memref_slice %arg33[%dma_wait3A_328, %dma_wait3A_329] : memref<10240x64xf32, #tpu.memory_space<vmem_shared>> -> memref<10240x64xf32, #tpu.memory_space<vmem_shared>>
          tpu.wait_indirect_dma semaphore(%arg29 : memref<!tpu.dma_semaphore, #tpu.memory_space<semaphore_mem>>) src(%arg13 : memref<128x64xf32, #tpu.memory_space<vmem>>) dst(%dma_wait3A_330 : memref<10240x64xf32, #tpu.memory_space<vmem_shared>>)
        } else {
        }
        %mul3A_141 = arith.constant 8 : i32
        %mul3A_142 = arith.muli %scan3A_76, %mul3A_141 : i32
        %add3A_143 = arith.constant 4 : i32
        %add3A_144 = arith.addi %mul3A_142, %add3A_143 : i32
        %dma_start3A_145 = arith.constant 0 : i32
        %dma_start3A_146 = tpu.memref_slice %arg7[%add3A_144, %dma_start3A_145] : memref<40x128xi32, #tpu.memory_space<vmem>> -> memref<1x128xi32, #tpu.memory_space<vmem>>
        %dma_start3A_147 = tpu.memref_squeeze %dma_start3A_146 : memref<1x128xi32, #tpu.memory_space<vmem>> -> memref<128xi32, #tpu.memory_space<vmem>>
        %dma_start3A_148 = arith.constant 0 : i32
        %dma_start3A_149 = arith.constant 0 : i32
        %dma_start3A_150 = tpu.memref_slice %arg2[%dma_start3A_148, %dma_start3A_149] : memref<10240x64xf32, #tpu.memory_space<hbm>> -> memref<10240x64xf32, #tpu.memory_space<hbm>>
        tpu.enqueue_indirect_dma source(%dma_start3A_150 : memref<10240x64xf32, #tpu.memory_space<hbm>>) target(%arg13 : memref<128x64xf32, #tpu.memory_space<vmem>>) offsets(%dma_start3A_147 : memref<128xi32, #tpu.memory_space<vmem>>) semaphore(%arg21 : memref<!tpu.dma_semaphore, #tpu.memory_space<semaphore_mem>>)
        %gt3A_151 = arith.constant 0 : i32
        %gt3A_152 = arith.cmpi sgt, %scan3A_76, %gt3A_151 : i32
        %convert_element_type3A_153 = arith.extui %gt3A_152 : i1 to i32
        %cond3A_154 = arith.constant 0 : i32
        %cond3A_155 = arith.cmpi ne, %convert_element_type3A_153, %cond3A_154 : i32
        scf.if %cond3A_155 {
          %dma_wait3A_324 = arith.constant 5 : i32
          %dma_wait3A_325 = arith.constant 0 : i32
          %dma_wait3A_326 = tpu.memref_slice %arg8[%dma_wait3A_324, %dma_wait3A_325] : memref<40x128xi32, #tpu.memory_space<vmem>> -> memref<1x128xi32, #tpu.memory_space<vmem>>
          %dma_wait3A_327 = tpu.memref_squeeze %dma_wait3A_326 : memref<1x128xi32, #tpu.memory_space<vmem>> -> memref<128xi32, #tpu.memory_space<vmem>>
          %dma_wait3A_328 = arith.constant 0 : i32
          %dma_wait3A_329 = arith.constant 0 : i32
          %dma_wait3A_330 = tpu.memref_slice %arg33[%dma_wait3A_328, %dma_wait3A_329] : memref<10240x64xf32, #tpu.memory_space<vmem_shared>> -> memref<10240x64xf32, #tpu.memory_space<vmem_shared>>
          tpu.wait_indirect_dma semaphore(%arg30 : memref<!tpu.dma_semaphore, #tpu.memory_space<semaphore_mem>>) src(%arg14 : memref<128x64xf32, #tpu.memory_space<vmem>>) dst(%dma_wait3A_330 : memref<10240x64xf32, #tpu.memory_space<vmem_shared>>)
        } else {
        }
        %mul3A_156 = arith.constant 8 : i32
        %mul3A_157 = arith.muli %scan3A_76, %mul3A_156 : i32
        %add3A_158 = arith.constant 5 : i32
        %add3A_159 = arith.addi %mul3A_157, %add3A_158 : i32
        %dma_start3A_160 = arith.constant 0 : i32
        %dma_start3A_161 = tpu.memref_slice %arg7[%add3A_159, %dma_start3A_160] : memref<40x128xi32, #tpu.memory_space<vmem>> -> memref<1x128xi32, #tpu.memory_space<vmem>>
        %dma_start3A_162 = tpu.memref_squeeze %dma_start3A_161 : memref<1x128xi32, #tpu.memory_space<vmem>> -> memref<128xi32, #tpu.memory_space<vmem>>
        %dma_start3A_163 = arith.constant 0 : i32
        %dma_start3A_164 = arith.constant 0 : i32
        %dma_start3A_165 = tpu.memref_slice %arg2[%dma_start3A_163, %dma_start3A_164] : memref<10240x64xf32, #tpu.memory_space<hbm>> -> memref<10240x64xf32, #tpu.memory_space<hbm>>
        tpu.enqueue_indirect_dma source(%dma_start3A_165 : memref<10240x64xf32, #tpu.memory_space<hbm>>) target(%arg14 : memref<128x64xf32, #tpu.memory_space<vmem>>) offsets(%dma_start3A_162 : memref<128xi32, #tpu.memory_space<vmem>>) semaphore(%arg22 : memref<!tpu.dma_semaphore, #tpu.memory_space<semaphore_mem>>)
        %gt3A_166 = arith.constant 0 : i32
        %gt3A_167 = arith.cmpi sgt, %scan3A_76, %gt3A_166 : i32
        %convert_element_type3A_168 = arith.extui %gt3A_167 : i1 to i32
        %cond3A_169 = arith.constant 0 : i32
        %cond3A_170 = arith.cmpi ne, %convert_element_type3A_168, %cond3A_169 : i32
        scf.if %cond3A_170 {
          %dma_wait3A_324 = arith.constant 6 : i32
          %dma_wait3A_325 = arith.constant 0 : i32
          %dma_wait3A_326 = tpu.memref_slice %arg8[%dma_wait3A_324, %dma_wait3A_325] : memref<40x128xi32, #tpu.memory_space<vmem>> -> memref<1x128xi32, #tpu.memory_space<vmem>>
          %dma_wait3A_327 = tpu.memref_squeeze %dma_wait3A_326 : memref<1x128xi32, #tpu.memory_space<vmem>> -> memref<128xi32, #tpu.memory_space<vmem>>
          %dma_wait3A_328 = arith.constant 0 : i32
          %dma_wait3A_329 = arith.constant 0 : i32
          %dma_wait3A_330 = tpu.memref_slice %arg33[%dma_wait3A_328, %dma_wait3A_329] : memref<10240x64xf32, #tpu.memory_space<vmem_shared>> -> memref<10240x64xf32, #tpu.memory_space<vmem_shared>>
          tpu.wait_indirect_dma semaphore(%arg31 : memref<!tpu.dma_semaphore, #tpu.memory_space<semaphore_mem>>) src(%arg15 : memref<128x64xf32, #tpu.memory_space<vmem>>) dst(%dma_wait3A_330 : memref<10240x64xf32, #tpu.memory_space<vmem_shared>>)
        } else {
        }
        %mul3A_171 = arith.constant 8 : i32
        %mul3A_172 = arith.muli %scan3A_76, %mul3A_171 : i32
        %add3A_173 = arith.constant 6 : i32
        %add3A_174 = arith.addi %mul3A_172, %add3A_173 : i32
        %dma_start3A_175 = arith.constant 0 : i32
        %dma_start3A_176 = tpu.memref_slice %arg7[%add3A_174, %dma_start3A_175] : memref<40x128xi32, #tpu.memory_space<vmem>> -> memref<1x128xi32, #tpu.memory_space<vmem>>
        %dma_start3A_177 = tpu.memref_squeeze %dma_start3A_176 : memref<1x128xi32, #tpu.memory_space<vmem>> -> memref<128xi32, #tpu.memory_space<vmem>>
        %dma_start3A_178 = arith.constant 0 : i32
        %dma_start3A_179 = arith.constant 0 : i32
        %dma_start3A_180 = tpu.memref_slice %arg2[%dma_start3A_178, %dma_start3A_179] : memref<10240x64xf32, #tpu.memory_space<hbm>> -> memref<10240x64xf32, #tpu.memory_space<hbm>>
        tpu.enqueue_indirect_dma source(%dma_start3A_180 : memref<10240x64xf32, #tpu.memory_space<hbm>>) target(%arg15 : memref<128x64xf32, #tpu.memory_space<vmem>>) offsets(%dma_start3A_177 : memref<128xi32, #tpu.memory_space<vmem>>) semaphore(%arg23 : memref<!tpu.dma_semaphore, #tpu.memory_space<semaphore_mem>>)
        %gt3A_181 = arith.constant 0 : i32
        %gt3A_182 = arith.cmpi sgt, %scan3A_76, %gt3A_181 : i32
        %convert_element_type3A_183 = arith.extui %gt3A_182 : i1 to i32
        %cond3A_184 = arith.constant 0 : i32
        %cond3A_185 = arith.cmpi ne, %convert_element_type3A_183, %cond3A_184 : i32
        scf.if %cond3A_185 {
          %dma_wait3A_324 = arith.constant 7 : i32
          %dma_wait3A_325 = arith.constant 0 : i32
          %dma_wait3A_326 = tpu.memref_slice %arg8[%dma_wait3A_324, %dma_wait3A_325] : memref<40x128xi32, #tpu.memory_space<vmem>> -> memref<1x128xi32, #tpu.memory_space<vmem>>
          %dma_wait3A_327 = tpu.memref_squeeze %dma_wait3A_326 : memref<1x128xi32, #tpu.memory_space<vmem>> -> memref<128xi32, #tpu.memory_space<vmem>>
          %dma_wait3A_328 = arith.constant 0 : i32
          %dma_wait3A_329 = arith.constant 0 : i32
          %dma_wait3A_330 = tpu.memref_slice %arg33[%dma_wait3A_328, %dma_wait3A_329] : memref<10240x64xf32, #tpu.memory_space<vmem_shared>> -> memref<10240x64xf32, #tpu.memory_space<vmem_shared>>
          tpu.wait_indirect_dma semaphore(%arg32 : memref<!tpu.dma_semaphore, #tpu.memory_space<semaphore_mem>>) src(%arg16 : memref<128x64xf32, #tpu.memory_space<vmem>>) dst(%dma_wait3A_330 : memref<10240x64xf32, #tpu.memory_space<vmem_shared>>)
        } else {
        }
        %mul3A_186 = arith.constant 8 : i32
        %mul3A_187 = arith.muli %scan3A_76, %mul3A_186 : i32
        %add3A_188 = arith.constant 7 : i32
        %add3A_189 = arith.addi %mul3A_187, %add3A_188 : i32
        %dma_start3A_190 = arith.constant 0 : i32
        %dma_start3A_191 = tpu.memref_slice %arg7[%add3A_189, %dma_start3A_190] : memref<40x128xi32, #tpu.memory_space<vmem>> -> memref<1x128xi32, #tpu.memory_space<vmem>>
        %dma_start3A_192 = tpu.memref_squeeze %dma_start3A_191 : memref<1x128xi32, #tpu.memory_space<vmem>> -> memref<128xi32, #tpu.memory_space<vmem>>
        %dma_start3A_193 = arith.constant 0 : i32
        %dma_start3A_194 = arith.constant 0 : i32
        %dma_start3A_195 = tpu.memref_slice %arg2[%dma_start3A_193, %dma_start3A_194] : memref<10240x64xf32, #tpu.memory_space<hbm>> -> memref<10240x64xf32, #tpu.memory_space<hbm>>
        tpu.enqueue_indirect_dma source(%dma_start3A_195 : memref<10240x64xf32, #tpu.memory_space<hbm>>) target(%arg16 : memref<128x64xf32, #tpu.memory_space<vmem>>) offsets(%dma_start3A_192 : memref<128xi32, #tpu.memory_space<vmem>>) semaphore(%arg24 : memref<!tpu.dma_semaphore, #tpu.memory_space<semaphore_mem>>)
        %mul3A_196 = arith.constant 8 : i32
        %mul3A_197 = arith.muli %scan3A_76, %mul3A_196 : i32
        %add3A_198 = arith.constant 0 : i32
        %add3A_199 = arith.addi %mul3A_197, %add3A_198 : i32
        %dma_wait3A_200 = arith.constant 0 : i32
        %dma_wait3A_201 = tpu.memref_slice %arg7[%add3A_199, %dma_wait3A_200] : memref<40x128xi32, #tpu.memory_space<vmem>> -> memref<1x128xi32, #tpu.memory_space<vmem>>
        %dma_wait3A_202 = tpu.memref_squeeze %dma_wait3A_201 : memref<1x128xi32, #tpu.memory_space<vmem>> -> memref<128xi32, #tpu.memory_space<vmem>>
        %dma_wait3A_203 = arith.constant 0 : i32
        %dma_wait3A_204 = arith.constant 0 : i32
        %dma_wait3A_205 = tpu.memref_slice %arg2[%dma_wait3A_203, %dma_wait3A_204] : memref<10240x64xf32, #tpu.memory_space<hbm>> -> memref<10240x64xf32, #tpu.memory_space<hbm>>
        tpu.wait_indirect_dma semaphore(%arg17 : memref<!tpu.dma_semaphore, #tpu.memory_space<semaphore_mem>>) src(%dma_wait3A_205 : memref<10240x64xf32, #tpu.memory_space<hbm>>) dst(%arg9 : memref<128x64xf32, #tpu.memory_space<vmem>>)
        %dma_start3A_206 = arith.constant 0 : i32
        %dma_start3A_207 = tpu.memref_slice %arg8[%add3A_199, %dma_start3A_206] : memref<40x128xi32, #tpu.memory_space<vmem>> -> memref<1x128xi32, #tpu.memory_space<vmem>>
        %dma_start3A_208 = tpu.memref_squeeze %dma_start3A_207 : memref<1x128xi32, #tpu.memory_space<vmem>> -> memref<128xi32, #tpu.memory_space<vmem>>
        %dma_start3A_209 = arith.constant 0 : i32
        %dma_start3A_210 = arith.constant 0 : i32
        %dma_start3A_211 = tpu.memref_slice %arg33[%dma_start3A_209, %dma_start3A_210] : memref<10240x64xf32, #tpu.memory_space<vmem_shared>> -> memref<10240x64xf32, #tpu.memory_space<vmem_shared>>
        tpu.enqueue_indirect_dma source(%arg9 : memref<128x64xf32, #tpu.memory_space<vmem>>) target(%dma_start3A_211 : memref<10240x64xf32, #tpu.memory_space<vmem_shared>>) offsets(%dma_start3A_208 : memref<128xi32, #tpu.memory_space<vmem>>) semaphore(%arg25 : memref<!tpu.dma_semaphore, #tpu.memory_space<semaphore_mem>>) {add = true}
        %mul3A_212 = arith.constant 8 : i32
        %mul3A_213 = arith.muli %scan3A_76, %mul3A_212 : i32
        %add3A_214 = arith.constant 1 : i32
        %add3A_215 = arith.addi %mul3A_213, %add3A_214 : i32
        %dma_wait3A_216 = arith.constant 0 : i32
        %dma_wait3A_217 = tpu.memref_slice %arg7[%add3A_215, %dma_wait3A_216] : memref<40x128xi32, #tpu.memory_space<vmem>> -> memref<1x128xi32, #tpu.memory_space<vmem>>
        %dma_wait3A_218 = tpu.memref_squeeze %dma_wait3A_217 : memref<1x128xi32, #tpu.memory_space<vmem>> -> memref<128xi32, #tpu.memory_space<vmem>>
        %dma_wait3A_219 = arith.constant 0 : i32
        %dma_wait3A_220 = arith.constant 0 : i32
        %dma_wait3A_221 = tpu.memref_slice %arg2[%dma_wait3A_219, %dma_wait3A_220] : memref<10240x64xf32, #tpu.memory_space<hbm>> -> memref<10240x64xf32, #tpu.memory_space<hbm>>
        tpu.wait_indirect_dma semaphore(%arg18 : memref<!tpu.dma_semaphore, #tpu.memory_space<semaphore_mem>>) src(%dma_wait3A_221 : memref<10240x64xf32, #tpu.memory_space<hbm>>) dst(%arg10 : memref<128x64xf32, #tpu.memory_space<vmem>>)
        %dma_start3A_222 = arith.constant 0 : i32
        %dma_start3A_223 = tpu.memref_slice %arg8[%add3A_215, %dma_start3A_222] : memref<40x128xi32, #tpu.memory_space<vmem>> -> memref<1x128xi32, #tpu.memory_space<vmem>>
        %dma_start3A_224 = tpu.memref_squeeze %dma_start3A_223 : memref<1x128xi32, #tpu.memory_space<vmem>> -> memref<128xi32, #tpu.memory_space<vmem>>
        %dma_start3A_225 = arith.constant 0 : i32
        %dma_start3A_226 = arith.constant 0 : i32
        %dma_start3A_227 = tpu.memref_slice %arg33[%dma_start3A_225, %dma_start3A_226] : memref<10240x64xf32, #tpu.memory_space<vmem_shared>> -> memref<10240x64xf32, #tpu.memory_space<vmem_shared>>
        tpu.enqueue_indirect_dma source(%arg10 : memref<128x64xf32, #tpu.memory_space<vmem>>) target(%dma_start3A_227 : memref<10240x64xf32, #tpu.memory_space<vmem_shared>>) offsets(%dma_start3A_224 : memref<128xi32, #tpu.memory_space<vmem>>) semaphore(%arg26 : memref<!tpu.dma_semaphore, #tpu.memory_space<semaphore_mem>>) {add = true}
        %mul3A_228 = arith.constant 8 : i32
        %mul3A_229 = arith.muli %scan3A_76, %mul3A_228 : i32
        %add3A_230 = arith.constant 2 : i32
        %add3A_231 = arith.addi %mul3A_229, %add3A_230 : i32
        %dma_wait3A_232 = arith.constant 0 : i32
        %dma_wait3A_233 = tpu.memref_slice %arg7[%add3A_231, %dma_wait3A_232] : memref<40x128xi32, #tpu.memory_space<vmem>> -> memref<1x128xi32, #tpu.memory_space<vmem>>
        %dma_wait3A_234 = tpu.memref_squeeze %dma_wait3A_233 : memref<1x128xi32, #tpu.memory_space<vmem>> -> memref<128xi32, #tpu.memory_space<vmem>>
        %dma_wait3A_235 = arith.constant 0 : i32
        %dma_wait3A_236 = arith.constant 0 : i32
        %dma_wait3A_237 = tpu.memref_slice %arg2[%dma_wait3A_235, %dma_wait3A_236] : memref<10240x64xf32, #tpu.memory_space<hbm>> -> memref<10240x64xf32, #tpu.memory_space<hbm>>
        tpu.wait_indirect_dma semaphore(%arg19 : memref<!tpu.dma_semaphore, #tpu.memory_space<semaphore_mem>>) src(%dma_wait3A_237 : memref<10240x64xf32, #tpu.memory_space<hbm>>) dst(%arg11 : memref<128x64xf32, #tpu.memory_space<vmem>>)
        %dma_start3A_238 = arith.constant 0 : i32
        %dma_start3A_239 = tpu.memref_slice %arg8[%add3A_231, %dma_start3A_238] : memref<40x128xi32, #tpu.memory_space<vmem>> -> memref<1x128xi32, #tpu.memory_space<vmem>>
        %dma_start3A_240 = tpu.memref_squeeze %dma_start3A_239 : memref<1x128xi32, #tpu.memory_space<vmem>> -> memref<128xi32, #tpu.memory_space<vmem>>
        %dma_start3A_241 = arith.constant 0 : i32
        %dma_start3A_242 = arith.constant 0 : i32
        %dma_start3A_243 = tpu.memref_slice %arg33[%dma_start3A_241, %dma_start3A_242] : memref<10240x64xf32, #tpu.memory_space<vmem_shared>> -> memref<10240x64xf32, #tpu.memory_space<vmem_shared>>
        tpu.enqueue_indirect_dma source(%arg11 : memref<128x64xf32, #tpu.memory_space<vmem>>) target(%dma_start3A_243 : memref<10240x64xf32, #tpu.memory_space<vmem_shared>>) offsets(%dma_start3A_240 : memref<128xi32, #tpu.memory_space<vmem>>) semaphore(%arg27 : memref<!tpu.dma_semaphore, #tpu.memory_space<semaphore_mem>>) {add = true}
        %mul3A_244 = arith.constant 8 : i32
        %mul3A_245 = arith.muli %scan3A_76, %mul3A_244 : i32
        %add3A_246 = arith.constant 3 : i32
        %add3A_247 = arith.addi %mul3A_245, %add3A_246 : i32
        %dma_wait3A_248 = arith.constant 0 : i32
        %dma_wait3A_249 = tpu.memref_slice %arg7[%add3A_247, %dma_wait3A_248] : memref<40x128xi32, #tpu.memory_space<vmem>> -> memref<1x128xi32, #tpu.memory_space<vmem>>
        %dma_wait3A_250 = tpu.memref_squeeze %dma_wait3A_249 : memref<1x128xi32, #tpu.memory_space<vmem>> -> memref<128xi32, #tpu.memory_space<vmem>>
        %dma_wait3A_251 = arith.constant 0 : i32
        %dma_wait3A_252 = arith.constant 0 : i32
        %dma_wait3A_253 = tpu.memref_slice %arg2[%dma_wait3A_251, %dma_wait3A_252] : memref<10240x64xf32, #tpu.memory_space<hbm>> -> memref<10240x64xf32, #tpu.memory_space<hbm>>
        tpu.wait_indirect_dma semaphore(%arg20 : memref<!tpu.dma_semaphore, #tpu.memory_space<semaphore_mem>>) src(%dma_wait3A_253 : memref<10240x64xf32, #tpu.memory_space<hbm>>) dst(%arg12 : memref<128x64xf32, #tpu.memory_space<vmem>>)
        %dma_start3A_254 = arith.constant 0 : i32
        %dma_start3A_255 = tpu.memref_slice %arg8[%add3A_247, %dma_start3A_254] : memref<40x128xi32, #tpu.memory_space<vmem>> -> memref<1x128xi32, #tpu.memory_space<vmem>>
        %dma_start3A_256 = tpu.memref_squeeze %dma_start3A_255 : memref<1x128xi32, #tpu.memory_space<vmem>> -> memref<128xi32, #tpu.memory_space<vmem>>
        %dma_start3A_257 = arith.constant 0 : i32
        %dma_start3A_258 = arith.constant 0 : i32
        %dma_start3A_259 = tpu.memref_slice %arg33[%dma_start3A_257, %dma_start3A_258] : memref<10240x64xf32, #tpu.memory_space<vmem_shared>> -> memref<10240x64xf32, #tpu.memory_space<vmem_shared>>
        tpu.enqueue_indirect_dma source(%arg12 : memref<128x64xf32, #tpu.memory_space<vmem>>) target(%dma_start3A_259 : memref<10240x64xf32, #tpu.memory_space<vmem_shared>>) offsets(%dma_start3A_256 : memref<128xi32, #tpu.memory_space<vmem>>) semaphore(%arg28 : memref<!tpu.dma_semaphore, #tpu.memory_space<semaphore_mem>>) {add = true}
        %mul3A_260 = arith.constant 8 : i32
        %mul3A_261 = arith.muli %scan3A_76, %mul3A_260 : i32
        %add3A_262 = arith.constant 4 : i32
        %add3A_263 = arith.addi %mul3A_261, %add3A_262 : i32
        %dma_wait3A_264 = arith.constant 0 : i32
        %dma_wait3A_265 = tpu.memref_slice %arg7[%add3A_263, %dma_wait3A_264] : memref<40x128xi32, #tpu.memory_space<vmem>> -> memref<1x128xi32, #tpu.memory_space<vmem>>
        %dma_wait3A_266 = tpu.memref_squeeze %dma_wait3A_265 : memref<1x128xi32, #tpu.memory_space<vmem>> -> memref<128xi32, #tpu.memory_space<vmem>>
        %dma_wait3A_267 = arith.constant 0 : i32
        %dma_wait3A_268 = arith.constant 0 : i32
        %dma_wait3A_269 = tpu.memref_slice %arg2[%dma_wait3A_267, %dma_wait3A_268] : memref<10240x64xf32, #tpu.memory_space<hbm>> -> memref<10240x64xf32, #tpu.memory_space<hbm>>
        tpu.wait_indirect_dma semaphore(%arg21 : memref<!tpu.dma_semaphore, #tpu.memory_space<semaphore_mem>>) src(%dma_wait3A_269 : memref<10240x64xf32, #tpu.memory_space<hbm>>) dst(%arg13 : memref<128x64xf32, #tpu.memory_space<vmem>>)
        %dma_start3A_270 = arith.constant 0 : i32
        %dma_start3A_271 = tpu.memref_slice %arg8[%add3A_263, %dma_start3A_270] : memref<40x128xi32, #tpu.memory_space<vmem>> -> memref<1x128xi32, #tpu.memory_space<vmem>>
        %dma_start3A_272 = tpu.memref_squeeze %dma_start3A_271 : memref<1x128xi32, #tpu.memory_space<vmem>> -> memref<128xi32, #tpu.memory_space<vmem>>
        %dma_start3A_273 = arith.constant 0 : i32
        %dma_start3A_274 = arith.constant 0 : i32
        %dma_start3A_275 = tpu.memref_slice %arg33[%dma_start3A_273, %dma_start3A_274] : memref<10240x64xf32, #tpu.memory_space<vmem_shared>> -> memref<10240x64xf32, #tpu.memory_space<vmem_shared>>
        tpu.enqueue_indirect_dma source(%arg13 : memref<128x64xf32, #tpu.memory_space<vmem>>) target(%dma_start3A_275 : memref<10240x64xf32, #tpu.memory_space<vmem_shared>>) offsets(%dma_start3A_272 : memref<128xi32, #tpu.memory_space<vmem>>) semaphore(%arg29 : memref<!tpu.dma_semaphore, #tpu.memory_space<semaphore_mem>>) {add = true}
        %mul3A_276 = arith.constant 8 : i32
        %mul3A_277 = arith.muli %scan3A_76, %mul3A_276 : i32
        %add3A_278 = arith.constant 5 : i32
        %add3A_279 = arith.addi %mul3A_277, %add3A_278 : i32
        %dma_wait3A_280 = arith.constant 0 : i32
        %dma_wait3A_281 = tpu.memref_slice %arg7[%add3A_279, %dma_wait3A_280] : memref<40x128xi32, #tpu.memory_space<vmem>> -> memref<1x128xi32, #tpu.memory_space<vmem>>
        %dma_wait3A_282 = tpu.memref_squeeze %dma_wait3A_281 : memref<1x128xi32, #tpu.memory_space<vmem>> -> memref<128xi32, #tpu.memory_space<vmem>>
        %dma_wait3A_283 = arith.constant 0 : i32
        %dma_wait3A_284 = arith.constant 0 : i32
        %dma_wait3A_285 = tpu.memref_slice %arg2[%dma_wait3A_283, %dma_wait3A_284] : memref<10240x64xf32, #tpu.memory_space<hbm>> -> memref<10240x64xf32, #tpu.memory_space<hbm>>
        tpu.wait_indirect_dma semaphore(%arg22 : memref<!tpu.dma_semaphore, #tpu.memory_space<semaphore_mem>>) src(%dma_wait3A_285 : memref<10240x64xf32, #tpu.memory_space<hbm>>) dst(%arg14 : memref<128x64xf32, #tpu.memory_space<vmem>>)
        %dma_start3A_286 = arith.constant 0 : i32
        %dma_start3A_287 = tpu.memref_slice %arg8[%add3A_279, %dma_start3A_286] : memref<40x128xi32, #tpu.memory_space<vmem>> -> memref<1x128xi32, #tpu.memory_space<vmem>>
        %dma_start3A_288 = tpu.memref_squeeze %dma_start3A_287 : memref<1x128xi32, #tpu.memory_space<vmem>> -> memref<128xi32, #tpu.memory_space<vmem>>
        %dma_start3A_289 = arith.constant 0 : i32
        %dma_start3A_290 = arith.constant 0 : i32
        %dma_start3A_291 = tpu.memref_slice %arg33[%dma_start3A_289, %dma_start3A_290] : memref<10240x64xf32, #tpu.memory_space<vmem_shared>> -> memref<10240x64xf32, #tpu.memory_space<vmem_shared>>
        tpu.enqueue_indirect_dma source(%arg14 : memref<128x64xf32, #tpu.memory_space<vmem>>) target(%dma_start3A_291 : memref<10240x64xf32, #tpu.memory_space<vmem_shared>>) offsets(%dma_start3A_288 : memref<128xi32, #tpu.memory_space<vmem>>) semaphore(%arg30 : memref<!tpu.dma_semaphore, #tpu.memory_space<semaphore_mem>>) {add = true}
        %mul3A_292 = arith.constant 8 : i32
        %mul3A_293 = arith.muli %scan3A_76, %mul3A_292 : i32
        %add3A_294 = arith.constant 6 : i32
        %add3A_295 = arith.addi %mul3A_293, %add3A_294 : i32
        %dma_wait3A_296 = arith.constant 0 : i32
        %dma_wait3A_297 = tpu.memref_slice %arg7[%add3A_295, %dma_wait3A_296] : memref<40x128xi32, #tpu.memory_space<vmem>> -> memref<1x128xi32, #tpu.memory_space<vmem>>
        %dma_wait3A_298 = tpu.memref_squeeze %dma_wait3A_297 : memref<1x128xi32, #tpu.memory_space<vmem>> -> memref<128xi32, #tpu.memory_space<vmem>>
        %dma_wait3A_299 = arith.constant 0 : i32
        %dma_wait3A_300 = arith.constant 0 : i32
        %dma_wait3A_301 = tpu.memref_slice %arg2[%dma_wait3A_299, %dma_wait3A_300] : memref<10240x64xf32, #tpu.memory_space<hbm>> -> memref<10240x64xf32, #tpu.memory_space<hbm>>
        tpu.wait_indirect_dma semaphore(%arg23 : memref<!tpu.dma_semaphore, #tpu.memory_space<semaphore_mem>>) src(%dma_wait3A_301 : memref<10240x64xf32, #tpu.memory_space<hbm>>) dst(%arg15 : memref<128x64xf32, #tpu.memory_space<vmem>>)
        %dma_start3A_302 = arith.constant 0 : i32
        %dma_start3A_303 = tpu.memref_slice %arg8[%add3A_295, %dma_start3A_302] : memref<40x128xi32, #tpu.memory_space<vmem>> -> memref<1x128xi32, #tpu.memory_space<vmem>>
        %dma_start3A_304 = tpu.memref_squeeze %dma_start3A_303 : memref<1x128xi32, #tpu.memory_space<vmem>> -> memref<128xi32, #tpu.memory_space<vmem>>
        %dma_start3A_305 = arith.constant 0 : i32
        %dma_start3A_306 = arith.constant 0 : i32
        %dma_start3A_307 = tpu.memref_slice %arg33[%dma_start3A_305, %dma_start3A_306] : memref<10240x64xf32, #tpu.memory_space<vmem_shared>> -> memref<10240x64xf32, #tpu.memory_space<vmem_shared>>
        tpu.enqueue_indirect_dma source(%arg15 : memref<128x64xf32, #tpu.memory_space<vmem>>) target(%dma_start3A_307 : memref<10240x64xf32, #tpu.memory_space<vmem_shared>>) offsets(%dma_start3A_304 : memref<128xi32, #tpu.memory_space<vmem>>) semaphore(%arg31 : memref<!tpu.dma_semaphore, #tpu.memory_space<semaphore_mem>>) {add = true}
        %mul3A_308 = arith.constant 8 : i32
        %mul3A_309 = arith.muli %scan3A_76, %mul3A_308 : i32
        %add3A_310 = arith.constant 7 : i32
        %add3A_311 = arith.addi %mul3A_309, %add3A_310 : i32
        %dma_wait3A_312 = arith.constant 0 : i32
        %dma_wait3A_313 = tpu.memref_slice %arg7[%add3A_311, %dma_wait3A_312] : memref<40x128xi32, #tpu.memory_space<vmem>> -> memref<1x128xi32, #tpu.memory_space<vmem>>
        %dma_wait3A_314 = tpu.memref_squeeze %dma_wait3A_313 : memref<1x128xi32, #tpu.memory_space<vmem>> -> memref<128xi32, #tpu.memory_space<vmem>>
        %dma_wait3A_315 = arith.constant 0 : i32
        %dma_wait3A_316 = arith.constant 0 : i32
        %dma_wait3A_317 = tpu.memref_slice %arg2[%dma_wait3A_315, %dma_wait3A_316] : memref<10240x64xf32, #tpu.memory_space<hbm>> -> memref<10240x64xf32, #tpu.memory_space<hbm>>
        tpu.wait_indirect_dma semaphore(%arg24 : memref<!tpu.dma_semaphore, #tpu.memory_space<semaphore_mem>>) src(%dma_wait3A_317 : memref<10240x64xf32, #tpu.memory_space<hbm>>) dst(%arg16 : memref<128x64xf32, #tpu.memory_space<vmem>>)
        %dma_start3A_318 = arith.constant 0 : i32
        %dma_start3A_319 = tpu.memref_slice %arg8[%add3A_311, %dma_start3A_318] : memref<40x128xi32, #tpu.memory_space<vmem>> -> memref<1x128xi32, #tpu.memory_space<vmem>>
        %dma_start3A_320 = tpu.memref_squeeze %dma_start3A_319 : memref<1x128xi32, #tpu.memory_space<vmem>> -> memref<128xi32, #tpu.memory_space<vmem>>
        %dma_start3A_321 = arith.constant 0 : i32
        %dma_start3A_322 = arith.constant 0 : i32
        %dma_start3A_323 = tpu.memref_slice %arg33[%dma_start3A_321, %dma_start3A_322] : memref<10240x64xf32, #tpu.memory_space<vmem_shared>> -> memref<10240x64xf32, #tpu.memory_space<vmem_shared>>
        tpu.enqueue_indirect_dma source(%arg16 : memref<128x64xf32, #tpu.memory_space<vmem>>) target(%dma_start3A_323 : memref<10240x64xf32, #tpu.memory_space<vmem_shared>>) offsets(%dma_start3A_320 : memref<128xi32, #tpu.memory_space<vmem>>) semaphore(%arg32 : memref<!tpu.dma_semaphore, #tpu.memory_space<semaphore_mem>>) {add = true}
      }
      %scan3A_75 = arith.constant 5 : i32
    }
    %scan3A_5 = arith.constant 4 : i32
    %dma_wait3A = arith.constant 0 : i32
    %dma_wait3A_6 = arith.constant 0 : i32
    %dma_wait3A_7 = tpu.memref_slice %arg8[%dma_wait3A, %dma_wait3A_6] : memref<40x128xi32, #tpu.memory_space<vmem>> -> memref<1x128xi32, #tpu.memory_space<vmem>>
    %dma_wait3A_8 = tpu.memref_squeeze %dma_wait3A_7 : memref<1x128xi32, #tpu.memory_space<vmem>> -> memref<128xi32, #tpu.memory_space<vmem>>
    %dma_wait3A_9 = arith.constant 0 : i32
    %dma_wait3A_10 = arith.constant 0 : i32
    %dma_wait3A_11 = tpu.memref_slice %arg33[%dma_wait3A_9, %dma_wait3A_10] : memref<10240x64xf32, #tpu.memory_space<vmem_shared>> -> memref<10240x64xf32, #tpu.memory_space<vmem_shared>>
    tpu.wait_indirect_dma semaphore(%arg25 : memref<!tpu.dma_semaphore, #tpu.memory_space<semaphore_mem>>) src(%arg9 : memref<128x64xf32, #tpu.memory_space<vmem>>) dst(%dma_wait3A_11 : memref<10240x64xf32, #tpu.memory_space<vmem_shared>>)
    %dma_wait3A_12 = arith.constant 1 : i32
    %dma_wait3A_13 = arith.constant 0 : i32
    %dma_wait3A_14 = tpu.memref_slice %arg8[%dma_wait3A_12, %dma_wait3A_13] : memref<40x128xi32, #tpu.memory_space<vmem>> -> memref<1x128xi32, #tpu.memory_space<vmem>>
    %dma_wait3A_15 = tpu.memref_squeeze %dma_wait3A_14 : memref<1x128xi32, #tpu.memory_space<vmem>> -> memref<128xi32, #tpu.memory_space<vmem>>
    %dma_wait3A_16 = arith.constant 0 : i32
    %dma_wait3A_17 = arith.constant 0 : i32
    %dma_wait3A_18 = tpu.memref_slice %arg33[%dma_wait3A_16, %dma_wait3A_17] : memref<10240x64xf32, #tpu.memory_space<vmem_shared>> -> memref<10240x64xf32, #tpu.memory_space<vmem_shared>>
    tpu.wait_indirect_dma semaphore(%arg26 : memref<!tpu.dma_semaphore, #tpu.memory_space<semaphore_mem>>) src(%arg10 : memref<128x64xf32, #tpu.memory_space<vmem>>) dst(%dma_wait3A_18 : memref<10240x64xf32, #tpu.memory_space<vmem_shared>>)
    %dma_wait3A_19 = arith.constant 2 : i32
    %dma_wait3A_20 = arith.constant 0 : i32
    %dma_wait3A_21 = tpu.memref_slice %arg8[%dma_wait3A_19, %dma_wait3A_20] : memref<40x128xi32, #tpu.memory_space<vmem>> -> memref<1x128xi32, #tpu.memory_space<vmem>>
    %dma_wait3A_22 = tpu.memref_squeeze %dma_wait3A_21 : memref<1x128xi32, #tpu.memory_space<vmem>> -> memref<128xi32, #tpu.memory_space<vmem>>
    %dma_wait3A_23 = arith.constant 0 : i32
    %dma_wait3A_24 = arith.constant 0 : i32
    %dma_wait3A_25 = tpu.memref_slice %arg33[%dma_wait3A_23, %dma_wait3A_24] : memref<10240x64xf32, #tpu.memory_space<vmem_shared>> -> memref<10240x64xf32, #tpu.memory_space<vmem_shared>>
    tpu.wait_indirect_dma semaphore(%arg27 : memref<!tpu.dma_semaphore, #tpu.memory_space<semaphore_mem>>) src(%arg11 : memref<128x64xf32, #tpu.memory_space<vmem>>) dst(%dma_wait3A_25 : memref<10240x64xf32, #tpu.memory_space<vmem_shared>>)
    %dma_wait3A_26 = arith.constant 3 : i32
    %dma_wait3A_27 = arith.constant 0 : i32
    %dma_wait3A_28 = tpu.memref_slice %arg8[%dma_wait3A_26, %dma_wait3A_27] : memref<40x128xi32, #tpu.memory_space<vmem>> -> memref<1x128xi32, #tpu.memory_space<vmem>>
    %dma_wait3A_29 = tpu.memref_squeeze %dma_wait3A_28 : memref<1x128xi32, #tpu.memory_space<vmem>> -> memref<128xi32, #tpu.memory_space<vmem>>
    %dma_wait3A_30 = arith.constant 0 : i32
    %dma_wait3A_31 = arith.constant 0 : i32
    %dma_wait3A_32 = tpu.memref_slice %arg33[%dma_wait3A_30, %dma_wait3A_31] : memref<10240x64xf32, #tpu.memory_space<vmem_shared>> -> memref<10240x64xf32, #tpu.memory_space<vmem_shared>>
    tpu.wait_indirect_dma semaphore(%arg28 : memref<!tpu.dma_semaphore, #tpu.memory_space<semaphore_mem>>) src(%arg12 : memref<128x64xf32, #tpu.memory_space<vmem>>) dst(%dma_wait3A_32 : memref<10240x64xf32, #tpu.memory_space<vmem_shared>>)
    %dma_wait3A_33 = arith.constant 4 : i32
    %dma_wait3A_34 = arith.constant 0 : i32
    %dma_wait3A_35 = tpu.memref_slice %arg8[%dma_wait3A_33, %dma_wait3A_34] : memref<40x128xi32, #tpu.memory_space<vmem>> -> memref<1x128xi32, #tpu.memory_space<vmem>>
    %dma_wait3A_36 = tpu.memref_squeeze %dma_wait3A_35 : memref<1x128xi32, #tpu.memory_space<vmem>> -> memref<128xi32, #tpu.memory_space<vmem>>
    %dma_wait3A_37 = arith.constant 0 : i32
    %dma_wait3A_38 = arith.constant 0 : i32
    %dma_wait3A_39 = tpu.memref_slice %arg33[%dma_wait3A_37, %dma_wait3A_38] : memref<10240x64xf32, #tpu.memory_space<vmem_shared>> -> memref<10240x64xf32, #tpu.memory_space<vmem_shared>>
    tpu.wait_indirect_dma semaphore(%arg29 : memref<!tpu.dma_semaphore, #tpu.memory_space<semaphore_mem>>) src(%arg13 : memref<128x64xf32, #tpu.memory_space<vmem>>) dst(%dma_wait3A_39 : memref<10240x64xf32, #tpu.memory_space<vmem_shared>>)
    %dma_wait3A_40 = arith.constant 5 : i32
    %dma_wait3A_41 = arith.constant 0 : i32
    %dma_wait3A_42 = tpu.memref_slice %arg8[%dma_wait3A_40, %dma_wait3A_41] : memref<40x128xi32, #tpu.memory_space<vmem>> -> memref<1x128xi32, #tpu.memory_space<vmem>>
    %dma_wait3A_43 = tpu.memref_squeeze %dma_wait3A_42 : memref<1x128xi32, #tpu.memory_space<vmem>> -> memref<128xi32, #tpu.memory_space<vmem>>
    %dma_wait3A_44 = arith.constant 0 : i32
    %dma_wait3A_45 = arith.constant 0 : i32
    %dma_wait3A_46 = tpu.memref_slice %arg33[%dma_wait3A_44, %dma_wait3A_45] : memref<10240x64xf32, #tpu.memory_space<vmem_shared>> -> memref<10240x64xf32, #tpu.memory_space<vmem_shared>>
    tpu.wait_indirect_dma semaphore(%arg30 : memref<!tpu.dma_semaphore, #tpu.memory_space<semaphore_mem>>) src(%arg14 : memref<128x64xf32, #tpu.memory_space<vmem>>) dst(%dma_wait3A_46 : memref<10240x64xf32, #tpu.memory_space<vmem_shared>>)
    %dma_wait3A_47 = arith.constant 6 : i32
    %dma_wait3A_48 = arith.constant 0 : i32
    %dma_wait3A_49 = tpu.memref_slice %arg8[%dma_wait3A_47, %dma_wait3A_48] : memref<40x128xi32, #tpu.memory_space<vmem>> -> memref<1x128xi32, #tpu.memory_space<vmem>>
    %dma_wait3A_50 = tpu.memref_squeeze %dma_wait3A_49 : memref<1x128xi32, #tpu.memory_space<vmem>> -> memref<128xi32, #tpu.memory_space<vmem>>
    %dma_wait3A_51 = arith.constant 0 : i32
    %dma_wait3A_52 = arith.constant 0 : i32
    %dma_wait3A_53 = tpu.memref_slice %arg33[%dma_wait3A_51, %dma_wait3A_52] : memref<10240x64xf32, #tpu.memory_space<vmem_shared>> -> memref<10240x64xf32, #tpu.memory_space<vmem_shared>>
    tpu.wait_indirect_dma semaphore(%arg31 : memref<!tpu.dma_semaphore, #tpu.memory_space<semaphore_mem>>) src(%arg15 : memref<128x64xf32, #tpu.memory_space<vmem>>) dst(%dma_wait3A_53 : memref<10240x64xf32, #tpu.memory_space<vmem_shared>>)
    %dma_wait3A_54 = arith.constant 7 : i32
    %dma_wait3A_55 = arith.constant 0 : i32
    %dma_wait3A_56 = tpu.memref_slice %arg8[%dma_wait3A_54, %dma_wait3A_55] : memref<40x128xi32, #tpu.memory_space<vmem>> -> memref<1x128xi32, #tpu.memory_space<vmem>>
    %dma_wait3A_57 = tpu.memref_squeeze %dma_wait3A_56 : memref<1x128xi32, #tpu.memory_space<vmem>> -> memref<128xi32, #tpu.memory_space<vmem>>
    %dma_wait3A_58 = arith.constant 0 : i32
    %dma_wait3A_59 = arith.constant 0 : i32
    %dma_wait3A_60 = tpu.memref_slice %arg33[%dma_wait3A_58, %dma_wait3A_59] : memref<10240x64xf32, #tpu.memory_space<vmem_shared>> -> memref<10240x64xf32, #tpu.memory_space<vmem_shared>>
    tpu.wait_indirect_dma semaphore(%arg32 : memref<!tpu.dma_semaphore, #tpu.memory_space<semaphore_mem>>) src(%arg16 : memref<128x64xf32, #tpu.memory_space<vmem>>) dst(%dma_wait3A_60 : memref<10240x64xf32, #tpu.memory_space<vmem_shared>>)
    %barrier3A_61 = arith.constant 0 : index
    tpu.barrier barrier_id(%barrier3A_61)
    %mul3A_62 = arith.constant 640 : i32
    %mul3A_63 = arith.muli %arg1, %mul3A_62 : i32
    "tpu.region"() ({
      %run_scoped3A = tpu.sem_alloc : memref<!tpu.dma_semaphore, #tpu.memory_space<semaphore_mem>>
      %dma_start3A = arith.constant 0 : i32
      %dma_start3A_64 = tpu.memref_slice %arg6[%arg0, %mul3A_63, %dma_start3A] : memref<2x10240x64xf32, #tpu.memory_space<hbm>> -> memref<1x640x64xf32, #tpu.memory_space<hbm>>
      %dma_start3A_65 = tpu.memref_squeeze %dma_start3A_64 : memref<1x640x64xf32, #tpu.memory_space<hbm>> -> memref<640x64xf32, #tpu.memory_space<hbm>>
      %dma_start3A_66 = arith.constant 0 : i32
      %dma_start3A_67 = tpu.memref_slice %arg33[%mul3A_63, %dma_start3A_66] : memref<10240x64xf32, #tpu.memory_space<vmem_shared>> -> memref<640x64xf32, #tpu.memory_space<vmem_shared>>
      tpu.enqueue_dma source(%dma_start3A_67 : memref<640x64xf32, #tpu.memory_space<vmem_shared>>) target(%dma_start3A_65 : memref<640x64xf32, #tpu.memory_space<hbm>>) target_semaphore(%run_scoped3A : memref<!tpu.dma_semaphore, #tpu.memory_space<semaphore_mem>>)
      %dma_wait3A_68 = arith.constant 0 : i32
      %dma_wait3A_69 = tpu.memref_slice %arg6[%arg0, %mul3A_63, %dma_wait3A_68] : memref<2x10240x64xf32, #tpu.memory_space<hbm>> -> memref<1x640x64xf32, #tpu.memory_space<hbm>>
      %dma_wait3A_70 = tpu.memref_squeeze %dma_wait3A_69 : memref<1x640x64xf32, #tpu.memory_space<hbm>> -> memref<640x64xf32, #tpu.memory_space<hbm>>
      %dma_wait3A_71 = arith.constant 0 : i32
      %dma_wait3A_72 = tpu.memref_slice %arg33[%mul3A_63, %dma_wait3A_71] : memref<10240x64xf32, #tpu.memory_space<vmem_shared>> -> memref<640x64xf32, #tpu.memory_space<vmem_shared>>
      tpu.wait_dma2 semaphore(%run_scoped3A : memref<!tpu.dma_semaphore, #tpu.memory_space<semaphore_mem>>) src(%dma_wait3A_72 : memref<640x64xf32, #tpu.memory_space<vmem_shared>>) dst(%dma_wait3A_70 : memref<640x64xf32, #tpu.memory_space<hbm>>)
      tpu.yield
    }) : () -> ()
    return
  }
}

#map = affine_map<(d0, d1) -> (0, 0)>
#map1 = affine_map<(d0, d1) -> (0, 0, 0)>
module attributes {stable_mosaic.version = 14 : i64} {
  func.func @body(%arg0: i32, %arg1: i32, %arg2: memref<10240x64xf32, #tpu.memory_space<hbm>>, %arg3: memref<2x2560x128xi32, #tpu.memory_space<hbm>>, %arg4: memref<2x2560x128xi32, #tpu.memory_space<hbm>>, %arg5: memref<640x64xf32, #tpu.memory_space<hbm>>, %arg6: memref<2x10240x64xf32, #tpu.memory_space<hbm>>, %arg7: memref<40x128xi32, #tpu.memory_space<vmem>>, %arg8: memref<40x128xi32, #tpu.memory_space<vmem>>, %arg9: memref<128x64xf32, #tpu.memory_space<vmem>>, %arg10: memref<128x64xf32, #tpu.memory_space<vmem>>, %arg11: memref<128x64xf32, #tpu.memory_space<vmem>>, %arg12: memref<128x64xf32, #tpu.memory_space<vmem>>, %arg13: memref<128x64xf32, #tpu.memory_space<vmem>>, %arg14: memref<128x64xf32, #tpu.memory_space<vmem>>, %arg15: memref<128x64xf32, #tpu.memory_space<vmem>>, %arg16: memref<128x64xf32, #tpu.memory_space<vmem>>, %arg17: memref<!tpu.dma_semaphore, #tpu.memory_space<semaphore_mem>>, %arg18: memref<!tpu.dma_semaphore, #tpu.memory_space<semaphore_mem>>, %arg19: memref<!tpu.dma_semaphore, #tpu.memory_space<semaphore_mem>>, %arg20: memref<!tpu.dma_semaphore, #tpu.memory_space<semaphore_mem>>, %arg21: memref<!tpu.dma_semaphore, #tpu.memory_space<semaphore_mem>>, %arg22: memref<!tpu.dma_semaphore, #tpu.memory_space<semaphore_mem>>, %arg23: memref<!tpu.dma_semaphore, #tpu.memory_space<semaphore_mem>>, %arg24: memref<!tpu.dma_semaphore, #tpu.memory_space<semaphore_mem>>, %arg25: memref<!tpu.dma_semaphore, #tpu.memory_space<semaphore_mem>>, %arg26: memref<!tpu.dma_semaphore, #tpu.memory_space<semaphore_mem>>, %arg27: memref<!tpu.dma_semaphore, #tpu.memory_space<semaphore_mem>>, %arg28: memref<!tpu.dma_semaphore, #tpu.memory_space<semaphore_mem>>, %arg29: memref<!tpu.dma_semaphore, #tpu.memory_space<semaphore_mem>>, %arg30: memref<!tpu.dma_semaphore, #tpu.memory_space<semaphore_mem>>, %arg31: memref<!tpu.dma_semaphore, #tpu.memory_space<semaphore_mem>>, %arg32: memref<!tpu.dma_semaphore, #tpu.memory_space<semaphore_mem>>, %arg33: memref<10240x64xf32, #tpu.memory_space<vmem_shared>>) attributes {dimension_semantics = [#tpu.dimension_semantics<core_parallel>, #tpu.dimension_semantics<subcore_parallel>], iteration_bounds = array<i64: 2, 16>, scalar_prefetch = 0 : i64, scratch_operands = 27 : i64, tpu.core_type = #tpu.core_type<sc_vector_subcore>, window_params = [{transform_indices = #map}, {transform_indices = #map1}, {transform_indices = #map1}, {transform_indices = #map}, {transform_indices = #map1}]} {
    %mul3A = arith.constant 640 : i32
    %mul3A_0 = arith.muli %arg1, %mul3A : i32
    "tpu.region"() ({
      %run_scoped3A = tpu.sem_alloc : memref<!tpu.dma_semaphore, #tpu.memory_space<semaphore_mem>>
      %dma_start3A = arith.constant 0 : i32
      %dma_start3A_64 = tpu.memref_slice %arg33[%mul3A_0, %dma_start3A] : memref<10240x64xf32, #tpu.memory_space<vmem_shared>> -> memref<640x64xf32, #tpu.memory_space<vmem_shared>>
      tpu.enqueue_dma source(%arg5 : memref<640x64xf32, #tpu.memory_space<hbm>>) target(%dma_start3A_64 : memref<640x64xf32, #tpu.memory_space<vmem_shared>>) target_semaphore(%run_scoped3A : memref<!tpu.dma_semaphore, #tpu.memory_space<semaphore_mem>>)
      %dma_wait3A_65 = arith.constant 0 : i32
      %dma_wait3A_66 = tpu.memref_slice %arg33[%mul3A_0, %dma_wait3A_65] : memref<10240x64xf32, #tpu.memory_space<vmem_shared>> -> memref<640x64xf32, #tpu.memory_space<vmem_shared>>
      tpu.wait_dma2 semaphore(%run_scoped3A : memref<!tpu.dma_semaphore, #tpu.memory_space<semaphore_mem>>) src(%arg5 : memref<640x64xf32, #tpu.memory_space<hbm>>) dst(%dma_wait3A_66 : memref<640x64xf32, #tpu.memory_space<vmem_shared>>)
      tpu.yield
    }) : () -> ()
    %barrier3A = arith.constant 0 : index
    tpu.barrier barrier_id(%barrier3A)
    %scan3A = arith.constant 0 : i32
    %scan3A_1 = arith.constant 0 : i32
    %scan3A_2 = arith.constant 4 : i32
    %scan3A_3 = arith.addi %scan3A_1, %scan3A_2 : i32
    %scan3A_4 = arith.constant 1 : i32
    scf.for %scan3A_64 = %scan3A_1 to %scan3A_3 step %scan3A_4  : i32 {
      %gt3A = arith.constant 0 : i32
      %gt3A_65 = arith.cmpi sgt, %scan3A_64, %gt3A : i32
      %convert_element_type3A = arith.extui %gt3A_65 : i1 to i32
      %cond3A = arith.constant 0 : i32
      %cond3A_66 = arith.cmpi ne, %convert_element_type3A, %cond3A : i32
      scf.if %cond3A_66 {
        %dma_wait3A_76 = arith.constant 0 : i32
        %dma_wait3A_77 = arith.constant 0 : i32
        %dma_wait3A_78 = tpu.memref_slice %arg8[%dma_wait3A_76, %dma_wait3A_77] : memref<40x128xi32, #tpu.memory_space<vmem>> -> memref<1x128xi32, #tpu.memory_space<vmem>>
        %dma_wait3A_79 = tpu.memref_squeeze %dma_wait3A_78 : memref<1x128xi32, #tpu.memory_space<vmem>> -> memref<128xi32, #tpu.memory_space<vmem>>
        %dma_wait3A_80 = arith.constant 0 : i32
        %dma_wait3A_81 = arith.constant 0 : i32
        %dma_wait3A_82 = tpu.memref_slice %arg33[%dma_wait3A_80, %dma_wait3A_81] : memref<10240x64xf32, #tpu.memory_space<vmem_shared>> -> memref<10240x64xf32, #tpu.memory_space<vmem_shared>>
        tpu.wait_indirect_dma semaphore(%arg25 : memref<!tpu.dma_semaphore, #tpu.memory_space<semaphore_mem>>) src(%arg9 : memref<128x64xf32, #tpu.memory_space<vmem>>) dst(%dma_wait3A_82 : memref<10240x64xf32, #tpu.memory_space<vmem_shared>>)
        %dma_wait3A_83 = arith.constant 1 : i32
        %dma_wait3A_84 = arith.constant 0 : i32
        %dma_wait3A_85 = tpu.memref_slice %arg8[%dma_wait3A_83, %dma_wait3A_84] : memref<40x128xi32, #tpu.memory_space<vmem>> -> memref<1x128xi32, #tpu.memory_space<vmem>>
        %dma_wait3A_86 = tpu.memref_squeeze %dma_wait3A_85 : memref<1x128xi32, #tpu.memory_space<vmem>> -> memref<128xi32, #tpu.memory_space<vmem>>
        %dma_wait3A_87 = arith.constant 0 : i32
        %dma_wait3A_88 = arith.constant 0 : i32
        %dma_wait3A_89 = tpu.memref_slice %arg33[%dma_wait3A_87, %dma_wait3A_88] : memref<10240x64xf32, #tpu.memory_space<vmem_shared>> -> memref<10240x64xf32, #tpu.memory_space<vmem_shared>>
        tpu.wait_indirect_dma semaphore(%arg26 : memref<!tpu.dma_semaphore, #tpu.memory_space<semaphore_mem>>) src(%arg10 : memref<128x64xf32, #tpu.memory_space<vmem>>) dst(%dma_wait3A_89 : memref<10240x64xf32, #tpu.memory_space<vmem_shared>>)
        %dma_wait3A_90 = arith.constant 2 : i32
        %dma_wait3A_91 = arith.constant 0 : i32
        %dma_wait3A_92 = tpu.memref_slice %arg8[%dma_wait3A_90, %dma_wait3A_91] : memref<40x128xi32, #tpu.memory_space<vmem>> -> memref<1x128xi32, #tpu.memory_space<vmem>>
        %dma_wait3A_93 = tpu.memref_squeeze %dma_wait3A_92 : memref<1x128xi32, #tpu.memory_space<vmem>> -> memref<128xi32, #tpu.memory_space<vmem>>
        %dma_wait3A_94 = arith.constant 0 : i32
        %dma_wait3A_95 = arith.constant 0 : i32
        %dma_wait3A_96 = tpu.memref_slice %arg33[%dma_wait3A_94, %dma_wait3A_95] : memref<10240x64xf32, #tpu.memory_space<vmem_shared>> -> memref<10240x64xf32, #tpu.memory_space<vmem_shared>>
        tpu.wait_indirect_dma semaphore(%arg27 : memref<!tpu.dma_semaphore, #tpu.memory_space<semaphore_mem>>) src(%arg11 : memref<128x64xf32, #tpu.memory_space<vmem>>) dst(%dma_wait3A_96 : memref<10240x64xf32, #tpu.memory_space<vmem_shared>>)
        %dma_wait3A_97 = arith.constant 3 : i32
        %dma_wait3A_98 = arith.constant 0 : i32
        %dma_wait3A_99 = tpu.memref_slice %arg8[%dma_wait3A_97, %dma_wait3A_98] : memref<40x128xi32, #tpu.memory_space<vmem>> -> memref<1x128xi32, #tpu.memory_space<vmem>>
        %dma_wait3A_100 = tpu.memref_squeeze %dma_wait3A_99 : memref<1x128xi32, #tpu.memory_space<vmem>> -> memref<128xi32, #tpu.memory_space<vmem>>
        %dma_wait3A_101 = arith.constant 0 : i32
        %dma_wait3A_102 = arith.constant 0 : i32
        %dma_wait3A_103 = tpu.memref_slice %arg33[%dma_wait3A_101, %dma_wait3A_102] : memref<10240x64xf32, #tpu.memory_space<vmem_shared>> -> memref<10240x64xf32, #tpu.memory_space<vmem_shared>>
        tpu.wait_indirect_dma semaphore(%arg28 : memref<!tpu.dma_semaphore, #tpu.memory_space<semaphore_mem>>) src(%arg12 : memref<128x64xf32, #tpu.memory_space<vmem>>) dst(%dma_wait3A_103 : memref<10240x64xf32, #tpu.memory_space<vmem_shared>>)
        %dma_wait3A_104 = arith.constant 4 : i32
        %dma_wait3A_105 = arith.constant 0 : i32
        %dma_wait3A_106 = tpu.memref_slice %arg8[%dma_wait3A_104, %dma_wait3A_105] : memref<40x128xi32, #tpu.memory_space<vmem>> -> memref<1x128xi32, #tpu.memory_space<vmem>>
        %dma_wait3A_107 = tpu.memref_squeeze %dma_wait3A_106 : memref<1x128xi32, #tpu.memory_space<vmem>> -> memref<128xi32, #tpu.memory_space<vmem>>
        %dma_wait3A_108 = arith.constant 0 : i32
        %dma_wait3A_109 = arith.constant 0 : i32
        %dma_wait3A_110 = tpu.memref_slice %arg33[%dma_wait3A_108, %dma_wait3A_109] : memref<10240x64xf32, #tpu.memory_space<vmem_shared>> -> memref<10240x64xf32, #tpu.memory_space<vmem_shared>>
        tpu.wait_indirect_dma semaphore(%arg29 : memref<!tpu.dma_semaphore, #tpu.memory_space<semaphore_mem>>) src(%arg13 : memref<128x64xf32, #tpu.memory_space<vmem>>) dst(%dma_wait3A_110 : memref<10240x64xf32, #tpu.memory_space<vmem_shared>>)
        %dma_wait3A_111 = arith.constant 5 : i32
        %dma_wait3A_112 = arith.constant 0 : i32
        %dma_wait3A_113 = tpu.memref_slice %arg8[%dma_wait3A_111, %dma_wait3A_112] : memref<40x128xi32, #tpu.memory_space<vmem>> -> memref<1x128xi32, #tpu.memory_space<vmem>>
        %dma_wait3A_114 = tpu.memref_squeeze %dma_wait3A_113 : memref<1x128xi32, #tpu.memory_space<vmem>> -> memref<128xi32, #tpu.memory_space<vmem>>
        %dma_wait3A_115 = arith.constant 0 : i32
        %dma_wait3A_116 = arith.constant 0 : i32
        %dma_wait3A_117 = tpu.memref_slice %arg33[%dma_wait3A_115, %dma_wait3A_116] : memref<10240x64xf32, #tpu.memory_space<vmem_shared>> -> memref<10240x64xf32, #tpu.memory_space<vmem_shared>>
        tpu.wait_indirect_dma semaphore(%arg30 : memref<!tpu.dma_semaphore, #tpu.memory_space<semaphore_mem>>) src(%arg14 : memref<128x64xf32, #tpu.memory_space<vmem>>) dst(%dma_wait3A_117 : memref<10240x64xf32, #tpu.memory_space<vmem_shared>>)
        %dma_wait3A_118 = arith.constant 6 : i32
        %dma_wait3A_119 = arith.constant 0 : i32
        %dma_wait3A_120 = tpu.memref_slice %arg8[%dma_wait3A_118, %dma_wait3A_119] : memref<40x128xi32, #tpu.memory_space<vmem>> -> memref<1x128xi32, #tpu.memory_space<vmem>>
        %dma_wait3A_121 = tpu.memref_squeeze %dma_wait3A_120 : memref<1x128xi32, #tpu.memory_space<vmem>> -> memref<128xi32, #tpu.memory_space<vmem>>
        %dma_wait3A_122 = arith.constant 0 : i32
        %dma_wait3A_123 = arith.constant 0 : i32
        %dma_wait3A_124 = tpu.memref_slice %arg33[%dma_wait3A_122, %dma_wait3A_123] : memref<10240x64xf32, #tpu.memory_space<vmem_shared>> -> memref<10240x64xf32, #tpu.memory_space<vmem_shared>>
        tpu.wait_indirect_dma semaphore(%arg31 : memref<!tpu.dma_semaphore, #tpu.memory_space<semaphore_mem>>) src(%arg15 : memref<128x64xf32, #tpu.memory_space<vmem>>) dst(%dma_wait3A_124 : memref<10240x64xf32, #tpu.memory_space<vmem_shared>>)
        %dma_wait3A_125 = arith.constant 7 : i32
        %dma_wait3A_126 = arith.constant 0 : i32
        %dma_wait3A_127 = tpu.memref_slice %arg8[%dma_wait3A_125, %dma_wait3A_126] : memref<40x128xi32, #tpu.memory_space<vmem>> -> memref<1x128xi32, #tpu.memory_space<vmem>>
        %dma_wait3A_128 = tpu.memref_squeeze %dma_wait3A_127 : memref<1x128xi32, #tpu.memory_space<vmem>> -> memref<128xi32, #tpu.memory_space<vmem>>
        %dma_wait3A_129 = arith.constant 0 : i32
        %dma_wait3A_130 = arith.constant 0 : i32
        %dma_wait3A_131 = tpu.memref_slice %arg33[%dma_wait3A_129, %dma_wait3A_130] : memref<10240x64xf32, #tpu.memory_space<vmem_shared>> -> memref<10240x64xf32, #tpu.memory_space<vmem_shared>>
        tpu.wait_indirect_dma semaphore(%arg32 : memref<!tpu.dma_semaphore, #tpu.memory_space<semaphore_mem>>) src(%arg16 : memref<128x64xf32, #tpu.memory_space<vmem>>) dst(%dma_wait3A_131 : memref<10240x64xf32, #tpu.memory_space<vmem_shared>>)
      } else {
      }
      %mul3A_67 = arith.constant 160 : i32
      %mul3A_68 = arith.muli %arg1, %mul3A_67 : i32
      %mul3A_69 = arith.constant 40 : i32
      %mul3A_70 = arith.muli %scan3A_64, %mul3A_69 : i32
      %add3A = arith.addi %mul3A_68, %mul3A_70 : i32
      "tpu.region"() ({
        %run_scoped3A = tpu.sem_alloc : memref<!tpu.dma_semaphore, #tpu.memory_space<semaphore_mem>>
        %dma_start3A = arith.constant 0 : i32
        %dma_start3A_76 = tpu.memref_slice %arg3[%arg0, %add3A, %dma_start3A] : memref<2x2560x128xi32, #tpu.memory_space<hbm>> -> memref<1x40x128xi32, #tpu.memory_space<hbm>>
        %dma_start3A_77 = tpu.memref_squeeze %dma_start3A_76 : memref<1x40x128xi32, #tpu.memory_space<hbm>> -> memref<40x128xi32, #tpu.memory_space<hbm>>
        %dma_start3A_78 = arith.constant 0 : i32
        %dma_start3A_79 = tpu.memref_slice %arg3[%arg0, %add3A, %dma_start3A_78] : memref<2x2560x128xi32, #tpu.memory_space<hbm>> -> memref<1x40x128xi32, #tpu.memory_space<hbm>>
        %dma_start3A_80 = tpu.memref_squeeze %dma_start3A_79 : memref<1x40x128xi32, #tpu.memory_space<hbm>> -> memref<40x128xi32, #tpu.memory_space<hbm>>
        tpu.enqueue_dma source(%dma_start3A_80 : memref<40x128xi32, #tpu.memory_space<hbm>>) target(%arg7 : memref<40x128xi32, #tpu.memory_space<vmem>>) target_semaphore(%run_scoped3A : memref<!tpu.dma_semaphore, #tpu.memory_space<semaphore_mem>>)
        %dma_wait3A_81 = arith.constant 0 : i32
        %dma_wait3A_82 = tpu.memref_slice %arg3[%arg0, %add3A, %dma_wait3A_81] : memref<2x2560x128xi32, #tpu.memory_space<hbm>> -> memref<1x40x128xi32, #tpu.memory_space<hbm>>
        %dma_wait3A_83 = tpu.memref_squeeze %dma_wait3A_82 : memref<1x40x128xi32, #tpu.memory_space<hbm>> -> memref<40x128xi32, #tpu.memory_space<hbm>>
        %dma_wait3A_84 = arith.constant 0 : i32
        %dma_wait3A_85 = tpu.memref_slice %arg3[%arg0, %add3A, %dma_wait3A_84] : memref<2x2560x128xi32, #tpu.memory_space<hbm>> -> memref<1x40x128xi32, #tpu.memory_space<hbm>>
        %dma_wait3A_86 = tpu.memref_squeeze %dma_wait3A_85 : memref<1x40x128xi32, #tpu.memory_space<hbm>> -> memref<40x128xi32, #tpu.memory_space<hbm>>
        tpu.wait_dma2 semaphore(%run_scoped3A : memref<!tpu.dma_semaphore, #tpu.memory_space<semaphore_mem>>) src(%dma_wait3A_86 : memref<40x128xi32, #tpu.memory_space<hbm>>) dst(%arg7 : memref<40x128xi32, #tpu.memory_space<vmem>>)
        tpu.yield
      }) : () -> ()
      "tpu.region"() ({
        %run_scoped3A = tpu.sem_alloc : memref<!tpu.dma_semaphore, #tpu.memory_space<semaphore_mem>>
        %dma_start3A = arith.constant 0 : i32
        %dma_start3A_76 = tpu.memref_slice %arg4[%arg0, %add3A, %dma_start3A] : memref<2x2560x128xi32, #tpu.memory_space<hbm>> -> memref<1x40x128xi32, #tpu.memory_space<hbm>>
        %dma_start3A_77 = tpu.memref_squeeze %dma_start3A_76 : memref<1x40x128xi32, #tpu.memory_space<hbm>> -> memref<40x128xi32, #tpu.memory_space<hbm>>
        %dma_start3A_78 = arith.constant 0 : i32
        %dma_start3A_79 = tpu.memref_slice %arg4[%arg0, %add3A, %dma_start3A_78] : memref<2x2560x128xi32, #tpu.memory_space<hbm>> -> memref<1x40x128xi32, #tpu.memory_space<hbm>>
        %dma_start3A_80 = tpu.memref_squeeze %dma_start3A_79 : memref<1x40x128xi32, #tpu.memory_space<hbm>> -> memref<40x128xi32, #tpu.memory_space<hbm>>
        tpu.enqueue_dma source(%dma_start3A_80 : memref<40x128xi32, #tpu.memory_space<hbm>>) target(%arg8 : memref<40x128xi32, #tpu.memory_space<vmem>>) target_semaphore(%run_scoped3A : memref<!tpu.dma_semaphore, #tpu.memory_space<semaphore_mem>>)
        %dma_wait3A_81 = arith.constant 0 : i32
        %dma_wait3A_82 = tpu.memref_slice %arg4[%arg0, %add3A, %dma_wait3A_81] : memref<2x2560x128xi32, #tpu.memory_space<hbm>> -> memref<1x40x128xi32, #tpu.memory_space<hbm>>
        %dma_wait3A_83 = tpu.memref_squeeze %dma_wait3A_82 : memref<1x40x128xi32, #tpu.memory_space<hbm>> -> memref<40x128xi32, #tpu.memory_space<hbm>>
        %dma_wait3A_84 = arith.constant 0 : i32
        %dma_wait3A_85 = tpu.memref_slice %arg4[%arg0, %add3A, %dma_wait3A_84] : memref<2x2560x128xi32, #tpu.memory_space<hbm>> -> memref<1x40x128xi32, #tpu.memory_space<hbm>>
        %dma_wait3A_86 = tpu.memref_squeeze %dma_wait3A_85 : memref<1x40x128xi32, #tpu.memory_space<hbm>> -> memref<40x128xi32, #tpu.memory_space<hbm>>
        tpu.wait_dma2 semaphore(%run_scoped3A : memref<!tpu.dma_semaphore, #tpu.memory_space<semaphore_mem>>) src(%dma_wait3A_86 : memref<40x128xi32, #tpu.memory_space<hbm>>) dst(%arg8 : memref<40x128xi32, #tpu.memory_space<vmem>>)
        tpu.yield
      }) : () -> ()
      %scan3A_71 = arith.constant 0 : i32
      %scan3A_72 = arith.constant 5 : i32
      %scan3A_73 = arith.addi %scan3A_71, %scan3A_72 : i32
      %scan3A_74 = arith.constant 1 : i32
      scf.for %scan3A_76 = %scan3A_71 to %scan3A_73 step %scan3A_74  : i32 {
        %gt3A_77 = arith.constant 0 : i32
        %gt3A_78 = arith.cmpi sgt, %scan3A_76, %gt3A_77 : i32
        %convert_element_type3A_79 = arith.extui %gt3A_78 : i1 to i32
        %cond3A_80 = arith.constant 0 : i32
        %cond3A_81 = arith.cmpi ne, %convert_element_type3A_79, %cond3A_80 : i32
        scf.if %cond3A_81 {
          %dma_wait3A_324 = arith.constant 0 : i32
          %dma_wait3A_325 = arith.constant 0 : i32
          %dma_wait3A_326 = tpu.memref_slice %arg8[%dma_wait3A_324, %dma_wait3A_325] : memref<40x128xi32, #tpu.memory_space<vmem>> -> memref<1x128xi32, #tpu.memory_space<vmem>>
          %dma_wait3A_327 = tpu.memref_squeeze %dma_wait3A_326 : memref<1x128xi32, #tpu.memory_space<vmem>> -> memref<128xi32, #tpu.memory_space<vmem>>
          %dma_wait3A_328 = arith.constant 0 : i32
          %dma_wait3A_329 = arith.constant 0 : i32
          %dma_wait3A_330 = tpu.memref_slice %arg33[%dma_wait3A_328, %dma_wait3A_329] : memref<10240x64xf32, #tpu.memory_space<vmem_shared>> -> memref<10240x64xf32, #tpu.memory_space<vmem_shared>>
          tpu.wait_indirect_dma semaphore(%arg25 : memref<!tpu.dma_semaphore, #tpu.memory_space<semaphore_mem>>) src(%arg9 : memref<128x64xf32, #tpu.memory_space<vmem>>) dst(%dma_wait3A_330 : memref<10240x64xf32, #tpu.memory_space<vmem_shared>>)
        } else {
        }
        %mul3A_82 = arith.constant 8 : i32
        %mul3A_83 = arith.muli %scan3A_76, %mul3A_82 : i32
        %add3A_84 = arith.constant 0 : i32
        %add3A_85 = arith.addi %mul3A_83, %add3A_84 : i32
        %dma_start3A = arith.constant 0 : i32
        %dma_start3A_86 = tpu.memref_slice %arg7[%add3A_85, %dma_start3A] : memref<40x128xi32, #tpu.memory_space<vmem>> -> memref<1x128xi32, #tpu.memory_space<vmem>>
        %dma_start3A_87 = tpu.memref_squeeze %dma_start3A_86 : memref<1x128xi32, #tpu.memory_space<vmem>> -> memref<128xi32, #tpu.memory_space<vmem>>
        %dma_start3A_88 = arith.constant 0 : i32
        %dma_start3A_89 = arith.constant 0 : i32
        %dma_start3A_90 = tpu.memref_slice %arg2[%dma_start3A_88, %dma_start3A_89] : memref<10240x64xf32, #tpu.memory_space<hbm>> -> memref<10240x64xf32, #tpu.memory_space<hbm>>
        tpu.enqueue_indirect_dma source(%dma_start3A_90 : memref<10240x64xf32, #tpu.memory_space<hbm>>) target(%arg9 : memref<128x64xf32, #tpu.memory_space<vmem>>) offsets(%dma_start3A_87 : memref<128xi32, #tpu.memory_space<vmem>>) semaphore(%arg17 : memref<!tpu.dma_semaphore, #tpu.memory_space<semaphore_mem>>)
        %gt3A_91 = arith.constant 0 : i32
        %gt3A_92 = arith.cmpi sgt, %scan3A_76, %gt3A_91 : i32
        %convert_element_type3A_93 = arith.extui %gt3A_92 : i1 to i32
        %cond3A_94 = arith.constant 0 : i32
        %cond3A_95 = arith.cmpi ne, %convert_element_type3A_93, %cond3A_94 : i32
        scf.if %cond3A_95 {
          %dma_wait3A_324 = arith.constant 1 : i32
          %dma_wait3A_325 = arith.constant 0 : i32
          %dma_wait3A_326 = tpu.memref_slice %arg8[%dma_wait3A_324, %dma_wait3A_325] : memref<40x128xi32, #tpu.memory_space<vmem>> -> memref<1x128xi32, #tpu.memory_space<vmem>>
          %dma_wait3A_327 = tpu.memref_squeeze %dma_wait3A_326 : memref<1x128xi32, #tpu.memory_space<vmem>> -> memref<128xi32, #tpu.memory_space<vmem>>
          %dma_wait3A_328 = arith.constant 0 : i32
          %dma_wait3A_329 = arith.constant 0 : i32
          %dma_wait3A_330 = tpu.memref_slice %arg33[%dma_wait3A_328, %dma_wait3A_329] : memref<10240x64xf32, #tpu.memory_space<vmem_shared>> -> memref<10240x64xf32, #tpu.memory_space<vmem_shared>>
          tpu.wait_indirect_dma semaphore(%arg26 : memref<!tpu.dma_semaphore, #tpu.memory_space<semaphore_mem>>) src(%arg10 : memref<128x64xf32, #tpu.memory_space<vmem>>) dst(%dma_wait3A_330 : memref<10240x64xf32, #tpu.memory_space<vmem_shared>>)
        } else {
        }
        %mul3A_96 = arith.constant 8 : i32
        %mul3A_97 = arith.muli %scan3A_76, %mul3A_96 : i32
        %add3A_98 = arith.constant 1 : i32
        %add3A_99 = arith.addi %mul3A_97, %add3A_98 : i32
        %dma_start3A_100 = arith.constant 0 : i32
        %dma_start3A_101 = tpu.memref_slice %arg7[%add3A_99, %dma_start3A_100] : memref<40x128xi32, #tpu.memory_space<vmem>> -> memref<1x128xi32, #tpu.memory_space<vmem>>
        %dma_start3A_102 = tpu.memref_squeeze %dma_start3A_101 : memref<1x128xi32, #tpu.memory_space<vmem>> -> memref<128xi32, #tpu.memory_space<vmem>>
        %dma_start3A_103 = arith.constant 0 : i32
        %dma_start3A_104 = arith.constant 0 : i32
        %dma_start3A_105 = tpu.memref_slice %arg2[%dma_start3A_103, %dma_start3A_104] : memref<10240x64xf32, #tpu.memory_space<hbm>> -> memref<10240x64xf32, #tpu.memory_space<hbm>>
        tpu.enqueue_indirect_dma source(%dma_start3A_105 : memref<10240x64xf32, #tpu.memory_space<hbm>>) target(%arg10 : memref<128x64xf32, #tpu.memory_space<vmem>>) offsets(%dma_start3A_102 : memref<128xi32, #tpu.memory_space<vmem>>) semaphore(%arg18 : memref<!tpu.dma_semaphore, #tpu.memory_space<semaphore_mem>>)
        %gt3A_106 = arith.constant 0 : i32
        %gt3A_107 = arith.cmpi sgt, %scan3A_76, %gt3A_106 : i32
        %convert_element_type3A_108 = arith.extui %gt3A_107 : i1 to i32
        %cond3A_109 = arith.constant 0 : i32
        %cond3A_110 = arith.cmpi ne, %convert_element_type3A_108, %cond3A_109 : i32
        scf.if %cond3A_110 {
          %dma_wait3A_324 = arith.constant 2 : i32
          %dma_wait3A_325 = arith.constant 0 : i32
          %dma_wait3A_326 = tpu.memref_slice %arg8[%dma_wait3A_324, %dma_wait3A_325] : memref<40x128xi32, #tpu.memory_space<vmem>> -> memref<1x128xi32, #tpu.memory_space<vmem>>
          %dma_wait3A_327 = tpu.memref_squeeze %dma_wait3A_326 : memref<1x128xi32, #tpu.memory_space<vmem>> -> memref<128xi32, #tpu.memory_space<vmem>>
          %dma_wait3A_328 = arith.constant 0 : i32
          %dma_wait3A_329 = arith.constant 0 : i32
          %dma_wait3A_330 = tpu.memref_slice %arg33[%dma_wait3A_328, %dma_wait3A_329] : memref<10240x64xf32, #tpu.memory_space<vmem_shared>> -> memref<10240x64xf32, #tpu.memory_space<vmem_shared>>
          tpu.wait_indirect_dma semaphore(%arg27 : memref<!tpu.dma_semaphore, #tpu.memory_space<semaphore_mem>>) src(%arg11 : memref<128x64xf32, #tpu.memory_space<vmem>>) dst(%dma_wait3A_330 : memref<10240x64xf32, #tpu.memory_space<vmem_shared>>)
        } else {
        }
        %mul3A_111 = arith.constant 8 : i32
        %mul3A_112 = arith.muli %scan3A_76, %mul3A_111 : i32
        %add3A_113 = arith.constant 2 : i32
        %add3A_114 = arith.addi %mul3A_112, %add3A_113 : i32
        %dma_start3A_115 = arith.constant 0 : i32
        %dma_start3A_116 = tpu.memref_slice %arg7[%add3A_114, %dma_start3A_115] : memref<40x128xi32, #tpu.memory_space<vmem>> -> memref<1x128xi32, #tpu.memory_space<vmem>>
        %dma_start3A_117 = tpu.memref_squeeze %dma_start3A_116 : memref<1x128xi32, #tpu.memory_space<vmem>> -> memref<128xi32, #tpu.memory_space<vmem>>
        %dma_start3A_118 = arith.constant 0 : i32
        %dma_start3A_119 = arith.constant 0 : i32
        %dma_start3A_120 = tpu.memref_slice %arg2[%dma_start3A_118, %dma_start3A_119] : memref<10240x64xf32, #tpu.memory_space<hbm>> -> memref<10240x64xf32, #tpu.memory_space<hbm>>
        tpu.enqueue_indirect_dma source(%dma_start3A_120 : memref<10240x64xf32, #tpu.memory_space<hbm>>) target(%arg11 : memref<128x64xf32, #tpu.memory_space<vmem>>) offsets(%dma_start3A_117 : memref<128xi32, #tpu.memory_space<vmem>>) semaphore(%arg19 : memref<!tpu.dma_semaphore, #tpu.memory_space<semaphore_mem>>)
        %gt3A_121 = arith.constant 0 : i32
        %gt3A_122 = arith.cmpi sgt, %scan3A_76, %gt3A_121 : i32
        %convert_element_type3A_123 = arith.extui %gt3A_122 : i1 to i32
        %cond3A_124 = arith.constant 0 : i32
        %cond3A_125 = arith.cmpi ne, %convert_element_type3A_123, %cond3A_124 : i32
        scf.if %cond3A_125 {
          %dma_wait3A_324 = arith.constant 3 : i32
          %dma_wait3A_325 = arith.constant 0 : i32
          %dma_wait3A_326 = tpu.memref_slice %arg8[%dma_wait3A_324, %dma_wait3A_325] : memref<40x128xi32, #tpu.memory_space<vmem>> -> memref<1x128xi32, #tpu.memory_space<vmem>>
          %dma_wait3A_327 = tpu.memref_squeeze %dma_wait3A_326 : memref<1x128xi32, #tpu.memory_space<vmem>> -> memref<128xi32, #tpu.memory_space<vmem>>
          %dma_wait3A_328 = arith.constant 0 : i32
          %dma_wait3A_329 = arith.constant 0 : i32
          %dma_wait3A_330 = tpu.memref_slice %arg33[%dma_wait3A_328, %dma_wait3A_329] : memref<10240x64xf32, #tpu.memory_space<vmem_shared>> -> memref<10240x64xf32, #tpu.memory_space<vmem_shared>>
          tpu.wait_indirect_dma semaphore(%arg28 : memref<!tpu.dma_semaphore, #tpu.memory_space<semaphore_mem>>) src(%arg12 : memref<128x64xf32, #tpu.memory_space<vmem>>) dst(%dma_wait3A_330 : memref<10240x64xf32, #tpu.memory_space<vmem_shared>>)
        } else {
        }
        %mul3A_126 = arith.constant 8 : i32
        %mul3A_127 = arith.muli %scan3A_76, %mul3A_126 : i32
        %add3A_128 = arith.constant 3 : i32
        %add3A_129 = arith.addi %mul3A_127, %add3A_128 : i32
        %dma_start3A_130 = arith.constant 0 : i32
        %dma_start3A_131 = tpu.memref_slice %arg7[%add3A_129, %dma_start3A_130] : memref<40x128xi32, #tpu.memory_space<vmem>> -> memref<1x128xi32, #tpu.memory_space<vmem>>
        %dma_start3A_132 = tpu.memref_squeeze %dma_start3A_131 : memref<1x128xi32, #tpu.memory_space<vmem>> -> memref<128xi32, #tpu.memory_space<vmem>>
        %dma_start3A_133 = arith.constant 0 : i32
        %dma_start3A_134 = arith.constant 0 : i32
        %dma_start3A_135 = tpu.memref_slice %arg2[%dma_start3A_133, %dma_start3A_134] : memref<10240x64xf32, #tpu.memory_space<hbm>> -> memref<10240x64xf32, #tpu.memory_space<hbm>>
        tpu.enqueue_indirect_dma source(%dma_start3A_135 : memref<10240x64xf32, #tpu.memory_space<hbm>>) target(%arg12 : memref<128x64xf32, #tpu.memory_space<vmem>>) offsets(%dma_start3A_132 : memref<128xi32, #tpu.memory_space<vmem>>) semaphore(%arg20 : memref<!tpu.dma_semaphore, #tpu.memory_space<semaphore_mem>>)
        %gt3A_136 = arith.constant 0 : i32
        %gt3A_137 = arith.cmpi sgt, %scan3A_76, %gt3A_136 : i32
        %convert_element_type3A_138 = arith.extui %gt3A_137 : i1 to i32
        %cond3A_139 = arith.constant 0 : i32
        %cond3A_140 = arith.cmpi ne, %convert_element_type3A_138, %cond3A_139 : i32
        scf.if %cond3A_140 {
          %dma_wait3A_324 = arith.constant 4 : i32
          %dma_wait3A_325 = arith.constant 0 : i32
          %dma_wait3A_326 = tpu.memref_slice %arg8[%dma_wait3A_324, %dma_wait3A_325] : memref<40x128xi32, #tpu.memory_space<vmem>> -> memref<1x128xi32, #tpu.memory_space<vmem>>
          %dma_wait3A_327 = tpu.memref_squeeze %dma_wait3A_326 : memref<1x128xi32, #tpu.memory_space<vmem>> -> memref<128xi32, #tpu.memory_space<vmem>>
          %dma_wait3A_328 = arith.constant 0 : i32
          %dma_wait3A_329 = arith.constant 0 : i32
          %dma_wait3A_330 = tpu.memref_slice %arg33[%dma_wait3A_328, %dma_wait3A_329] : memref<10240x64xf32, #tpu.memory_space<vmem_shared>> -> memref<10240x64xf32, #tpu.memory_space<vmem_shared>>
          tpu.wait_indirect_dma semaphore(%arg29 : memref<!tpu.dma_semaphore, #tpu.memory_space<semaphore_mem>>) src(%arg13 : memref<128x64xf32, #tpu.memory_space<vmem>>) dst(%dma_wait3A_330 : memref<10240x64xf32, #tpu.memory_space<vmem_shared>>)
        } else {
        }
        %mul3A_141 = arith.constant 8 : i32
        %mul3A_142 = arith.muli %scan3A_76, %mul3A_141 : i32
        %add3A_143 = arith.constant 4 : i32
        %add3A_144 = arith.addi %mul3A_142, %add3A_143 : i32
        %dma_start3A_145 = arith.constant 0 : i32
        %dma_start3A_146 = tpu.memref_slice %arg7[%add3A_144, %dma_start3A_145] : memref<40x128xi32, #tpu.memory_space<vmem>> -> memref<1x128xi32, #tpu.memory_space<vmem>>
        %dma_start3A_147 = tpu.memref_squeeze %dma_start3A_146 : memref<1x128xi32, #tpu.memory_space<vmem>> -> memref<128xi32, #tpu.memory_space<vmem>>
        %dma_start3A_148 = arith.constant 0 : i32
        %dma_start3A_149 = arith.constant 0 : i32
        %dma_start3A_150 = tpu.memref_slice %arg2[%dma_start3A_148, %dma_start3A_149] : memref<10240x64xf32, #tpu.memory_space<hbm>> -> memref<10240x64xf32, #tpu.memory_space<hbm>>
        tpu.enqueue_indirect_dma source(%dma_start3A_150 : memref<10240x64xf32, #tpu.memory_space<hbm>>) target(%arg13 : memref<128x64xf32, #tpu.memory_space<vmem>>) offsets(%dma_start3A_147 : memref<128xi32, #tpu.memory_space<vmem>>) semaphore(%arg21 : memref<!tpu.dma_semaphore, #tpu.memory_space<semaphore_mem>>)
        %gt3A_151 = arith.constant 0 : i32
        %gt3A_152 = arith.cmpi sgt, %scan3A_76, %gt3A_151 : i32
        %convert_element_type3A_153 = arith.extui %gt3A_152 : i1 to i32
        %cond3A_154 = arith.constant 0 : i32
        %cond3A_155 = arith.cmpi ne, %convert_element_type3A_153, %cond3A_154 : i32
        scf.if %cond3A_155 {
          %dma_wait3A_324 = arith.constant 5 : i32
          %dma_wait3A_325 = arith.constant 0 : i32
          %dma_wait3A_326 = tpu.memref_slice %arg8[%dma_wait3A_324, %dma_wait3A_325] : memref<40x128xi32, #tpu.memory_space<vmem>> -> memref<1x128xi32, #tpu.memory_space<vmem>>
          %dma_wait3A_327 = tpu.memref_squeeze %dma_wait3A_326 : memref<1x128xi32, #tpu.memory_space<vmem>> -> memref<128xi32, #tpu.memory_space<vmem>>
          %dma_wait3A_328 = arith.constant 0 : i32
          %dma_wait3A_329 = arith.constant 0 : i32
          %dma_wait3A_330 = tpu.memref_slice %arg33[%dma_wait3A_328, %dma_wait3A_329] : memref<10240x64xf32, #tpu.memory_space<vmem_shared>> -> memref<10240x64xf32, #tpu.memory_space<vmem_shared>>
          tpu.wait_indirect_dma semaphore(%arg30 : memref<!tpu.dma_semaphore, #tpu.memory_space<semaphore_mem>>) src(%arg14 : memref<128x64xf32, #tpu.memory_space<vmem>>) dst(%dma_wait3A_330 : memref<10240x64xf32, #tpu.memory_space<vmem_shared>>)
        } else {
        }
        %mul3A_156 = arith.constant 8 : i32
        %mul3A_157 = arith.muli %scan3A_76, %mul3A_156 : i32
        %add3A_158 = arith.constant 5 : i32
        %add3A_159 = arith.addi %mul3A_157, %add3A_158 : i32
        %dma_start3A_160 = arith.constant 0 : i32
        %dma_start3A_161 = tpu.memref_slice %arg7[%add3A_159, %dma_start3A_160] : memref<40x128xi32, #tpu.memory_space<vmem>> -> memref<1x128xi32, #tpu.memory_space<vmem>>
        %dma_start3A_162 = tpu.memref_squeeze %dma_start3A_161 : memref<1x128xi32, #tpu.memory_space<vmem>> -> memref<128xi32, #tpu.memory_space<vmem>>
        %dma_start3A_163 = arith.constant 0 : i32
        %dma_start3A_164 = arith.constant 0 : i32
        %dma_start3A_165 = tpu.memref_slice %arg2[%dma_start3A_163, %dma_start3A_164] : memref<10240x64xf32, #tpu.memory_space<hbm>> -> memref<10240x64xf32, #tpu.memory_space<hbm>>
        tpu.enqueue_indirect_dma source(%dma_start3A_165 : memref<10240x64xf32, #tpu.memory_space<hbm>>) target(%arg14 : memref<128x64xf32, #tpu.memory_space<vmem>>) offsets(%dma_start3A_162 : memref<128xi32, #tpu.memory_space<vmem>>) semaphore(%arg22 : memref<!tpu.dma_semaphore, #tpu.memory_space<semaphore_mem>>)
        %gt3A_166 = arith.constant 0 : i32
        %gt3A_167 = arith.cmpi sgt, %scan3A_76, %gt3A_166 : i32
        %convert_element_type3A_168 = arith.extui %gt3A_167 : i1 to i32
        %cond3A_169 = arith.constant 0 : i32
        %cond3A_170 = arith.cmpi ne, %convert_element_type3A_168, %cond3A_169 : i32
        scf.if %cond3A_170 {
          %dma_wait3A_324 = arith.constant 6 : i32
          %dma_wait3A_325 = arith.constant 0 : i32
          %dma_wait3A_326 = tpu.memref_slice %arg8[%dma_wait3A_324, %dma_wait3A_325] : memref<40x128xi32, #tpu.memory_space<vmem>> -> memref<1x128xi32, #tpu.memory_space<vmem>>
          %dma_wait3A_327 = tpu.memref_squeeze %dma_wait3A_326 : memref<1x128xi32, #tpu.memory_space<vmem>> -> memref<128xi32, #tpu.memory_space<vmem>>
          %dma_wait3A_328 = arith.constant 0 : i32
          %dma_wait3A_329 = arith.constant 0 : i32
          %dma_wait3A_330 = tpu.memref_slice %arg33[%dma_wait3A_328, %dma_wait3A_329] : memref<10240x64xf32, #tpu.memory_space<vmem_shared>> -> memref<10240x64xf32, #tpu.memory_space<vmem_shared>>
          tpu.wait_indirect_dma semaphore(%arg31 : memref<!tpu.dma_semaphore, #tpu.memory_space<semaphore_mem>>) src(%arg15 : memref<128x64xf32, #tpu.memory_space<vmem>>) dst(%dma_wait3A_330 : memref<10240x64xf32, #tpu.memory_space<vmem_shared>>)
        } else {
        }
        %mul3A_171 = arith.constant 8 : i32
        %mul3A_172 = arith.muli %scan3A_76, %mul3A_171 : i32
        %add3A_173 = arith.constant 6 : i32
        %add3A_174 = arith.addi %mul3A_172, %add3A_173 : i32
        %dma_start3A_175 = arith.constant 0 : i32
        %dma_start3A_176 = tpu.memref_slice %arg7[%add3A_174, %dma_start3A_175] : memref<40x128xi32, #tpu.memory_space<vmem>> -> memref<1x128xi32, #tpu.memory_space<vmem>>
        %dma_start3A_177 = tpu.memref_squeeze %dma_start3A_176 : memref<1x128xi32, #tpu.memory_space<vmem>> -> memref<128xi32, #tpu.memory_space<vmem>>
        %dma_start3A_178 = arith.constant 0 : i32
        %dma_start3A_179 = arith.constant 0 : i32
        %dma_start3A_180 = tpu.memref_slice %arg2[%dma_start3A_178, %dma_start3A_179] : memref<10240x64xf32, #tpu.memory_space<hbm>> -> memref<10240x64xf32, #tpu.memory_space<hbm>>
        tpu.enqueue_indirect_dma source(%dma_start3A_180 : memref<10240x64xf32, #tpu.memory_space<hbm>>) target(%arg15 : memref<128x64xf32, #tpu.memory_space<vmem>>) offsets(%dma_start3A_177 : memref<128xi32, #tpu.memory_space<vmem>>) semaphore(%arg23 : memref<!tpu.dma_semaphore, #tpu.memory_space<semaphore_mem>>)
        %gt3A_181 = arith.constant 0 : i32
        %gt3A_182 = arith.cmpi sgt, %scan3A_76, %gt3A_181 : i32
        %convert_element_type3A_183 = arith.extui %gt3A_182 : i1 to i32
        %cond3A_184 = arith.constant 0 : i32
        %cond3A_185 = arith.cmpi ne, %convert_element_type3A_183, %cond3A_184 : i32
        scf.if %cond3A_185 {
          %dma_wait3A_324 = arith.constant 7 : i32
          %dma_wait3A_325 = arith.constant 0 : i32
          %dma_wait3A_326 = tpu.memref_slice %arg8[%dma_wait3A_324, %dma_wait3A_325] : memref<40x128xi32, #tpu.memory_space<vmem>> -> memref<1x128xi32, #tpu.memory_space<vmem>>
          %dma_wait3A_327 = tpu.memref_squeeze %dma_wait3A_326 : memref<1x128xi32, #tpu.memory_space<vmem>> -> memref<128xi32, #tpu.memory_space<vmem>>
          %dma_wait3A_328 = arith.constant 0 : i32
          %dma_wait3A_329 = arith.constant 0 : i32
          %dma_wait3A_330 = tpu.memref_slice %arg33[%dma_wait3A_328, %dma_wait3A_329] : memref<10240x64xf32, #tpu.memory_space<vmem_shared>> -> memref<10240x64xf32, #tpu.memory_space<vmem_shared>>
          tpu.wait_indirect_dma semaphore(%arg32 : memref<!tpu.dma_semaphore, #tpu.memory_space<semaphore_mem>>) src(%arg16 : memref<128x64xf32, #tpu.memory_space<vmem>>) dst(%dma_wait3A_330 : memref<10240x64xf32, #tpu.memory_space<vmem_shared>>)
        } else {
        }
        %mul3A_186 = arith.constant 8 : i32
        %mul3A_187 = arith.muli %scan3A_76, %mul3A_186 : i32
        %add3A_188 = arith.constant 7 : i32
        %add3A_189 = arith.addi %mul3A_187, %add3A_188 : i32
        %dma_start3A_190 = arith.constant 0 : i32
        %dma_start3A_191 = tpu.memref_slice %arg7[%add3A_189, %dma_start3A_190] : memref<40x128xi32, #tpu.memory_space<vmem>> -> memref<1x128xi32, #tpu.memory_space<vmem>>
        %dma_start3A_192 = tpu.memref_squeeze %dma_start3A_191 : memref<1x128xi32, #tpu.memory_space<vmem>> -> memref<128xi32, #tpu.memory_space<vmem>>
        %dma_start3A_193 = arith.constant 0 : i32
        %dma_start3A_194 = arith.constant 0 : i32
        %dma_start3A_195 = tpu.memref_slice %arg2[%dma_start3A_193, %dma_start3A_194] : memref<10240x64xf32, #tpu.memory_space<hbm>> -> memref<10240x64xf32, #tpu.memory_space<hbm>>
        tpu.enqueue_indirect_dma source(%dma_start3A_195 : memref<10240x64xf32, #tpu.memory_space<hbm>>) target(%arg16 : memref<128x64xf32, #tpu.memory_space<vmem>>) offsets(%dma_start3A_192 : memref<128xi32, #tpu.memory_space<vmem>>) semaphore(%arg24 : memref<!tpu.dma_semaphore, #tpu.memory_space<semaphore_mem>>)
        %mul3A_196 = arith.constant 8 : i32
        %mul3A_197 = arith.muli %scan3A_76, %mul3A_196 : i32
        %add3A_198 = arith.constant 0 : i32
        %add3A_199 = arith.addi %mul3A_197, %add3A_198 : i32
        %dma_wait3A_200 = arith.constant 0 : i32
        %dma_wait3A_201 = tpu.memref_slice %arg7[%add3A_199, %dma_wait3A_200] : memref<40x128xi32, #tpu.memory_space<vmem>> -> memref<1x128xi32, #tpu.memory_space<vmem>>
        %dma_wait3A_202 = tpu.memref_squeeze %dma_wait3A_201 : memref<1x128xi32, #tpu.memory_space<vmem>> -> memref<128xi32, #tpu.memory_space<vmem>>
        %dma_wait3A_203 = arith.constant 0 : i32
        %dma_wait3A_204 = arith.constant 0 : i32
        %dma_wait3A_205 = tpu.memref_slice %arg2[%dma_wait3A_203, %dma_wait3A_204] : memref<10240x64xf32, #tpu.memory_space<hbm>> -> memref<10240x64xf32, #tpu.memory_space<hbm>>
        tpu.wait_indirect_dma semaphore(%arg17 : memref<!tpu.dma_semaphore, #tpu.memory_space<semaphore_mem>>) src(%dma_wait3A_205 : memref<10240x64xf32, #tpu.memory_space<hbm>>) dst(%arg9 : memref<128x64xf32, #tpu.memory_space<vmem>>)
        %dma_start3A_206 = arith.constant 0 : i32
        %dma_start3A_207 = tpu.memref_slice %arg8[%add3A_199, %dma_start3A_206] : memref<40x128xi32, #tpu.memory_space<vmem>> -> memref<1x128xi32, #tpu.memory_space<vmem>>
        %dma_start3A_208 = tpu.memref_squeeze %dma_start3A_207 : memref<1x128xi32, #tpu.memory_space<vmem>> -> memref<128xi32, #tpu.memory_space<vmem>>
        %dma_start3A_209 = arith.constant 0 : i32
        %dma_start3A_210 = arith.constant 0 : i32
        %dma_start3A_211 = tpu.memref_slice %arg33[%dma_start3A_209, %dma_start3A_210] : memref<10240x64xf32, #tpu.memory_space<vmem_shared>> -> memref<10240x64xf32, #tpu.memory_space<vmem_shared>>
        tpu.enqueue_indirect_dma source(%arg9 : memref<128x64xf32, #tpu.memory_space<vmem>>) target(%dma_start3A_211 : memref<10240x64xf32, #tpu.memory_space<vmem_shared>>) offsets(%dma_start3A_208 : memref<128xi32, #tpu.memory_space<vmem>>) semaphore(%arg25 : memref<!tpu.dma_semaphore, #tpu.memory_space<semaphore_mem>>) {add = true}
        %mul3A_212 = arith.constant 8 : i32
        %mul3A_213 = arith.muli %scan3A_76, %mul3A_212 : i32
        %add3A_214 = arith.constant 1 : i32
        %add3A_215 = arith.addi %mul3A_213, %add3A_214 : i32
        %dma_wait3A_216 = arith.constant 0 : i32
        %dma_wait3A_217 = tpu.memref_slice %arg7[%add3A_215, %dma_wait3A_216] : memref<40x128xi32, #tpu.memory_space<vmem>> -> memref<1x128xi32, #tpu.memory_space<vmem>>
        %dma_wait3A_218 = tpu.memref_squeeze %dma_wait3A_217 : memref<1x128xi32, #tpu.memory_space<vmem>> -> memref<128xi32, #tpu.memory_space<vmem>>
        %dma_wait3A_219 = arith.constant 0 : i32
        %dma_wait3A_220 = arith.constant 0 : i32
        %dma_wait3A_221 = tpu.memref_slice %arg2[%dma_wait3A_219, %dma_wait3A_220] : memref<10240x64xf32, #tpu.memory_space<hbm>> -> memref<10240x64xf32, #tpu.memory_space<hbm>>
        tpu.wait_indirect_dma semaphore(%arg18 : memref<!tpu.dma_semaphore, #tpu.memory_space<semaphore_mem>>) src(%dma_wait3A_221 : memref<10240x64xf32, #tpu.memory_space<hbm>>) dst(%arg10 : memref<128x64xf32, #tpu.memory_space<vmem>>)
        %dma_start3A_222 = arith.constant 0 : i32
        %dma_start3A_223 = tpu.memref_slice %arg8[%add3A_215, %dma_start3A_222] : memref<40x128xi32, #tpu.memory_space<vmem>> -> memref<1x128xi32, #tpu.memory_space<vmem>>
        %dma_start3A_224 = tpu.memref_squeeze %dma_start3A_223 : memref<1x128xi32, #tpu.memory_space<vmem>> -> memref<128xi32, #tpu.memory_space<vmem>>
        %dma_start3A_225 = arith.constant 0 : i32
        %dma_start3A_226 = arith.constant 0 : i32
        %dma_start3A_227 = tpu.memref_slice %arg33[%dma_start3A_225, %dma_start3A_226] : memref<10240x64xf32, #tpu.memory_space<vmem_shared>> -> memref<10240x64xf32, #tpu.memory_space<vmem_shared>>
        tpu.enqueue_indirect_dma source(%arg10 : memref<128x64xf32, #tpu.memory_space<vmem>>) target(%dma_start3A_227 : memref<10240x64xf32, #tpu.memory_space<vmem_shared>>) offsets(%dma_start3A_224 : memref<128xi32, #tpu.memory_space<vmem>>) semaphore(%arg26 : memref<!tpu.dma_semaphore, #tpu.memory_space<semaphore_mem>>) {add = true}
        %mul3A_228 = arith.constant 8 : i32
        %mul3A_229 = arith.muli %scan3A_76, %mul3A_228 : i32
        %add3A_230 = arith.constant 2 : i32
        %add3A_231 = arith.addi %mul3A_229, %add3A_230 : i32
        %dma_wait3A_232 = arith.constant 0 : i32
        %dma_wait3A_233 = tpu.memref_slice %arg7[%add3A_231, %dma_wait3A_232] : memref<40x128xi32, #tpu.memory_space<vmem>> -> memref<1x128xi32, #tpu.memory_space<vmem>>
        %dma_wait3A_234 = tpu.memref_squeeze %dma_wait3A_233 : memref<1x128xi32, #tpu.memory_space<vmem>> -> memref<128xi32, #tpu.memory_space<vmem>>
        %dma_wait3A_235 = arith.constant 0 : i32
        %dma_wait3A_236 = arith.constant 0 : i32
        %dma_wait3A_237 = tpu.memref_slice %arg2[%dma_wait3A_235, %dma_wait3A_236] : memref<10240x64xf32, #tpu.memory_space<hbm>> -> memref<10240x64xf32, #tpu.memory_space<hbm>>
        tpu.wait_indirect_dma semaphore(%arg19 : memref<!tpu.dma_semaphore, #tpu.memory_space<semaphore_mem>>) src(%dma_wait3A_237 : memref<10240x64xf32, #tpu.memory_space<hbm>>) dst(%arg11 : memref<128x64xf32, #tpu.memory_space<vmem>>)
        %dma_start3A_238 = arith.constant 0 : i32
        %dma_start3A_239 = tpu.memref_slice %arg8[%add3A_231, %dma_start3A_238] : memref<40x128xi32, #tpu.memory_space<vmem>> -> memref<1x128xi32, #tpu.memory_space<vmem>>
        %dma_start3A_240 = tpu.memref_squeeze %dma_start3A_239 : memref<1x128xi32, #tpu.memory_space<vmem>> -> memref<128xi32, #tpu.memory_space<vmem>>
        %dma_start3A_241 = arith.constant 0 : i32
        %dma_start3A_242 = arith.constant 0 : i32
        %dma_start3A_243 = tpu.memref_slice %arg33[%dma_start3A_241, %dma_start3A_242] : memref<10240x64xf32, #tpu.memory_space<vmem_shared>> -> memref<10240x64xf32, #tpu.memory_space<vmem_shared>>
        tpu.enqueue_indirect_dma source(%arg11 : memref<128x64xf32, #tpu.memory_space<vmem>>) target(%dma_start3A_243 : memref<10240x64xf32, #tpu.memory_space<vmem_shared>>) offsets(%dma_start3A_240 : memref<128xi32, #tpu.memory_space<vmem>>) semaphore(%arg27 : memref<!tpu.dma_semaphore, #tpu.memory_space<semaphore_mem>>) {add = true}
        %mul3A_244 = arith.constant 8 : i32
        %mul3A_245 = arith.muli %scan3A_76, %mul3A_244 : i32
        %add3A_246 = arith.constant 3 : i32
        %add3A_247 = arith.addi %mul3A_245, %add3A_246 : i32
        %dma_wait3A_248 = arith.constant 0 : i32
        %dma_wait3A_249 = tpu.memref_slice %arg7[%add3A_247, %dma_wait3A_248] : memref<40x128xi32, #tpu.memory_space<vmem>> -> memref<1x128xi32, #tpu.memory_space<vmem>>
        %dma_wait3A_250 = tpu.memref_squeeze %dma_wait3A_249 : memref<1x128xi32, #tpu.memory_space<vmem>> -> memref<128xi32, #tpu.memory_space<vmem>>
        %dma_wait3A_251 = arith.constant 0 : i32
        %dma_wait3A_252 = arith.constant 0 : i32
        %dma_wait3A_253 = tpu.memref_slice %arg2[%dma_wait3A_251, %dma_wait3A_252] : memref<10240x64xf32, #tpu.memory_space<hbm>> -> memref<10240x64xf32, #tpu.memory_space<hbm>>
        tpu.wait_indirect_dma semaphore(%arg20 : memref<!tpu.dma_semaphore, #tpu.memory_space<semaphore_mem>>) src(%dma_wait3A_253 : memref<10240x64xf32, #tpu.memory_space<hbm>>) dst(%arg12 : memref<128x64xf32, #tpu.memory_space<vmem>>)
        %dma_start3A_254 = arith.constant 0 : i32
        %dma_start3A_255 = tpu.memref_slice %arg8[%add3A_247, %dma_start3A_254] : memref<40x128xi32, #tpu.memory_space<vmem>> -> memref<1x128xi32, #tpu.memory_space<vmem>>
        %dma_start3A_256 = tpu.memref_squeeze %dma_start3A_255 : memref<1x128xi32, #tpu.memory_space<vmem>> -> memref<128xi32, #tpu.memory_space<vmem>>
        %dma_start3A_257 = arith.constant 0 : i32
        %dma_start3A_258 = arith.constant 0 : i32
        %dma_start3A_259 = tpu.memref_slice %arg33[%dma_start3A_257, %dma_start3A_258] : memref<10240x64xf32, #tpu.memory_space<vmem_shared>> -> memref<10240x64xf32, #tpu.memory_space<vmem_shared>>
        tpu.enqueue_indirect_dma source(%arg12 : memref<128x64xf32, #tpu.memory_space<vmem>>) target(%dma_start3A_259 : memref<10240x64xf32, #tpu.memory_space<vmem_shared>>) offsets(%dma_start3A_256 : memref<128xi32, #tpu.memory_space<vmem>>) semaphore(%arg28 : memref<!tpu.dma_semaphore, #tpu.memory_space<semaphore_mem>>) {add = true}
        %mul3A_260 = arith.constant 8 : i32
        %mul3A_261 = arith.muli %scan3A_76, %mul3A_260 : i32
        %add3A_262 = arith.constant 4 : i32
        %add3A_263 = arith.addi %mul3A_261, %add3A_262 : i32
        %dma_wait3A_264 = arith.constant 0 : i32
        %dma_wait3A_265 = tpu.memref_slice %arg7[%add3A_263, %dma_wait3A_264] : memref<40x128xi32, #tpu.memory_space<vmem>> -> memref<1x128xi32, #tpu.memory_space<vmem>>
        %dma_wait3A_266 = tpu.memref_squeeze %dma_wait3A_265 : memref<1x128xi32, #tpu.memory_space<vmem>> -> memref<128xi32, #tpu.memory_space<vmem>>
        %dma_wait3A_267 = arith.constant 0 : i32
        %dma_wait3A_268 = arith.constant 0 : i32
        %dma_wait3A_269 = tpu.memref_slice %arg2[%dma_wait3A_267, %dma_wait3A_268] : memref<10240x64xf32, #tpu.memory_space<hbm>> -> memref<10240x64xf32, #tpu.memory_space<hbm>>
        tpu.wait_indirect_dma semaphore(%arg21 : memref<!tpu.dma_semaphore, #tpu.memory_space<semaphore_mem>>) src(%dma_wait3A_269 : memref<10240x64xf32, #tpu.memory_space<hbm>>) dst(%arg13 : memref<128x64xf32, #tpu.memory_space<vmem>>)
        %dma_start3A_270 = arith.constant 0 : i32
        %dma_start3A_271 = tpu.memref_slice %arg8[%add3A_263, %dma_start3A_270] : memref<40x128xi32, #tpu.memory_space<vmem>> -> memref<1x128xi32, #tpu.memory_space<vmem>>
        %dma_start3A_272 = tpu.memref_squeeze %dma_start3A_271 : memref<1x128xi32, #tpu.memory_space<vmem>> -> memref<128xi32, #tpu.memory_space<vmem>>
        %dma_start3A_273 = arith.constant 0 : i32
        %dma_start3A_274 = arith.constant 0 : i32
        %dma_start3A_275 = tpu.memref_slice %arg33[%dma_start3A_273, %dma_start3A_274] : memref<10240x64xf32, #tpu.memory_space<vmem_shared>> -> memref<10240x64xf32, #tpu.memory_space<vmem_shared>>
        tpu.enqueue_indirect_dma source(%arg13 : memref<128x64xf32, #tpu.memory_space<vmem>>) target(%dma_start3A_275 : memref<10240x64xf32, #tpu.memory_space<vmem_shared>>) offsets(%dma_start3A_272 : memref<128xi32, #tpu.memory_space<vmem>>) semaphore(%arg29 : memref<!tpu.dma_semaphore, #tpu.memory_space<semaphore_mem>>) {add = true}
        %mul3A_276 = arith.constant 8 : i32
        %mul3A_277 = arith.muli %scan3A_76, %mul3A_276 : i32
        %add3A_278 = arith.constant 5 : i32
        %add3A_279 = arith.addi %mul3A_277, %add3A_278 : i32
        %dma_wait3A_280 = arith.constant 0 : i32
        %dma_wait3A_281 = tpu.memref_slice %arg7[%add3A_279, %dma_wait3A_280] : memref<40x128xi32, #tpu.memory_space<vmem>> -> memref<1x128xi32, #tpu.memory_space<vmem>>
        %dma_wait3A_282 = tpu.memref_squeeze %dma_wait3A_281 : memref<1x128xi32, #tpu.memory_space<vmem>> -> memref<128xi32, #tpu.memory_space<vmem>>
        %dma_wait3A_283 = arith.constant 0 : i32
        %dma_wait3A_284 = arith.constant 0 : i32
        %dma_wait3A_285 = tpu.memref_slice %arg2[%dma_wait3A_283, %dma_wait3A_284] : memref<10240x64xf32, #tpu.memory_space<hbm>> -> memref<10240x64xf32, #tpu.memory_space<hbm>>
        tpu.wait_indirect_dma semaphore(%arg22 : memref<!tpu.dma_semaphore, #tpu.memory_space<semaphore_mem>>) src(%dma_wait3A_285 : memref<10240x64xf32, #tpu.memory_space<hbm>>) dst(%arg14 : memref<128x64xf32, #tpu.memory_space<vmem>>)
        %dma_start3A_286 = arith.constant 0 : i32
        %dma_start3A_287 = tpu.memref_slice %arg8[%add3A_279, %dma_start3A_286] : memref<40x128xi32, #tpu.memory_space<vmem>> -> memref<1x128xi32, #tpu.memory_space<vmem>>
        %dma_start3A_288 = tpu.memref_squeeze %dma_start3A_287 : memref<1x128xi32, #tpu.memory_space<vmem>> -> memref<128xi32, #tpu.memory_space<vmem>>
        %dma_start3A_289 = arith.constant 0 : i32
        %dma_start3A_290 = arith.constant 0 : i32
        %dma_start3A_291 = tpu.memref_slice %arg33[%dma_start3A_289, %dma_start3A_290] : memref<10240x64xf32, #tpu.memory_space<vmem_shared>> -> memref<10240x64xf32, #tpu.memory_space<vmem_shared>>
        tpu.enqueue_indirect_dma source(%arg14 : memref<128x64xf32, #tpu.memory_space<vmem>>) target(%dma_start3A_291 : memref<10240x64xf32, #tpu.memory_space<vmem_shared>>) offsets(%dma_start3A_288 : memref<128xi32, #tpu.memory_space<vmem>>) semaphore(%arg30 : memref<!tpu.dma_semaphore, #tpu.memory_space<semaphore_mem>>) {add = true}
        %mul3A_292 = arith.constant 8 : i32
        %mul3A_293 = arith.muli %scan3A_76, %mul3A_292 : i32
        %add3A_294 = arith.constant 6 : i32
        %add3A_295 = arith.addi %mul3A_293, %add3A_294 : i32
        %dma_wait3A_296 = arith.constant 0 : i32
        %dma_wait3A_297 = tpu.memref_slice %arg7[%add3A_295, %dma_wait3A_296] : memref<40x128xi32, #tpu.memory_space<vmem>> -> memref<1x128xi32, #tpu.memory_space<vmem>>
        %dma_wait3A_298 = tpu.memref_squeeze %dma_wait3A_297 : memref<1x128xi32, #tpu.memory_space<vmem>> -> memref<128xi32, #tpu.memory_space<vmem>>
        %dma_wait3A_299 = arith.constant 0 : i32
        %dma_wait3A_300 = arith.constant 0 : i32
        %dma_wait3A_301 = tpu.memref_slice %arg2[%dma_wait3A_299, %dma_wait3A_300] : memref<10240x64xf32, #tpu.memory_space<hbm>> -> memref<10240x64xf32, #tpu.memory_space<hbm>>
        tpu.wait_indirect_dma semaphore(%arg23 : memref<!tpu.dma_semaphore, #tpu.memory_space<semaphore_mem>>) src(%dma_wait3A_301 : memref<10240x64xf32, #tpu.memory_space<hbm>>) dst(%arg15 : memref<128x64xf32, #tpu.memory_space<vmem>>)
        %dma_start3A_302 = arith.constant 0 : i32
        %dma_start3A_303 = tpu.memref_slice %arg8[%add3A_295, %dma_start3A_302] : memref<40x128xi32, #tpu.memory_space<vmem>> -> memref<1x128xi32, #tpu.memory_space<vmem>>
        %dma_start3A_304 = tpu.memref_squeeze %dma_start3A_303 : memref<1x128xi32, #tpu.memory_space<vmem>> -> memref<128xi32, #tpu.memory_space<vmem>>
        %dma_start3A_305 = arith.constant 0 : i32
        %dma_start3A_306 = arith.constant 0 : i32
        %dma_start3A_307 = tpu.memref_slice %arg33[%dma_start3A_305, %dma_start3A_306] : memref<10240x64xf32, #tpu.memory_space<vmem_shared>> -> memref<10240x64xf32, #tpu.memory_space<vmem_shared>>
        tpu.enqueue_indirect_dma source(%arg15 : memref<128x64xf32, #tpu.memory_space<vmem>>) target(%dma_start3A_307 : memref<10240x64xf32, #tpu.memory_space<vmem_shared>>) offsets(%dma_start3A_304 : memref<128xi32, #tpu.memory_space<vmem>>) semaphore(%arg31 : memref<!tpu.dma_semaphore, #tpu.memory_space<semaphore_mem>>) {add = true}
        %mul3A_308 = arith.constant 8 : i32
        %mul3A_309 = arith.muli %scan3A_76, %mul3A_308 : i32
        %add3A_310 = arith.constant 7 : i32
        %add3A_311 = arith.addi %mul3A_309, %add3A_310 : i32
        %dma_wait3A_312 = arith.constant 0 : i32
        %dma_wait3A_313 = tpu.memref_slice %arg7[%add3A_311, %dma_wait3A_312] : memref<40x128xi32, #tpu.memory_space<vmem>> -> memref<1x128xi32, #tpu.memory_space<vmem>>
        %dma_wait3A_314 = tpu.memref_squeeze %dma_wait3A_313 : memref<1x128xi32, #tpu.memory_space<vmem>> -> memref<128xi32, #tpu.memory_space<vmem>>
        %dma_wait3A_315 = arith.constant 0 : i32
        %dma_wait3A_316 = arith.constant 0 : i32
        %dma_wait3A_317 = tpu.memref_slice %arg2[%dma_wait3A_315, %dma_wait3A_316] : memref<10240x64xf32, #tpu.memory_space<hbm>> -> memref<10240x64xf32, #tpu.memory_space<hbm>>
        tpu.wait_indirect_dma semaphore(%arg24 : memref<!tpu.dma_semaphore, #tpu.memory_space<semaphore_mem>>) src(%dma_wait3A_317 : memref<10240x64xf32, #tpu.memory_space<hbm>>) dst(%arg16 : memref<128x64xf32, #tpu.memory_space<vmem>>)
        %dma_start3A_318 = arith.constant 0 : i32
        %dma_start3A_319 = tpu.memref_slice %arg8[%add3A_311, %dma_start3A_318] : memref<40x128xi32, #tpu.memory_space<vmem>> -> memref<1x128xi32, #tpu.memory_space<vmem>>
        %dma_start3A_320 = tpu.memref_squeeze %dma_start3A_319 : memref<1x128xi32, #tpu.memory_space<vmem>> -> memref<128xi32, #tpu.memory_space<vmem>>
        %dma_start3A_321 = arith.constant 0 : i32
        %dma_start3A_322 = arith.constant 0 : i32
        %dma_start3A_323 = tpu.memref_slice %arg33[%dma_start3A_321, %dma_start3A_322] : memref<10240x64xf32, #tpu.memory_space<vmem_shared>> -> memref<10240x64xf32, #tpu.memory_space<vmem_shared>>
        tpu.enqueue_indirect_dma source(%arg16 : memref<128x64xf32, #tpu.memory_space<vmem>>) target(%dma_start3A_323 : memref<10240x64xf32, #tpu.memory_space<vmem_shared>>) offsets(%dma_start3A_320 : memref<128xi32, #tpu.memory_space<vmem>>) semaphore(%arg32 : memref<!tpu.dma_semaphore, #tpu.memory_space<semaphore_mem>>) {add = true}
      }
      %scan3A_75 = arith.constant 5 : i32
    }
    %scan3A_5 = arith.constant 4 : i32
    %dma_wait3A = arith.constant 0 : i32
    %dma_wait3A_6 = arith.constant 0 : i32
    %dma_wait3A_7 = tpu.memref_slice %arg8[%dma_wait3A, %dma_wait3A_6] : memref<40x128xi32, #tpu.memory_space<vmem>> -> memref<1x128xi32, #tpu.memory_space<vmem>>
    %dma_wait3A_8 = tpu.memref_squeeze %dma_wait3A_7 : memref<1x128xi32, #tpu.memory_space<vmem>> -> memref<128xi32, #tpu.memory_space<vmem>>
    %dma_wait3A_9 = arith.constant 0 : i32
    %dma_wait3A_10 = arith.constant 0 : i32
    %dma_wait3A_11 = tpu.memref_slice %arg33[%dma_wait3A_9, %dma_wait3A_10] : memref<10240x64xf32, #tpu.memory_space<vmem_shared>> -> memref<10240x64xf32, #tpu.memory_space<vmem_shared>>
    tpu.wait_indirect_dma semaphore(%arg25 : memref<!tpu.dma_semaphore, #tpu.memory_space<semaphore_mem>>) src(%arg9 : memref<128x64xf32, #tpu.memory_space<vmem>>) dst(%dma_wait3A_11 : memref<10240x64xf32, #tpu.memory_space<vmem_shared>>)
    %dma_wait3A_12 = arith.constant 1 : i32
    %dma_wait3A_13 = arith.constant 0 : i32
    %dma_wait3A_14 = tpu.memref_slice %arg8[%dma_wait3A_12, %dma_wait3A_13] : memref<40x128xi32, #tpu.memory_space<vmem>> -> memref<1x128xi32, #tpu.memory_space<vmem>>
    %dma_wait3A_15 = tpu.memref_squeeze %dma_wait3A_14 : memref<1x128xi32, #tpu.memory_space<vmem>> -> memref<128xi32, #tpu.memory_space<vmem>>
    %dma_wait3A_16 = arith.constant 0 : i32
    %dma_wait3A_17 = arith.constant 0 : i32
    %dma_wait3A_18 = tpu.memref_slice %arg33[%dma_wait3A_16, %dma_wait3A_17] : memref<10240x64xf32, #tpu.memory_space<vmem_shared>> -> memref<10240x64xf32, #tpu.memory_space<vmem_shared>>
    tpu.wait_indirect_dma semaphore(%arg26 : memref<!tpu.dma_semaphore, #tpu.memory_space<semaphore_mem>>) src(%arg10 : memref<128x64xf32, #tpu.memory_space<vmem>>) dst(%dma_wait3A_18 : memref<10240x64xf32, #tpu.memory_space<vmem_shared>>)
    %dma_wait3A_19 = arith.constant 2 : i32
    %dma_wait3A_20 = arith.constant 0 : i32
    %dma_wait3A_21 = tpu.memref_slice %arg8[%dma_wait3A_19, %dma_wait3A_20] : memref<40x128xi32, #tpu.memory_space<vmem>> -> memref<1x128xi32, #tpu.memory_space<vmem>>
    %dma_wait3A_22 = tpu.memref_squeeze %dma_wait3A_21 : memref<1x128xi32, #tpu.memory_space<vmem>> -> memref<128xi32, #tpu.memory_space<vmem>>
    %dma_wait3A_23 = arith.constant 0 : i32
    %dma_wait3A_24 = arith.constant 0 : i32
    %dma_wait3A_25 = tpu.memref_slice %arg33[%dma_wait3A_23, %dma_wait3A_24] : memref<10240x64xf32, #tpu.memory_space<vmem_shared>> -> memref<10240x64xf32, #tpu.memory_space<vmem_shared>>
    tpu.wait_indirect_dma semaphore(%arg27 : memref<!tpu.dma_semaphore, #tpu.memory_space<semaphore_mem>>) src(%arg11 : memref<128x64xf32, #tpu.memory_space<vmem>>) dst(%dma_wait3A_25 : memref<10240x64xf32, #tpu.memory_space<vmem_shared>>)
    %dma_wait3A_26 = arith.constant 3 : i32
    %dma_wait3A_27 = arith.constant 0 : i32
    %dma_wait3A_28 = tpu.memref_slice %arg8[%dma_wait3A_26, %dma_wait3A_27] : memref<40x128xi32, #tpu.memory_space<vmem>> -> memref<1x128xi32, #tpu.memory_space<vmem>>
    %dma_wait3A_29 = tpu.memref_squeeze %dma_wait3A_28 : memref<1x128xi32, #tpu.memory_space<vmem>> -> memref<128xi32, #tpu.memory_space<vmem>>
    %dma_wait3A_30 = arith.constant 0 : i32
    %dma_wait3A_31 = arith.constant 0 : i32
    %dma_wait3A_32 = tpu.memref_slice %arg33[%dma_wait3A_30, %dma_wait3A_31] : memref<10240x64xf32, #tpu.memory_space<vmem_shared>> -> memref<10240x64xf32, #tpu.memory_space<vmem_shared>>
    tpu.wait_indirect_dma semaphore(%arg28 : memref<!tpu.dma_semaphore, #tpu.memory_space<semaphore_mem>>) src(%arg12 : memref<128x64xf32, #tpu.memory_space<vmem>>) dst(%dma_wait3A_32 : memref<10240x64xf32, #tpu.memory_space<vmem_shared>>)
    %dma_wait3A_33 = arith.constant 4 : i32
    %dma_wait3A_34 = arith.constant 0 : i32
    %dma_wait3A_35 = tpu.memref_slice %arg8[%dma_wait3A_33, %dma_wait3A_34] : memref<40x128xi32, #tpu.memory_space<vmem>> -> memref<1x128xi32, #tpu.memory_space<vmem>>
    %dma_wait3A_36 = tpu.memref_squeeze %dma_wait3A_35 : memref<1x128xi32, #tpu.memory_space<vmem>> -> memref<128xi32, #tpu.memory_space<vmem>>
    %dma_wait3A_37 = arith.constant 0 : i32
    %dma_wait3A_38 = arith.constant 0 : i32
    %dma_wait3A_39 = tpu.memref_slice %arg33[%dma_wait3A_37, %dma_wait3A_38] : memref<10240x64xf32, #tpu.memory_space<vmem_shared>> -> memref<10240x64xf32, #tpu.memory_space<vmem_shared>>
    tpu.wait_indirect_dma semaphore(%arg29 : memref<!tpu.dma_semaphore, #tpu.memory_space<semaphore_mem>>) src(%arg13 : memref<128x64xf32, #tpu.memory_space<vmem>>) dst(%dma_wait3A_39 : memref<10240x64xf32, #tpu.memory_space<vmem_shared>>)
    %dma_wait3A_40 = arith.constant 5 : i32
    %dma_wait3A_41 = arith.constant 0 : i32
    %dma_wait3A_42 = tpu.memref_slice %arg8[%dma_wait3A_40, %dma_wait3A_41] : memref<40x128xi32, #tpu.memory_space<vmem>> -> memref<1x128xi32, #tpu.memory_space<vmem>>
    %dma_wait3A_43 = tpu.memref_squeeze %dma_wait3A_42 : memref<1x128xi32, #tpu.memory_space<vmem>> -> memref<128xi32, #tpu.memory_space<vmem>>
    %dma_wait3A_44 = arith.constant 0 : i32
    %dma_wait3A_45 = arith.constant 0 : i32
    %dma_wait3A_46 = tpu.memref_slice %arg33[%dma_wait3A_44, %dma_wait3A_45] : memref<10240x64xf32, #tpu.memory_space<vmem_shared>> -> memref<10240x64xf32, #tpu.memory_space<vmem_shared>>
    tpu.wait_indirect_dma semaphore(%arg30 : memref<!tpu.dma_semaphore, #tpu.memory_space<semaphore_mem>>) src(%arg14 : memref<128x64xf32, #tpu.memory_space<vmem>>) dst(%dma_wait3A_46 : memref<10240x64xf32, #tpu.memory_space<vmem_shared>>)
    %dma_wait3A_47 = arith.constant 6 : i32
    %dma_wait3A_48 = arith.constant 0 : i32
    %dma_wait3A_49 = tpu.memref_slice %arg8[%dma_wait3A_47, %dma_wait3A_48] : memref<40x128xi32, #tpu.memory_space<vmem>> -> memref<1x128xi32, #tpu.memory_space<vmem>>
    %dma_wait3A_50 = tpu.memref_squeeze %dma_wait3A_49 : memref<1x128xi32, #tpu.memory_space<vmem>> -> memref<128xi32, #tpu.memory_space<vmem>>
    %dma_wait3A_51 = arith.constant 0 : i32
    %dma_wait3A_52 = arith.constant 0 : i32
    %dma_wait3A_53 = tpu.memref_slice %arg33[%dma_wait3A_51, %dma_wait3A_52] : memref<10240x64xf32, #tpu.memory_space<vmem_shared>> -> memref<10240x64xf32, #tpu.memory_space<vmem_shared>>
    tpu.wait_indirect_dma semaphore(%arg31 : memref<!tpu.dma_semaphore, #tpu.memory_space<semaphore_mem>>) src(%arg15 : memref<128x64xf32, #tpu.memory_space<vmem>>) dst(%dma_wait3A_53 : memref<10240x64xf32, #tpu.memory_space<vmem_shared>>)
    %dma_wait3A_54 = arith.constant 7 : i32
    %dma_wait3A_55 = arith.constant 0 : i32
    %dma_wait3A_56 = tpu.memref_slice %arg8[%dma_wait3A_54, %dma_wait3A_55] : memref<40x128xi32, #tpu.memory_space<vmem>> -> memref<1x128xi32, #tpu.memory_space<vmem>>
    %dma_wait3A_57 = tpu.memref_squeeze %dma_wait3A_56 : memref<1x128xi32, #tpu.memory_space<vmem>> -> memref<128xi32, #tpu.memory_space<vmem>>
    %dma_wait3A_58 = arith.constant 0 : i32
    %dma_wait3A_59 = arith.constant 0 : i32
    %dma_wait3A_60 = tpu.memref_slice %arg33[%dma_wait3A_58, %dma_wait3A_59] : memref<10240x64xf32, #tpu.memory_space<vmem_shared>> -> memref<10240x64xf32, #tpu.memory_space<vmem_shared>>
    tpu.wait_indirect_dma semaphore(%arg32 : memref<!tpu.dma_semaphore, #tpu.memory_space<semaphore_mem>>) src(%arg16 : memref<128x64xf32, #tpu.memory_space<vmem>>) dst(%dma_wait3A_60 : memref<10240x64xf32, #tpu.memory_space<vmem_shared>>)
    %barrier3A_61 = arith.constant 0 : index
    tpu.barrier barrier_id(%barrier3A_61)
    %mul3A_62 = arith.constant 640 : i32
    %mul3A_63 = arith.muli %arg1, %mul3A_62 : i32
    "tpu.region"() ({
      %run_scoped3A = tpu.sem_alloc : memref<!tpu.dma_semaphore, #tpu.memory_space<semaphore_mem>>
      %dma_start3A = arith.constant 0 : i32
      %dma_start3A_64 = tpu.memref_slice %arg6[%arg0, %mul3A_63, %dma_start3A] : memref<2x10240x64xf32, #tpu.memory_space<hbm>> -> memref<1x640x64xf32, #tpu.memory_space<hbm>>
      %dma_start3A_65 = tpu.memref_squeeze %dma_start3A_64 : memref<1x640x64xf32, #tpu.memory_space<hbm>> -> memref<640x64xf32, #tpu.memory_space<hbm>>
      %dma_start3A_66 = arith.constant 0 : i32
      %dma_start3A_67 = tpu.memref_slice %arg33[%mul3A_63, %dma_start3A_66] : memref<10240x64xf32, #tpu.memory_space<vmem_shared>> -> memref<640x64xf32, #tpu.memory_space<vmem_shared>>
      tpu.enqueue_dma source(%dma_start3A_67 : memref<640x64xf32, #tpu.memory_space<vmem_shared>>) target(%dma_start3A_65 : memref<640x64xf32, #tpu.memory_space<hbm>>) target_semaphore(%run_scoped3A : memref<!tpu.dma_semaphore, #tpu.memory_space<semaphore_mem>>)
      %dma_wait3A_68 = arith.constant 0 : i32
      %dma_wait3A_69 = tpu.memref_slice %arg6[%arg0, %mul3A_63, %dma_wait3A_68] : memref<2x10240x64xf32, #tpu.memory_space<hbm>> -> memref<1x640x64xf32, #tpu.memory_space<hbm>>
      %dma_wait3A_70 = tpu.memref_squeeze %dma_wait3A_69 : memref<1x640x64xf32, #tpu.memory_space<hbm>> -> memref<640x64xf32, #tpu.memory_space<hbm>>
      %dma_wait3A_71 = arith.constant 0 : i32
      %dma_wait3A_72 = tpu.memref_slice %arg33[%mul3A_63, %dma_wait3A_71] : memref<10240x64xf32, #tpu.memory_space<vmem_shared>> -> memref<640x64xf32, #tpu.memory_space<vmem_shared>>
      tpu.wait_dma2 semaphore(%run_scoped3A : memref<!tpu.dma_semaphore, #tpu.memory_space<semaphore_mem>>) src(%dma_wait3A_72 : memref<640x64xf32, #tpu.memory_space<vmem_shared>>) dst(%dma_wait3A_70 : memref<640x64xf32, #tpu.memory_space<hbm>>)
      tpu.yield
    }) : () -> ()
    return
  }
}

module attributes {stable_mosaic.version = 14 : i64} {
  func.func @_proj_body(%arg0: i32, %arg1: memref<1024x128xf32, #tpu.memory_space<vmem>>, %arg2: memref<1x128x32xf32, #tpu.memory_space<vmem>>, %arg3: memref<1024x48xf32, #tpu.memory_space<vmem>>) attributes {dimension_semantics = [#tpu.dimension_semantics<arbitrary>], iteration_bounds = array<i64: 20>, scalar_prefetch = 0 : i64, scratch_operands = 0 : i64, tpu.core_type = #tpu.core_type<tc>, window_params = [{transform_indices = @transform_0, window_bounds = array<i64: 1024, 128>}, {transform_indices = @transform_1, window_bounds = array<i64: 1, 128, 32>}, {transform_indices = @transform_2, window_bounds = array<i64: 1024, 48>}]} {
    %get3A = arith.constant 0 : index
    %get3A_0 = arith.constant 0 : index
    %get3A_1 = vector.load %arg1[%get3A, %get3A_0] : memref<1024x128xf32, #tpu.memory_space<vmem>>, vector<1024x128xf32>
    %broadcast_in_dim3A = arith.constant 1.000000e+00 : f32
    %broadcast_in_dim3A_2 = vector.broadcast %broadcast_in_dim3A : f32 to vector<1024x1xf32>
    %broadcast_in_dim3A_3 = arith.constant 0.000000e+00 : f32
    %broadcast_in_dim3A_4 = vector.broadcast %broadcast_in_dim3A_3 : f32 to vector<1024x15xf32>
    %get3A_5 = arith.constant 0 : index
    %get3A_6 = arith.constant 0 : index
    %get3A_7 = arith.constant 0 : index
    %get3A_8 = vector.load %arg2[%get3A_5, %get3A_6, %get3A_7] : memref<1x128x32xf32, #tpu.memory_space<vmem>>, vector<1x128x32xf32>
    %get3A_9 = vector.shape_cast %get3A_8 : vector<1x128x32xf32> to vector<128x32xf32>
    %dot_general3A = arith.constant dense<0.000000e+00> : vector<1024x32xf32>
    %dot_general3A_10 = tpu.matmul %get3A_1, %get3A_9, %dot_general3A {dimension_numbers = #tpu.dot_dimension_numbers<[1], [0], [0], [1], [0, 0, 1, 1], [], []>, transpose_lhs_hint = false} : vector<1024x128xf32>, vector<128x32xf32>, vector<1024x32xf32> -> vector<1024x32xf32>
    %concatenate3A = tpu.concatenate %dot_general3A_10, %broadcast_in_dim3A_2, %broadcast_in_dim3A_4 in 1 : vector<1024x32xf32>, vector<1024x1xf32>, vector<1024x15xf32> -> vector<1024x48xf32>
    %swap3A = arith.constant 0 : index
    %swap3A_11 = arith.constant 0 : index
    %swap3A_12 = vector.load %arg3[%swap3A, %swap3A_11] : memref<1024x48xf32, #tpu.memory_space<vmem>>, vector<1024x48xf32>
    tpu.vector_store %arg3[%swap3A, %swap3A_11], %concatenate3A {strides = array<i32>} : memref<1024x48xf32, #tpu.memory_space<vmem>>, vector<1024x48xf32>,
    return
  }
  func.func @transform_0(%arg0: i32) -> (i32, i32) {
    %jit3A = arith.constant 10 : i32
    %eq3A = arith.constant 0 : i32
    %eq3A_0 = arith.cmpi eq, %jit3A, %eq3A : i32
    %jit3A_1 = arith.constant 1 : i32
    %select_n3A = arith.select %eq3A_0, %jit3A_1, %jit3A : i32
    %rem3A = arith.remsi %arg0, %select_n3A : i32
    %ne3A = arith.constant 0 : i32
    %ne3A_2 = arith.cmpi ne, %rem3A, %ne3A : i32
    %lt3A = arith.constant 0 : i32
    %lt3A_3 = arith.cmpi slt, %rem3A, %lt3A : i32
    %lt3A_4 = arith.constant 0 : i32
    %lt3A_5 = arith.cmpi slt, %select_n3A, %lt3A_4 : i32
    %ne3A_6 = arith.xori %lt3A_3, %lt3A_5 : i1
    %and3A = arith.andi %ne3A_6, %ne3A_2 : i1
    %add3A = arith.addi %rem3A, %select_n3A : i32
    %select_n3A_7 = arith.select %and3A, %add3A, %rem3A : i32
    %c0_i32 = arith.constant 0 : i32
    %c0_i32_8 = arith.constant 0 : i32
    return %select_n3A_7, %c0_i32 : i32, i32
  }
  func.func @transform_1(%arg0: i32) -> (i32, i32, i32) {
    %jit3A = arith.constant 10 : i32
    %div3A = arith.divsi %arg0, %jit3A : i32
    %sign3A = arith.constant 0 : i32
    %sign3A_0 = arith.cmpi sgt, %arg0, %sign3A : i32
    %sign3A_1 = arith.extui %sign3A_0 : i1 to i32
    %sign3A_2 = arith.constant 0 : i32
    %sign3A_3 = arith.cmpi slt, %arg0, %sign3A_2 : i32
    %sign3A_4 = arith.extui %sign3A_3 : i1 to i32
    %sign3A_5 = arith.subi %sign3A_1, %sign3A_4 : i32
    %sign3A_6 = arith.constant 0 : i32
    %sign3A_7 = arith.cmpi sgt, %jit3A, %sign3A_6 : i32
    %sign3A_8 = arith.extui %sign3A_7 : i1 to i32
    %sign3A_9 = arith.constant 0 : i32
    %sign3A_10 = arith.cmpi slt, %jit3A, %sign3A_9 : i32
    %sign3A_11 = arith.extui %sign3A_10 : i1 to i32
    %sign3A_12 = arith.subi %sign3A_8, %sign3A_11 : i32
    %ne3A = arith.cmpi ne, %sign3A_5, %sign3A_12 : i32
    %rem3A = arith.remsi %arg0, %jit3A : i32
    %ne3A_13 = arith.constant 0 : i32
    %ne3A_14 = arith.cmpi ne, %rem3A, %ne3A_13 : i32
    %and3A = arith.andi %ne3A, %ne3A_14 : i1
    %sub3A = arith.constant 1 : i32
    %sub3A_15 = arith.subi %div3A, %sub3A : i32
    %select_n3A = arith.select %and3A, %sub3A_15, %div3A : i32
    %c0_i32 = arith.constant 0 : i32
    %c0_i32_16 = arith.constant 0 : i32
    %c0_i32_17 = arith.constant 0 : i32
    return %select_n3A, %c0_i32, %c0_i32_16 : i32, i32, i32
  }
  func.func @transform_2(%arg0: i32) -> (i32, i32) {
    %c0_i32 = arith.constant 0 : i32
    %c0_i32_0 = arith.constant 0 : i32
    return %arg0, %c0_i32 : i32, i32
  }
}

module attributes {stable_mosaic.version = 14 : i64} {
  func.func @_base_dense_body(%arg0: i32, %arg1: memref<1x1024x48xf32, #tpu.memory_space<vmem>>, %arg2: memref<1x1024x48xf32, #tpu.memory_space<vmem>>, %arg3: memref<1024x128xf32, #tpu.memory_space<vmem>>, %arg4: memref<128x32xf32, #tpu.memory_space<vmem>>, %arg5: memref<128x32xf32, #tpu.memory_space<vmem>>, %arg6: memref<1x32xf32, #tpu.memory_space<vmem>>, %arg7: memref<1x32xf32, #tpu.memory_space<vmem>>, %arg8: memref<1024x64xf32, #tpu.memory_space<vmem>>) attributes {dimension_semantics = [#tpu.dimension_semantics<arbitrary>], iteration_bounds = array<i64: 10>, scalar_prefetch = 0 : i64, scratch_operands = 0 : i64, tpu.core_type = #tpu.core_type<tc>, window_params = [{transform_indices = @transform_0, window_bounds = array<i64: 1, 1024, 48>}, {transform_indices = @transform_1, window_bounds = array<i64: 1, 1024, 48>}, {transform_indices = @transform_2, window_bounds = array<i64: 1024, 128>}, {pipeline_mode = #tpu.pipeline_mode<synchronous>, transform_indices = @transform_3, window_bounds = array<i64: 128, 32>}, {pipeline_mode = #tpu.pipeline_mode<synchronous>, transform_indices = @transform_4, window_bounds = array<i64: 128, 32>}, {pipeline_mode = #tpu.pipeline_mode<synchronous>, transform_indices = @transform_5, window_bounds = array<i64: 1, 32>}, {pipeline_mode = #tpu.pipeline_mode<synchronous>, transform_indices = @transform_6, window_bounds = array<i64: 1, 32>}, {transform_indices = @transform_7, window_bounds = array<i64: 1024, 64>}]} {
    %get3A = arith.constant 0 : index
    %get3A_0 = arith.constant 0 : index
    %get3A_1 = arith.constant 0 : index
    %get3A_2 = vector.load %arg1[%get3A, %get3A_0, %get3A_1] : memref<1x1024x48xf32, #tpu.memory_space<vmem>>, vector<1x1024x48xf32>
    %get3A_3 = vector.shape_cast %get3A_2 : vector<1x1024x48xf32> to vector<1024x48xf32>
    %slice3A = vector.extract_strided_slice %get3A_3 {offsets = [0, 0], sizes = [1024, 32], strides = [1, 1]} : vector<1024x48xf32> to vector<1024x32xf32>
    %get3A_4 = arith.constant 0 : index
    %get3A_5 = arith.constant 0 : index
    %get3A_6 = arith.constant 0 : index
    %get3A_7 = vector.load %arg1[%get3A_4, %get3A_5, %get3A_6] : memref<1x1024x48xf32, #tpu.memory_space<vmem>>, vector<1x1024x48xf32>
    %get3A_8 = vector.shape_cast %get3A_7 : vector<1x1024x48xf32> to vector<1024x48xf32>
    %slice3A_9 = vector.extract_strided_slice %get3A_8 {offsets = [0, 32], sizes = [1024, 1], strides = [1, 1]} : vector<1024x48xf32> to vector<1024x1xf32>
    %max3A = arith.constant 1.000000e+00 : f32
    %max3A_10 = vector.broadcast %max3A : f32 to vector<1024x1xf32>
    %max3A_11 = arith.maximumf %slice3A_9, %max3A_10 : vector<1024x1xf32>
    %div3A = arith.constant 1.000000e+00 : f32
    %div3A_12 = vector.broadcast %div3A : f32 to vector<1024x1xf32>
    %div3A_13 = arith.divf %div3A_12, %max3A_11 : vector<1024x1xf32>
    %mul3A = vector.broadcast %div3A_13 : vector<1024x1xf32> to vector<1024x32xf32>
    %mul3A_14 = arith.mulf %slice3A, %mul3A : vector<1024x32xf32>
    %get3A_15 = arith.constant 0 : index
    %get3A_16 = arith.constant 0 : index
    %get3A_17 = arith.constant 0 : index
    %get3A_18 = vector.load %arg2[%get3A_15, %get3A_16, %get3A_17] : memref<1x1024x48xf32, #tpu.memory_space<vmem>>, vector<1x1024x48xf32>
    %get3A_19 = vector.shape_cast %get3A_18 : vector<1x1024x48xf32> to vector<1024x48xf32>
    %slice3A_20 = vector.extract_strided_slice %get3A_19 {offsets = [0, 0], sizes = [1024, 32], strides = [1, 1]} : vector<1024x48xf32> to vector<1024x32xf32>
    %get3A_21 = arith.constant 0 : index
    %get3A_22 = arith.constant 0 : index
    %get3A_23 = arith.constant 0 : index
    %get3A_24 = vector.load %arg2[%get3A_21, %get3A_22, %get3A_23] : memref<1x1024x48xf32, #tpu.memory_space<vmem>>, vector<1x1024x48xf32>
    %get3A_25 = vector.shape_cast %get3A_24 : vector<1x1024x48xf32> to vector<1024x48xf32>
    %slice3A_26 = vector.extract_strided_slice %get3A_25 {offsets = [0, 32], sizes = [1024, 1], strides = [1, 1]} : vector<1024x48xf32> to vector<1024x1xf32>
    %max3A_27 = arith.constant 1.000000e+00 : f32
    %max3A_28 = vector.broadcast %max3A_27 : f32 to vector<1024x1xf32>
    %max3A_29 = arith.maximumf %slice3A_26, %max3A_28 : vector<1024x1xf32>
    %div3A_30 = arith.constant 1.000000e+00 : f32
    %div3A_31 = vector.broadcast %div3A_30 : f32 to vector<1024x1xf32>
    %div3A_32 = arith.divf %div3A_31, %max3A_29 : vector<1024x1xf32>
    %mul3A_33 = vector.broadcast %div3A_32 : vector<1024x1xf32> to vector<1024x32xf32>
    %mul3A_34 = arith.mulf %slice3A_20, %mul3A_33 : vector<1024x32xf32>
    %get3A_35 = arith.constant 0 : index
    %get3A_36 = arith.constant 0 : index
    %get3A_37 = vector.load %arg3[%get3A_35, %get3A_36] : memref<1024x128xf32, #tpu.memory_space<vmem>>, vector<1024x128xf32>
    %get3A_38 = arith.constant 0 : index
    %get3A_39 = arith.constant 0 : index
    %get3A_40 = vector.load %arg4[%get3A_38, %get3A_39] : memref<128x32xf32, #tpu.memory_space<vmem>>, vector<128x32xf32>
    %dot_general3A = arith.constant dense<0.000000e+00> : vector<1024x32xf32>
    %dot_general3A_41 = tpu.matmul %get3A_37, %get3A_40, %dot_general3A {dimension_numbers = #tpu.dot_dimension_numbers<[1], [0], [0], [1], [0, 0, 1, 1], [], []>, transpose_lhs_hint = false} : vector<1024x128xf32>, vector<128x32xf32>, vector<1024x32xf32> -> vector<1024x32xf32>
    %add3A = arith.addf %mul3A_14, %dot_general3A_41 : vector<1024x32xf32>
    %get3A_42 = arith.constant 0 : index
    %get3A_43 = arith.constant 0 : index
    %get3A_44 = vector.load %arg6[%get3A_42, %get3A_43] : memref<1x32xf32, #tpu.memory_space<vmem>>, vector<1x32xf32>
    %add3A_45 = vector.broadcast %get3A_44 : vector<1x32xf32> to vector<1024x32xf32>
    %add3A_46 = arith.addf %add3A, %add3A_45 : vector<1024x32xf32>
    %tanh3A = math.tanh %add3A_46 : vector<1024x32xf32>
    %get3A_47 = arith.constant 0 : index
    %get3A_48 = arith.constant 0 : index
    %get3A_49 = vector.load %arg5[%get3A_47, %get3A_48] : memref<128x32xf32, #tpu.memory_space<vmem>>, vector<128x32xf32>
    %dot_general3A_50 = arith.constant dense<0.000000e+00> : vector<1024x32xf32>
    %dot_general3A_51 = tpu.matmul %get3A_37, %get3A_49, %dot_general3A_50 {dimension_numbers = #tpu.dot_dimension_numbers<[1], [0], [0], [1], [0, 0, 1, 1], [], []>, transpose_lhs_hint = false} : vector<1024x128xf32>, vector<128x32xf32>, vector<1024x32xf32> -> vector<1024x32xf32>
    %add3A_52 = arith.addf %mul3A_34, %dot_general3A_51 : vector<1024x32xf32>
    %get3A_53 = arith.constant 0 : index
    %get3A_54 = arith.constant 0 : index
    %get3A_55 = vector.load %arg7[%get3A_53, %get3A_54] : memref<1x32xf32, #tpu.memory_space<vmem>>, vector<1x32xf32>
    %add3A_56 = vector.broadcast %get3A_55 : vector<1x32xf32> to vector<1024x32xf32>
    %add3A_57 = arith.addf %add3A_52, %add3A_56 : vector<1024x32xf32>
    %tanh3A_58 = math.tanh %add3A_57 : vector<1024x32xf32>
    %concatenate3A = tpu.concatenate %tanh3A, %tanh3A_58 in 1 : vector<1024x32xf32>, vector<1024x32xf32> -> vector<1024x64xf32>
    %swap3A = arith.constant 0 : index
    %swap3A_59 = arith.constant 0 : index
    %swap3A_60 = vector.load %arg8[%swap3A, %swap3A_59] : memref<1024x64xf32, #tpu.memory_space<vmem>>, vector<1024x64xf32>
    tpu.vector_store %arg8[%swap3A, %swap3A_59], %concatenate3A {strides = array<i32>} : memref<1024x64xf32, #tpu.memory_space<vmem>>, vector<1024x64xf32>,
    return
  }
  func.func @transform_0(%arg0: i32) -> (i32, i32, i32) {
    %c0_i32 = arith.constant 0 : i32
    %c0_i32_0 = arith.constant 0 : i32
    %c0_i32_1 = arith.constant 0 : i32
    return %c0_i32, %arg0, %c0_i32_0 : i32, i32, i32
  }
  func.func @transform_1(%arg0: i32) -> (i32, i32, i32) {
    %c1_i32 = arith.constant 1 : i32
    %c0_i32 = arith.constant 0 : i32
    %c0_i32_0 = arith.constant 0 : i32
    return %c1_i32, %arg0, %c0_i32 : i32, i32, i32
  }
  func.func @transform_2(%arg0: i32) -> (i32, i32) {
    %c0_i32 = arith.constant 0 : i32
    %c0_i32_0 = arith.constant 0 : i32
    return %arg0, %c0_i32 : i32, i32
  }
  func.func @transform_3(%arg0: i32) -> (i32, i32) {
    %c0_i32 = arith.constant 0 : i32
    %c0_i32_0 = arith.constant 0 : i32
    %c0_i32_1 = arith.constant 0 : i32
    return %c0_i32, %c0_i32_0 : i32, i32
  }
  func.func @transform_4(%arg0: i32) -> (i32, i32) {
    %c0_i32 = arith.constant 0 : i32
    %c0_i32_0 = arith.constant 0 : i32
    %c0_i32_1 = arith.constant 0 : i32
    return %c0_i32, %c0_i32_0 : i32, i32
  }
  func.func @transform_5(%arg0: i32) -> (i32, i32) {
    %c0_i32 = arith.constant 0 : i32
    %c0_i32_0 = arith.constant 0 : i32
    %c0_i32_1 = arith.constant 0 : i32
    return %c0_i32, %c0_i32_0 : i32, i32
  }
  func.func @transform_6(%arg0: i32) -> (i32, i32) {
    %c0_i32 = arith.constant 0 : i32
    %c0_i32_0 = arith.constant 0 : i32
    %c0_i32_1 = arith.constant 0 : i32
    return %c0_i32, %c0_i32_0 : i32, i32
  }
  func.func @transform_7(%arg0: i32) -> (i32, i32) {
    %c0_i32 = arith.constant 0 : i32
    %c0_i32_0 = arith.constant 0 : i32
    return %arg0, %c0_i32 : i32, i32
  }
}

module attributes {stable_mosaic.version = 14 : i64} {
  func.func @_deep_dense_body(%arg0: i32, %arg1: memref<1x1024x64xf32, #tpu.memory_space<vmem>>, %arg2: memref<1x1024x64xf32, #tpu.memory_space<vmem>>, %arg3: memref<1x1024x48xf32, #tpu.memory_space<vmem>>, %arg4: memref<1x1024x48xf32, #tpu.memory_space<vmem>>, %arg5: memref<1024x64xf32, #tpu.memory_space<vmem>>, %arg6: memref<224x32xf32, #tpu.memory_space<vmem>>, %arg7: memref<224x32xf32, #tpu.memory_space<vmem>>, %arg8: memref<1x32xf32, #tpu.memory_space<vmem>>, %arg9: memref<1x32xf32, #tpu.memory_space<vmem>>, %arg10: memref<1024x64xf32, #tpu.memory_space<vmem>>) attributes {dimension_semantics = [#tpu.dimension_semantics<arbitrary>], iteration_bounds = array<i64: 10>, scalar_prefetch = 0 : i64, scratch_operands = 0 : i64, tpu.core_type = #tpu.core_type<tc>, window_params = [{transform_indices = @transform_0, window_bounds = array<i64: 1, 1024, 64>}, {transform_indices = @transform_1, window_bounds = array<i64: 1, 1024, 64>}, {transform_indices = @transform_2, window_bounds = array<i64: 1, 1024, 48>}, {transform_indices = @transform_3, window_bounds = array<i64: 1, 1024, 48>}, {transform_indices = @transform_4, window_bounds = array<i64: 1024, 64>}, {pipeline_mode = #tpu.pipeline_mode<synchronous>, transform_indices = @transform_5, window_bounds = array<i64: 224, 32>}, {pipeline_mode = #tpu.pipeline_mode<synchronous>, transform_indices = @transform_6, window_bounds = array<i64: 224, 32>}, {pipeline_mode = #tpu.pipeline_mode<synchronous>, transform_indices = @transform_7, window_bounds = array<i64: 1, 32>}, {pipeline_mode = #tpu.pipeline_mode<synchronous>, transform_indices = @transform_8, window_bounds = array<i64: 1, 32>}, {transform_indices = @transform_9, window_bounds = array<i64: 1024, 64>}]} {
    %get3A = arith.constant 0 : index
    %get3A_0 = arith.constant 0 : index
    %get3A_1 = arith.constant 0 : index
    %get3A_2 = vector.load %arg3[%get3A, %get3A_0, %get3A_1] : memref<1x1024x48xf32, #tpu.memory_space<vmem>>, vector<1x1024x48xf32>
    %get3A_3 = vector.shape_cast %get3A_2 : vector<1x1024x48xf32> to vector<1024x48xf32>
    %slice3A = vector.extract_strided_slice %get3A_3 {offsets = [0, 32], sizes = [1024, 1], strides = [1, 1]} : vector<1024x48xf32> to vector<1024x1xf32>
    %max3A = arith.constant 1.000000e+00 : f32
    %max3A_4 = vector.broadcast %max3A : f32 to vector<1024x1xf32>
    %max3A_5 = arith.maximumf %slice3A, %max3A_4 : vector<1024x1xf32>
    %div3A = arith.constant 1.000000e+00 : f32
    %div3A_6 = vector.broadcast %div3A : f32 to vector<1024x1xf32>
    %div3A_7 = arith.divf %div3A_6, %max3A_5 : vector<1024x1xf32>
    %get3A_8 = arith.constant 0 : index
    %get3A_9 = arith.constant 0 : index
    %get3A_10 = arith.constant 0 : index
    %get3A_11 = vector.load %arg4[%get3A_8, %get3A_9, %get3A_10] : memref<1x1024x48xf32, #tpu.memory_space<vmem>>, vector<1x1024x48xf32>
    %get3A_12 = vector.shape_cast %get3A_11 : vector<1x1024x48xf32> to vector<1024x48xf32>
    %slice3A_13 = vector.extract_strided_slice %get3A_12 {offsets = [0, 32], sizes = [1024, 1], strides = [1, 1]} : vector<1024x48xf32> to vector<1024x1xf32>
    %max3A_14 = arith.constant 1.000000e+00 : f32
    %max3A_15 = vector.broadcast %max3A_14 : f32 to vector<1024x1xf32>
    %max3A_16 = arith.maximumf %slice3A_13, %max3A_15 : vector<1024x1xf32>
    %div3A_17 = arith.constant 1.000000e+00 : f32
    %div3A_18 = vector.broadcast %div3A_17 : f32 to vector<1024x1xf32>
    %div3A_19 = arith.divf %div3A_18, %max3A_16 : vector<1024x1xf32>
    %get3A_20 = arith.constant 0 : index
    %get3A_21 = arith.constant 0 : index
    %get3A_22 = arith.constant 0 : index
    %get3A_23 = vector.load %arg1[%get3A_20, %get3A_21, %get3A_22] : memref<1x1024x64xf32, #tpu.memory_space<vmem>>, vector<1x1024x64xf32>
    %get3A_24 = vector.shape_cast %get3A_23 : vector<1x1024x64xf32> to vector<1024x64xf32>
    %get3A_25 = arith.constant 0 : index
    %get3A_26 = arith.constant 0 : index
    %get3A_27 = arith.constant 0 : index
    %get3A_28 = vector.load %arg2[%get3A_25, %get3A_26, %get3A_27] : memref<1x1024x64xf32, #tpu.memory_space<vmem>>, vector<1x1024x64xf32>
    %get3A_29 = vector.shape_cast %get3A_28 : vector<1x1024x64xf32> to vector<1024x64xf32>
    %get3A_30 = arith.constant 0 : index
    %get3A_31 = arith.constant 0 : index
    %get3A_32 = vector.load %arg5[%get3A_30, %get3A_31] : memref<1024x64xf32, #tpu.memory_space<vmem>>, vector<1024x64xf32>
    %slice3A_33 = vector.extract_strided_slice %get3A_32 {offsets = [0, 0], sizes = [1024, 32], strides = [1, 1]} : vector<1024x64xf32> to vector<1024x32xf32>
    %slice3A_34 = vector.extract_strided_slice %get3A_32 {offsets = [0, 32], sizes = [1024, 32], strides = [1, 1]} : vector<1024x64xf32> to vector<1024x32xf32>
    %slice3A_35 = vector.extract_strided_slice %get3A_24 {offsets = [0, 0], sizes = [1024, 32], strides = [1, 1]} : vector<1024x64xf32> to vector<1024x32xf32>
    %mul3A = vector.broadcast %div3A_7 : vector<1024x1xf32> to vector<1024x32xf32>
    %mul3A_36 = arith.mulf %slice3A_35, %mul3A : vector<1024x32xf32>
    %slice3A_37 = vector.extract_strided_slice %get3A_29 {offsets = [0, 32], sizes = [1024, 32], strides = [1, 1]} : vector<1024x64xf32> to vector<1024x32xf32>
    %mul3A_38 = vector.broadcast %div3A_19 : vector<1024x1xf32> to vector<1024x32xf32>
    %mul3A_39 = arith.mulf %slice3A_37, %mul3A_38 : vector<1024x32xf32>
    %slice3A_40 = vector.extract_strided_slice %get3A_24 {offsets = [0, 32], sizes = [1024, 32], strides = [1, 1]} : vector<1024x64xf32> to vector<1024x32xf32>
    %mul3A_41 = vector.broadcast %div3A_7 : vector<1024x1xf32> to vector<1024x32xf32>
    %mul3A_42 = arith.mulf %slice3A_40, %mul3A_41 : vector<1024x32xf32>
    %slice3A_43 = vector.extract_strided_slice %get3A_29 {offsets = [0, 0], sizes = [1024, 32], strides = [1, 1]} : vector<1024x64xf32> to vector<1024x32xf32>
    %mul3A_44 = vector.broadcast %div3A_19 : vector<1024x1xf32> to vector<1024x32xf32>
    %mul3A_45 = arith.mulf %slice3A_43, %mul3A_44 : vector<1024x32xf32>
    %add3A = arith.addf %slice3A_33, %slice3A_34 : vector<1024x32xf32>
    %mul3A_46 = arith.constant 5.000000e-01 : f32
    %mul3A_47 = vector.broadcast %mul3A_46 : f32 to vector<1024x32xf32>
    %mul3A_48 = arith.mulf %mul3A_47, %add3A : vector<1024x32xf32>
    %concatenate3A = tpu.concatenate %mul3A_36, %mul3A_39, %mul3A_42, %mul3A_45, %slice3A_33, %slice3A_34, %mul3A_48 in 1 : vector<1024x32xf32>, vector<1024x32xf32>, vector<1024x32xf32>, vector<1024x32xf32>, vector<1024x32xf32>, vector<1024x32xf32>, vector<1024x32xf32> -> vector<1024x224xf32>
    %get3A_49 = arith.constant 0 : index
    %get3A_50 = arith.constant 0 : index
    %get3A_51 = vector.load %arg6[%get3A_49, %get3A_50] : memref<224x32xf32, #tpu.memory_space<vmem>>, vector<224x32xf32>
    %dot_general3A = arith.constant dense<0.000000e+00> : vector<1024x32xf32>
    %dot_general3A_52 = tpu.matmul %concatenate3A, %get3A_51, %dot_general3A {dimension_numbers = #tpu.dot_dimension_numbers<[1], [0], [0], [1], [0, 0, 1, 1], [], []>, transpose_lhs_hint = false} : vector<1024x224xf32>, vector<224x32xf32>, vector<1024x32xf32> -> vector<1024x32xf32>
    %get3A_53 = arith.constant 0 : index
    %get3A_54 = arith.constant 0 : index
    %get3A_55 = vector.load %arg8[%get3A_53, %get3A_54] : memref<1x32xf32, #tpu.memory_space<vmem>>, vector<1x32xf32>
    %add3A_56 = vector.broadcast %get3A_55 : vector<1x32xf32> to vector<1024x32xf32>
    %add3A_57 = arith.addf %dot_general3A_52, %add3A_56 : vector<1024x32xf32>
    %tanh3A = math.tanh %add3A_57 : vector<1024x32xf32>
    %get3A_58 = arith.constant 0 : index
    %get3A_59 = arith.constant 0 : index
    %get3A_60 = vector.load %arg7[%get3A_58, %get3A_59] : memref<224x32xf32, #tpu.memory_space<vmem>>, vector<224x32xf32>
    %dot_general3A_61 = arith.constant dense<0.000000e+00> : vector<1024x32xf32>
    %dot_general3A_62 = tpu.matmul %concatenate3A, %get3A_60, %dot_general3A_61 {dimension_numbers = #tpu.dot_dimension_numbers<[1], [0], [0], [1], [0, 0, 1, 1], [], []>, transpose_lhs_hint = false} : vector<1024x224xf32>, vector<224x32xf32>, vector<1024x32xf32> -> vector<1024x32xf32>
    %get3A_63 = arith.constant 0 : index
    %get3A_64 = arith.constant 0 : index
    %get3A_65 = vector.load %arg9[%get3A_63, %get3A_64] : memref<1x32xf32, #tpu.memory_space<vmem>>, vector<1x32xf32>
    %add3A_66 = vector.broadcast %get3A_65 : vector<1x32xf32> to vector<1024x32xf32>
    %add3A_67 = arith.addf %dot_general3A_62, %add3A_66 : vector<1024x32xf32>
    %tanh3A_68 = math.tanh %add3A_67 : vector<1024x32xf32>
    %concatenate3A_69 = tpu.concatenate %tanh3A, %tanh3A_68 in 1 : vector<1024x32xf32>, vector<1024x32xf32> -> vector<1024x64xf32>
    %swap3A = arith.constant 0 : index
    %swap3A_70 = arith.constant 0 : index
    %swap3A_71 = vector.load %arg10[%swap3A, %swap3A_70] : memref<1024x64xf32, #tpu.memory_space<vmem>>, vector<1024x64xf32>
    tpu.vector_store %arg10[%swap3A, %swap3A_70], %concatenate3A_69 {strides = array<i32>} : memref<1024x64xf32, #tpu.memory_space<vmem>>, vector<1024x64xf32>,
    return
  }
  func.func @transform_0(%arg0: i32) -> (i32, i32, i32) {
    %c0_i32 = arith.constant 0 : i32
    %c0_i32_0 = arith.constant 0 : i32
    %c0_i32_1 = arith.constant 0 : i32
    return %c0_i32, %arg0, %c0_i32_0 : i32, i32, i32
  }
  func.func @transform_1(%arg0: i32) -> (i32, i32, i32) {
    %c1_i32 = arith.constant 1 : i32
    %c0_i32 = arith.constant 0 : i32
    %c0_i32_0 = arith.constant 0 : i32
    return %c1_i32, %arg0, %c0_i32 : i32, i32, i32
  }
  func.func @transform_2(%arg0: i32) -> (i32, i32, i32) {
    %c0_i32 = arith.constant 0 : i32
    %c0_i32_0 = arith.constant 0 : i32
    %c0_i32_1 = arith.constant 0 : i32
    return %c0_i32, %arg0, %c0_i32_0 : i32, i32, i32
  }
  func.func @transform_3(%arg0: i32) -> (i32, i32, i32) {
    %c1_i32 = arith.constant 1 : i32
    %c0_i32 = arith.constant 0 : i32
    %c0_i32_0 = arith.constant 0 : i32
    return %c1_i32, %arg0, %c0_i32 : i32, i32, i32
  }
  func.func @transform_4(%arg0: i32) -> (i32, i32) {
    %c0_i32 = arith.constant 0 : i32
    %c0_i32_0 = arith.constant 0 : i32
    return %arg0, %c0_i32 : i32, i32
  }
  func.func @transform_5(%arg0: i32) -> (i32, i32) {
    %c0_i32 = arith.constant 0 : i32
    %c0_i32_0 = arith.constant 0 : i32
    %c0_i32_1 = arith.constant 0 : i32
    return %c0_i32, %c0_i32_0 : i32, i32
  }
  func.func @transform_6(%arg0: i32) -> (i32, i32) {
    %c0_i32 = arith.constant 0 : i32
    %c0_i32_0 = arith.constant 0 : i32
    %c0_i32_1 = arith.constant 0 : i32
    return %c0_i32, %c0_i32_0 : i32, i32
  }
  func.func @transform_7(%arg0: i32) -> (i32, i32) {
    %c0_i32 = arith.constant 0 : i32
    %c0_i32_0 = arith.constant 0 : i32
    %c0_i32_1 = arith.constant 0 : i32
    return %c0_i32, %c0_i32_0 : i32, i32
  }
  func.func @transform_8(%arg0: i32) -> (i32, i32) {
    %c0_i32 = arith.constant 0 : i32
    %c0_i32_0 = arith.constant 0 : i32
    %c0_i32_1 = arith.constant 0 : i32
    return %c0_i32, %c0_i32_0 : i32, i32
  }
  func.func @transform_9(%arg0: i32) -> (i32, i32) {
    %c0_i32 = arith.constant 0 : i32
    %c0_i32_0 = arith.constant 0 : i32
    return %arg0, %c0_i32 : i32, i32
  }
}

module attributes {stable_mosaic.version = 14 : i64} {
  func.func @_deep_lstm_body(%arg0: i32, %arg1: memref<1x1024x64xf32, #tpu.memory_space<vmem>>, %arg2: memref<1x1024x64xf32, #tpu.memory_space<vmem>>, %arg3: memref<1x1024x48xf32, #tpu.memory_space<vmem>>, %arg4: memref<1x1024x48xf32, #tpu.memory_space<vmem>>, %arg5: memref<1024x64xf32, #tpu.memory_space<vmem>>, %arg6: memref<224x32xf32, #tpu.memory_space<vmem>>, %arg7: memref<224x32xf32, #tpu.memory_space<vmem>>, %arg8: memref<1x32xf32, #tpu.memory_space<vmem>>, %arg9: memref<1x32xf32, #tpu.memory_space<vmem>>, %arg10: memref<5x64x256xf32, #tpu.memory_space<vmem>>, %arg11: memref<5x64x256xf32, #tpu.memory_space<vmem>>, %arg12: memref<5x1x256xf32, #tpu.memory_space<vmem>>, %arg13: memref<1024x64xf32, #tpu.memory_space<vmem>>) attributes {dimension_semantics = [#tpu.dimension_semantics<arbitrary>], iteration_bounds = array<i64: 10>, scalar_prefetch = 0 : i64, scratch_operands = 0 : i64, tpu.core_type = #tpu.core_type<tc>, window_params = [{transform_indices = @transform_0, window_bounds = array<i64: 1, 1024, 64>}, {transform_indices = @transform_1, window_bounds = array<i64: 1, 1024, 64>}, {transform_indices = @transform_2, window_bounds = array<i64: 1, 1024, 48>}, {transform_indices = @transform_3, window_bounds = array<i64: 1, 1024, 48>}, {transform_indices = @transform_4, window_bounds = array<i64: 1024, 64>}, {pipeline_mode = #tpu.pipeline_mode<synchronous>, transform_indices = @transform_5, window_bounds = array<i64: 224, 32>}, {pipeline_mode = #tpu.pipeline_mode<synchronous>, transform_indices = @transform_6, window_bounds = array<i64: 224, 32>}, {pipeline_mode = #tpu.pipeline_mode<synchronous>, transform_indices = @transform_7, window_bounds = array<i64: 1, 32>}, {pipeline_mode = #tpu.pipeline_mode<synchronous>, transform_indices = @transform_8, window_bounds = array<i64: 1, 32>}, {pipeline_mode = #tpu.pipeline_mode<synchronous>, transform_indices = @transform_9, window_bounds = array<i64: 5, 64, 256>}, {pipeline_mode = #tpu.pipeline_mode<synchronous>, transform_indices = @transform_10, window_bounds = array<i64: 5, 64, 256>}, {pipeline_mode = #tpu.pipeline_mode<synchronous>, transform_indices = @transform_11, window_bounds = array<i64: 5, 1, 256>}, {transform_indices = @transform_12, window_bounds = array<i64: 1024, 64>}]} {
    %get3A = arith.constant 0 : index
    %get3A_0 = arith.constant 0 : index
    %get3A_1 = arith.constant 0 : index
    %get3A_2 = vector.load %arg3[%get3A, %get3A_0, %get3A_1] : memref<1x1024x48xf32, #tpu.memory_space<vmem>>, vector<1x1024x48xf32>
    %get3A_3 = vector.shape_cast %get3A_2 : vector<1x1024x48xf32> to vector<1024x48xf32>
    %slice3A = vector.extract_strided_slice %get3A_3 {offsets = [0, 32], sizes = [1024, 1], strides = [1, 1]} : vector<1024x48xf32> to vector<1024x1xf32>
    %max3A = arith.constant 1.000000e+00 : f32
    %max3A_4 = vector.broadcast %max3A : f32 to vector<1024x1xf32>
    %max3A_5 = arith.maximumf %slice3A, %max3A_4 : vector<1024x1xf32>
    %div3A = arith.constant 1.000000e+00 : f32
    %div3A_6 = vector.broadcast %div3A : f32 to vector<1024x1xf32>
    %div3A_7 = arith.divf %div3A_6, %max3A_5 : vector<1024x1xf32>
    %get3A_8 = arith.constant 0 : index
    %get3A_9 = arith.constant 0 : index
    %get3A_10 = arith.constant 0 : index
    %get3A_11 = vector.load %arg4[%get3A_8, %get3A_9, %get3A_10] : memref<1x1024x48xf32, #tpu.memory_space<vmem>>, vector<1x1024x48xf32>
    %get3A_12 = vector.shape_cast %get3A_11 : vector<1x1024x48xf32> to vector<1024x48xf32>
    %slice3A_13 = vector.extract_strided_slice %get3A_12 {offsets = [0, 32], sizes = [1024, 1], strides = [1, 1]} : vector<1024x48xf32> to vector<1024x1xf32>
    %max3A_14 = arith.constant 1.000000e+00 : f32
    %max3A_15 = vector.broadcast %max3A_14 : f32 to vector<1024x1xf32>
    %max3A_16 = arith.maximumf %slice3A_13, %max3A_15 : vector<1024x1xf32>
    %div3A_17 = arith.constant 1.000000e+00 : f32
    %div3A_18 = vector.broadcast %div3A_17 : f32 to vector<1024x1xf32>
    %div3A_19 = arith.divf %div3A_18, %max3A_16 : vector<1024x1xf32>
    %get3A_20 = arith.constant 0 : index
    %get3A_21 = arith.constant 0 : index
    %get3A_22 = arith.constant 0 : index
    %get3A_23 = vector.load %arg1[%get3A_20, %get3A_21, %get3A_22] : memref<1x1024x64xf32, #tpu.memory_space<vmem>>, vector<1x1024x64xf32>
    %get3A_24 = vector.shape_cast %get3A_23 : vector<1x1024x64xf32> to vector<1024x64xf32>
    %get3A_25 = arith.constant 0 : index
    %get3A_26 = arith.constant 0 : index
    %get3A_27 = arith.constant 0 : index
    %get3A_28 = vector.load %arg2[%get3A_25, %get3A_26, %get3A_27] : memref<1x1024x64xf32, #tpu.memory_space<vmem>>, vector<1x1024x64xf32>
    %get3A_29 = vector.shape_cast %get3A_28 : vector<1x1024x64xf32> to vector<1024x64xf32>
    %get3A_30 = arith.constant 0 : index
    %get3A_31 = arith.constant 0 : index
    %get3A_32 = vector.load %arg5[%get3A_30, %get3A_31] : memref<1024x64xf32, #tpu.memory_space<vmem>>, vector<1024x64xf32>
    %slice3A_33 = vector.extract_strided_slice %get3A_32 {offsets = [0, 0], sizes = [1024, 32], strides = [1, 1]} : vector<1024x64xf32> to vector<1024x32xf32>
    %slice3A_34 = vector.extract_strided_slice %get3A_32 {offsets = [0, 32], sizes = [1024, 32], strides = [1, 1]} : vector<1024x64xf32> to vector<1024x32xf32>
    %slice3A_35 = vector.extract_strided_slice %get3A_24 {offsets = [0, 0], sizes = [1024, 32], strides = [1, 1]} : vector<1024x64xf32> to vector<1024x32xf32>
    %mul3A = vector.broadcast %div3A_7 : vector<1024x1xf32> to vector<1024x32xf32>
    %mul3A_36 = arith.mulf %slice3A_35, %mul3A : vector<1024x32xf32>
    %slice3A_37 = vector.extract_strided_slice %get3A_29 {offsets = [0, 32], sizes = [1024, 32], strides = [1, 1]} : vector<1024x64xf32> to vector<1024x32xf32>
    %mul3A_38 = vector.broadcast %div3A_19 : vector<1024x1xf32> to vector<1024x32xf32>
    %mul3A_39 = arith.mulf %slice3A_37, %mul3A_38 : vector<1024x32xf32>
    %slice3A_40 = vector.extract_strided_slice %get3A_24 {offsets = [0, 32], sizes = [1024, 32], strides = [1, 1]} : vector<1024x64xf32> to vector<1024x32xf32>
    %mul3A_41 = vector.broadcast %div3A_7 : vector<1024x1xf32> to vector<1024x32xf32>
    %mul3A_42 = arith.mulf %slice3A_40, %mul3A_41 : vector<1024x32xf32>
    %slice3A_43 = vector.extract_strided_slice %get3A_29 {offsets = [0, 0], sizes = [1024, 32], strides = [1, 1]} : vector<1024x64xf32> to vector<1024x32xf32>
    %mul3A_44 = vector.broadcast %div3A_19 : vector<1024x1xf32> to vector<1024x32xf32>
    %mul3A_45 = arith.mulf %slice3A_43, %mul3A_44 : vector<1024x32xf32>
    %add3A = arith.addf %slice3A_33, %slice3A_34 : vector<1024x32xf32>
    %mul3A_46 = arith.constant 5.000000e-01 : f32
    %mul3A_47 = vector.broadcast %mul3A_46 : f32 to vector<1024x32xf32>
    %mul3A_48 = arith.mulf %mul3A_47, %add3A : vector<1024x32xf32>
    %concatenate3A = tpu.concatenate %mul3A_36, %mul3A_39, %mul3A_42, %mul3A_45, %slice3A_33, %slice3A_34, %mul3A_48 in 1 : vector<1024x32xf32>, vector<1024x32xf32>, vector<1024x32xf32>, vector<1024x32xf32>, vector<1024x32xf32>, vector<1024x32xf32>, vector<1024x32xf32> -> vector<1024x224xf32>
    %get3A_49 = arith.constant 0 : index
    %get3A_50 = arith.constant 0 : index
    %get3A_51 = vector.load %arg6[%get3A_49, %get3A_50] : memref<224x32xf32, #tpu.memory_space<vmem>>, vector<224x32xf32>
    %dot_general3A = arith.constant dense<0.000000e+00> : vector<1024x32xf32>
    %dot_general3A_52 = tpu.matmul %concatenate3A, %get3A_51, %dot_general3A {dimension_numbers = #tpu.dot_dimension_numbers<[1], [0], [0], [1], [0, 0, 1, 1], [], []>, transpose_lhs_hint = false} : vector<1024x224xf32>, vector<224x32xf32>, vector<1024x32xf32> -> vector<1024x32xf32>
    %get3A_53 = arith.constant 0 : index
    %get3A_54 = arith.constant 0 : index
    %get3A_55 = vector.load %arg8[%get3A_53, %get3A_54] : memref<1x32xf32, #tpu.memory_space<vmem>>, vector<1x32xf32>
    %add3A_56 = vector.broadcast %get3A_55 : vector<1x32xf32> to vector<1024x32xf32>
    %add3A_57 = arith.addf %dot_general3A_52, %add3A_56 : vector<1024x32xf32>
    %tanh3A = math.tanh %add3A_57 : vector<1024x32xf32>
    %get3A_58 = arith.constant 0 : index
    %get3A_59 = arith.constant 0 : index
    %get3A_60 = vector.load %arg7[%get3A_58, %get3A_59] : memref<224x32xf32, #tpu.memory_space<vmem>>, vector<224x32xf32>
    %dot_general3A_61 = arith.constant dense<0.000000e+00> : vector<1024x32xf32>
    %dot_general3A_62 = tpu.matmul %concatenate3A, %get3A_60, %dot_general3A_61 {dimension_numbers = #tpu.dot_dimension_numbers<[1], [0], [0], [1], [0, 0, 1, 1], [], []>, transpose_lhs_hint = false} : vector<1024x224xf32>, vector<224x32xf32>, vector<1024x32xf32> -> vector<1024x32xf32>
    %get3A_63 = arith.constant 0 : index
    %get3A_64 = arith.constant 0 : index
    %get3A_65 = vector.load %arg9[%get3A_63, %get3A_64] : memref<1x32xf32, #tpu.memory_space<vmem>>, vector<1x32xf32>
    %add3A_66 = vector.broadcast %get3A_65 : vector<1x32xf32> to vector<1024x32xf32>
    %add3A_67 = arith.addf %dot_general3A_62, %add3A_66 : vector<1024x32xf32>
    %tanh3A_68 = math.tanh %add3A_67 : vector<1024x32xf32>
    %concatenate3A_69 = tpu.concatenate %tanh3A, %tanh3A_68 in 1 : vector<1024x32xf32>, vector<1024x32xf32> -> vector<1024x64xf32>
    %get3A_70 = arith.constant 0 : index
    %get3A_71 = arith.constant 0 : index
    %get3A_72 = arith.constant 0 : index
    %get3A_73 = vector.load %arg10[%get3A_70, %get3A_71, %get3A_72] : memref<5x64x256xf32, #tpu.memory_space<vmem>>, vector<5x64x256xf32>
    %get3A_74 = arith.constant 0 : index
    %get3A_75 = arith.constant 0 : index
    %get3A_76 = arith.constant 0 : index
    %get3A_77 = vector.load %arg11[%get3A_74, %get3A_75, %get3A_76] : memref<5x64x256xf32, #tpu.memory_space<vmem>>, vector<5x64x256xf32>
    %get3A_78 = arith.constant 0 : index
    %get3A_79 = arith.constant 0 : index
    %get3A_80 = arith.constant 0 : index
    %get3A_81 = vector.load %arg12[%get3A_78, %get3A_79, %get3A_80] : memref<5x1x256xf32, #tpu.memory_space<vmem>>, vector<5x1x256xf32>
    %broadcast_in_dim3A = arith.constant 0.000000e+00 : f32
    %broadcast_in_dim3A_82 = vector.broadcast %broadcast_in_dim3A : f32 to vector<1024x64xf32>
    %broadcast_in_dim3A_83 = arith.constant 0.000000e+00 : f32
    %broadcast_in_dim3A_84 = vector.broadcast %broadcast_in_dim3A_83 : f32 to vector<1024x64xf32>
    %slice3A_85 = vector.extract_strided_slice %get3A_73 {offsets = [0, 0, 0], sizes = [1, 64, 256], strides = [1, 1, 1]} : vector<5x64x256xf32> to vector<1x64x256xf32>
    %squeeze3A = vector.shape_cast %slice3A_85 : vector<1x64x256xf32> to vector<64x256xf32>
    %dot_general3A_86 = arith.constant dense<0.000000e+00> : vector<1024x256xf32>
    %dot_general3A_87 = tpu.matmul %concatenate3A_69, %squeeze3A, %dot_general3A_86 {dimension_numbers = #tpu.dot_dimension_numbers<[1], [0], [0], [1], [0, 0, 1, 1], [], []>, transpose_lhs_hint = false} : vector<1024x64xf32>, vector<64x256xf32>, vector<1024x256xf32> -> vector<1024x256xf32>
    %slice3A_88 = vector.extract_strided_slice %get3A_77 {offsets = [0, 0, 0], sizes = [1, 64, 256], strides = [1, 1, 1]} : vector<5x64x256xf32> to vector<1x64x256xf32>
    %squeeze3A_89 = vector.shape_cast %slice3A_88 : vector<1x64x256xf32> to vector<64x256xf32>
    %dot_general3A_90 = arith.constant dense<0.000000e+00> : vector<1024x256xf32>
    %dot_general3A_91 = tpu.matmul %broadcast_in_dim3A_82, %squeeze3A_89, %dot_general3A_90 {dimension_numbers = #tpu.dot_dimension_numbers<[1], [0], [0], [1], [0, 0, 1, 1], [], []>, transpose_lhs_hint = false} : vector<1024x64xf32>, vector<64x256xf32>, vector<1024x256xf32> -> vector<1024x256xf32>
    %add3A_92 = arith.addf %dot_general3A_87, %dot_general3A_91 : vector<1024x256xf32>
    %slice3A_93 = vector.extract_strided_slice %get3A_81 {offsets = [0, 0, 0], sizes = [1, 1, 256], strides = [1, 1, 1]} : vector<5x1x256xf32> to vector<1x1x256xf32>
    %squeeze3A_94 = vector.shape_cast %slice3A_93 : vector<1x1x256xf32> to vector<1x256xf32>
    %add3A_95 = vector.broadcast %squeeze3A_94 : vector<1x256xf32> to vector<1024x256xf32>
    %add3A_96 = arith.addf %add3A_92, %add3A_95 : vector<1024x256xf32>
    %slice3A_97 = vector.extract_strided_slice %add3A_96 {offsets = [0, 0], sizes = [1024, 64], strides = [1, 1]} : vector<1024x256xf32> to vector<1024x64xf32>
    %logistic3A = arith.negf %slice3A_97 : vector<1024x64xf32>
    %logistic3A_98 = math.exp %logistic3A : vector<1024x64xf32>
    %logistic3A_99 = arith.constant 1.000000e+00 : f32
    %logistic3A_100 = vector.broadcast %logistic3A_99 : f32 to vector<1024x64xf32>
    %logistic3A_101 = arith.addf %logistic3A_100, %logistic3A_98 : vector<1024x64xf32>
    %logistic3A_102 = arith.divf %logistic3A_100, %logistic3A_101 : vector<1024x64xf32>
    %slice3A_103 = vector.extract_strided_slice %add3A_96 {offsets = [0, 64], sizes = [1024, 64], strides = [1, 1]} : vector<1024x256xf32> to vector<1024x64xf32>
    %logistic3A_104 = arith.negf %slice3A_103 : vector<1024x64xf32>
    %logistic3A_105 = math.exp %logistic3A_104 : vector<1024x64xf32>
    %logistic3A_106 = arith.constant 1.000000e+00 : f32
    %logistic3A_107 = vector.broadcast %logistic3A_106 : f32 to vector<1024x64xf32>
    %logistic3A_108 = arith.addf %logistic3A_107, %logistic3A_105 : vector<1024x64xf32>
    %logistic3A_109 = arith.divf %logistic3A_107, %logistic3A_108 : vector<1024x64xf32>
    %slice3A_110 = vector.extract_strided_slice %add3A_96 {offsets = [0, 128], sizes = [1024, 64], strides = [1, 1]} : vector<1024x256xf32> to vector<1024x64xf32>
    %tanh3A_111 = math.tanh %slice3A_110 : vector<1024x64xf32>
    %slice3A_112 = vector.extract_strided_slice %add3A_96 {offsets = [0, 192], sizes = [1024, 64], strides = [1, 1]} : vector<1024x256xf32> to vector<1024x64xf32>
    %logistic3A_113 = arith.negf %slice3A_112 : vector<1024x64xf32>
    %logistic3A_114 = math.exp %logistic3A_113 : vector<1024x64xf32>
    %logistic3A_115 = arith.constant 1.000000e+00 : f32
    %logistic3A_116 = vector.broadcast %logistic3A_115 : f32 to vector<1024x64xf32>
    %logistic3A_117 = arith.addf %logistic3A_116, %logistic3A_114 : vector<1024x64xf32>
    %logistic3A_118 = arith.divf %logistic3A_116, %logistic3A_117 : vector<1024x64xf32>
    %mul3A_119 = arith.mulf %logistic3A_109, %broadcast_in_dim3A_84 : vector<1024x64xf32>
    %mul3A_120 = arith.mulf %logistic3A_102, %tanh3A_111 : vector<1024x64xf32>
    %add3A_121 = arith.addf %mul3A_119, %mul3A_120 : vector<1024x64xf32>
    %tanh3A_122 = math.tanh %add3A_121 : vector<1024x64xf32>
    %mul3A_123 = arith.mulf %logistic3A_118, %tanh3A_122 : vector<1024x64xf32>
    %slice3A_124 = vector.extract_strided_slice %get3A_73 {offsets = [1, 0, 0], sizes = [1, 64, 256], strides = [1, 1, 1]} : vector<5x64x256xf32> to vector<1x64x256xf32>
    %squeeze3A_125 = vector.shape_cast %slice3A_124 : vector<1x64x256xf32> to vector<64x256xf32>
    %dot_general3A_126 = arith.constant dense<0.000000e+00> : vector<1024x256xf32>
    %dot_general3A_127 = tpu.matmul %concatenate3A_69, %squeeze3A_125, %dot_general3A_126 {dimension_numbers = #tpu.dot_dimension_numbers<[1], [0], [0], [1], [0, 0, 1, 1], [], []>, transpose_lhs_hint = false} : vector<1024x64xf32>, vector<64x256xf32>, vector<1024x256xf32> -> vector<1024x256xf32>
    %slice3A_128 = vector.extract_strided_slice %get3A_77 {offsets = [1, 0, 0], sizes = [1, 64, 256], strides = [1, 1, 1]} : vector<5x64x256xf32> to vector<1x64x256xf32>
    %squeeze3A_129 = vector.shape_cast %slice3A_128 : vector<1x64x256xf32> to vector<64x256xf32>
    %dot_general3A_130 = arith.constant dense<0.000000e+00> : vector<1024x256xf32>
    %dot_general3A_131 = tpu.matmul %mul3A_123, %squeeze3A_129, %dot_general3A_130 {dimension_numbers = #tpu.dot_dimension_numbers<[1], [0], [0], [1], [0, 0, 1, 1], [], []>, transpose_lhs_hint = false} : vector<1024x64xf32>, vector<64x256xf32>, vector<1024x256xf32> -> vector<1024x256xf32>
    %add3A_132 = arith.addf %dot_general3A_127, %dot_general3A_131 : vector<1024x256xf32>
    %slice3A_133 = vector.extract_strided_slice %get3A_81 {offsets = [1, 0, 0], sizes = [1, 1, 256], strides = [1, 1, 1]} : vector<5x1x256xf32> to vector<1x1x256xf32>
    %squeeze3A_134 = vector.shape_cast %slice3A_133 : vector<1x1x256xf32> to vector<1x256xf32>
    %add3A_135 = vector.broadcast %squeeze3A_134 : vector<1x256xf32> to vector<1024x256xf32>
    %add3A_136 = arith.addf %add3A_132, %add3A_135 : vector<1024x256xf32>
    %slice3A_137 = vector.extract_strided_slice %add3A_136 {offsets = [0, 0], sizes = [1024, 64], strides = [1, 1]} : vector<1024x256xf32> to vector<1024x64xf32>
    %logistic3A_138 = arith.negf %slice3A_137 : vector<1024x64xf32>
    %logistic3A_139 = math.exp %logistic3A_138 : vector<1024x64xf32>
    %logistic3A_140 = arith.constant 1.000000e+00 : f32
    %logistic3A_141 = vector.broadcast %logistic3A_140 : f32 to vector<1024x64xf32>
    %logistic3A_142 = arith.addf %logistic3A_141, %logistic3A_139 : vector<1024x64xf32>
    %logistic3A_143 = arith.divf %logistic3A_141, %logistic3A_142 : vector<1024x64xf32>
    %slice3A_144 = vector.extract_strided_slice %add3A_136 {offsets = [0, 64], sizes = [1024, 64], strides = [1, 1]} : vector<1024x256xf32> to vector<1024x64xf32>
    %logistic3A_145 = arith.negf %slice3A_144 : vector<1024x64xf32>
    %logistic3A_146 = math.exp %logistic3A_145 : vector<1024x64xf32>
    %logistic3A_147 = arith.constant 1.000000e+00 : f32
    %logistic3A_148 = vector.broadcast %logistic3A_147 : f32 to vector<1024x64xf32>
    %logistic3A_149 = arith.addf %logistic3A_148, %logistic3A_146 : vector<1024x64xf32>
    %logistic3A_150 = arith.divf %logistic3A_148, %logistic3A_149 : vector<1024x64xf32>
    %slice3A_151 = vector.extract_strided_slice %add3A_136 {offsets = [0, 128], sizes = [1024, 64], strides = [1, 1]} : vector<1024x256xf32> to vector<1024x64xf32>
    %tanh3A_152 = math.tanh %slice3A_151 : vector<1024x64xf32>
    %slice3A_153 = vector.extract_strided_slice %add3A_136 {offsets = [0, 192], sizes = [1024, 64], strides = [1, 1]} : vector<1024x256xf32> to vector<1024x64xf32>
    %logistic3A_154 = arith.negf %slice3A_153 : vector<1024x64xf32>
    %logistic3A_155 = math.exp %logistic3A_154 : vector<1024x64xf32>
    %logistic3A_156 = arith.constant 1.000000e+00 : f32
    %logistic3A_157 = vector.broadcast %logistic3A_156 : f32 to vector<1024x64xf32>
    %logistic3A_158 = arith.addf %logistic3A_157, %logistic3A_155 : vector<1024x64xf32>
    %logistic3A_159 = arith.divf %logistic3A_157, %logistic3A_158 : vector<1024x64xf32>
    %mul3A_160 = arith.mulf %logistic3A_150, %add3A_121 : vector<1024x64xf32>
    %mul3A_161 = arith.mulf %logistic3A_143, %tanh3A_152 : vector<1024x64xf32>
    %add3A_162 = arith.addf %mul3A_160, %mul3A_161 : vector<1024x64xf32>
    %tanh3A_163 = math.tanh %add3A_162 : vector<1024x64xf32>
    %mul3A_164 = arith.mulf %logistic3A_159, %tanh3A_163 : vector<1024x64xf32>
    %slice3A_165 = vector.extract_strided_slice %get3A_73 {offsets = [2, 0, 0], sizes = [1, 64, 256], strides = [1, 1, 1]} : vector<5x64x256xf32> to vector<1x64x256xf32>
    %squeeze3A_166 = vector.shape_cast %slice3A_165 : vector<1x64x256xf32> to vector<64x256xf32>
    %dot_general3A_167 = arith.constant dense<0.000000e+00> : vector<1024x256xf32>
    %dot_general3A_168 = tpu.matmul %concatenate3A_69, %squeeze3A_166, %dot_general3A_167 {dimension_numbers = #tpu.dot_dimension_numbers<[1], [0], [0], [1], [0, 0, 1, 1], [], []>, transpose_lhs_hint = false} : vector<1024x64xf32>, vector<64x256xf32>, vector<1024x256xf32> -> vector<1024x256xf32>
    %slice3A_169 = vector.extract_strided_slice %get3A_77 {offsets = [2, 0, 0], sizes = [1, 64, 256], strides = [1, 1, 1]} : vector<5x64x256xf32> to vector<1x64x256xf32>
    %squeeze3A_170 = vector.shape_cast %slice3A_169 : vector<1x64x256xf32> to vector<64x256xf32>
    %dot_general3A_171 = arith.constant dense<0.000000e+00> : vector<1024x256xf32>
    %dot_general3A_172 = tpu.matmul %mul3A_164, %squeeze3A_170, %dot_general3A_171 {dimension_numbers = #tpu.dot_dimension_numbers<[1], [0], [0], [1], [0, 0, 1, 1], [], []>, transpose_lhs_hint = false} : vector<1024x64xf32>, vector<64x256xf32>, vector<1024x256xf32> -> vector<1024x256xf32>
    %add3A_173 = arith.addf %dot_general3A_168, %dot_general3A_172 : vector<1024x256xf32>
    %slice3A_174 = vector.extract_strided_slice %get3A_81 {offsets = [2, 0, 0], sizes = [1, 1, 256], strides = [1, 1, 1]} : vector<5x1x256xf32> to vector<1x1x256xf32>
    %squeeze3A_175 = vector.shape_cast %slice3A_174 : vector<1x1x256xf32> to vector<1x256xf32>
    %add3A_176 = vector.broadcast %squeeze3A_175 : vector<1x256xf32> to vector<1024x256xf32>
    %add3A_177 = arith.addf %add3A_173, %add3A_176 : vector<1024x256xf32>
    %slice3A_178 = vector.extract_strided_slice %add3A_177 {offsets = [0, 0], sizes = [1024, 64], strides = [1, 1]} : vector<1024x256xf32> to vector<1024x64xf32>
    %logistic3A_179 = arith.negf %slice3A_178 : vector<1024x64xf32>
    %logistic3A_180 = math.exp %logistic3A_179 : vector<1024x64xf32>
    %logistic3A_181 = arith.constant 1.000000e+00 : f32
    %logistic3A_182 = vector.broadcast %logistic3A_181 : f32 to vector<1024x64xf32>
    %logistic3A_183 = arith.addf %logistic3A_182, %logistic3A_180 : vector<1024x64xf32>
    %logistic3A_184 = arith.divf %logistic3A_182, %logistic3A_183 : vector<1024x64xf32>
    %slice3A_185 = vector.extract_strided_slice %add3A_177 {offsets = [0, 64], sizes = [1024, 64], strides = [1, 1]} : vector<1024x256xf32> to vector<1024x64xf32>
    %logistic3A_186 = arith.negf %slice3A_185 : vector<1024x64xf32>
    %logistic3A_187 = math.exp %logistic3A_186 : vector<1024x64xf32>
    %logistic3A_188 = arith.constant 1.000000e+00 : f32
    %logistic3A_189 = vector.broadcast %logistic3A_188 : f32 to vector<1024x64xf32>
    %logistic3A_190 = arith.addf %logistic3A_189, %logistic3A_187 : vector<1024x64xf32>
    %logistic3A_191 = arith.divf %logistic3A_189, %logistic3A_190 : vector<1024x64xf32>
    %slice3A_192 = vector.extract_strided_slice %add3A_177 {offsets = [0, 128], sizes = [1024, 64], strides = [1, 1]} : vector<1024x256xf32> to vector<1024x64xf32>
    %tanh3A_193 = math.tanh %slice3A_192 : vector<1024x64xf32>
    %slice3A_194 = vector.extract_strided_slice %add3A_177 {offsets = [0, 192], sizes = [1024, 64], strides = [1, 1]} : vector<1024x256xf32> to vector<1024x64xf32>
    %logistic3A_195 = arith.negf %slice3A_194 : vector<1024x64xf32>
    %logistic3A_196 = math.exp %logistic3A_195 : vector<1024x64xf32>
    %logistic3A_197 = arith.constant 1.000000e+00 : f32
    %logistic3A_198 = vector.broadcast %logistic3A_197 : f32 to vector<1024x64xf32>
    %logistic3A_199 = arith.addf %logistic3A_198, %logistic3A_196 : vector<1024x64xf32>
    %logistic3A_200 = arith.divf %logistic3A_198, %logistic3A_199 : vector<1024x64xf32>
    %mul3A_201 = arith.mulf %logistic3A_191, %add3A_162 : vector<1024x64xf32>
    %mul3A_202 = arith.mulf %logistic3A_184, %tanh3A_193 : vector<1024x64xf32>
    %add3A_203 = arith.addf %mul3A_201, %mul3A_202 : vector<1024x64xf32>
    %tanh3A_204 = math.tanh %add3A_203 : vector<1024x64xf32>
    %mul3A_205 = arith.mulf %logistic3A_200, %tanh3A_204 : vector<1024x64xf32>
    %slice3A_206 = vector.extract_strided_slice %get3A_73 {offsets = [3, 0, 0], sizes = [1, 64, 256], strides = [1, 1, 1]} : vector<5x64x256xf32> to vector<1x64x256xf32>
    %squeeze3A_207 = vector.shape_cast %slice3A_206 : vector<1x64x256xf32> to vector<64x256xf32>
    %dot_general3A_208 = arith.constant dense<0.000000e+00> : vector<1024x256xf32>
    %dot_general3A_209 = tpu.matmul %concatenate3A_69, %squeeze3A_207, %dot_general3A_208 {dimension_numbers = #tpu.dot_dimension_numbers<[1], [0], [0], [1], [0, 0, 1, 1], [], []>, transpose_lhs_hint = false} : vector<1024x64xf32>, vector<64x256xf32>, vector<1024x256xf32> -> vector<1024x256xf32>
    %slice3A_210 = vector.extract_strided_slice %get3A_77 {offsets = [3, 0, 0], sizes = [1, 64, 256], strides = [1, 1, 1]} : vector<5x64x256xf32> to vector<1x64x256xf32>
    %squeeze3A_211 = vector.shape_cast %slice3A_210 : vector<1x64x256xf32> to vector<64x256xf32>
    %dot_general3A_212 = arith.constant dense<0.000000e+00> : vector<1024x256xf32>
    %dot_general3A_213 = tpu.matmul %mul3A_205, %squeeze3A_211, %dot_general3A_212 {dimension_numbers = #tpu.dot_dimension_numbers<[1], [0], [0], [1], [0, 0, 1, 1], [], []>, transpose_lhs_hint = false} : vector<1024x64xf32>, vector<64x256xf32>, vector<1024x256xf32> -> vector<1024x256xf32>
    %add3A_214 = arith.addf %dot_general3A_209, %dot_general3A_213 : vector<1024x256xf32>
    %slice3A_215 = vector.extract_strided_slice %get3A_81 {offsets = [3, 0, 0], sizes = [1, 1, 256], strides = [1, 1, 1]} : vector<5x1x256xf32> to vector<1x1x256xf32>
    %squeeze3A_216 = vector.shape_cast %slice3A_215 : vector<1x1x256xf32> to vector<1x256xf32>
    %add3A_217 = vector.broadcast %squeeze3A_216 : vector<1x256xf32> to vector<1024x256xf32>
    %add3A_218 = arith.addf %add3A_214, %add3A_217 : vector<1024x256xf32>
    %slice3A_219 = vector.extract_strided_slice %add3A_218 {offsets = [0, 0], sizes = [1024, 64], strides = [1, 1]} : vector<1024x256xf32> to vector<1024x64xf32>
    %logistic3A_220 = arith.negf %slice3A_219 : vector<1024x64xf32>
    %logistic3A_221 = math.exp %logistic3A_220 : vector<1024x64xf32>
    %logistic3A_222 = arith.constant 1.000000e+00 : f32
    %logistic3A_223 = vector.broadcast %logistic3A_222 : f32 to vector<1024x64xf32>
    %logistic3A_224 = arith.addf %logistic3A_223, %logistic3A_221 : vector<1024x64xf32>
    %logistic3A_225 = arith.divf %logistic3A_223, %logistic3A_224 : vector<1024x64xf32>
    %slice3A_226 = vector.extract_strided_slice %add3A_218 {offsets = [0, 64], sizes = [1024, 64], strides = [1, 1]} : vector<1024x256xf32> to vector<1024x64xf32>
    %logistic3A_227 = arith.negf %slice3A_226 : vector<1024x64xf32>
    %logistic3A_228 = math.exp %logistic3A_227 : vector<1024x64xf32>
    %logistic3A_229 = arith.constant 1.000000e+00 : f32
    %logistic3A_230 = vector.broadcast %logistic3A_229 : f32 to vector<1024x64xf32>
    %logistic3A_231 = arith.addf %logistic3A_230, %logistic3A_228 : vector<1024x64xf32>
    %logistic3A_232 = arith.divf %logistic3A_230, %logistic3A_231 : vector<1024x64xf32>
    %slice3A_233 = vector.extract_strided_slice %add3A_218 {offsets = [0, 128], sizes = [1024, 64], strides = [1, 1]} : vector<1024x256xf32> to vector<1024x64xf32>
    %tanh3A_234 = math.tanh %slice3A_233 : vector<1024x64xf32>
    %slice3A_235 = vector.extract_strided_slice %add3A_218 {offsets = [0, 192], sizes = [1024, 64], strides = [1, 1]} : vector<1024x256xf32> to vector<1024x64xf32>
    %logistic3A_236 = arith.negf %slice3A_235 : vector<1024x64xf32>
    %logistic3A_237 = math.exp %logistic3A_236 : vector<1024x64xf32>
    %logistic3A_238 = arith.constant 1.000000e+00 : f32
    %logistic3A_239 = vector.broadcast %logistic3A_238 : f32 to vector<1024x64xf32>
    %logistic3A_240 = arith.addf %logistic3A_239, %logistic3A_237 : vector<1024x64xf32>
    %logistic3A_241 = arith.divf %logistic3A_239, %logistic3A_240 : vector<1024x64xf32>
    %mul3A_242 = arith.mulf %logistic3A_232, %add3A_203 : vector<1024x64xf32>
    %mul3A_243 = arith.mulf %logistic3A_225, %tanh3A_234 : vector<1024x64xf32>
    %add3A_244 = arith.addf %mul3A_242, %mul3A_243 : vector<1024x64xf32>
    %tanh3A_245 = math.tanh %add3A_244 : vector<1024x64xf32>
    %mul3A_246 = arith.mulf %logistic3A_241, %tanh3A_245 : vector<1024x64xf32>
    %slice3A_247 = vector.extract_strided_slice %get3A_73 {offsets = [4, 0, 0], sizes = [1, 64, 256], strides = [1, 1, 1]} : vector<5x64x256xf32> to vector<1x64x256xf32>
    %squeeze3A_248 = vector.shape_cast %slice3A_247 : vector<1x64x256xf32> to vector<64x256xf32>
    %dot_general3A_249 = arith.constant dense<0.000000e+00> : vector<1024x256xf32>
    %dot_general3A_250 = tpu.matmul %concatenate3A_69, %squeeze3A_248, %dot_general3A_249 {dimension_numbers = #tpu.dot_dimension_numbers<[1], [0], [0], [1], [0, 0, 1, 1], [], []>, transpose_lhs_hint = false} : vector<1024x64xf32>, vector<64x256xf32>, vector<1024x256xf32> -> vector<1024x256xf32>
    %slice3A_251 = vector.extract_strided_slice %get3A_77 {offsets = [4, 0, 0], sizes = [1, 64, 256], strides = [1, 1, 1]} : vector<5x64x256xf32> to vector<1x64x256xf32>
    %squeeze3A_252 = vector.shape_cast %slice3A_251 : vector<1x64x256xf32> to vector<64x256xf32>
    %dot_general3A_253 = arith.constant dense<0.000000e+00> : vector<1024x256xf32>
    %dot_general3A_254 = tpu.matmul %mul3A_246, %squeeze3A_252, %dot_general3A_253 {dimension_numbers = #tpu.dot_dimension_numbers<[1], [0], [0], [1], [0, 0, 1, 1], [], []>, transpose_lhs_hint = false} : vector<1024x64xf32>, vector<64x256xf32>, vector<1024x256xf32> -> vector<1024x256xf32>
    %add3A_255 = arith.addf %dot_general3A_250, %dot_general3A_254 : vector<1024x256xf32>
    %slice3A_256 = vector.extract_strided_slice %get3A_81 {offsets = [4, 0, 0], sizes = [1, 1, 256], strides = [1, 1, 1]} : vector<5x1x256xf32> to vector<1x1x256xf32>
    %squeeze3A_257 = vector.shape_cast %slice3A_256 : vector<1x1x256xf32> to vector<1x256xf32>
    %add3A_258 = vector.broadcast %squeeze3A_257 : vector<1x256xf32> to vector<1024x256xf32>
    %add3A_259 = arith.addf %add3A_255, %add3A_258 : vector<1024x256xf32>
    %slice3A_260 = vector.extract_strided_slice %add3A_259 {offsets = [0, 0], sizes = [1024, 64], strides = [1, 1]} : vector<1024x256xf32> to vector<1024x64xf32>
    %logistic3A_261 = arith.negf %slice3A_260 : vector<1024x64xf32>
    %logistic3A_262 = math.exp %logistic3A_261 : vector<1024x64xf32>
    %logistic3A_263 = arith.constant 1.000000e+00 : f32
    %logistic3A_264 = vector.broadcast %logistic3A_263 : f32 to vector<1024x64xf32>
    %logistic3A_265 = arith.addf %logistic3A_264, %logistic3A_262 : vector<1024x64xf32>
    %logistic3A_266 = arith.divf %logistic3A_264, %logistic3A_265 : vector<1024x64xf32>
    %slice3A_267 = vector.extract_strided_slice %add3A_259 {offsets = [0, 64], sizes = [1024, 64], strides = [1, 1]} : vector<1024x256xf32> to vector<1024x64xf32>
    %logistic3A_268 = arith.negf %slice3A_267 : vector<1024x64xf32>
    %logistic3A_269 = math.exp %logistic3A_268 : vector<1024x64xf32>
    %logistic3A_270 = arith.constant 1.000000e+00 : f32
    %logistic3A_271 = vector.broadcast %logistic3A_270 : f32 to vector<1024x64xf32>
    %logistic3A_272 = arith.addf %logistic3A_271, %logistic3A_269 : vector<1024x64xf32>
    %logistic3A_273 = arith.divf %logistic3A_271, %logistic3A_272 : vector<1024x64xf32>
    %slice3A_274 = vector.extract_strided_slice %add3A_259 {offsets = [0, 128], sizes = [1024, 64], strides = [1, 1]} : vector<1024x256xf32> to vector<1024x64xf32>
    %tanh3A_275 = math.tanh %slice3A_274 : vector<1024x64xf32>
    %slice3A_276 = vector.extract_strided_slice %add3A_259 {offsets = [0, 192], sizes = [1024, 64], strides = [1, 1]} : vector<1024x256xf32> to vector<1024x64xf32>
    %logistic3A_277 = arith.negf %slice3A_276 : vector<1024x64xf32>
    %logistic3A_278 = math.exp %logistic3A_277 : vector<1024x64xf32>
    %logistic3A_279 = arith.constant 1.000000e+00 : f32
    %logistic3A_280 = vector.broadcast %logistic3A_279 : f32 to vector<1024x64xf32>
    %logistic3A_281 = arith.addf %logistic3A_280, %logistic3A_278 : vector<1024x64xf32>
    %logistic3A_282 = arith.divf %logistic3A_280, %logistic3A_281 : vector<1024x64xf32>
    %mul3A_283 = arith.mulf %logistic3A_273, %add3A_244 : vector<1024x64xf32>
    %mul3A_284 = arith.mulf %logistic3A_266, %tanh3A_275 : vector<1024x64xf32>
    %add3A_285 = arith.addf %mul3A_283, %mul3A_284 : vector<1024x64xf32>
    %tanh3A_286 = math.tanh %add3A_285 : vector<1024x64xf32>
    %mul3A_287 = arith.mulf %logistic3A_282, %tanh3A_286 : vector<1024x64xf32>
    %swap3A = arith.constant 0 : index
    %swap3A_288 = arith.constant 0 : index
    %swap3A_289 = vector.load %arg13[%swap3A, %swap3A_288] : memref<1024x64xf32, #tpu.memory_space<vmem>>, vector<1024x64xf32>
    tpu.vector_store %arg13[%swap3A, %swap3A_288], %mul3A_287 {strides = array<i32>} : memref<1024x64xf32, #tpu.memory_space<vmem>>, vector<1024x64xf32>,
    return
  }
  func.func @transform_0(%arg0: i32) -> (i32, i32, i32) {
    %c0_i32 = arith.constant 0 : i32
    %c0_i32_0 = arith.constant 0 : i32
    %c0_i32_1 = arith.constant 0 : i32
    return %c0_i32, %arg0, %c0_i32_0 : i32, i32, i32
  }
  func.func @transform_1(%arg0: i32) -> (i32, i32, i32) {
    %c1_i32 = arith.constant 1 : i32
    %c0_i32 = arith.constant 0 : i32
    %c0_i32_0 = arith.constant 0 : i32
    return %c1_i32, %arg0, %c0_i32 : i32, i32, i32
  }
  func.func @transform_2(%arg0: i32) -> (i32, i32, i32) {
    %c0_i32 = arith.constant 0 : i32
    %c0_i32_0 = arith.constant 0 : i32
    %c0_i32_1 = arith.constant 0 : i32
    return %c0_i32, %arg0, %c0_i32_0 : i32, i32, i32
  }
  func.func @transform_3(%arg0: i32) -> (i32, i32, i32) {
    %c1_i32 = arith.constant 1 : i32
    %c0_i32 = arith.constant 0 : i32
    %c0_i32_0 = arith.constant 0 : i32
    return %c1_i32, %arg0, %c0_i32 : i32, i32, i32
  }
  func.func @transform_4(%arg0: i32) -> (i32, i32) {
    %c0_i32 = arith.constant 0 : i32
    %c0_i32_0 = arith.constant 0 : i32
    return %arg0, %c0_i32 : i32, i32
  }
  func.func @transform_5(%arg0: i32) -> (i32, i32) {
    %c0_i32 = arith.constant 0 : i32
    %c0_i32_0 = arith.constant 0 : i32
    %c0_i32_1 = arith.constant 0 : i32
    return %c0_i32, %c0_i32_0 : i32, i32
  }
  func.func @transform_6(%arg0: i32) -> (i32, i32) {
    %c0_i32 = arith.constant 0 : i32
    %c0_i32_0 = arith.constant 0 : i32
    %c0_i32_1 = arith.constant 0 : i32
    return %c0_i32, %c0_i32_0 : i32, i32
  }
  func.func @transform_7(%arg0: i32) -> (i32, i32) {
    %c0_i32 = arith.constant 0 : i32
    %c0_i32_0 = arith.constant 0 : i32
    %c0_i32_1 = arith.constant 0 : i32
    return %c0_i32, %c0_i32_0 : i32, i32
  }
  func.func @transform_8(%arg0: i32) -> (i32, i32) {
    %c0_i32 = arith.constant 0 : i32
    %c0_i32_0 = arith.constant 0 : i32
    %c0_i32_1 = arith.constant 0 : i32
    return %c0_i32, %c0_i32_0 : i32, i32
  }
  func.func @transform_9(%arg0: i32) -> (i32, i32, i32) {
    %c0_i32 = arith.constant 0 : i32
    %c0_i32_0 = arith.constant 0 : i32
    %c0_i32_1 = arith.constant 0 : i32
    %c0_i32_2 = arith.constant 0 : i32
    return %c0_i32, %c0_i32_0, %c0_i32_1 : i32, i32, i32
  }
  func.func @transform_10(%arg0: i32) -> (i32, i32, i32) {
    %c0_i32 = arith.constant 0 : i32
    %c0_i32_0 = arith.constant 0 : i32
    %c0_i32_1 = arith.constant 0 : i32
    %c0_i32_2 = arith.constant 0 : i32
    return %c0_i32, %c0_i32_0, %c0_i32_1 : i32, i32, i32
  }
  func.func @transform_11(%arg0: i32) -> (i32, i32, i32) {
    %c0_i32 = arith.constant 0 : i32
    %c0_i32_0 = arith.constant 0 : i32
    %c0_i32_1 = arith.constant 0 : i32
    %c0_i32_2 = arith.constant 0 : i32
    return %c0_i32, %c0_i32_0, %c0_i32_1 : i32, i32, i32
  }
  func.func @transform_12(%arg0: i32) -> (i32, i32) {
    %c0_i32 = arith.constant 0 : i32
    %c0_i32_0 = arith.constant 0 : i32
    return %arg0, %c0_i32 : i32, i32
  }
}

</mosaic_0001>

<sc_bundles>
// kernel: kernel.12.cloned.1.call-start
scs
__scs_entry_jumppad:
0x0: {  	(pc) =	sbr.rel $0x88, $3  }
0x1: {  	(tag) =	ssettag $0x0;
	lr =	simm.s32 $0x1  }
0x2: {  	[smem:$0x3F92] =	sst lr;
	_ =	strace $0xD0000000  }
0x3: {  	_ = 	snop  }
0x4: {  	_ = 	snop  }
0x5: {  	_ = 	snop  }
0x6: {  	_ = 	snop  }
0x7: {  	_ = 	snop  }
__scs_overlays_trampoline_lowered:
0x8: {  	[smem:$0x3FA1] =	sst s0  }
0x9: {  	[smem:$0x3FA2] =	sst s1  }
0xa: {  	[smem:$0x3FA3] =	sst s2  }
0xb: {  	[smem:$0x3FA4] =	sst s3  }
0xc: {  	[smem:$0x3FA5] =	sst s4  }
0xd: {  	[smem:$0x3FA6] =	sst s5  }
0xe: {  	[smem:$0x3FA7] =	sst s6  }
0xf: {  	[smem:$0x3FA8] =	sst s7  }
0x10: {  	[smem:$0x3FA9] =	sst s8  }
0x11: {  	[smem:$0x3FAA] =	sst s9;
	s0 =	simm.s32 @!p0 $0x0  }
0x12: {  	s1 =	sld [smem:$0x3F90];
	s0 =	simm.s32 @p0 $0x1  }
0x13: {  	[smem:$0x3FAB] =	sst s0;
	s0 =	simm.s32 @!p1 $0x0  }
0x14: {  	s2 =	sld [smem:$0x3F8F];
	s0 =	simm.s32 @p1 $0x1  }
0x15: {  	[smem:$0x3FAC] =	sst s0;
	s0 =	simm.s32 @!p2 $0x0  }
0x16: {  	s3 =	sld [smem:$0x3FDB];
	s0 =	simm.s32 @p2 $0x1  }
0x17: {  	s4 =	simm.s32 $0x1BF5;
	[smem:$0x3FAE] =	sst s0  }
0x18: {  	s0 =	sld [smem:$0x3F91];
	_ =	swait.ge [sflag:s4], $0x0  }
0x19: {  	s7 =	sld [smem:$0x3F92]  }
0x1a: {  	s8 =	sadd.s32 $0xFFFFE003, lr  }
0x1b: {  	s9 =	sadd.s32 $0xFFFFFEF7, lr;
	s5 =	simm.s32 $0xFFFFFFFF;
	p2 =	slt.u32 s8, $0xFFFFF086  }
0x1c: {  	p1 =	slt.u32 s9, $0xF7A;
	s5 =	simm.s32 @!p2 $0x0  }
0x1d: {  	s5 =	simm.s32 @p1 $0x1;
	p0 =	seq.s32 s7, s2  }
0x1e: {  	s7 =	smul.u32 @!p0 $0xF7A, s2;
	p2 =	seq.s32 @!p0 s5, $0x0  }
0x1f: {  	s9 =	smul.u32 $0xF7A, s1;
	s8 =	simm.s32 @!p0 $0x1BF5;
	p2 =	por !p2, p0  }
0x20: {  	[sflag:s8] =	ssyncset.s32 @!p0 $0xFFFFF086;
	s6 =	sadd.s32 @!p0 s3, s7;
	s7 =	simm.s32 @!p0 $0x108  }
0x21: {  	s3 =	sadd.s32 s3, s9;
	s6 =	sadd.s32 @!p0 $0x88, s6;
	s7 =	simm.s32 @p2 $0x1082  }
0x22: {  	[simem:s7], [sflag:s8] =	dma.local @!p0 [hbm:s6], $0xF7A  }
0x23: {  	s9 =	sor.u32 $0xD0000000, s2;
	s6 =	simm.s32 $0x108;
	_ =	swait.ge @!p0 [sflag:s8], $0x0  }
0x24: {  	s3 =	sadd.s32 $0x88, s3;
	s6 =	simm.s32 @!p1 $0x1082;
	[sflag:s4] =	ssyncset.s32 $0xFFFFF086  }
0x25: {  	[simem:s6], [sflag:s4] =	dma.local [hbm:s3], $0xF7A  }
0x26: {  	[smem:$0x3F92] =	sst s1;
	(tag) =	ssettag s2;
	_ =	strace s9  }
0x27: {  	s1 =	sld [smem:$0x3FA2]  }
0x28: {  	s2 =	sld [smem:$0x3FA3]  }
0x29: {  	s4 =	sld [smem:$0x3FA5]  }
0x2a: {  	p0 =	seq.s32 s5, $0x0;
	s5 =	sld [smem:$0x3FA6]  }
0x2b: {  	s6 =	sld [smem:$0x3FA7]  }
0x2c: {  	s7 =	sld [smem:$0x3FA8]  }
0x2d: {  	s3 =	simm.s32 $0x108;
	s8 =	sld [smem:$0x3FA9]  }
0x2e: {  	s3 =	simm.s32 @!p0 $0x1082;
	s9 =	sld [smem:$0x3FAA]  }
0x2f: {  	lr =	sadd.s32 s0, s3;
	s0 =	sld [smem:$0x3FA1]  }
0x30: {  	s3 =	sld [smem:$0x3FA4]  }
0x31: {  	[smem:$0x3FAD] =	sst s10  }
0x32: {  	s10 =	sld [smem:$0x3FAB];
	_ =	sdelay $0x3  }
0x33: {  	p0 =	seq.s32 s10, $0x1;
	s10 =	sld [smem:$0x3FAD];
	_ =	sdelay $0x3  }
0x34: {  	[smem:$0x3FAD] =	sst s10  }
0x35: {  	s10 =	sld [smem:$0x3FAC];
	_ =	sdelay $0x3  }
0x36: {  	p1 =	seq.s32 s10, $0x1;
	s10 =	sld [smem:$0x3FAD];
	_ =	sdelay $0x3  }
0x37: {  	[smem:$0x3FAD] =	sst s10  }
0x38: {  	s10 =	sld [smem:$0x3FAE]  }
0x39: {  	_ = 	snop;
	(pc) =	sbr.ind lr, $3  }
0x3a: {  	_ = 	snop  }
0x3b: {  	_ = 	snop  }
0x3c: {  	p2 =	seq.s32 s10, $0x1;
	s10 =	sld [smem:$0x3FAD]  }
0x3d: {  	_ =	shalt  }
0x3e: {  	_ =	shalt  }
0x3f: {  	_ =	shalt  }
0x40: {  	_ =	shalt  }
0x41: {  	_ =	shalt  }
0x42: {  	_ =	shalt  }
0x43: {  	_ =	shalt  }
0x44: {  	_ =	shalt  }
0x45: {  	_ =	shalt  }
0x46: {  	_ =	shalt  }
0x47: {  	_ =	shalt  }
0x48: {  	_ =	shalt  }
0x49: {  	_ =	shalt  }
0x4a: {  	_ =	shalt  }
0x4b: {  	_ =	shalt  }
0x4c: {  	_ =	shalt  }
0x4d: {  	_ =	shalt  }
0x4e: {  	_ =	shalt  }
0x4f: {  	_ =	shalt  }
0x50: {  	_ =	shalt  }
0x51: {  	_ =	shalt  }
0x52: {  	_ =	shalt  }
0x53: {  	_ =	shalt  }
0x54: {  	_ =	shalt  }
0x55: {  	_ =	shalt  }
0x56: {  	_ =	shalt  }
0x57: {  	_ =	shalt  }
0x58: {  	_ =	shalt  }
0x59: {  	_ =	shalt  }
0x5a: {  	_ =	shalt  }
0x5b: {  	_ =	shalt  }
0x5c: {  	_ =	shalt  }
0x5d: {  	_ =	shalt  }
0x5e: {  	_ =	shalt  }
0x5f: {  	_ =	shalt  }
0x60: {  	_ =	shalt  }
0x61: {  	_ =	shalt  }
0x62: {  	_ =	shalt  }
0x63: {  	_ =	shalt  }
0x64: {  	_ =	shalt  }
0x65: {  	_ =	shalt  }
0x66: {  	_ =	shalt  }
0x67: {  	_ =	shalt  }
0x68: {  	_ =	shalt  }
0x69: {  	_ =	shalt  }
0x6a: {  	_ =	shalt  }
0x6b: {  	_ =	shalt  }
0x6c: {  	_ =	shalt  }
0x6d: {  	_ =	shalt  }
0x6e: {  	_ =	shalt  }
0x6f: {  	_ =	shalt  }
0x70: {  	_ =	shalt  }
0x71: {  	_ =	shalt  }
0x72: {  	_ =	shalt  }
0x73: {  	_ =	shalt  }
0x74: {  	_ =	shalt  }
0x75: {  	_ =	shalt  }
0x76: {  	_ =	shalt  }
0x77: {  	_ =	shalt  }
0x78: {  	_ =	shalt  }
0x79: {  	_ =	shalt  }
0x7a: {  	_ =	shalt  }
0x7b: {  	_ =	shalt  }
0x7c: {  	_ =	shalt  }
0x7d: {  	_ =	shalt  }
0x7e: {  	_ =	shalt  }
0x7f: {  	_ =	shalt  }
0x80: {  	_ =	shalt  }
0x81: {  	_ =	shalt  }
0x82: {  	_ =	shalt  }
0x83: {  	_ =	shalt  }
0x84: {  	_ =	shalt  }
0x85: {  	_ =	shalt  }
0x86: {  	_ =	shalt  }
0x87: {  	_ =	shalt  }
.Lfunc_end0:
.L_simem_size_0:
called_computation.1_lowered:
.L_overlay_start_0:
0x88: {  	s2 =	sld [smem:$0x3FD9]  }
0x89: {  	s3 =	sld [smem:$0x3FFE];
	_ =	sdelay $0x1  }
0x8a: {  	s1 =	srdreg.scid  }
0x8b: {  	s0 =	sand.u32 $0x1, s1  }
0x8c: {  	s17 =	sshll.u32 s0, $0xA;
	s2 =	sadd.s32 s3, s2  }
0x8d: {  	s2 =	sadd.s32 s2, s17  }
0x8e: {  	[smem:$0x3FB9] =	sst s2  }
0x8f: {  	_ = 	snop  }
0x90: {  	s2 =	sld [smem:$0x3FD0];
	(tm) =	ssettm $0x1  }
0x91: {  	s18 =	sld [smem:$0x3FFB];
	_ =	sdelay $0x3  }
0x92: {  	_ =	strace s18  }
0x93: {  	s3 =	sld [smem:$0x3FFC];
	_ =	sdelay $0x3  }
0x94: {  	_ =	strace s3  }
0x95: {  	s3 =	sld [smem:$0x3FFD];
	_ =	sdelay $0x3  }
0x96: {  	_ =	strace s3  }
0x97: {  	_ =	strace $0x8FFFFFFF  }
0x98: {  	s19 =	sld [smem:$0x3FDB];
	_ =	sdelay $0x1  }
0x99: {  	s4 =	simm.s32 $_scs_section_size  }
0x9a: {  	s5 =	simm.s32 $_size__tile_overlayer_lowered;
	s6 =	simm.s32 $_tile_overlayer_lowered  }
0x9b: {  	s22 =	simm.s32 $0x1BFF;
	s21 =	sshll.u32 s6, $0x1;
	s3 =	sadd.s32 s4, s19  }
0x9c: {  	s7 =	simm.s32 $0x0;
	s20 =	sshll.u32 s5, $0x1;
	s5 =	sadd.s32 s21, s3  }
0x9d: {  	[timem:s7], [sflag:s22] =	dma.local [hbm:s5], s20  }
0x9e: {  	_ =	swait.ge [sflag:s22], s20  }
0x9f: {  	s4 =	ssub.s32 $0x0, s20;
	[sflag:s22] =	ssyncset.done $0x0  }
0xa0: {  	[sflag:s22] =	ssyncadd.s32 s4;
	_ =	sdelay $0x1  }
0xa1: {  	s23 =	simm.s32 $0x1B8B  }
0xa2: {  	_ =	swait.ge [sflag:s23], $0x1  }
0xa3: {  	[sflag:s23] =	ssyncset.done $0x0  }
0xa4: {  	s25 =	simm.s32 $0x1B8E;
	s24 =	sld [smem:$0x3FFE];
	[sflag:s23] =	ssyncadd.s32 $0xFFFFFFFF  }
0xa5: {  	s26 =	simm.s32 $execute0_lowered;
	[smem:$0x3FD2] =	sst s25  }
0xa6: {  	s5 =	sshll.u32 s26, $0x1;
	_ =	strace $0x80000049;
	[dreg:$0x1] =	wrdreg $0xFFFFFFFF  }
0xa7: {  	s28 =	simm.s32 $_size_execute0_lowered;
	s3 =	sadd.s32 s3, s5;
	[dreg:$0x0] =	wrdreg $0x0  }
0xa8: {  	s5 =	sshll.u32 s28, $0x1;
	[dreg:$0x2] =	wrdreg s3  }
0xa9: {  	[dreg:$0x3] =	wrdreg s5  }
0xaa: {  	[dreg:$0x4] =	wrdreg $0xC0  }
0xab: {  	_ =	task [dreg:s7], $0x5FFFF  }
0xac: {  	[dreg:$0x1] =	wrdreg $0xFFFFFFFF  }
0xad: {  	[dreg:$0x0] =	wrdreg $0x60  }
0xae: {  	[dreg:$0x2] =	wrdreg s24  }
0xaf: {  	[dreg:$0x3] =	wrdreg s2  }
0xb0: {  	[dreg:$0x4] =	wrdreg $0x128000  }
0xb1: {  	[dreg:$0x5] =	wrdreg $0x9  }
0xb2: {  	_ =	task.clear_ibuf [dreg:s7], $0x6FFFF;
	_ =	strace $0x90000049  }
0xb3: {  	s29 =	simm.s32 $0x9;
	_ =	strace $0x8000004B  }
0xb4: {  	_ =	swait.ge [sflag:s29], $0x1  }
0xb5: {  	[sflag:s29] =	ssyncadd.s32 $0xFFFFFFFF  }
0xb6: {  	_ =	strace $0x9000004B  }
0xb7: {  	_ =	sfence  }
0xb8: {  	s30 =	sld [smem:$0x0];
	_ =	sdelay $0x2  }
0xb9: {  	s31 =	sshll.u32 s1, $0xD;
	s1 =	sshrl.u32 s1, $0x2  }
0xba: {  	s3 =	sand.u32 $0x4000, s31;
	s1 =	sadd.s32 s1, s30  }
0xbb: {  	s0 =	sor.u32 s3, s0;
	s1 =	sshll.u32 s1, $0x11  }
0xbc: {  	s0 =	sor.u32 s1, s0  }
0xbd: {  	s0 =	sadd.s32 $0x8F2B, s0  }
0xbe: {  	[sflag:s0] =	ssyncadd.remote.s32 $0x1  }
0xbf: {  	_ =	sfence.sel $0xFFFF  }
0xc0: {  	[dreg:$0x0] =	wrdreg $0xFFFFFFFF;
	(pc) =	sbr.abs _section_cstart, $3  }
0xc1: {  	[dreg:$0x1] =	wrdreg $0xFFFFFFFF  }
0xc2: {  	_ =	task.clear_ibuf [dreg:s7], $0x2FFFF;
	_ =	strace $0x9FFFFFFF  }
0xc3: {  	(tm) =	ssettm $0x7FFFFFFF  }
tec
execute0_lowered:
.L_overlay_start_1:
0x0: {  	(tag) =	ssettag $0x1  }
0x1: {  	s0 =	rddreg [dreg:$0x0];
	s1 =	srdreg.scid  }
0x2: {  	s4 =	stileid.u32;
	s3 =	rddreg [dreg:$0x2]  }
0x3: {  	s5 =	simm.s32 $0x0;
	s13 =	simm.s32 $0x11;
	s15 =	simm.s32 $0x80  }
0x4: {  	s16 =	simm.s32 $0x10800;
	s24 =	simm.s32 $0x2800;
	s17 =	simm.s32 $0x1  }
0x5: {  	s25 =	simm.s32 $0x4800;
	s18 =	simm.s32 $0x2;
	s26 =	simm.s32 $0x6800  }
0x6: {  	s19 =	simm.s32 $0x3;
	s28 =	simm.s32 $0x8800;
	s20 =	simm.s32 $0x4  }
0x7: {  	s29 =	simm.s32 $0xA800;
	s21 =	simm.s32 $0x5;
	[smem:$0x7FF] =	sst s5  }
0x8: {  	s30 =	simm.s32 $0xC800;
	_ =	strace $0x8000004A;
	[dreg:$0x4] =	wrdreg s24  }
0x9: {  	s31 =	simm.s32 $0xE800;
	s1 =	sand.u32 $0x1, s1;
	[dreg:$0x5] =	wrdreg s25  }
0xa: {  	s2 =	smul.u32 $0xA000, s4;
	s5 =	sadd.s32 $0x34C00, s0;
	[dreg:$0x6] =	wrdreg s26  }
0xb: {  	s7 =	sadd.s32 $0x20C00, s0;
	s9 =	smul.u32 $0x5000, s4;
	[dreg:$0x7] =	wrdreg s28  }
0xc: {  	s11 =	sshll.u32 s4, $0x6;
	s6 =	smul.u32 $0xA0000, s1;
	[dreg:$0x8] =	wrdreg s29  }
0xd: {  	s22 =	ssub.s32 $0x2, s1;
	s1 =	smul.u32 $0x50000, s1;
	[dreg:$0x9] =	wrdreg s30  }
0xe: {  	s4 =	sor.u32 $0x1C11, s11;
	[dreg:$0xa] =	wrdreg s31;
	s24 =	simm.s32 $0x8  }
0xf: {  	s10 =	sshrl.u32 s22, $0x1;
	[dreg:$0xb] =	wrdreg s4;
	s8 =	sadd.s32 s2, s6  }
0x10: {  	s6 =	sadd.s32 $0x48C00, s0;
	s2 =	sadd.s32 s2, s3;
	s8 =	sshrl.u32 s8, $0x3  }
0x11: {  	s9 =	sadd.s32 s1, s9;
	s1 =	sshrl.u32 s2, $0x3;
	s0 =	sadd.s32 s8, s0  }
0x12: {  	s8 =	ssub.s32 s22, s10;
	[dreg:$0xe] =	wrdreg s1;
	s0 =	sadd.s32 $0xACC00, s0  }
0x13: {  	s2 =	simm.s32 $0x0;
	s23 =	smax.u32 s8, $0x1;
	[dreg:$0xc] =	wrdreg s0  }
0x14: {  	s22 =	simm.s32 $0x6;
	[dreg:$0xd] =	wrdreg s23;
	s23 =	simm.s32 $0x7  }
.LBB2_1:
0x15: {  	[dreg:$0xf] =	wrdreg s2  }
0x16: {  	s0 =	rddreg [dreg:$0x1]  }
0x17: {  	[spmem:s1], [sflag:s4] =	dma.local [hbm:s0], $0x1400  }
0x18: {  	_ =	swait.ge [sflag:s13], $0x1400  }
0x19: {  	[sflag:s13] =	ssyncset.done $0x0  }
0x1a: {  	[sflag:s13] =	ssyncadd.s32 $0xFFFFEC00  }
0x1b: {  	s10 =	simm.s32 $0x0;
	[bflag:$0x0] =	sbarrier.arrive $0xFFFF  }
.LBB2_2:
0x1c: {  	p0 =	seq.s32 s10, $0x0  }
0x1d: {  	s0 =	simm.s32 @!p0 $0x9  }
0x1e: {  	_ =	swait.ge @!p0 [sflag:s0], $0x2000  }
0x1f: {  	[sflag:s0] =	ssyncset.done @!p0 $0x0  }
0x20: {  	[sflag:s0] =	ssyncadd.s32 @!p0 $0xFFFFE000;
	s0 =	simm.s32 @!p0 $0xA  }
0x21: {  	_ =	swait.ge @!p0 [sflag:s0], $0x2000  }
0x22: {  	[sflag:s0] =	ssyncset.done @!p0 $0x0  }
0x23: {  	[sflag:s0] =	ssyncadd.s32 @!p0 $0xFFFFE000;
	s0 =	simm.s32 @!p0 $0xB  }
0x24: {  	_ =	swait.ge @!p0 [sflag:s0], $0x2000  }
0x25: {  	[sflag:s0] =	ssyncset.done @!p0 $0x0  }
0x26: {  	[sflag:s0] =	ssyncadd.s32 @!p0 $0xFFFFE000;
	s0 =	simm.s32 @!p0 $0xC  }
0x27: {  	_ =	swait.ge @!p0 [sflag:s0], $0x2000  }
0x28: {  	[sflag:s0] =	ssyncset.done @!p0 $0x0  }
0x29: {  	[sflag:s0] =	ssyncadd.s32 @!p0 $0xFFFFE000;
	s0 =	simm.s32 @!p0 $0xD  }
0x2a: {  	_ =	swait.ge @!p0 [sflag:s0], $0x2000  }
0x2b: {  	[sflag:s0] =	ssyncset.done @!p0 $0x0  }
0x2c: {  	[sflag:s0] =	ssyncadd.s32 @!p0 $0xFFFFE000;
	s0 =	simm.s32 @!p0 $0xE  }
0x2d: {  	_ =	swait.ge @!p0 [sflag:s0], $0x2000  }
0x2e: {  	[sflag:s0] =	ssyncset.done @!p0 $0x0  }
0x2f: {  	[sflag:s0] =	ssyncadd.s32 @!p0 $0xFFFFE000;
	s0 =	simm.s32 @!p0 $0xF  }
0x30: {  	_ =	swait.ge @!p0 [sflag:s0], $0x2000  }
0x31: {  	s1 =	smul.u32 $0x1400, s10;
	[sflag:s0] =	ssyncset.done @!p0 $0x0  }
0x32: {  	[sflag:s0] =	ssyncadd.s32 @!p0 $0xFFFFE000;
	s0 =	simm.s32 @!p0 $0x10  }
0x33: {  	s1 =	sadd.s32 s9, s1;
	_ =	swait.ge @!p0 [sflag:s0], $0x2000  }
0x34: {  	s1 =	sshrl.u32 s1, $0x3;
	[sflag:s0] =	ssyncset.done @!p0 $0x0  }
0x35: {  	s2 =	simm.s32 $0x0;
	s31 =	sadd.s32 s6, s1;
	[sflag:s0] =	ssyncadd.s32 @!p0 $0xFFFFE000  }
0x36: {  	[tilespmem:s2], [sflag:$0x11] =	stream.linear.gather [hbm4b:s31+s2], $0x1400, $0x38;
	[tilespmem:$0x1C800] =	vst v63  }
0x37: {  	_ =	swait.ge [sflag:s13], $0x1400  }
0x38: {  	[sflag:s13] =	ssyncset.done $0x0  }
0x39: {  	s8 =	simm.s32 $0x1400;
	s4 =	sadd.s32 s7, s1;
	[sflag:s13] =	ssyncadd.s32 $0xFFFFEC00  }
0x3a: {  	[tilespmem:s8], [sflag:$0x11] =	stream.linear.gather [hbm4b:s4+s2], $0x1400, $0x38;
	[tilespmem:$0x1C800] =	vst v63  }
0x3b: {  	_ =	swait.ge [sflag:s13], $0x1400  }
0x3c: {  	p0 =	por $0x0, $0x0;
	[sflag:s13] =	ssyncset.done $0x0  }
0x3d: {  	s0 =	simm.s32 @p0 $0x9;
	[sflag:s13] =	ssyncadd.s32 $0xFFFFEC00  }
0x3e: {  	_ =	swait.ge @p0 [sflag:s0], $0x2000  }
0x3f: {  	s1 =	simm.s32 @p0 $0x0;
	s11 =	simm.s32 @p0 $0xA;
	[sflag:s0] =	ssyncset.done @p0 $0x0  }
0x40: {  	s8 =	simm.s32 @p0 $0x80;
	[sflag:s0] =	ssyncadd.s32 @p0 $0xFFFFE000;
	s0 =	simm.s32 @p0 $0x2800  }
0x41: {  	[tilespmem:s0], [sflag:$0x1] =	stream.indirect.gather @p0 [hbm4b:s5+s8], $0x40, s1, s8, $0xb8;
	[tilespmem:$0x1C800] =	vst v63  }
0x42: {  	_ =	swait.ge @p0 [sflag:s11], $0x2000  }
0x43: {  	s0 =	simm.s32 @p0 $0x80;
	[sflag:s11] =	ssyncset.done @p0 $0x0  }
0x44: {  	s1 =	simm.s32 @p0 $0x4800;
	[sflag:s11] =	ssyncadd.s32 @p0 $0xFFFFE000;
	s11 =	simm.s32 @p0 $0xB  }
0x45: {  	[tilespmem:s1], [sflag:$0x2] =	stream.indirect.gather @p0 [hbm4b:s5+s8], $0x40, s0, s8, $0xb8;
	[tilespmem:$0x1C800] =	vst v63  }
0x46: {  	_ =	swait.ge @p0 [sflag:s11], $0x2000  }
0x47: {  	s0 =	simm.s32 @p0 $0x100;
	[sflag:s11] =	ssyncset.done @p0 $0x0  }
0x48: {  	s1 =	simm.s32 @p0 $0x6800;
	[sflag:s11] =	ssyncadd.s32 @p0 $0xFFFFE000;
	s11 =	simm.s32 @p0 $0xC  }
0x49: {  	[tilespmem:s1], [sflag:$0x3] =	stream.indirect.gather @p0 [hbm4b:s5+s8], $0x40, s0, s8, $0xb8;
	[tilespmem:$0x1C800] =	vst v63  }
0x4a: {  	_ =	swait.ge @p0 [sflag:s11], $0x2000  }
0x4b: {  	s0 =	simm.s32 @p0 $0x180;
	[sflag:s11] =	ssyncset.done @p0 $0x0  }
0x4c: {  	s1 =	simm.s32 @p0 $0x8800;
	[sflag:s11] =	ssyncadd.s32 @p0 $0xFFFFE000;
	s11 =	simm.s32 @p0 $0xD  }
0x4d: {  	[tilespmem:s1], [sflag:$0x4] =	stream.indirect.gather @p0 [hbm4b:s5+s8], $0x40, s0, s8, $0xb8;
	[tilespmem:$0x1C800] =	vst v63  }
0x4e: {  	_ =	swait.ge @p0 [sflag:s11], $0x2000  }
0x4f: {  	s0 =	simm.s32 @p0 $0x200;
	[sflag:s11] =	ssyncset.done @p0 $0x0  }
0x50: {  	s1 =	simm.s32 @p0 $0xA800;
	[sflag:s11] =	ssyncadd.s32 @p0 $0xFFFFE000;
	s11 =	simm.s32 @p0 $0xE  }
0x51: {  	[tilespmem:s1], [sflag:$0x5] =	stream.indirect.gather @p0 [hbm4b:s5+s8], $0x40, s0, s8, $0xb8;
	[tilespmem:$0x1C800] =	vst v63  }
0x52: {  	_ =	swait.ge @p0 [sflag:s11], $0x2000  }
0x53: {  	s0 =	simm.s32 @p0 $0x280;
	[sflag:s11] =	ssyncset.done @p0 $0x0  }
0x54: {  	s1 =	simm.s32 @p0 $0xC800;
	[sflag:s11] =	ssyncadd.s32 @p0 $0xFFFFE000;
	s11 =	simm.s32 @p0 $0xF  }
0x55: {  	[tilespmem:s1], [sflag:$0x6] =	stream.indirect.gather @p0 [hbm4b:s5+s8], $0x40, s0, s8, $0xb8;
	[tilespmem:$0x1C800] =	vst v63  }
0x56: {  	_ =	swait.ge @p0 [sflag:s11], $0x2000  }
0x57: {  	s0 =	simm.s32 $0x300;
	[sflag:s11] =	ssyncset.done @p0 $0x0  }
0x58: {  	s1 =	simm.s32 @p0 $0xE800;
	[sflag:s11] =	ssyncadd.s32 @p0 $0xFFFFE000;
	s11 =	simm.s32 @p0 $0x10  }
0x59: {  	[tilespmem:s1], [sflag:$0x7] =	stream.indirect.gather @p0 [hbm4b:s5+s8], $0x40, s0, s8, $0xb8;
	[tilespmem:$0x1C800] =	vst v63  }
0x5a: {  	_ =	swait.ge @p0 [sflag:s11], $0x2000  }
0x5b: {  	s1 =	simm.s32 @!p0 $0x80;
	[sflag:s11] =	ssyncset.done @p0 $0x0  }
0x5c: {  	s0 =	simm.s32 @!p0 $0x0;
	s8 =	simm.s32 @!p0 $0x2800;
	[sflag:s11] =	ssyncadd.s32 @p0 $0xFFFFE000  }
0x5d: {  	[tilespmem:s8], [sflag:$0x1] =	stream.indirect.gather @!p0 [hbm4b:s5+s1], $0x40, s0, s1, $0xb8;
	[tilespmem:$0x1C800] =	vst v63  }
0x5e: {  	s0 =	simm.s32 @!p0 $0x4800  }
0x5f: {  	[tilespmem:s0], [sflag:$0x2] =	stream.indirect.gather @!p0 [hbm4b:s5+s1], $0x40, s1, s1, $0xb8;
	[tilespmem:$0x1C800] =	vst v63  }
0x60: {  	s8 =	simm.s32 @!p0 $0x6800;
	s0 =	simm.s32 @!p0 $0x100  }
0x61: {  	[tilespmem:s8], [sflag:$0x3] =	stream.indirect.gather @!p0 [hbm4b:s5+s1], $0x40, s0, s1, $0xb8;
	[tilespmem:$0x1C800] =	vst v63  }
0x62: {  	s0 =	simm.s32 @!p0 $0x180;
	s8 =	simm.s32 @!p0 $0x8800  }
0x63: {  	[tilespmem:s8], [sflag:$0x4] =	stream.indirect.gather @!p0 [hbm4b:s5+s1], $0x40, s0, s1, $0xb8;
	[tilespmem:$0x1C800] =	vst v63  }
0x64: {  	s0 =	simm.s32 @!p0 $0x200;
	s8 =	simm.s32 @!p0 $0xA800  }
0x65: {  	[tilespmem:s8], [sflag:$0x5] =	stream.indirect.gather @!p0 [hbm4b:s5+s1], $0x40, s0, s1, $0xb8;
	[tilespmem:$0x1C800] =	vst v63  }
0x66: {  	s11 =	simm.s32 @!p0 $0xC800;
	s0 =	simm.s32 @p0 $0x0;
	s8 =	simm.s32 @!p0 $0x280  }
0x67: {  	[tilespmem:s11], [sflag:$0x6] =	stream.indirect.gather @!p0 [hbm4b:s5+s1], $0x40, s8, s1, $0xb8;
	[tilespmem:$0x1C800] =	vst v63  }
0x68: {  	s0 =	simm.s32 @!p0 $0x0;
	s8 =	simm.s32 @!p0 $0x300;
	s11 =	simm.s32 @!p0 $0xE800  }
0x69: {  	[tilespmem:s11], [sflag:$0x7] =	stream.indirect.gather @!p0 [hbm4b:s5+s1], $0x40, s8, s1, $0xb8;
	[tilespmem:$0x1C800] =	vst v63  }
0x6a: {  	s11 =	sor.u32 $0x380, s0  }
0x6b: {  	[tilespmem:s16], [sflag:$0x8] =	stream.indirect.gather [hbm4b:s5+s15], $0x40, s11, s15, $0xb8;
	[tilespmem:$0x1C800] =	vst v63  }
0x6c: {  	_ =	swait.ge [sflag:s17], $0x2000  }
0x6d: {  	[sflag:s17] =	ssyncset.done $0x0  }
0x6e: {  	s14 =	sadd.s32 $0x1400, s0;
	s12 =	rddreg [dreg:$0x4];
	[sflag:s17] =	ssyncadd.s32 $0xFFFFE000  }
0x6f: {  	[spmem:s3] =	stream.indirect.scatter.add.f32 [tilespmem:s12], [sflag:$0x9], $0x40, s14, s15, $0xb8;
	[tilespmem:$0x1C800] =	vst v63  }
0x70: {  	s1 =	simm.s32 @p0 $0x80;
	_ =	swait.ge [sflag:s18], $0x2000  }
0x71: {  	s1 =	simm.s32 @!p0 $0x80;
	[sflag:s18] =	ssyncset.done $0x0  }
0x72: {  	s1 =	sadd.s32 $0x1400, s1;
	s25 =	rddreg [dreg:$0x5];
	[sflag:s18] =	ssyncadd.s32 $0xFFFFE000  }
0x73: {  	[spmem:s3] =	stream.indirect.scatter.add.f32 [tilespmem:s25], [sflag:$0xA], $0x40, s1, s15, $0xb8;
	[tilespmem:$0x1C800] =	vst v63  }
0x74: {  	s1 =	simm.s32 @p0 $0x100;
	_ =	swait.ge [sflag:s19], $0x2000  }
0x75: {  	s1 =	simm.s32 @!p0 $0x100;
	[sflag:s19] =	ssyncset.done $0x0  }
0x76: {  	s26 =	rddreg [dreg:$0x6];
	s1 =	sadd.s32 $0x1400, s1;
	[sflag:s19] =	ssyncadd.s32 $0xFFFFE000  }
0x77: {  	[spmem:s3] =	stream.indirect.scatter.add.f32 [tilespmem:s26], [sflag:$0xB], $0x40, s1, s15, $0xb8;
	[tilespmem:$0x1C800] =	vst v63  }
0x78: {  	s1 =	simm.s32 @p0 $0x180;
	_ =	swait.ge [sflag:s20], $0x2000  }
0x79: {  	s1 =	simm.s32 @!p0 $0x180;
	[sflag:s20] =	ssyncset.done $0x0  }
0x7a: {  	s28 =	rddreg [dreg:$0x7];
	s1 =	sadd.s32 $0x1400, s1;
	[sflag:s20] =	ssyncadd.s32 $0xFFFFE000  }
0x7b: {  	[spmem:s3] =	stream.indirect.scatter.add.f32 [tilespmem:s28], [sflag:$0xC], $0x40, s1, s15, $0xb8;
	[tilespmem:$0x1C800] =	vst v63  }
0x7c: {  	s1 =	simm.s32 @p0 $0x200;
	_ =	swait.ge [sflag:s21], $0x2000  }
0x7d: {  	s0 =	sadd.s32 $0x1780, s0;
	s1 =	simm.s32 @!p0 $0x200;
	[sflag:s21] =	ssyncset.done $0x0  }
0x7e: {  	s29 =	rddreg [dreg:$0x8];
	s1 =	sadd.s32 $0x1400, s1;
	[sflag:s21] =	ssyncadd.s32 $0xFFFFE000  }
0x7f: {  	[spmem:s3] =	stream.indirect.scatter.add.f32 [tilespmem:s29], [sflag:$0xD], $0x40, s1, s15, $0xb8;
	[tilespmem:$0x1C800] =	vst v63  }
0x80: {  	s11 =	simm.s32 $0x700;
	s1 =	simm.s32 @p0 $0x280;
	_ =	swait.ge [sflag:s22], $0x2000  }
0x81: {  	s25 =	simm.s32 $0x700;
	s1 =	simm.s32 @!p0 $0x280;
	[sflag:s22] =	ssyncset.done $0x0  }
0x82: {  	s30 =	rddreg [dreg:$0x9];
	s1 =	sadd.s32 $0x1400, s1;
	[sflag:s22] =	ssyncadd.s32 $0xFFFFE000  }
0x83: {  	[spmem:s3] =	stream.indirect.scatter.add.f32 [tilespmem:s30], [sflag:$0xE], $0x40, s1, s15, $0xb8;
	[tilespmem:$0x1C800] =	vst v63  }
0x84: {  	s26 =	simm.s32 $0xB00;
	s1 =	simm.s32 $0x300;
	_ =	swait.ge [sflag:s23], $0x2000  }
0x85: {  	s1 =	simm.s32 @!p0 $0x300;
	p0 =	por $0x1, $0x1;
	[sflag:s23] =	ssyncset.done $0x0  }
0x86: {  	s31 =	rddreg [dreg:$0xa];
	s1 =	sadd.s32 $0x1400, s1;
	[sflag:s23] =	ssyncadd.s32 $0xFFFFE000  }
0x87: {  	[spmem:s3] =	stream.indirect.scatter.add.f32 [tilespmem:s31], [sflag:$0xF], $0x40, s1, s15, $0xb8;
	[tilespmem:$0x1C800] =	vst v63  }
.LBB2_3:
0x88: {  	_ =	swait.ge [sflag:s24], $0x2000  }
0x89: {  	[sflag:s24] =	ssyncset.done $0x0  }
0x8a: {  	s1 =	simm.s32 @p0 $0x9;
	[sflag:s24] =	ssyncadd.s32 $0xFFFFE000  }
0x8b: {  	[spmem:s3] =	stream.indirect.scatter.add.f32 [tilespmem:s16], [sflag:$0x10], $0x40, s0, s15, $0xb8;
	[tilespmem:$0x1C800] =	vst v63  }
0x8c: {  	_ =	swait.ge @p0 [sflag:s1], $0x2000  }
0x8d: {  	s12 =	simm.s32 @p0 $0x80;
	s29 =	simm.s32 @p0 $0xA;
	[sflag:s1] =	ssyncset.done @p0 $0x0  }
0x8e: {  	s0 =	sadd.s32 @p0 $0xFFFFFD00, s25;
	[sflag:s1] =	ssyncadd.s32 @p0 $0xFFFFE000;
	s1 =	simm.s32 @p0 $0x2800  }
0x8f: {  	[tilespmem:s1], [sflag:$0x1] =	stream.indirect.gather @p0 [hbm4b:s5+s12], $0x40, s0, s12, $0xb8;
	[tilespmem:$0x1C800] =	vst v63  }
0x90: {  	_ =	swait.ge @p0 [sflag:s29], $0x2000  }
0x91: {  	s2 =	simm.s32 @p0 $0x4800;
	[sflag:s29] =	ssyncset.done @p0 $0x0  }
0x92: {  	s14 =	simm.s32 @p0 $0xB;
	s0 =	sadd.s32 @p0 $0xFFFFFD80, s25;
	[sflag:s29] =	ssyncadd.s32 @p0 $0xFFFFE000  }
0x93: {  	[tilespmem:s2], [sflag:$0x2] =	stream.indirect.gather @p0 [hbm4b:s5+s12], $0x40, s0, s12, $0xb8;
	[tilespmem:$0x1C800] =	vst v63  }
0x94: {  	_ =	swait.ge @p0 [sflag:s14], $0x2000  }
0x95: {  	s4 =	simm.s32 @p0 $0x6800;
	[sflag:s14] =	ssyncset.done @p0 $0x0  }
0x96: {  	s2 =	sadd.s32 @p0 $0xFFFFFE00, s25;
	[sflag:s14] =	ssyncadd.s32 @p0 $0xFFFFE000;
	s14 =	simm.s32 @p0 $0xC  }
0x97: {  	[tilespmem:s4], [sflag:$0x3] =	stream.indirect.gather @p0 [hbm4b:s5+s12], $0x40, s2, s12, $0xb8;
	[tilespmem:$0x1C800] =	vst v63  }
0x98: {  	_ =	swait.ge @p0 [sflag:s14], $0x2000  }
0x99: {  	s2 =	sadd.s32 @p0 $0xFFFFFE80, s25;
	[sflag:s14] =	ssyncset.done @p0 $0x0  }
0x9a: {  	s4 =	simm.s32 @p0 $0x8800;
	[sflag:s14] =	ssyncadd.s32 @p0 $0xFFFFE000;
	s14 =	simm.s32 @p0 $0xD  }
0x9b: {  	[tilespmem:s4], [sflag:$0x4] =	stream.indirect.gather @p0 [hbm4b:s5+s12], $0x40, s2, s12, $0xb8;
	[tilespmem:$0x1C800] =	vst v63  }
0x9c: {  	_ =	swait.ge @p0 [sflag:s14], $0x2000  }
0x9d: {  	s2 =	sadd.s32 @p0 $0xFFFFFF00, s25;
	[sflag:s14] =	ssyncset.done @p0 $0x0  }
0x9e: {  	s4 =	simm.s32 @p0 $0xA800;
	[sflag:s14] =	ssyncadd.s32 @p0 $0xFFFFE000;
	s14 =	simm.s32 @p0 $0xE  }
0x9f: {  	[tilespmem:s4], [sflag:$0x5] =	stream.indirect.gather @p0 [hbm4b:s5+s12], $0x40, s2, s12, $0xb8;
	[tilespmem:$0x1C800] =	vst v63  }
0xa0: {  	_ =	swait.ge @p0 [sflag:s14], $0x2000  }
0xa1: {  	s2 =	sadd.s32 @p0 $0xFFFFFF80, s25;
	[sflag:s14] =	ssyncset.done @p0 $0x0  }
0xa2: {  	s4 =	simm.s32 @p0 $0xC800;
	[sflag:s14] =	ssyncadd.s32 @p0 $0xFFFFE000;
	s14 =	simm.s32 @p0 $0xF  }
0xa3: {  	[tilespmem:s4], [sflag:$0x6] =	stream.indirect.gather @p0 [hbm4b:s5+s12], $0x40, s2, s12, $0xb8;
	[tilespmem:$0x1C800] =	vst v63  }
0xa4: {  	_ =	swait.ge @p0 [sflag:s14], $0x2000  }
0xa5: {  	[sflag:s14] =	ssyncset.done @p0 $0x0  }
0xa6: {  	s2 =	simm.s32 @p0 $0xE800;
	s4 =	simm.s32 @p0 $0x10;
	[sflag:s14] =	ssyncadd.s32 @p0 $0xFFFFE000  }
0xa7: {  	[tilespmem:s2], [sflag:$0x7] =	stream.indirect.gather @p0 [hbm4b:s5+s12], $0x40, s25, s12, $0xb8;
	[tilespmem:$0x1C800] =	vst v63  }
0xa8: {  	_ =	swait.ge @p0 [sflag:s4], $0x2000  }
0xa9: {  	s2 =	simm.s32 @!p0 $0x80;
	[sflag:s4] =	ssyncset.done @p0 $0x0  }
0xaa: {  	s12 =	simm.s32 @!p0 $0x0;
	[sflag:s4] =	ssyncadd.s32 @p0 $0xFFFFE000;
	s4 =	simm.s32 @!p0 $0x2800  }
0xab: {  	[tilespmem:s4], [sflag:$0x1] =	stream.indirect.gather @!p0 [hbm4b:s5+s2], $0x40, s12, s2, $0xb8;
	[tilespmem:$0x1C800] =	vst v63  }
0xac: {  	s4 =	simm.s32 @!p0 $0x4800  }
0xad: {  	[tilespmem:s4], [sflag:$0x2] =	stream.indirect.gather @!p0 [hbm4b:s5+s2], $0x40, s2, s2, $0xb8;
	[tilespmem:$0x1C800] =	vst v63  }
0xae: {  	s12 =	simm.s32 @!p0 $0x6800;
	s4 =	simm.s32 @!p0 $0x100  }
0xaf: {  	[tilespmem:s12], [sflag:$0x3] =	stream.indirect.gather @!p0 [hbm4b:s5+s2], $0x40, s4, s2, $0xb8;
	[tilespmem:$0x1C800] =	vst v63  }
0xb0: {  	s4 =	simm.s32 @!p0 $0x180;
	s12 =	simm.s32 @!p0 $0x8800  }
0xb1: {  	[tilespmem:s12], [sflag:$0x4] =	stream.indirect.gather @!p0 [hbm4b:s5+s2], $0x40, s4, s2, $0xb8;
	[tilespmem:$0x1C800] =	vst v63  }
0xb2: {  	s4 =	simm.s32 @!p0 $0x200;
	s12 =	simm.s32 @!p0 $0xA800  }
0xb3: {  	[tilespmem:s12], [sflag:$0x5] =	stream.indirect.gather @!p0 [hbm4b:s5+s2], $0x40, s4, s2, $0xb8;
	[tilespmem:$0x1C800] =	vst v63  }
0xb4: {  	s28 =	sadd.s32 @p0 $0xFFFFFD00, s11;
	s4 =	simm.s32 @!p0 $0x280;
	s12 =	simm.s32 @!p0 $0xC800  }
0xb5: {  	[tilespmem:s12], [sflag:$0x6] =	stream.indirect.gather @!p0 [hbm4b:s5+s2], $0x40, s4, s2, $0xb8;
	[tilespmem:$0x1C800] =	vst v63  }
0xb6: {  	s28 =	simm.s32 @!p0 $0x0;
	s4 =	simm.s32 @!p0 $0x300;
	s12 =	simm.s32 @!p0 $0xE800  }
0xb7: {  	[tilespmem:s12], [sflag:$0x7] =	stream.indirect.gather @!p0 [hbm4b:s5+s2], $0x40, s4, s2, $0xb8;
	[tilespmem:$0x1C800] =	vst v63  }
0xb8: {  	s4 =	sor.u32 $0x380, s28  }
0xb9: {  	[tilespmem:s16], [sflag:$0x8] =	stream.indirect.gather [hbm4b:s5+s15], $0x40, s4, s15, $0xb8;
	[tilespmem:$0x1C800] =	vst v63  }
0xba: {  	_ =	swait.ge [sflag:s17], $0x2000  }
0xbb: {  	[sflag:s17] =	ssyncset.done $0x0  }
0xbc: {  	s14 =	sadd.s32 $0x1400, s28;
	s12 =	rddreg [dreg:$0x4];
	[sflag:s17] =	ssyncadd.s32 $0xFFFFE000  }
0xbd: {  	[spmem:s3] =	stream.indirect.scatter.add.f32 [tilespmem:s12], [sflag:$0x9], $0x40, s14, s15, $0xb8;
	[tilespmem:$0x1C800] =	vst v63  }
0xbe: {  	s8 =	sadd.s32 @p0 $0xFFFFFD80, s11;
	_ =	swait.ge [sflag:s18], $0x2000  }
0xbf: {  	s8 =	simm.s32 @!p0 $0x80;
	[sflag:s18] =	ssyncset.done $0x0  }
0xc0: {  	s12 =	sadd.s32 $0x1400, s8;
	s4 =	rddreg [dreg:$0x5];
	[sflag:s18] =	ssyncadd.s32 $0xFFFFE000  }
0xc1: {  	[spmem:s3] =	stream.indirect.scatter.add.f32 [tilespmem:s4], [sflag:$0xA], $0x40, s12, s15, $0xb8;
	[tilespmem:$0x1C800] =	vst v63  }
0xc2: {  	s30 =	sadd.s32 @p0 $0xFFFFFE00, s11;
	_ =	swait.ge [sflag:s19], $0x2000  }
0xc3: {  	s30 =	simm.s32 @!p0 $0x100;
	[sflag:s19] =	ssyncset.done $0x0  }
0xc4: {  	s30 =	sadd.s32 $0x1400, s30;
	s14 =	rddreg [dreg:$0x6];
	[sflag:s19] =	ssyncadd.s32 $0xFFFFE000  }
0xc5: {  	[spmem:s3] =	stream.indirect.scatter.add.f32 [tilespmem:s14], [sflag:$0xB], $0x40, s30, s15, $0xb8;
	[tilespmem:$0x1C800] =	vst v63  }
0xc6: {  	s31 =	sadd.s32 @p0 $0xFFFFFE80, s11;
	_ =	swait.ge [sflag:s20], $0x2000  }
0xc7: {  	s31 =	simm.s32 @!p0 $0x180;
	s1 =	sadd.s32 @p0 $0xFFFFFF00, s11;
	[sflag:s20] =	ssyncset.done $0x0  }
0xc8: {  	s8 =	sadd.s32 $0x1400, s31;
	s4 =	rddreg [dreg:$0x7];
	[sflag:s20] =	ssyncadd.s32 $0xFFFFE000  }
0xc9: {  	[spmem:s3] =	stream.indirect.scatter.add.f32 [tilespmem:s4], [sflag:$0xC], $0x40, s8, s15, $0xb8;
	[tilespmem:$0x1C800] =	vst v63  }
0xca: {  	s1 =	simm.s32 @!p0 $0x200;
	_ =	swait.ge [sflag:s21], $0x2000  }
0xcb: {  	s1 =	sadd.s32 $0x1400, s1;
	s29 =	smov.u32 s11;
	[sflag:s21] =	ssyncset.done $0x0  }
0xcc: {  	s0 =	sadd.s32 @p0 $0xFFFFFF80, s11;
	s12 =	rddreg [dreg:$0x8];
	[sflag:s21] =	ssyncadd.s32 $0xFFFFE000  }
0xcd: {  	[spmem:s3] =	stream.indirect.scatter.add.f32 [tilespmem:s12], [sflag:$0xD], $0x40, s1, s15, $0xb8;
	[tilespmem:$0x1C800] =	vst v63  }
0xce: {  	s11 =	smov.u32 s26;
	s26 =	sadd.s32 $0x400, s26;
	_ =	swait.ge [sflag:s22], $0x2000  }
0xcf: {  	s0 =	simm.s32 @!p0 $0x280;
	p1 =	sne.s32 s26, $0x1700;
	[sflag:s22] =	ssyncset.done $0x0  }
0xd0: {  	s0 =	sadd.s32 $0x1400, s0;
	s14 =	rddreg [dreg:$0x9];
	[sflag:s22] =	ssyncadd.s32 $0xFFFFE000  }
0xd1: {  	[spmem:s3] =	stream.indirect.scatter.add.f32 [tilespmem:s14], [sflag:$0xE], $0x40, s0, s15, $0xb8;
	[tilespmem:$0x1C800] =	vst v63  }
.Ltmp0:
0xd2: {  	_ = 	snop;
	(pc) =	sbr.rel @p1 .LBB2_3-.Ltmp0, $4  }
0xd3: {  	s29 =	simm.s32 @!p0 $0x300;
	s25 =	sadd.s32 $0x400, s25;
	_ =	swait.ge [sflag:s23], $0x2000  }
0xd4: {  	p0 =	sne.s32 s11, $0x300;
	s31 =	sadd.s32 $0x1400, s29;
	[sflag:s23] =	ssyncset.done $0x0  }
0xd5: {  	s0 =	sadd.s32 $0x1780, s28;
	s30 =	rddreg [dreg:$0xa];
	[sflag:s23] =	ssyncadd.s32 $0xFFFFE000  }
0xd6: {  	[spmem:s3] =	stream.indirect.scatter.add.f32 [tilespmem:s30], [sflag:$0xF], $0x40, s31, s15, $0xb8;
	[tilespmem:$0x1C800] =	vst v63  }
0xd7: {  	_ =	swait.ge [sflag:s24], $0x2000  }
0xd8: {  	[sflag:s24] =	ssyncset.done $0x0  }
0xd9: {  	s1 =	simm.s32 @p0 $0x9;
	[sflag:s24] =	ssyncadd.s32 $0xFFFFE000  }
0xda: {  	[spmem:s3] =	stream.indirect.scatter.add.f32 [tilespmem:s16], [sflag:$0x10], $0x40, s0, s15, $0xb8;
	[tilespmem:$0x1C800] =	vst v63  }
0xdb: {  	_ =	swait.ge @p0 [sflag:s1], $0x2000  }
0xdc: {  	s2 =	simm.s32 @p0 $0x80;
	s4 =	simm.s32 @p0 $0xA;
	[sflag:s1] =	ssyncset.done @p0 $0x0  }
0xdd: {  	s0 =	sadd.s32 @p0 $0xFFFFFD00, s25;
	[sflag:s1] =	ssyncadd.s32 @p0 $0xFFFFE000;
	s1 =	simm.s32 @p0 $0x2800  }
0xde: {  	[tilespmem:s1], [sflag:$0x1] =	stream.indirect.gather @p0 [hbm4b:s5+s2], $0x40, s0, s2, $0xb8;
	[tilespmem:$0x1C800] =	vst v63  }
0xdf: {  	_ =	swait.ge @p0 [sflag:s4], $0x2000  }
0xe0: {  	s0 =	sadd.s32 @p0 $0xFFFFFD80, s25;
	[sflag:s4] =	ssyncset.done @p0 $0x0  }
0xe1: {  	s1 =	simm.s32 @p0 $0x4800;
	[sflag:s4] =	ssyncadd.s32 @p0 $0xFFFFE000;
	s4 =	simm.s32 @p0 $0xB  }
0xe2: {  	[tilespmem:s1], [sflag:$0x2] =	stream.indirect.gather @p0 [hbm4b:s5+s2], $0x40, s0, s2, $0xb8;
	[tilespmem:$0x1C800] =	vst v63  }
0xe3: {  	_ =	swait.ge @p0 [sflag:s4], $0x2000  }
0xe4: {  	s0 =	sadd.s32 @p0 $0xFFFFFE00, s25;
	[sflag:s4] =	ssyncset.done @p0 $0x0  }
0xe5: {  	s1 =	simm.s32 @p0 $0x6800;
	[sflag:s4] =	ssyncadd.s32 @p0 $0xFFFFE000;
	s4 =	simm.s32 @p0 $0xC  }
0xe6: {  	[tilespmem:s1], [sflag:$0x3] =	stream.indirect.gather @p0 [hbm4b:s5+s2], $0x40, s0, s2, $0xb8;
	[tilespmem:$0x1C800] =	vst v63  }
0xe7: {  	_ =	swait.ge @p0 [sflag:s4], $0x2000  }
0xe8: {  	s0 =	sadd.s32 @p0 $0xFFFFFE80, s25;
	[sflag:s4] =	ssyncset.done @p0 $0x0  }
0xe9: {  	s1 =	simm.s32 @p0 $0x8800;
	[sflag:s4] =	ssyncadd.s32 @p0 $0xFFFFE000;
	s4 =	simm.s32 @p0 $0xD  }
0xea: {  	[tilespmem:s1], [sflag:$0x4] =	stream.indirect.gather @p0 [hbm4b:s5+s2], $0x40, s0, s2, $0xb8;
	[tilespmem:$0x1C800] =	vst v63  }
0xeb: {  	_ =	swait.ge @p0 [sflag:s4], $0x2000  }
0xec: {  	s0 =	sadd.s32 @p0 $0xFFFFFF00, s25;
	[sflag:s4] =	ssyncset.done @p0 $0x0  }
0xed: {  	s1 =	simm.s32 @p0 $0xA800;
	[sflag:s4] =	ssyncadd.s32 @p0 $0xFFFFE000;
	s4 =	simm.s32 @p0 $0xE  }
0xee: {  	[tilespmem:s1], [sflag:$0x5] =	stream.indirect.gather @p0 [hbm4b:s5+s2], $0x40, s0, s2, $0xb8;
	[tilespmem:$0x1C800] =	vst v63  }
0xef: {  	_ =	swait.ge @p0 [sflag:s4], $0x2000  }
0xf0: {  	s0 =	sadd.s32 @p0 $0xFFFFFF80, s25;
	[sflag:s4] =	ssyncset.done @p0 $0x0  }
0xf1: {  	s1 =	simm.s32 @p0 $0xC800;
	[sflag:s4] =	ssyncadd.s32 @p0 $0xFFFFE000;
	s4 =	simm.s32 @p0 $0xF  }
0xf2: {  	[tilespmem:s1], [sflag:$0x6] =	stream.indirect.gather @p0 [hbm4b:s5+s2], $0x40, s0, s2, $0xb8;
	[tilespmem:$0x1C800] =	vst v63  }
0xf3: {  	_ =	swait.ge @p0 [sflag:s4], $0x2000  }
0xf4: {  	[sflag:s4] =	ssyncset.done @p0 $0x0  }
0xf5: {  	s0 =	simm.s32 @p0 $0xE800;
	s1 =	simm.s32 @p0 $0x10;
	[sflag:s4] =	ssyncadd.s32 @p0 $0xFFFFE000  }
0xf6: {  	[tilespmem:s0], [sflag:$0x7] =	stream.indirect.gather @p0 [hbm4b:s5+s2], $0x40, s25, s2, $0xb8;
	[tilespmem:$0x1C800] =	vst v63  }
0xf7: {  	_ =	swait.ge @p0 [sflag:s1], $0x2000  }
0xf8: {  	s2 =	simm.s32 @!p0 $0x80;
	[sflag:s1] =	ssyncset.done @p0 $0x0  }
0xf9: {  	s0 =	simm.s32 @!p0 $0x0;
	[sflag:s1] =	ssyncadd.s32 @p0 $0xFFFFE000;
	s1 =	simm.s32 @!p0 $0x2800  }
0xfa: {  	[tilespmem:s1], [sflag:$0x1] =	stream.indirect.gather @!p0 [hbm4b:s5+s2], $0x40, s0, s2, $0xb8;
	[tilespmem:$0x1C800] =	vst v63  }
0xfb: {  	s0 =	simm.s32 @!p0 $0x4800  }
0xfc: {  	[tilespmem:s0], [sflag:$0x2] =	stream.indirect.gather @!p0 [hbm4b:s5+s2], $0x40, s2, s2, $0xb8;
	[tilespmem:$0x1C800] =	vst v63  }
0xfd: {  	s1 =	simm.s32 @!p0 $0x6800;
	s0 =	simm.s32 @!p0 $0x100  }
0xfe: {  	[tilespmem:s1], [sflag:$0x3] =	stream.indirect.gather @!p0 [hbm4b:s5+s2], $0x40, s0, s2, $0xb8;
	[tilespmem:$0x1C800] =	vst v63  }
0xff: {  	s0 =	simm.s32 @!p0 $0x180;
	s1 =	simm.s32 @!p0 $0x8800  }
0x100: {  	[tilespmem:s1], [sflag:$0x4] =	stream.indirect.gather @!p0 [hbm4b:s5+s2], $0x40, s0, s2, $0xb8;
	[tilespmem:$0x1C800] =	vst v63  }
0x101: {  	s0 =	simm.s32 @!p0 $0x200;
	s1 =	simm.s32 @!p0 $0xA800  }
0x102: {  	[tilespmem:s1], [sflag:$0x5] =	stream.indirect.gather @!p0 [hbm4b:s5+s2], $0x40, s0, s2, $0xb8;
	[tilespmem:$0x1C800] =	vst v63  }
0x103: {  	s4 =	simm.s32 @!p0 $0xC800;
	s0 =	sadd.s32 @p0 $0xFFFFFD00, s11;
	s1 =	simm.s32 @!p0 $0x280  }
0x104: {  	[tilespmem:s4], [sflag:$0x6] =	stream.indirect.gather @!p0 [hbm4b:s5+s2], $0x40, s1, s2, $0xb8;
	[tilespmem:$0x1C800] =	vst v63  }
0x105: {  	s0 =	simm.s32 @!p0 $0x0;
	s1 =	simm.s32 @!p0 $0x300;
	s4 =	simm.s32 @!p0 $0xE800  }
0x106: {  	[tilespmem:s4], [sflag:$0x7] =	stream.indirect.gather @!p0 [hbm4b:s5+s2], $0x40, s1, s2, $0xb8;
	[tilespmem:$0x1C800] =	vst v63  }
0x107: {  	s4 =	sor.u32 $0x380, s0  }
0x108: {  	[tilespmem:s16], [sflag:$0x8] =	stream.indirect.gather [hbm4b:s5+s15], $0x40, s4, s15, $0xb8;
	[tilespmem:$0x1C800] =	vst v63  }
0x109: {  	_ =	swait.ge [sflag:s17], $0x2000  }
0x10a: {  	[sflag:s17] =	ssyncset.done $0x0  }
0x10b: {  	s12 =	sadd.s32 $0x1400, s0;
	s8 =	rddreg [dreg:$0x4];
	[sflag:s17] =	ssyncadd.s32 $0xFFFFE000  }
0x10c: {  	[spmem:s3] =	stream.indirect.scatter.add.f32 [tilespmem:s8], [sflag:$0x9], $0x40, s12, s15, $0xb8;
	[tilespmem:$0x1C800] =	vst v63  }
0x10d: {  	s1 =	sadd.s32 @p0 $0xFFFFFD80, s11;
	_ =	swait.ge [sflag:s18], $0x2000  }
0x10e: {  	s1 =	simm.s32 @!p0 $0x80;
	[sflag:s18] =	ssyncset.done $0x0  }
0x10f: {  	s1 =	sadd.s32 $0x1400, s1;
	s14 =	rddreg [dreg:$0x5];
	[sflag:s18] =	ssyncadd.s32 $0xFFFFE000  }
0x110: {  	[spmem:s3] =	stream.indirect.scatter.add.f32 [tilespmem:s14], [sflag:$0xA], $0x40, s1, s15, $0xb8;
	[tilespmem:$0x1C800] =	vst v63  }
0x111: {  	s1 =	sadd.s32 @p0 $0xFFFFFE00, s11;
	_ =	swait.ge [sflag:s19], $0x2000  }
0x112: {  	s1 =	simm.s32 @!p0 $0x100;
	[sflag:s19] =	ssyncset.done $0x0  }
0x113: {  	s25 =	rddreg [dreg:$0x6];
	s1 =	sadd.s32 $0x1400, s1;
	[sflag:s19] =	ssyncadd.s32 $0xFFFFE000  }
0x114: {  	[spmem:s3] =	stream.indirect.scatter.add.f32 [tilespmem:s25], [sflag:$0xB], $0x40, s1, s15, $0xb8;
	[tilespmem:$0x1C800] =	vst v63  }
0x115: {  	s1 =	sadd.s32 @p0 $0xFFFFFE80, s11;
	_ =	swait.ge [sflag:s20], $0x2000  }
0x116: {  	s1 =	simm.s32 @!p0 $0x180;
	[sflag:s20] =	ssyncset.done $0x0  }
0x117: {  	s26 =	rddreg [dreg:$0x7];
	s1 =	sadd.s32 $0x1400, s1;
	[sflag:s20] =	ssyncadd.s32 $0xFFFFE000  }
0x118: {  	[spmem:s3] =	stream.indirect.scatter.add.f32 [tilespmem:s26], [sflag:$0xC], $0x40, s1, s15, $0xb8;
	[tilespmem:$0x1C800] =	vst v63  }
0x119: {  	s1 =	sadd.s32 @p0 $0xFFFFFF00, s11;
	_ =	swait.ge [sflag:s21], $0x2000  }
0x11a: {  	s1 =	simm.s32 @!p0 $0x200;
	[sflag:s21] =	ssyncset.done $0x0  }
0x11b: {  	s28 =	rddreg [dreg:$0x8];
	s1 =	sadd.s32 $0x1400, s1;
	[sflag:s21] =	ssyncadd.s32 $0xFFFFE000  }
0x11c: {  	[spmem:s3] =	stream.indirect.scatter.add.f32 [tilespmem:s28], [sflag:$0xD], $0x40, s1, s15, $0xb8;
	[tilespmem:$0x1C800] =	vst v63  }
0x11d: {  	s1 =	sadd.s32 @p0 $0xFFFFFF80, s11;
	_ =	swait.ge [sflag:s22], $0x2000  }
0x11e: {  	s1 =	simm.s32 @!p0 $0x280;
	[sflag:s22] =	ssyncset.done $0x0  }
0x11f: {  	s29 =	rddreg [dreg:$0x9];
	s1 =	sadd.s32 $0x1400, s1;
	[sflag:s22] =	ssyncadd.s32 $0xFFFFE000  }
0x120: {  	[spmem:s3] =	stream.indirect.scatter.add.f32 [tilespmem:s29], [sflag:$0xE], $0x40, s1, s15, $0xb8;
	[tilespmem:$0x1C800] =	vst v63  }
0x121: {  	s11 =	simm.s32 @!p0 $0x300;
	_ =	swait.ge [sflag:s23], $0x2000  }
0x122: {  	s10 =	sadd.s32 $0x1, s10;
	s31 =	sadd.s32 $0x1400, s11;
	[sflag:s23] =	ssyncset.done $0x0  }
0x123: {  	p0 =	sne.s32 s10, $0x4;
	s30 =	rddreg [dreg:$0xa];
	[sflag:s23] =	ssyncadd.s32 $0xFFFFE000  }
0x124: {  	[spmem:s3] =	stream.indirect.scatter.add.f32 [tilespmem:s30], [sflag:$0xF], $0x40, s31, s15, $0xb8;
	[tilespmem:$0x1C800] =	vst v63  }
.Ltmp1:
0x125: {  	_ = 	snop;
	(pc) =	sbr.rel @p0 .LBB2_2-.Ltmp1, $4  }
0x126: {  	_ =	swait.ge [sflag:s24], $0x2000  }
0x127: {  	[sflag:s24] =	ssyncset.done $0x0  }
0x128: {  	s0 =	sadd.s32 $0x1780, s0;
	[sflag:s24] =	ssyncadd.s32 $0xFFFFE000  }
0x129: {  	[spmem:s3] =	stream.indirect.scatter.add.f32 [tilespmem:s16], [sflag:$0x10], $0x40, s0, s15, $0xb8;
	[tilespmem:$0x1C800] =	vst v63  }
0x12a: {  	s0 =	simm.s32 $0x9  }
0x12b: {  	_ =	swait.ge [sflag:s0], $0x2000  }
0x12c: {  	[sflag:s0] =	ssyncset.done $0x0  }
0x12d: {  	s11 =	simm.s32 $0xA;
	[sflag:s0] =	ssyncadd.s32 $0xFFFFE000  }
0x12e: {  	_ =	swait.ge [sflag:s11], $0x2000  }
0x12f: {  	[sflag:s11] =	ssyncset.done $0x0  }
0x130: {  	s12 =	simm.s32 $0xB;
	[sflag:s11] =	ssyncadd.s32 $0xFFFFE000  }
0x131: {  	_ =	swait.ge [sflag:s12], $0x2000  }
0x132: {  	[sflag:s12] =	ssyncset.done $0x0  }
0x133: {  	s14 =	simm.s32 $0xC;
	[sflag:s12] =	ssyncadd.s32 $0xFFFFE000  }
0x134: {  	_ =	swait.ge [sflag:s14], $0x2000  }
0x135: {  	[sflag:s14] =	ssyncset.done $0x0  }
0x136: {  	s25 =	simm.s32 $0xD;
	[sflag:s14] =	ssyncadd.s32 $0xFFFFE000  }
0x137: {  	_ =	swait.ge [sflag:s25], $0x2000  }
0x138: {  	[sflag:s25] =	ssyncset.done $0x0  }
0x139: {  	s26 =	simm.s32 $0xE;
	[sflag:s25] =	ssyncadd.s32 $0xFFFFE000  }
0x13a: {  	_ =	swait.ge [sflag:s26], $0x2000  }
0x13b: {  	[sflag:s26] =	ssyncset.done $0x0  }
0x13c: {  	s28 =	simm.s32 $0xF;
	[sflag:s26] =	ssyncadd.s32 $0xFFFFE000  }
0x13d: {  	_ =	swait.ge [sflag:s28], $0x2000  }
0x13e: {  	[sflag:s28] =	ssyncset.done $0x0  }
0x13f: {  	s29 =	simm.s32 $0x10;
	[sflag:s28] =	ssyncadd.s32 $0xFFFFE000  }
0x140: {  	_ =	swait.ge [sflag:s29], $0x2000  }
0x141: {  	[sflag:s29] =	ssyncset.done $0x0  }
0x142: {  	[sflag:s29] =	ssyncadd.s32 $0xFFFFE000  }
0x143: {  	[bflag:$0x0] =	sbarrier.arrive $0xFFFF  }
0x144: {  	s4 =	rddreg [dreg:$0xb]  }
0x145: {  	s30 =	rddreg [dreg:$0xc]  }
0x146: {  	s1 =	rddreg [dreg:$0xe]  }
0x147: {  	[hbm:s30], [sflag:s4] =	dma.local [spmem:s1], $0x1400  }
0x148: {  	_ =	swait.ge [sflag:s13], $0x1400  }
0x149: {  	s2 =	rddreg [dreg:$0xf]  }
0x14a: {  	s31 =	rddreg [dreg:$0xd];
	s2 =	sadd.s32 $0x1, s2  }
0x14b: {  	p0 =	sne.s32 s2, s31  }
.Ltmp2:
0x14c: {  	_ = 	snop;
	(pc) =	sbr.rel @p0 .LBB2_1-.Ltmp2, $3  }
0x14d: {  	_ =	sdelay $0x1  }
0x14e: {  	[sflag:s13] =	ssyncset.done $0x0  }
0x14f: {  	[sflag:s13] =	ssyncadd.s32 $0xFFFFEC00  }
0x150: {  	_ =	sfence.sel $0x180000  }
0x151: {  	[bflag:$0x0] =	sbarrier.arrive $0xFFFF  }
0x152: {  	_ =	strace $0x9000004A  }
0x153: {  	s0 =	stileid.u32;
	[bflag:$0x2] =	sbarrier.arrive $0xFFFF  }
0x154: {  	p0 =	sne.s32 s0, $0x0;
	s0 =	rddreg [dreg:$0x3]  }
0x155: {  	s0 =	sadd.s32 @!p0 $0x100000, s0  }
0x156: {  	[sflag:s0] =	ssyncadd.tile.s32 @!p0 $0x1;
	_ =	shalt  }
.Lfunc_end2:
_tile_overlayer_lowered:
.L_overlay_start_2:
0x157: {  	(tag) =	ssettag $0x2  }
0x158: {  	s0 =	rddreg [dreg:$0x0];
	s2 =	stileid.u32  }
0x159: {  	s1 =	rddreg [dreg:$0x1];
	p0 =	sne.s32 s2, $0x0  }
0x15a: {  	s3 =	rddreg [dreg:$0x2];
	[bflag:$0x3] =	sbarrier.arrive $0xFFFF;
	s2 =	simm.s32 @!p0 $0x1C11  }
0x15b: {  	[timem:s3], [sflag:s2] =	dma.local @!p0 [hbm:s0], s1  }
0x15c: {  	s0 =	simm.s32 @!p0 $0x11  }
0x15d: {  	_ =	swait.ge @!p0 [sflag:s0], s1  }
0x15e: {  	s1 =	ssub.s32 @!p0 $0x0, s1;
	[sflag:s0] =	ssyncset.done @!p0 $0x0  }
0x15f: {  	[sflag:s0] =	ssyncadd.s32 @!p0 s1  }
0x160: {  	[bflag:$0x3] =	sbarrier.arrive $0xFFFF  }
0x161: {  	_ =	shalt  }

// kernel: kernel.15.cloned.1.call-start
scs
__scs_entry_jumppad:
0x0: {  	(pc) =	sbr.rel $0x88, $3  }
0x1: {  	(tag) =	ssettag $0x0;
	lr =	simm.s32 $0x1  }
0x2: {  	[smem:$0x3F92] =	sst lr;
	_ =	strace $0xD0000000  }
0x3: {  	_ = 	snop  }
0x4: {  	_ = 	snop  }
0x5: {  	_ = 	snop  }
0x6: {  	_ = 	snop  }
0x7: {  	_ = 	snop  }
__scs_overlays_trampoline_lowered:
0x8: {  	[smem:$0x3FA1] =	sst s0  }
0x9: {  	[smem:$0x3FA2] =	sst s1  }
0xa: {  	[smem:$0x3FA3] =	sst s2  }
0xb: {  	[smem:$0x3FA4] =	sst s3  }
0xc: {  	[smem:$0x3FA5] =	sst s4  }
0xd: {  	[smem:$0x3FA6] =	sst s5  }
0xe: {  	[smem:$0x3FA7] =	sst s6  }
0xf: {  	[smem:$0x3FA8] =	sst s7  }
0x10: {  	[smem:$0x3FA9] =	sst s8  }
0x11: {  	[smem:$0x3FAA] =	sst s9;
	s0 =	simm.s32 @!p0 $0x0  }
0x12: {  	s1 =	sld [smem:$0x3F90];
	s0 =	simm.s32 @p0 $0x1  }
0x13: {  	[smem:$0x3FAB] =	sst s0;
	s0 =	simm.s32 @!p1 $0x0  }
0x14: {  	s2 =	sld [smem:$0x3F8F];
	s0 =	simm.s32 @p1 $0x1  }
0x15: {  	[smem:$0x3FAC] =	sst s0;
	s0 =	simm.s32 @!p2 $0x0  }
0x16: {  	s3 =	sld [smem:$0x3FDB];
	s0 =	simm.s32 @p2 $0x1  }
0x17: {  	s4 =	simm.s32 $0x1BF5;
	[smem:$0x3FAE] =	sst s0  }
0x18: {  	s0 =	sld [smem:$0x3F91];
	_ =	swait.ge [sflag:s4], $0x0  }
0x19: {  	s7 =	sld [smem:$0x3F92]  }
0x1a: {  	s8 =	sadd.s32 $0xFFFFE003, lr  }
0x1b: {  	s9 =	sadd.s32 $0xFFFFFEF7, lr;
	s5 =	simm.s32 $0xFFFFFFFF;
	p2 =	slt.u32 s8, $0xFFFFF086  }
0x1c: {  	p1 =	slt.u32 s9, $0xF7A;
	s5 =	simm.s32 @!p2 $0x0  }
0x1d: {  	s5 =	simm.s32 @p1 $0x1;
	p0 =	seq.s32 s7, s2  }
0x1e: {  	s7 =	smul.u32 @!p0 $0xF7A, s2;
	p2 =	seq.s32 @!p0 s5, $0x0  }
0x1f: {  	s9 =	smul.u32 $0xF7A, s1;
	s8 =	simm.s32 @!p0 $0x1BF5;
	p2 =	por !p2, p0  }
0x20: {  	[sflag:s8] =	ssyncset.s32 @!p0 $0xFFFFF086;
	s6 =	sadd.s32 @!p0 s3, s7;
	s7 =	simm.s32 @!p0 $0x108  }
0x21: {  	s3 =	sadd.s32 s3, s9;
	s6 =	sadd.s32 @!p0 $0x88, s6;
	s7 =	simm.s32 @p2 $0x1082  }
0x22: {  	[simem:s7], [sflag:s8] =	dma.local @!p0 [hbm:s6], $0xF7A  }
0x23: {  	s9 =	sor.u32 $0xD0000000, s2;
	s6 =	simm.s32 $0x108;
	_ =	swait.ge @!p0 [sflag:s8], $0x0  }
0x24: {  	s3 =	sadd.s32 $0x88, s3;
	s6 =	simm.s32 @!p1 $0x1082;
	[sflag:s4] =	ssyncset.s32 $0xFFFFF086  }
0x25: {  	[simem:s6], [sflag:s4] =	dma.local [hbm:s3], $0xF7A  }
0x26: {  	[smem:$0x3F92] =	sst s1;
	(tag) =	ssettag s2;
	_ =	strace s9  }
0x27: {  	s1 =	sld [smem:$0x3FA2]  }
0x28: {  	s2 =	sld [smem:$0x3FA3]  }
0x29: {  	s4 =	sld [smem:$0x3FA5]  }
0x2a: {  	p0 =	seq.s32 s5, $0x0;
	s5 =	sld [smem:$0x3FA6]  }
0x2b: {  	s6 =	sld [smem:$0x3FA7]  }
0x2c: {  	s7 =	sld [smem:$0x3FA8]  }
0x2d: {  	s3 =	simm.s32 $0x108;
	s8 =	sld [smem:$0x3FA9]  }
0x2e: {  	s3 =	simm.s32 @!p0 $0x1082;
	s9 =	sld [smem:$0x3FAA]  }
0x2f: {  	lr =	sadd.s32 s0, s3;
	s0 =	sld [smem:$0x3FA1]  }
0x30: {  	s3 =	sld [smem:$0x3FA4]  }
0x31: {  	[smem:$0x3FAD] =	sst s10  }
0x32: {  	s10 =	sld [smem:$0x3FAB];
	_ =	sdelay $0x3  }
0x33: {  	p0 =	seq.s32 s10, $0x1;
	s10 =	sld [smem:$0x3FAD];
	_ =	sdelay $0x3  }
0x34: {  	[smem:$0x3FAD] =	sst s10  }
0x35: {  	s10 =	sld [smem:$0x3FAC];
	_ =	sdelay $0x3  }
0x36: {  	p1 =	seq.s32 s10, $0x1;
	s10 =	sld [smem:$0x3FAD];
	_ =	sdelay $0x3  }
0x37: {  	[smem:$0x3FAD] =	sst s10  }
0x38: {  	s10 =	sld [smem:$0x3FAE]  }
0x39: {  	_ = 	snop;
	(pc) =	sbr.ind lr, $3  }
0x3a: {  	_ = 	snop  }
0x3b: {  	_ = 	snop  }
0x3c: {  	p2 =	seq.s32 s10, $0x1;
	s10 =	sld [smem:$0x3FAD]  }
0x3d: {  	_ =	shalt  }
0x3e: {  	_ =	shalt  }
0x3f: {  	_ =	shalt  }
0x40: {  	_ =	shalt  }
0x41: {  	_ =	shalt  }
0x42: {  	_ =	shalt  }
0x43: {  	_ =	shalt  }
0x44: {  	_ =	shalt  }
0x45: {  	_ =	shalt  }
0x46: {  	_ =	shalt  }
0x47: {  	_ =	shalt  }
0x48: {  	_ =	shalt  }
0x49: {  	_ =	shalt  }
0x4a: {  	_ =	shalt  }
0x4b: {  	_ =	shalt  }
0x4c: {  	_ =	shalt  }
0x4d: {  	_ =	shalt  }
0x4e: {  	_ =	shalt  }
0x4f: {  	_ =	shalt  }
0x50: {  	_ =	shalt  }
0x51: {  	_ =	shalt  }
0x52: {  	_ =	shalt  }
0x53: {  	_ =	shalt  }
0x54: {  	_ =	shalt  }
0x55: {  	_ =	shalt  }
0x56: {  	_ =	shalt  }
0x57: {  	_ =	shalt  }
0x58: {  	_ =	shalt  }
0x59: {  	_ =	shalt  }
0x5a: {  	_ =	shalt  }
0x5b: {  	_ =	shalt  }
0x5c: {  	_ =	shalt  }
0x5d: {  	_ =	shalt  }
0x5e: {  	_ =	shalt  }
0x5f: {  	_ =	shalt  }
0x60: {  	_ =	shalt  }
0x61: {  	_ =	shalt  }
0x62: {  	_ =	shalt  }
0x63: {  	_ =	shalt  }
0x64: {  	_ =	shalt  }
0x65: {  	_ =	shalt  }
0x66: {  	_ =	shalt  }
0x67: {  	_ =	shalt  }
0x68: {  	_ =	shalt  }
0x69: {  	_ =	shalt  }
0x6a: {  	_ =	shalt  }
0x6b: {  	_ =	shalt  }
0x6c: {  	_ =	shalt  }
0x6d: {  	_ =	shalt  }
0x6e: {  	_ =	shalt  }
0x6f: {  	_ =	shalt  }
0x70: {  	_ =	shalt  }
0x71: {  	_ =	shalt  }
0x72: {  	_ =	shalt  }
0x73: {  	_ =	shalt  }
0x74: {  	_ =	shalt  }
0x75: {  	_ =	shalt  }
0x76: {  	_ =	shalt  }
0x77: {  	_ =	shalt  }
0x78: {  	_ =	shalt  }
0x79: {  	_ =	shalt  }
0x7a: {  	_ =	shalt  }
0x7b: {  	_ =	shalt  }
0x7c: {  	_ =	shalt  }
0x7d: {  	_ =	shalt  }
0x7e: {  	_ =	shalt  }
0x7f: {  	_ =	shalt  }
0x80: {  	_ =	shalt  }
0x81: {  	_ =	shalt  }
0x82: {  	_ =	shalt  }
0x83: {  	_ =	shalt  }
0x84: {  	_ =	shalt  }
0x85: {  	_ =	shalt  }
0x86: {  	_ =	shalt  }
0x87: {  	_ =	shalt  }
.Lfunc_end0:
.L_simem_size_0:
called_computation.2_lowered:
.L_overlay_start_0:
0x88: {  	s2 =	sld [smem:$0x3FD9]  }
0x89: {  	s3 =	sld [smem:$0x3FFE];
	_ =	sdelay $0x1  }
0x8a: {  	s1 =	srdreg.scid  }
0x8b: {  	s0 =	sand.u32 $0x1, s1  }
0x8c: {  	s17 =	sshll.u32 s0, $0xA;
	s2 =	sadd.s32 s3, s2  }
0x8d: {  	s2 =	sadd.s32 s2, s17  }
0x8e: {  	[smem:$0x3FB9] =	sst s2  }
0x8f: {  	_ = 	snop  }
0x90: {  	s2 =	sld [smem:$0x3FD0];
	(tm) =	ssettm $0x1  }
0x91: {  	s18 =	sld [smem:$0x3FFB];
	_ =	sdelay $0x3  }
0x92: {  	_ =	strace s18  }
0x93: {  	s3 =	sld [smem:$0x3FFC];
	_ =	sdelay $0x3  }
0x94: {  	_ =	strace s3  }
0x95: {  	s3 =	sld [smem:$0x3FFD];
	_ =	sdelay $0x3  }
0x96: {  	_ =	strace s3  }
0x97: {  	_ =	strace $0x8FFFFFFF  }
0x98: {  	s19 =	sld [smem:$0x3FDB];
	_ =	sdelay $0x1  }
0x99: {  	s4 =	simm.s32 $_scs_section_size  }
0x9a: {  	s5 =	simm.s32 $_size__tile_overlayer_lowered;
	s6 =	simm.s32 $_tile_overlayer_lowered  }
0x9b: {  	s22 =	simm.s32 $0x1BFF;
	s21 =	sshll.u32 s6, $0x1;
	s3 =	sadd.s32 s4, s19  }
0x9c: {  	s7 =	simm.s32 $0x0;
	s20 =	sshll.u32 s5, $0x1;
	s5 =	sadd.s32 s21, s3  }
0x9d: {  	[timem:s7], [sflag:s22] =	dma.local [hbm:s5], s20  }
0x9e: {  	_ =	swait.ge [sflag:s22], s20  }
0x9f: {  	s4 =	ssub.s32 $0x0, s20;
	[sflag:s22] =	ssyncset.done $0x0  }
0xa0: {  	[sflag:s22] =	ssyncadd.s32 s4;
	_ =	sdelay $0x1  }
0xa1: {  	s23 =	simm.s32 $0x1B8B  }
0xa2: {  	_ =	swait.ge [sflag:s23], $0x1  }
0xa3: {  	[sflag:s23] =	ssyncset.done $0x0  }
0xa4: {  	s25 =	simm.s32 $0x1B8E;
	s24 =	sld [smem:$0x3FFE];
	[sflag:s23] =	ssyncadd.s32 $0xFFFFFFFF  }
0xa5: {  	s26 =	simm.s32 $execute0_lowered;
	[smem:$0x3FD2] =	sst s25  }
0xa6: {  	s5 =	sshll.u32 s26, $0x1;
	_ =	strace $0x8000004C;
	[dreg:$0x1] =	wrdreg $0xFFFFFFFF  }
0xa7: {  	s28 =	simm.s32 $_size_execute0_lowered;
	s3 =	sadd.s32 s3, s5;
	[dreg:$0x0] =	wrdreg $0x0  }
0xa8: {  	s5 =	sshll.u32 s28, $0x1;
	[dreg:$0x2] =	wrdreg s3  }
0xa9: {  	[dreg:$0x3] =	wrdreg s5  }
0xaa: {  	[dreg:$0x4] =	wrdreg $0xC0  }
0xab: {  	_ =	task [dreg:s7], $0x5FFFF  }
0xac: {  	[dreg:$0x1] =	wrdreg $0xFFFFFFFF  }
0xad: {  	[dreg:$0x0] =	wrdreg $0x60  }
0xae: {  	[dreg:$0x2] =	wrdreg s24  }
0xaf: {  	[dreg:$0x3] =	wrdreg s2  }
0xb0: {  	[dreg:$0x4] =	wrdreg $0x128000  }
0xb1: {  	[dreg:$0x5] =	wrdreg $0x9  }
0xb2: {  	_ =	task.clear_ibuf [dreg:s7], $0x6FFFF;
	_ =	strace $0x9000004C  }
0xb3: {  	s29 =	simm.s32 $0x9;
	_ =	strace $0x8000004E  }
0xb4: {  	_ =	swait.ge [sflag:s29], $0x1  }
0xb5: {  	[sflag:s29] =	ssyncadd.s32 $0xFFFFFFFF  }
0xb6: {  	_ =	strace $0x9000004E  }
0xb7: {  	_ =	sfence  }
0xb8: {  	s30 =	sld [smem:$0x0];
	_ =	sdelay $0x2  }
0xb9: {  	s31 =	sshll.u32 s1, $0xD;
	s1 =	sshrl.u32 s1, $0x2  }
0xba: {  	s3 =	sand.u32 $0x4000, s31;
	s1 =	sadd.s32 s1, s30  }
0xbb: {  	s0 =	sor.u32 s3, s0;
	s1 =	sshll.u32 s1, $0x11  }
0xbc: {  	s0 =	sor.u32 s1, s0  }
0xbd: {  	s0 =	sadd.s32 $0x8F2B, s0  }
0xbe: {  	[sflag:s0] =	ssyncadd.remote.s32 $0x1  }
0xbf: {  	_ =	sfence.sel $0xFFFF  }
0xc0: {  	[dreg:$0x0] =	wrdreg $0xFFFFFFFF;
	(pc) =	sbr.abs _section_cstart, $3  }
0xc1: {  	[dreg:$0x1] =	wrdreg $0xFFFFFFFF  }
0xc2: {  	_ =	task.clear_ibuf [dreg:s7], $0x2FFFF;
	_ =	strace $0x9FFFFFFF  }
0xc3: {  	(tm) =	ssettm $0x7FFFFFFF  }
tec
execute0_lowered:
.L_overlay_start_1:
0x0: {  	(tag) =	ssettag $0x1  }
0x1: {  	s0 =	rddreg [dreg:$0x0];
	s1 =	srdreg.scid  }
0x2: {  	s4 =	stileid.u32;
	s3 =	rddreg [dreg:$0x2]  }
0x3: {  	s5 =	simm.s32 $0x0;
	s13 =	simm.s32 $0x11;
	s15 =	simm.s32 $0x80  }
0x4: {  	s16 =	simm.s32 $0x10800;
	s24 =	simm.s32 $0x2800;
	s17 =	simm.s32 $0x1  }
0x5: {  	s25 =	simm.s32 $0x4800;
	s18 =	simm.s32 $0x2;
	s26 =	simm.s32 $0x6800  }
0x6: {  	s19 =	simm.s32 $0x3;
	s28 =	simm.s32 $0x8800;
	s20 =	simm.s32 $0x4  }
0x7: {  	s29 =	simm.s32 $0xA800;
	s21 =	simm.s32 $0x5;
	[smem:$0x7FF] =	sst s5  }
0x8: {  	s30 =	simm.s32 $0xC800;
	_ =	strace $0x8000004D;
	[dreg:$0x4] =	wrdreg s24  }
0x9: {  	s31 =	simm.s32 $0xE800;
	s1 =	sand.u32 $0x1, s1;
	[dreg:$0x5] =	wrdreg s25  }
0xa: {  	s2 =	smul.u32 $0xA000, s4;
	s5 =	sadd.s32 $0x34C00, s0;
	[dreg:$0x6] =	wrdreg s26  }
0xb: {  	s7 =	sadd.s32 $0x20C00, s0;
	s9 =	smul.u32 $0x5000, s4;
	[dreg:$0x7] =	wrdreg s28  }
0xc: {  	s11 =	sshll.u32 s4, $0x6;
	s6 =	smul.u32 $0xA0000, s1;
	[dreg:$0x8] =	wrdreg s29  }
0xd: {  	s22 =	ssub.s32 $0x2, s1;
	s1 =	smul.u32 $0x50000, s1;
	[dreg:$0x9] =	wrdreg s30  }
0xe: {  	s4 =	sor.u32 $0x1C11, s11;
	[dreg:$0xa] =	wrdreg s31;
	s24 =	simm.s32 $0x8  }
0xf: {  	s10 =	sshrl.u32 s22, $0x1;
	[dreg:$0xb] =	wrdreg s4;
	s8 =	sadd.s32 s2, s6  }
0x10: {  	s6 =	sadd.s32 $0x48C00, s0;
	s2 =	sadd.s32 s2, s3;
	s8 =	sshrl.u32 s8, $0x3  }
0x11: {  	s9 =	sadd.s32 s1, s9;
	s1 =	sshrl.u32 s2, $0x3;
	s0 =	sadd.s32 s8, s0  }
0x12: {  	s8 =	ssub.s32 s22, s10;
	[dreg:$0xe] =	wrdreg s1;
	s0 =	sadd.s32 $0xACC00, s0  }
0x13: {  	s2 =	simm.s32 $0x0;
	s23 =	smax.u32 s8, $0x1;
	[dreg:$0xc] =	wrdreg s0  }
0x14: {  	s22 =	simm.s32 $0x6;
	[dreg:$0xd] =	wrdreg s23;
	s23 =	simm.s32 $0x7  }
.LBB2_1:
0x15: {  	[dreg:$0xf] =	wrdreg s2  }
0x16: {  	s0 =	rddreg [dreg:$0x1]  }
0x17: {  	[spmem:s1], [sflag:s4] =	dma.local [hbm:s0], $0x1400  }
0x18: {  	_ =	swait.ge [sflag:s13], $0x1400  }
0x19: {  	[sflag:s13] =	ssyncset.done $0x0  }
0x1a: {  	[sflag:s13] =	ssyncadd.s32 $0xFFFFEC00  }
0x1b: {  	s10 =	simm.s32 $0x0;
	[bflag:$0x0] =	sbarrier.arrive $0xFFFF  }
.LBB2_2:
0x1c: {  	p0 =	seq.s32 s10, $0x0  }
0x1d: {  	s0 =	simm.s32 @!p0 $0x9  }
0x1e: {  	_ =	swait.ge @!p0 [sflag:s0], $0x2000  }
0x1f: {  	[sflag:s0] =	ssyncset.done @!p0 $0x0  }
0x20: {  	[sflag:s0] =	ssyncadd.s32 @!p0 $0xFFFFE000;
	s0 =	simm.s32 @!p0 $0xA  }
0x21: {  	_ =	swait.ge @!p0 [sflag:s0], $0x2000  }
0x22: {  	[sflag:s0] =	ssyncset.done @!p0 $0x0  }
0x23: {  	[sflag:s0] =	ssyncadd.s32 @!p0 $0xFFFFE000;
	s0 =	simm.s32 @!p0 $0xB  }
0x24: {  	_ =	swait.ge @!p0 [sflag:s0], $0x2000  }
0x25: {  	[sflag:s0] =	ssyncset.done @!p0 $0x0  }
0x26: {  	[sflag:s0] =	ssyncadd.s32 @!p0 $0xFFFFE000;
	s0 =	simm.s32 @!p0 $0xC  }
0x27: {  	_ =	swait.ge @!p0 [sflag:s0], $0x2000  }
0x28: {  	[sflag:s0] =	ssyncset.done @!p0 $0x0  }
0x29: {  	[sflag:s0] =	ssyncadd.s32 @!p0 $0xFFFFE000;
	s0 =	simm.s32 @!p0 $0xD  }
0x2a: {  	_ =	swait.ge @!p0 [sflag:s0], $0x2000  }
0x2b: {  	[sflag:s0] =	ssyncset.done @!p0 $0x0  }
0x2c: {  	[sflag:s0] =	ssyncadd.s32 @!p0 $0xFFFFE000;
	s0 =	simm.s32 @!p0 $0xE  }
0x2d: {  	_ =	swait.ge @!p0 [sflag:s0], $0x2000  }
0x2e: {  	[sflag:s0] =	ssyncset.done @!p0 $0x0  }
0x2f: {  	[sflag:s0] =	ssyncadd.s32 @!p0 $0xFFFFE000;
	s0 =	simm.s32 @!p0 $0xF  }
0x30: {  	_ =	swait.ge @!p0 [sflag:s0], $0x2000  }
0x31: {  	s1 =	smul.u32 $0x1400, s10;
	[sflag:s0] =	ssyncset.done @!p0 $0x0  }
0x32: {  	[sflag:s0] =	ssyncadd.s32 @!p0 $0xFFFFE000;
	s0 =	simm.s32 @!p0 $0x10  }
0x33: {  	s1 =	sadd.s32 s9, s1;
	_ =	swait.ge @!p0 [sflag:s0], $0x2000  }
0x34: {  	s1 =	sshrl.u32 s1, $0x3;
	[sflag:s0] =	ssyncset.done @!p0 $0x0  }
0x35: {  	s2 =	simm.s32 $0x0;
	s31 =	sadd.s32 s6, s1;
	[sflag:s0] =	ssyncadd.s32 @!p0 $0xFFFFE000  }
0x36: {  	[tilespmem:s2], [sflag:$0x11] =	stream.linear.gather [hbm4b:s31+s2], $0x1400, $0x38;
	[tilespmem:$0x1C800] =	vst v63  }
0x37: {  	_ =	swait.ge [sflag:s13], $0x1400  }
0x38: {  	[sflag:s13] =	ssyncset.done $0x0  }
0x39: {  	s8 =	simm.s32 $0x1400;
	s4 =	sadd.s32 s7, s1;
	[sflag:s13] =	ssyncadd.s32 $0xFFFFEC00  }
0x3a: {  	[tilespmem:s8], [sflag:$0x11] =	stream.linear.gather [hbm4b:s4+s2], $0x1400, $0x38;
	[tilespmem:$0x1C800] =	vst v63  }
0x3b: {  	_ =	swait.ge [sflag:s13], $0x1400  }
0x3c: {  	p0 =	por $0x0, $0x0;
	[sflag:s13] =	ssyncset.done $0x0  }
0x3d: {  	s0 =	simm.s32 @p0 $0x9;
	[sflag:s13] =	ssyncadd.s32 $0xFFFFEC00  }
0x3e: {  	_ =	swait.ge @p0 [sflag:s0], $0x2000  }
0x3f: {  	s1 =	simm.s32 @p0 $0x0;
	s11 =	simm.s32 @p0 $0xA;
	[sflag:s0] =	ssyncset.done @p0 $0x0  }
0x40: {  	s8 =	simm.s32 @p0 $0x80;
	[sflag:s0] =	ssyncadd.s32 @p0 $0xFFFFE000;
	s0 =	simm.s32 @p0 $0x2800  }
0x41: {  	[tilespmem:s0], [sflag:$0x1] =	stream.indirect.gather @p0 [hbm4b:s5+s8], $0x40, s1, s8, $0xb8;
	[tilespmem:$0x1C800] =	vst v63  }
0x42: {  	_ =	swait.ge @p0 [sflag:s11], $0x2000  }
0x43: {  	s0 =	simm.s32 @p0 $0x80;
	[sflag:s11] =	ssyncset.done @p0 $0x0  }
0x44: {  	s1 =	simm.s32 @p0 $0x4800;
	[sflag:s11] =	ssyncadd.s32 @p0 $0xFFFFE000;
	s11 =	simm.s32 @p0 $0xB  }
0x45: {  	[tilespmem:s1], [sflag:$0x2] =	stream.indirect.gather @p0 [hbm4b:s5+s8], $0x40, s0, s8, $0xb8;
	[tilespmem:$0x1C800] =	vst v63  }
0x46: {  	_ =	swait.ge @p0 [sflag:s11], $0x2000  }
0x47: {  	s0 =	simm.s32 @p0 $0x100;
	[sflag:s11] =	ssyncset.done @p0 $0x0  }
0x48: {  	s1 =	simm.s32 @p0 $0x6800;
	[sflag:s11] =	ssyncadd.s32 @p0 $0xFFFFE000;
	s11 =	simm.s32 @p0 $0xC  }
0x49: {  	[tilespmem:s1], [sflag:$0x3] =	stream.indirect.gather @p0 [hbm4b:s5+s8], $0x40, s0, s8, $0xb8;
	[tilespmem:$0x1C800] =	vst v63  }
0x4a: {  	_ =	swait.ge @p0 [sflag:s11], $0x2000  }
0x4b: {  	s0 =	simm.s32 @p0 $0x180;
	[sflag:s11] =	ssyncset.done @p0 $0x0  }
0x4c: {  	s1 =	simm.s32 @p0 $0x8800;
	[sflag:s11] =	ssyncadd.s32 @p0 $0xFFFFE000;
	s11 =	simm.s32 @p0 $0xD  }
0x4d: {  	[tilespmem:s1], [sflag:$0x4] =	stream.indirect.gather @p0 [hbm4b:s5+s8], $0x40, s0, s8, $0xb8;
	[tilespmem:$0x1C800] =	vst v63  }
0x4e: {  	_ =	swait.ge @p0 [sflag:s11], $0x2000  }
0x4f: {  	s0 =	simm.s32 @p0 $0x200;
	[sflag:s11] =	ssyncset.done @p0 $0x0  }
0x50: {  	s1 =	simm.s32 @p0 $0xA800;
	[sflag:s11] =	ssyncadd.s32 @p0 $0xFFFFE000;
	s11 =	simm.s32 @p0 $0xE  }
0x51: {  	[tilespmem:s1], [sflag:$0x5] =	stream.indirect.gather @p0 [hbm4b:s5+s8], $0x40, s0, s8, $0xb8;
	[tilespmem:$0x1C800] =	vst v63  }
0x52: {  	_ =	swait.ge @p0 [sflag:s11], $0x2000  }
0x53: {  	s0 =	simm.s32 @p0 $0x280;
	[sflag:s11] =	ssyncset.done @p0 $0x0  }
0x54: {  	s1 =	simm.s32 @p0 $0xC800;
	[sflag:s11] =	ssyncadd.s32 @p0 $0xFFFFE000;
	s11 =	simm.s32 @p0 $0xF  }
0x55: {  	[tilespmem:s1], [sflag:$0x6] =	stream.indirect.gather @p0 [hbm4b:s5+s8], $0x40, s0, s8, $0xb8;
	[tilespmem:$0x1C800] =	vst v63  }
0x56: {  	_ =	swait.ge @p0 [sflag:s11], $0x2000  }
0x57: {  	s0 =	simm.s32 $0x300;
	[sflag:s11] =	ssyncset.done @p0 $0x0  }
0x58: {  	s1 =	simm.s32 @p0 $0xE800;
	[sflag:s11] =	ssyncadd.s32 @p0 $0xFFFFE000;
	s11 =	simm.s32 @p0 $0x10  }
0x59: {  	[tilespmem:s1], [sflag:$0x7] =	stream.indirect.gather @p0 [hbm4b:s5+s8], $0x40, s0, s8, $0xb8;
	[tilespmem:$0x1C800] =	vst v63  }
0x5a: {  	_ =	swait.ge @p0 [sflag:s11], $0x2000  }
0x5b: {  	s1 =	simm.s32 @!p0 $0x80;
	[sflag:s11] =	ssyncset.done @p0 $0x0  }
0x5c: {  	s0 =	simm.s32 @!p0 $0x0;
	s8 =	simm.s32 @!p0 $0x2800;
	[sflag:s11] =	ssyncadd.s32 @p0 $0xFFFFE000  }
0x5d: {  	[tilespmem:s8], [sflag:$0x1] =	stream.indirect.gather @!p0 [hbm4b:s5+s1], $0x40, s0, s1, $0xb8;
	[tilespmem:$0x1C800] =	vst v63  }
0x5e: {  	s0 =	simm.s32 @!p0 $0x4800  }
0x5f: {  	[tilespmem:s0], [sflag:$0x2] =	stream.indirect.gather @!p0 [hbm4b:s5+s1], $0x40, s1, s1, $0xb8;
	[tilespmem:$0x1C800] =	vst v63  }
0x60: {  	s8 =	simm.s32 @!p0 $0x6800;
	s0 =	simm.s32 @!p0 $0x100  }
0x61: {  	[tilespmem:s8], [sflag:$0x3] =	stream.indirect.gather @!p0 [hbm4b:s5+s1], $0x40, s0, s1, $0xb8;
	[tilespmem:$0x1C800] =	vst v63  }
0x62: {  	s0 =	simm.s32 @!p0 $0x180;
	s8 =	simm.s32 @!p0 $0x8800  }
0x63: {  	[tilespmem:s8], [sflag:$0x4] =	stream.indirect.gather @!p0 [hbm4b:s5+s1], $0x40, s0, s1, $0xb8;
	[tilespmem:$0x1C800] =	vst v63  }
0x64: {  	s0 =	simm.s32 @!p0 $0x200;
	s8 =	simm.s32 @!p0 $0xA800  }
0x65: {  	[tilespmem:s8], [sflag:$0x5] =	stream.indirect.gather @!p0 [hbm4b:s5+s1], $0x40, s0, s1, $0xb8;
	[tilespmem:$0x1C800] =	vst v63  }
0x66: {  	s11 =	simm.s32 @!p0 $0xC800;
	s0 =	simm.s32 @p0 $0x0;
	s8 =	simm.s32 @!p0 $0x280  }
0x67: {  	[tilespmem:s11], [sflag:$0x6] =	stream.indirect.gather @!p0 [hbm4b:s5+s1], $0x40, s8, s1, $0xb8;
	[tilespmem:$0x1C800] =	vst v63  }
0x68: {  	s0 =	simm.s32 @!p0 $0x0;
	s8 =	simm.s32 @!p0 $0x300;
	s11 =	simm.s32 @!p0 $0xE800  }
0x69: {  	[tilespmem:s11], [sflag:$0x7] =	stream.indirect.gather @!p0 [hbm4b:s5+s1], $0x40, s8, s1, $0xb8;
	[tilespmem:$0x1C800] =	vst v63  }
0x6a: {  	s11 =	sor.u32 $0x380, s0  }
0x6b: {  	[tilespmem:s16], [sflag:$0x8] =	stream.indirect.gather [hbm4b:s5+s15], $0x40, s11, s15, $0xb8;
	[tilespmem:$0x1C800] =	vst v63  }
0x6c: {  	_ =	swait.ge [sflag:s17], $0x2000  }
0x6d: {  	[sflag:s17] =	ssyncset.done $0x0  }
0x6e: {  	s14 =	sadd.s32 $0x1400, s0;
	s12 =	rddreg [dreg:$0x4];
	[sflag:s17] =	ssyncadd.s32 $0xFFFFE000  }
0x6f: {  	[spmem:s3] =	stream.indirect.scatter.add.f32 [tilespmem:s12], [sflag:$0x9], $0x40, s14, s15, $0xb8;
	[tilespmem:$0x1C800] =	vst v63  }
0x70: {  	s1 =	simm.s32 @p0 $0x80;
	_ =	swait.ge [sflag:s18], $0x2000  }
0x71: {  	s1 =	simm.s32 @!p0 $0x80;
	[sflag:s18] =	ssyncset.done $0x0  }
0x72: {  	s1 =	sadd.s32 $0x1400, s1;
	s25 =	rddreg [dreg:$0x5];
	[sflag:s18] =	ssyncadd.s32 $0xFFFFE000  }
0x73: {  	[spmem:s3] =	stream.indirect.scatter.add.f32 [tilespmem:s25], [sflag:$0xA], $0x40, s1, s15, $0xb8;
	[tilespmem:$0x1C800] =	vst v63  }
0x74: {  	s1 =	simm.s32 @p0 $0x100;
	_ =	swait.ge [sflag:s19], $0x2000  }
0x75: {  	s1 =	simm.s32 @!p0 $0x100;
	[sflag:s19] =	ssyncset.done $0x0  }
0x76: {  	s26 =	rddreg [dreg:$0x6];
	s1 =	sadd.s32 $0x1400, s1;
	[sflag:s19] =	ssyncadd.s32 $0xFFFFE000  }
0x77: {  	[spmem:s3] =	stream.indirect.scatter.add.f32 [tilespmem:s26], [sflag:$0xB], $0x40, s1, s15, $0xb8;
	[tilespmem:$0x1C800] =	vst v63  }
0x78: {  	s1 =	simm.s32 @p0 $0x180;
	_ =	swait.ge [sflag:s20], $0x2000  }
0x79: {  	s1 =	simm.s32 @!p0 $0x180;
	[sflag:s20] =	ssyncset.done $0x0  }
0x7a: {  	s28 =	rddreg [dreg:$0x7];
	s1 =	sadd.s32 $0x1400, s1;
	[sflag:s20] =	ssyncadd.s32 $0xFFFFE000  }
0x7b: {  	[spmem:s3] =	stream.indirect.scatter.add.f32 [tilespmem:s28], [sflag:$0xC], $0x40, s1, s15, $0xb8;
	[tilespmem:$0x1C800] =	vst v63  }
0x7c: {  	s1 =	simm.s32 @p0 $0x200;
	_ =	swait.ge [sflag:s21], $0x2000  }
0x7d: {  	s0 =	sadd.s32 $0x1780, s0;
	s1 =	simm.s32 @!p0 $0x200;
	[sflag:s21] =	ssyncset.done $0x0  }
0x7e: {  	s29 =	rddreg [dreg:$0x8];
	s1 =	sadd.s32 $0x1400, s1;
	[sflag:s21] =	ssyncadd.s32 $0xFFFFE000  }
0x7f: {  	[spmem:s3] =	stream.indirect.scatter.add.f32 [tilespmem:s29], [sflag:$0xD], $0x40, s1, s15, $0xb8;
	[tilespmem:$0x1C800] =	vst v63  }
0x80: {  	s11 =	simm.s32 $0x700;
	s1 =	simm.s32 @p0 $0x280;
	_ =	swait.ge [sflag:s22], $0x2000  }
0x81: {  	s25 =	simm.s32 $0x700;
	s1 =	simm.s32 @!p0 $0x280;
	[sflag:s22] =	ssyncset.done $0x0  }
0x82: {  	s30 =	rddreg [dreg:$0x9];
	s1 =	sadd.s32 $0x1400, s1;
	[sflag:s22] =	ssyncadd.s32 $0xFFFFE000  }
0x83: {  	[spmem:s3] =	stream.indirect.scatter.add.f32 [tilespmem:s30], [sflag:$0xE], $0x40, s1, s15, $0xb8;
	[tilespmem:$0x1C800] =	vst v63  }
0x84: {  	s26 =	simm.s32 $0xB00;
	s1 =	simm.s32 $0x300;
	_ =	swait.ge [sflag:s23], $0x2000  }
0x85: {  	s1 =	simm.s32 @!p0 $0x300;
	p0 =	por $0x1, $0x1;
	[sflag:s23] =	ssyncset.done $0x0  }
0x86: {  	s31 =	rddreg [dreg:$0xa];
	s1 =	sadd.s32 $0x1400, s1;
	[sflag:s23] =	ssyncadd.s32 $0xFFFFE000  }
0x87: {  	[spmem:s3] =	stream.indirect.scatter.add.f32 [tilespmem:s31], [sflag:$0xF], $0x40, s1, s15, $0xb8;
	[tilespmem:$0x1C800] =	vst v63  }
.LBB2_3:
0x88: {  	_ =	swait.ge [sflag:s24], $0x2000  }
0x89: {  	[sflag:s24] =	ssyncset.done $0x0  }
0x8a: {  	s1 =	simm.s32 @p0 $0x9;
	[sflag:s24] =	ssyncadd.s32 $0xFFFFE000  }
0x8b: {  	[spmem:s3] =	stream.indirect.scatter.add.f32 [tilespmem:s16], [sflag:$0x10], $0x40, s0, s15, $0xb8;
	[tilespmem:$0x1C800] =	vst v63  }
0x8c: {  	_ =	swait.ge @p0 [sflag:s1], $0x2000  }
0x8d: {  	s12 =	simm.s32 @p0 $0x80;
	s29 =	simm.s32 @p0 $0xA;
	[sflag:s1] =	ssyncset.done @p0 $0x0  }
0x8e: {  	s0 =	sadd.s32 @p0 $0xFFFFFD00, s25;
	[sflag:s1] =	ssyncadd.s32 @p0 $0xFFFFE000;
	s1 =	simm.s32 @p0 $0x2800  }
0x8f: {  	[tilespmem:s1], [sflag:$0x1] =	stream.indirect.gather @p0 [hbm4b:s5+s12], $0x40, s0, s12, $0xb8;
	[tilespmem:$0x1C800] =	vst v63  }
0x90: {  	_ =	swait.ge @p0 [sflag:s29], $0x2000  }
0x91: {  	s2 =	simm.s32 @p0 $0x4800;
	[sflag:s29] =	ssyncset.done @p0 $0x0  }
0x92: {  	s14 =	simm.s32 @p0 $0xB;
	s0 =	sadd.s32 @p0 $0xFFFFFD80, s25;
	[sflag:s29] =	ssyncadd.s32 @p0 $0xFFFFE000  }
0x93: {  	[tilespmem:s2], [sflag:$0x2] =	stream.indirect.gather @p0 [hbm4b:s5+s12], $0x40, s0, s12, $0xb8;
	[tilespmem:$0x1C800] =	vst v63  }
0x94: {  	_ =	swait.ge @p0 [sflag:s14], $0x2000  }
0x95: {  	s4 =	simm.s32 @p0 $0x6800;
	[sflag:s14] =	ssyncset.done @p0 $0x0  }
0x96: {  	s2 =	sadd.s32 @p0 $0xFFFFFE00, s25;
	[sflag:s14] =	ssyncadd.s32 @p0 $0xFFFFE000;
	s14 =	simm.s32 @p0 $0xC  }
0x97: {  	[tilespmem:s4], [sflag:$0x3] =	stream.indirect.gather @p0 [hbm4b:s5+s12], $0x40, s2, s12, $0xb8;
	[tilespmem:$0x1C800] =	vst v63  }
0x98: {  	_ =	swait.ge @p0 [sflag:s14], $0x2000  }
0x99: {  	s2 =	sadd.s32 @p0 $0xFFFFFE80, s25;
	[sflag:s14] =	ssyncset.done @p0 $0x0  }
0x9a: {  	s4 =	simm.s32 @p0 $0x8800;
	[sflag:s14] =	ssyncadd.s32 @p0 $0xFFFFE000;
	s14 =	simm.s32 @p0 $0xD  }
0x9b: {  	[tilespmem:s4], [sflag:$0x4] =	stream.indirect.gather @p0 [hbm4b:s5+s12], $0x40, s2, s12, $0xb8;
	[tilespmem:$0x1C800] =	vst v63  }
0x9c: {  	_ =	swait.ge @p0 [sflag:s14], $0x2000  }
0x9d: {  	s2 =	sadd.s32 @p0 $0xFFFFFF00, s25;
	[sflag:s14] =	ssyncset.done @p0 $0x0  }
0x9e: {  	s4 =	simm.s32 @p0 $0xA800;
	[sflag:s14] =	ssyncadd.s32 @p0 $0xFFFFE000;
	s14 =	simm.s32 @p0 $0xE  }
0x9f: {  	[tilespmem:s4], [sflag:$0x5] =	stream.indirect.gather @p0 [hbm4b:s5+s12], $0x40, s2, s12, $0xb8;
	[tilespmem:$0x1C800] =	vst v63  }
0xa0: {  	_ =	swait.ge @p0 [sflag:s14], $0x2000  }
0xa1: {  	s2 =	sadd.s32 @p0 $0xFFFFFF80, s25;
	[sflag:s14] =	ssyncset.done @p0 $0x0  }
0xa2: {  	s4 =	simm.s32 @p0 $0xC800;
	[sflag:s14] =	ssyncadd.s32 @p0 $0xFFFFE000;
	s14 =	simm.s32 @p0 $0xF  }
0xa3: {  	[tilespmem:s4], [sflag:$0x6] =	stream.indirect.gather @p0 [hbm4b:s5+s12], $0x40, s2, s12, $0xb8;
	[tilespmem:$0x1C800] =	vst v63  }
0xa4: {  	_ =	swait.ge @p0 [sflag:s14], $0x2000  }
0xa5: {  	[sflag:s14] =	ssyncset.done @p0 $0x0  }
0xa6: {  	s2 =	simm.s32 @p0 $0xE800;
	s4 =	simm.s32 @p0 $0x10;
	[sflag:s14] =	ssyncadd.s32 @p0 $0xFFFFE000  }
0xa7: {  	[tilespmem:s2], [sflag:$0x7] =	stream.indirect.gather @p0 [hbm4b:s5+s12], $0x40, s25, s12, $0xb8;
	[tilespmem:$0x1C800] =	vst v63  }
0xa8: {  	_ =	swait.ge @p0 [sflag:s4], $0x2000  }
0xa9: {  	s2 =	simm.s32 @!p0 $0x80;
	[sflag:s4] =	ssyncset.done @p0 $0x0  }
0xaa: {  	s12 =	simm.s32 @!p0 $0x0;
	[sflag:s4] =	ssyncadd.s32 @p0 $0xFFFFE000;
	s4 =	simm.s32 @!p0 $0x2800  }
0xab: {  	[tilespmem:s4], [sflag:$0x1] =	stream.indirect.gather @!p0 [hbm4b:s5+s2], $0x40, s12, s2, $0xb8;
	[tilespmem:$0x1C800] =	vst v63  }
0xac: {  	s4 =	simm.s32 @!p0 $0x4800  }
0xad: {  	[tilespmem:s4], [sflag:$0x2] =	stream.indirect.gather @!p0 [hbm4b:s5+s2], $0x40, s2, s2, $0xb8;
	[tilespmem:$0x1C800] =	vst v63  }
0xae: {  	s12 =	simm.s32 @!p0 $0x6800;
	s4 =	simm.s32 @!p0 $0x100  }
0xaf: {  	[tilespmem:s12], [sflag:$0x3] =	stream.indirect.gather @!p0 [hbm4b:s5+s2], $0x40, s4, s2, $0xb8;
	[tilespmem:$0x1C800] =	vst v63  }
0xb0: {  	s4 =	simm.s32 @!p0 $0x180;
	s12 =	simm.s32 @!p0 $0x8800  }
0xb1: {  	[tilespmem:s12], [sflag:$0x4] =	stream.indirect.gather @!p0 [hbm4b:s5+s2], $0x40, s4, s2, $0xb8;
	[tilespmem:$0x1C800] =	vst v63  }
0xb2: {  	s4 =	simm.s32 @!p0 $0x200;
	s12 =	simm.s32 @!p0 $0xA800  }
0xb3: {  	[tilespmem:s12], [sflag:$0x5] =	stream.indirect.gather @!p0 [hbm4b:s5+s2], $0x40, s4, s2, $0xb8;
	[tilespmem:$0x1C800] =	vst v63  }
0xb4: {  	s28 =	sadd.s32 @p0 $0xFFFFFD00, s11;
	s4 =	simm.s32 @!p0 $0x280;
	s12 =	simm.s32 @!p0 $0xC800  }
0xb5: {  	[tilespmem:s12], [sflag:$0x6] =	stream.indirect.gather @!p0 [hbm4b:s5+s2], $0x40, s4, s2, $0xb8;
	[tilespmem:$0x1C800] =	vst v63  }
0xb6: {  	s28 =	simm.s32 @!p0 $0x0;
	s4 =	simm.s32 @!p0 $0x300;
	s12 =	simm.s32 @!p0 $0xE800  }
0xb7: {  	[tilespmem:s12], [sflag:$0x7] =	stream.indirect.gather @!p0 [hbm4b:s5+s2], $0x40, s4, s2, $0xb8;
	[tilespmem:$0x1C800] =	vst v63  }
0xb8: {  	s4 =	sor.u32 $0x380, s28  }
0xb9: {  	[tilespmem:s16], [sflag:$0x8] =	stream.indirect.gather [hbm4b:s5+s15], $0x40, s4, s15, $0xb8;
	[tilespmem:$0x1C800] =	vst v63  }
0xba: {  	_ =	swait.ge [sflag:s17], $0x2000  }
0xbb: {  	[sflag:s17] =	ssyncset.done $0x0  }
0xbc: {  	s14 =	sadd.s32 $0x1400, s28;
	s12 =	rddreg [dreg:$0x4];
	[sflag:s17] =	ssyncadd.s32 $0xFFFFE000  }
0xbd: {  	[spmem:s3] =	stream.indirect.scatter.add.f32 [tilespmem:s12], [sflag:$0x9], $0x40, s14, s15, $0xb8;
	[tilespmem:$0x1C800] =	vst v63  }
0xbe: {  	s8 =	sadd.s32 @p0 $0xFFFFFD80, s11;
	_ =	swait.ge [sflag:s18], $0x2000  }
0xbf: {  	s8 =	simm.s32 @!p0 $0x80;
	[sflag:s18] =	ssyncset.done $0x0  }
0xc0: {  	s12 =	sadd.s32 $0x1400, s8;
	s4 =	rddreg [dreg:$0x5];
	[sflag:s18] =	ssyncadd.s32 $0xFFFFE000  }
0xc1: {  	[spmem:s3] =	stream.indirect.scatter.add.f32 [tilespmem:s4], [sflag:$0xA], $0x40, s12, s15, $0xb8;
	[tilespmem:$0x1C800] =	vst v63  }
0xc2: {  	s30 =	sadd.s32 @p0 $0xFFFFFE00, s11;
	_ =	swait.ge [sflag:s19], $0x2000  }
0xc3: {  	s30 =	simm.s32 @!p0 $0x100;
	[sflag:s19] =	ssyncset.done $0x0  }
0xc4: {  	s30 =	sadd.s32 $0x1400, s30;
	s14 =	rddreg [dreg:$0x6];
	[sflag:s19] =	ssyncadd.s32 $0xFFFFE000  }
0xc5: {  	[spmem:s3] =	stream.indirect.scatter.add.f32 [tilespmem:s14], [sflag:$0xB], $0x40, s30, s15, $0xb8;
	[tilespmem:$0x1C800] =	vst v63  }
0xc6: {  	s31 =	sadd.s32 @p0 $0xFFFFFE80, s11;
	_ =	swait.ge [sflag:s20], $0x2000  }
0xc7: {  	s31 =	simm.s32 @!p0 $0x180;
	s1 =	sadd.s32 @p0 $0xFFFFFF00, s11;
	[sflag:s20] =	ssyncset.done $0x0  }
0xc8: {  	s8 =	sadd.s32 $0x1400, s31;
	s4 =	rddreg [dreg:$0x7];
	[sflag:s20] =	ssyncadd.s32 $0xFFFFE000  }
0xc9: {  	[spmem:s3] =	stream.indirect.scatter.add.f32 [tilespmem:s4], [sflag:$0xC], $0x40, s8, s15, $0xb8;
	[tilespmem:$0x1C800] =	vst v63  }
0xca: {  	s1 =	simm.s32 @!p0 $0x200;
	_ =	swait.ge [sflag:s21], $0x2000  }
0xcb: {  	s1 =	sadd.s32 $0x1400, s1;
	s29 =	smov.u32 s11;
	[sflag:s21] =	ssyncset.done $0x0  }
0xcc: {  	s0 =	sadd.s32 @p0 $0xFFFFFF80, s11;
	s12 =	rddreg [dreg:$0x8];
	[sflag:s21] =	ssyncadd.s32 $0xFFFFE000  }
0xcd: {  	[spmem:s3] =	stream.indirect.scatter.add.f32 [tilespmem:s12], [sflag:$0xD], $0x40, s1, s15, $0xb8;
	[tilespmem:$0x1C800] =	vst v63  }
0xce: {  	s11 =	smov.u32 s26;
	s26 =	sadd.s32 $0x400, s26;
	_ =	swait.ge [sflag:s22], $0x2000  }
0xcf: {  	s0 =	simm.s32 @!p0 $0x280;
	p1 =	sne.s32 s26, $0x1700;
	[sflag:s22] =	ssyncset.done $0x0  }
0xd0: {  	s0 =	sadd.s32 $0x1400, s0;
	s14 =	rddreg [dreg:$0x9];
	[sflag:s22] =	ssyncadd.s32 $0xFFFFE000  }
0xd1: {  	[spmem:s3] =	stream.indirect.scatter.add.f32 [tilespmem:s14], [sflag:$0xE], $0x40, s0, s15, $0xb8;
	[tilespmem:$0x1C800] =	vst v63  }
.Ltmp0:
0xd2: {  	_ = 	snop;
	(pc) =	sbr.rel @p1 .LBB2_3-.Ltmp0, $4  }
0xd3: {  	s29 =	simm.s32 @!p0 $0x300;
	s25 =	sadd.s32 $0x400, s25;
	_ =	swait.ge [sflag:s23], $0x2000  }
0xd4: {  	p0 =	sne.s32 s11, $0x300;
	s31 =	sadd.s32 $0x1400, s29;
	[sflag:s23] =	ssyncset.done $0x0  }
0xd5: {  	s0 =	sadd.s32 $0x1780, s28;
	s30 =	rddreg [dreg:$0xa];
	[sflag:s23] =	ssyncadd.s32 $0xFFFFE000  }
0xd6: {  	[spmem:s3] =	stream.indirect.scatter.add.f32 [tilespmem:s30], [sflag:$0xF], $0x40, s31, s15, $0xb8;
	[tilespmem:$0x1C800] =	vst v63  }
0xd7: {  	_ =	swait.ge [sflag:s24], $0x2000  }
0xd8: {  	[sflag:s24] =	ssyncset.done $0x0  }
0xd9: {  	s1 =	simm.s32 @p0 $0x9;
	[sflag:s24] =	ssyncadd.s32 $0xFFFFE000  }
0xda: {  	[spmem:s3] =	stream.indirect.scatter.add.f32 [tilespmem:s16], [sflag:$0x10], $0x40, s0, s15, $0xb8;
	[tilespmem:$0x1C800] =	vst v63  }
0xdb: {  	_ =	swait.ge @p0 [sflag:s1], $0x2000  }
0xdc: {  	s2 =	simm.s32 @p0 $0x80;
	s4 =	simm.s32 @p0 $0xA;
	[sflag:s1] =	ssyncset.done @p0 $0x0  }
0xdd: {  	s0 =	sadd.s32 @p0 $0xFFFFFD00, s25;
	[sflag:s1] =	ssyncadd.s32 @p0 $0xFFFFE000;
	s1 =	simm.s32 @p0 $0x2800  }
0xde: {  	[tilespmem:s1], [sflag:$0x1] =	stream.indirect.gather @p0 [hbm4b:s5+s2], $0x40, s0, s2, $0xb8;
	[tilespmem:$0x1C800] =	vst v63  }
0xdf: {  	_ =	swait.ge @p0 [sflag:s4], $0x2000  }
0xe0: {  	s0 =	sadd.s32 @p0 $0xFFFFFD80, s25;
	[sflag:s4] =	ssyncset.done @p0 $0x0  }
0xe1: {  	s1 =	simm.s32 @p0 $0x4800;
	[sflag:s4] =	ssyncadd.s32 @p0 $0xFFFFE000;
	s4 =	simm.s32 @p0 $0xB  }
0xe2: {  	[tilespmem:s1], [sflag:$0x2] =	stream.indirect.gather @p0 [hbm4b:s5+s2], $0x40, s0, s2, $0xb8;
	[tilespmem:$0x1C800] =	vst v63  }
0xe3: {  	_ =	swait.ge @p0 [sflag:s4], $0x2000  }
0xe4: {  	s0 =	sadd.s32 @p0 $0xFFFFFE00, s25;
	[sflag:s4] =	ssyncset.done @p0 $0x0  }
0xe5: {  	s1 =	simm.s32 @p0 $0x6800;
	[sflag:s4] =	ssyncadd.s32 @p0 $0xFFFFE000;
	s4 =	simm.s32 @p0 $0xC  }
0xe6: {  	[tilespmem:s1], [sflag:$0x3] =	stream.indirect.gather @p0 [hbm4b:s5+s2], $0x40, s0, s2, $0xb8;
	[tilespmem:$0x1C800] =	vst v63  }
0xe7: {  	_ =	swait.ge @p0 [sflag:s4], $0x2000  }
0xe8: {  	s0 =	sadd.s32 @p0 $0xFFFFFE80, s25;
	[sflag:s4] =	ssyncset.done @p0 $0x0  }
0xe9: {  	s1 =	simm.s32 @p0 $0x8800;
	[sflag:s4] =	ssyncadd.s32 @p0 $0xFFFFE000;
	s4 =	simm.s32 @p0 $0xD  }
0xea: {  	[tilespmem:s1], [sflag:$0x4] =	stream.indirect.gather @p0 [hbm4b:s5+s2], $0x40, s0, s2, $0xb8;
	[tilespmem:$0x1C800] =	vst v63  }
0xeb: {  	_ =	swait.ge @p0 [sflag:s4], $0x2000  }
0xec: {  	s0 =	sadd.s32 @p0 $0xFFFFFF00, s25;
	[sflag:s4] =	ssyncset.done @p0 $0x0  }
0xed: {  	s1 =	simm.s32 @p0 $0xA800;
	[sflag:s4] =	ssyncadd.s32 @p0 $0xFFFFE000;
	s4 =	simm.s32 @p0 $0xE  }
0xee: {  	[tilespmem:s1], [sflag:$0x5] =	stream.indirect.gather @p0 [hbm4b:s5+s2], $0x40, s0, s2, $0xb8;
	[tilespmem:$0x1C800] =	vst v63  }
0xef: {  	_ =	swait.ge @p0 [sflag:s4], $0x2000  }
0xf0: {  	s0 =	sadd.s32 @p0 $0xFFFFFF80, s25;
	[sflag:s4] =	ssyncset.done @p0 $0x0  }
0xf1: {  	s1 =	simm.s32 @p0 $0xC800;
	[sflag:s4] =	ssyncadd.s32 @p0 $0xFFFFE000;
	s4 =	simm.s32 @p0 $0xF  }
0xf2: {  	[tilespmem:s1], [sflag:$0x6] =	stream.indirect.gather @p0 [hbm4b:s5+s2], $0x40, s0, s2, $0xb8;
	[tilespmem:$0x1C800] =	vst v63  }
0xf3: {  	_ =	swait.ge @p0 [sflag:s4], $0x2000  }
0xf4: {  	[sflag:s4] =	ssyncset.done @p0 $0x0  }
0xf5: {  	s0 =	simm.s32 @p0 $0xE800;
	s1 =	simm.s32 @p0 $0x10;
	[sflag:s4] =	ssyncadd.s32 @p0 $0xFFFFE000  }
0xf6: {  	[tilespmem:s0], [sflag:$0x7] =	stream.indirect.gather @p0 [hbm4b:s5+s2], $0x40, s25, s2, $0xb8;
	[tilespmem:$0x1C800] =	vst v63  }
0xf7: {  	_ =	swait.ge @p0 [sflag:s1], $0x2000  }
0xf8: {  	s2 =	simm.s32 @!p0 $0x80;
	[sflag:s1] =	ssyncset.done @p0 $0x0  }
0xf9: {  	s0 =	simm.s32 @!p0 $0x0;
	[sflag:s1] =	ssyncadd.s32 @p0 $0xFFFFE000;
	s1 =	simm.s32 @!p0 $0x2800  }
0xfa: {  	[tilespmem:s1], [sflag:$0x1] =	stream.indirect.gather @!p0 [hbm4b:s5+s2], $0x40, s0, s2, $0xb8;
	[tilespmem:$0x1C800] =	vst v63  }
0xfb: {  	s0 =	simm.s32 @!p0 $0x4800  }
0xfc: {  	[tilespmem:s0], [sflag:$0x2] =	stream.indirect.gather @!p0 [hbm4b:s5+s2], $0x40, s2, s2, $0xb8;
	[tilespmem:$0x1C800] =	vst v63  }
0xfd: {  	s1 =	simm.s32 @!p0 $0x6800;
	s0 =	simm.s32 @!p0 $0x100  }
0xfe: {  	[tilespmem:s1], [sflag:$0x3] =	stream.indirect.gather @!p0 [hbm4b:s5+s2], $0x40, s0, s2, $0xb8;
	[tilespmem:$0x1C800] =	vst v63  }
0xff: {  	s0 =	simm.s32 @!p0 $0x180;
	s1 =	simm.s32 @!p0 $0x8800  }
0x100: {  	[tilespmem:s1], [sflag:$0x4] =	stream.indirect.gather @!p0 [hbm4b:s5+s2], $0x40, s0, s2, $0xb8;
	[tilespmem:$0x1C800] =	vst v63  }
0x101: {  	s0 =	simm.s32 @!p0 $0x200;
	s1 =	simm.s32 @!p0 $0xA800  }
0x102: {  	[tilespmem:s1], [sflag:$0x5] =	stream.indirect.gather @!p0 [hbm4b:s5+s2], $0x40, s0, s2, $0xb8;
	[tilespmem:$0x1C800] =	vst v63  }
0x103: {  	s4 =	simm.s32 @!p0 $0xC800;
	s0 =	sadd.s32 @p0 $0xFFFFFD00, s11;
	s1 =	simm.s32 @!p0 $0x280  }
0x104: {  	[tilespmem:s4], [sflag:$0x6] =	stream.indirect.gather @!p0 [hbm4b:s5+s2], $0x40, s1, s2, $0xb8;
	[tilespmem:$0x1C800] =	vst v63  }
0x105: {  	s0 =	simm.s32 @!p0 $0x0;
	s1 =	simm.s32 @!p0 $0x300;
	s4 =	simm.s32 @!p0 $0xE800  }
0x106: {  	[tilespmem:s4], [sflag:$0x7] =	stream.indirect.gather @!p0 [hbm4b:s5+s2], $0x40, s1, s2, $0xb8;
	[tilespmem:$0x1C800] =	vst v63  }
0x107: {  	s4 =	sor.u32 $0x380, s0  }
0x108: {  	[tilespmem:s16], [sflag:$0x8] =	stream.indirect.gather [hbm4b:s5+s15], $0x40, s4, s15, $0xb8;
	[tilespmem:$0x1C800] =	vst v63  }
0x109: {  	_ =	swait.ge [sflag:s17], $0x2000  }
0x10a: {  	[sflag:s17] =	ssyncset.done $0x0  }
0x10b: {  	s12 =	sadd.s32 $0x1400, s0;
	s8 =	rddreg [dreg:$0x4];
	[sflag:s17] =	ssyncadd.s32 $0xFFFFE000  }
0x10c: {  	[spmem:s3] =	stream.indirect.scatter.add.f32 [tilespmem:s8], [sflag:$0x9], $0x40, s12, s15, $0xb8;
	[tilespmem:$0x1C800] =	vst v63  }
0x10d: {  	s1 =	sadd.s32 @p0 $0xFFFFFD80, s11;
	_ =	swait.ge [sflag:s18], $0x2000  }
0x10e: {  	s1 =	simm.s32 @!p0 $0x80;
	[sflag:s18] =	ssyncset.done $0x0  }
0x10f: {  	s1 =	sadd.s32 $0x1400, s1;
	s14 =	rddreg [dreg:$0x5];
	[sflag:s18] =	ssyncadd.s32 $0xFFFFE000  }
0x110: {  	[spmem:s3] =	stream.indirect.scatter.add.f32 [tilespmem:s14], [sflag:$0xA], $0x40, s1, s15, $0xb8;
	[tilespmem:$0x1C800] =	vst v63  }
0x111: {  	s1 =	sadd.s32 @p0 $0xFFFFFE00, s11;
	_ =	swait.ge [sflag:s19], $0x2000  }
0x112: {  	s1 =	simm.s32 @!p0 $0x100;
	[sflag:s19] =	ssyncset.done $0x0  }
0x113: {  	s25 =	rddreg [dreg:$0x6];
	s1 =	sadd.s32 $0x1400, s1;
	[sflag:s19] =	ssyncadd.s32 $0xFFFFE000  }
0x114: {  	[spmem:s3] =	stream.indirect.scatter.add.f32 [tilespmem:s25], [sflag:$0xB], $0x40, s1, s15, $0xb8;
	[tilespmem:$0x1C800] =	vst v63  }
0x115: {  	s1 =	sadd.s32 @p0 $0xFFFFFE80, s11;
	_ =	swait.ge [sflag:s20], $0x2000  }
0x116: {  	s1 =	simm.s32 @!p0 $0x180;
	[sflag:s20] =	ssyncset.done $0x0  }
0x117: {  	s26 =	rddreg [dreg:$0x7];
	s1 =	sadd.s32 $0x1400, s1;
	[sflag:s20] =	ssyncadd.s32 $0xFFFFE000  }
0x118: {  	[spmem:s3] =	stream.indirect.scatter.add.f32 [tilespmem:s26], [sflag:$0xC], $0x40, s1, s15, $0xb8;
	[tilespmem:$0x1C800] =	vst v63  }
0x119: {  	s1 =	sadd.s32 @p0 $0xFFFFFF00, s11;
	_ =	swait.ge [sflag:s21], $0x2000  }
0x11a: {  	s1 =	simm.s32 @!p0 $0x200;
	[sflag:s21] =	ssyncset.done $0x0  }
0x11b: {  	s28 =	rddreg [dreg:$0x8];
	s1 =	sadd.s32 $0x1400, s1;
	[sflag:s21] =	ssyncadd.s32 $0xFFFFE000  }
0x11c: {  	[spmem:s3] =	stream.indirect.scatter.add.f32 [tilespmem:s28], [sflag:$0xD], $0x40, s1, s15, $0xb8;
	[tilespmem:$0x1C800] =	vst v63  }
0x11d: {  	s1 =	sadd.s32 @p0 $0xFFFFFF80, s11;
	_ =	swait.ge [sflag:s22], $0x2000  }
0x11e: {  	s1 =	simm.s32 @!p0 $0x280;
	[sflag:s22] =	ssyncset.done $0x0  }
0x11f: {  	s29 =	rddreg [dreg:$0x9];
	s1 =	sadd.s32 $0x1400, s1;
	[sflag:s22] =	ssyncadd.s32 $0xFFFFE000  }
0x120: {  	[spmem:s3] =	stream.indirect.scatter.add.f32 [tilespmem:s29], [sflag:$0xE], $0x40, s1, s15, $0xb8;
	[tilespmem:$0x1C800] =	vst v63  }
0x121: {  	s11 =	simm.s32 @!p0 $0x300;
	_ =	swait.ge [sflag:s23], $0x2000  }
0x122: {  	s10 =	sadd.s32 $0x1, s10;
	s31 =	sadd.s32 $0x1400, s11;
	[sflag:s23] =	ssyncset.done $0x0  }
0x123: {  	p0 =	sne.s32 s10, $0x4;
	s30 =	rddreg [dreg:$0xa];
	[sflag:s23] =	ssyncadd.s32 $0xFFFFE000  }
0x124: {  	[spmem:s3] =	stream.indirect.scatter.add.f32 [tilespmem:s30], [sflag:$0xF], $0x40, s31, s15, $0xb8;
	[tilespmem:$0x1C800] =	vst v63  }
.Ltmp1:
0x125: {  	_ = 	snop;
	(pc) =	sbr.rel @p0 .LBB2_2-.Ltmp1, $4  }
0x126: {  	_ =	swait.ge [sflag:s24], $0x2000  }
0x127: {  	[sflag:s24] =	ssyncset.done $0x0  }
0x128: {  	s0 =	sadd.s32 $0x1780, s0;
	[sflag:s24] =	ssyncadd.s32 $0xFFFFE000  }
0x129: {  	[spmem:s3] =	stream.indirect.scatter.add.f32 [tilespmem:s16], [sflag:$0x10], $0x40, s0, s15, $0xb8;
	[tilespmem:$0x1C800] =	vst v63  }
0x12a: {  	s0 =	simm.s32 $0x9  }
0x12b: {  	_ =	swait.ge [sflag:s0], $0x2000  }
0x12c: {  	[sflag:s0] =	ssyncset.done $0x0  }
0x12d: {  	s11 =	simm.s32 $0xA;
	[sflag:s0] =	ssyncadd.s32 $0xFFFFE000  }
0x12e: {  	_ =	swait.ge [sflag:s11], $0x2000  }
0x12f: {  	[sflag:s11] =	ssyncset.done $0x0  }
0x130: {  	s12 =	simm.s32 $0xB;
	[sflag:s11] =	ssyncadd.s32 $0xFFFFE000  }
0x131: {  	_ =	swait.ge [sflag:s12], $0x2000  }
0x132: {  	[sflag:s12] =	ssyncset.done $0x0  }
0x133: {  	s14 =	simm.s32 $0xC;
	[sflag:s12] =	ssyncadd.s32 $0xFFFFE000  }
0x134: {  	_ =	swait.ge [sflag:s14], $0x2000  }
0x135: {  	[sflag:s14] =	ssyncset.done $0x0  }
0x136: {  	s25 =	simm.s32 $0xD;
	[sflag:s14] =	ssyncadd.s32 $0xFFFFE000  }
0x137: {  	_ =	swait.ge [sflag:s25], $0x2000  }
0x138: {  	[sflag:s25] =	ssyncset.done $0x0  }
0x139: {  	s26 =	simm.s32 $0xE;
	[sflag:s25] =	ssyncadd.s32 $0xFFFFE000  }
0x13a: {  	_ =	swait.ge [sflag:s26], $0x2000  }
0x13b: {  	[sflag:s26] =	ssyncset.done $0x0  }
0x13c: {  	s28 =	simm.s32 $0xF;
	[sflag:s26] =	ssyncadd.s32 $0xFFFFE000  }
0x13d: {  	_ =	swait.ge [sflag:s28], $0x2000  }
0x13e: {  	[sflag:s28] =	ssyncset.done $0x0  }
0x13f: {  	s29 =	simm.s32 $0x10;
	[sflag:s28] =	ssyncadd.s32 $0xFFFFE000  }
0x140: {  	_ =	swait.ge [sflag:s29], $0x2000  }
0x141: {  	[sflag:s29] =	ssyncset.done $0x0  }
0x142: {  	[sflag:s29] =	ssyncadd.s32 $0xFFFFE000  }
0x143: {  	[bflag:$0x0] =	sbarrier.arrive $0xFFFF  }
0x144: {  	s4 =	rddreg [dreg:$0xb]  }
0x145: {  	s30 =	rddreg [dreg:$0xc]  }
0x146: {  	s1 =	rddreg [dreg:$0xe]  }
0x147: {  	[hbm:s30], [sflag:s4] =	dma.local [spmem:s1], $0x1400  }
0x148: {  	_ =	swait.ge [sflag:s13], $0x1400  }
0x149: {  	s2 =	rddreg [dreg:$0xf]  }
0x14a: {  	s31 =	rddreg [dreg:$0xd];
	s2 =	sadd.s32 $0x1, s2  }
0x14b: {  	p0 =	sne.s32 s2, s31  }
.Ltmp2:
0x14c: {  	_ = 	snop;
	(pc) =	sbr.rel @p0 .LBB2_1-.Ltmp2, $3  }
0x14d: {  	_ =	sdelay $0x1  }
0x14e: {  	[sflag:s13] =	ssyncset.done $0x0  }
0x14f: {  	[sflag:s13] =	ssyncadd.s32 $0xFFFFEC00  }
0x150: {  	_ =	sfence.sel $0x180000  }
0x151: {  	[bflag:$0x0] =	sbarrier.arrive $0xFFFF  }
0x152: {  	_ =	strace $0x9000004D  }
0x153: {  	s0 =	stileid.u32;
	[bflag:$0x2] =	sbarrier.arrive $0xFFFF  }
0x154: {  	p0 =	sne.s32 s0, $0x0;
	s0 =	rddreg [dreg:$0x3]  }
0x155: {  	s0 =	sadd.s32 @!p0 $0x100000, s0  }
0x156: {  	[sflag:s0] =	ssyncadd.tile.s32 @!p0 $0x1;
	_ =	shalt  }
.Lfunc_end2:
_tile_overlayer_lowered:
.L_overlay_start_2:
0x157: {  	(tag) =	ssettag $0x2  }
0x158: {  	s0 =	rddreg [dreg:$0x0];
	s2 =	stileid.u32  }
0x159: {  	s1 =	rddreg [dreg:$0x1];
	p0 =	sne.s32 s2, $0x0  }
0x15a: {  	s3 =	rddreg [dreg:$0x2];
	[bflag:$0x3] =	sbarrier.arrive $0xFFFF;
	s2 =	simm.s32 @!p0 $0x1C11  }
0x15b: {  	[timem:s3], [sflag:s2] =	dma.local @!p0 [hbm:s0], s1  }
0x15c: {  	s0 =	simm.s32 @!p0 $0x11  }
0x15d: {  	_ =	swait.ge @!p0 [sflag:s0], s1  }
0x15e: {  	s1 =	ssub.s32 @!p0 $0x0, s1;
	[sflag:s0] =	ssyncset.done @!p0 $0x0  }
0x15f: {  	[sflag:s0] =	ssyncadd.s32 @!p0 s1  }
0x160: {  	[bflag:$0x3] =	sbarrier.arrive $0xFFFF  }
0x161: {  	_ =	shalt  }

// kernel: kernel.9.cloned.1.call-start
scs
__scs_entry_jumppad:
0x0: {  	(pc) =	sbr.rel $0x88, $3  }
0x1: {  	(tag) =	ssettag $0x0;
	lr =	simm.s32 $0x1  }
0x2: {  	[smem:$0x3F92] =	sst lr;
	_ =	strace $0xD0000000  }
0x3: {  	_ = 	snop  }
0x4: {  	_ = 	snop  }
0x5: {  	_ = 	snop  }
0x6: {  	_ = 	snop  }
0x7: {  	_ = 	snop  }
__scs_overlays_trampoline_lowered:
0x8: {  	[smem:$0x3FA1] =	sst s0  }
0x9: {  	[smem:$0x3FA2] =	sst s1  }
0xa: {  	[smem:$0x3FA3] =	sst s2  }
0xb: {  	[smem:$0x3FA4] =	sst s3  }
0xc: {  	[smem:$0x3FA5] =	sst s4  }
0xd: {  	[smem:$0x3FA6] =	sst s5  }
0xe: {  	[smem:$0x3FA7] =	sst s6  }
0xf: {  	[smem:$0x3FA8] =	sst s7  }
0x10: {  	[smem:$0x3FA9] =	sst s8  }
0x11: {  	[smem:$0x3FAA] =	sst s9;
	s0 =	simm.s32 @!p0 $0x0  }
0x12: {  	s1 =	sld [smem:$0x3F90];
	s0 =	simm.s32 @p0 $0x1  }
0x13: {  	[smem:$0x3FAB] =	sst s0;
	s0 =	simm.s32 @!p1 $0x0  }
0x14: {  	s2 =	sld [smem:$0x3F8F];
	s0 =	simm.s32 @p1 $0x1  }
0x15: {  	[smem:$0x3FAC] =	sst s0;
	s0 =	simm.s32 @!p2 $0x0  }
0x16: {  	s3 =	sld [smem:$0x3FDB];
	s0 =	simm.s32 @p2 $0x1  }
0x17: {  	s4 =	simm.s32 $0x1BF5;
	[smem:$0x3FAE] =	sst s0  }
0x18: {  	s0 =	sld [smem:$0x3F91];
	_ =	swait.ge [sflag:s4], $0x0  }
0x19: {  	s7 =	sld [smem:$0x3F92]  }
0x1a: {  	s8 =	sadd.s32 $0xFFFFE003, lr  }
0x1b: {  	s9 =	sadd.s32 $0xFFFFFEF7, lr;
	s5 =	simm.s32 $0xFFFFFFFF;
	p2 =	slt.u32 s8, $0xFFFFF086  }
0x1c: {  	p1 =	slt.u32 s9, $0xF7A;
	s5 =	simm.s32 @!p2 $0x0  }
0x1d: {  	s5 =	simm.s32 @p1 $0x1;
	p0 =	seq.s32 s7, s2  }
0x1e: {  	s7 =	smul.u32 @!p0 $0xF7A, s2;
	p2 =	seq.s32 @!p0 s5, $0x0  }
0x1f: {  	s9 =	smul.u32 $0xF7A, s1;
	s8 =	simm.s32 @!p0 $0x1BF5;
	p2 =	por !p2, p0  }
0x20: {  	[sflag:s8] =	ssyncset.s32 @!p0 $0xFFFFF086;
	s6 =	sadd.s32 @!p0 s3, s7;
	s7 =	simm.s32 @!p0 $0x108  }
0x21: {  	s3 =	sadd.s32 s3, s9;
	s6 =	sadd.s32 @!p0 $0x88, s6;
	s7 =	simm.s32 @p2 $0x1082  }
0x22: {  	[simem:s7], [sflag:s8] =	dma.local @!p0 [hbm:s6], $0xF7A  }
0x23: {  	s9 =	sor.u32 $0xD0000000, s2;
	s6 =	simm.s32 $0x108;
	_ =	swait.ge @!p0 [sflag:s8], $0x0  }
0x24: {  	s3 =	sadd.s32 $0x88, s3;
	s6 =	simm.s32 @!p1 $0x1082;
	[sflag:s4] =	ssyncset.s32 $0xFFFFF086  }
0x25: {  	[simem:s6], [sflag:s4] =	dma.local [hbm:s3], $0xF7A  }
0x26: {  	[smem:$0x3F92] =	sst s1;
	(tag) =	ssettag s2;
	_ =	strace s9  }
0x27: {  	s1 =	sld [smem:$0x3FA2]  }
0x28: {  	s2 =	sld [smem:$0x3FA3]  }
0x29: {  	s4 =	sld [smem:$0x3FA5]  }
0x2a: {  	p0 =	seq.s32 s5, $0x0;
	s5 =	sld [smem:$0x3FA6]  }
0x2b: {  	s6 =	sld [smem:$0x3FA7]  }
0x2c: {  	s7 =	sld [smem:$0x3FA8]  }
0x2d: {  	s3 =	simm.s32 $0x108;
	s8 =	sld [smem:$0x3FA9]  }
0x2e: {  	s3 =	simm.s32 @!p0 $0x1082;
	s9 =	sld [smem:$0x3FAA]  }
0x2f: {  	lr =	sadd.s32 s0, s3;
	s0 =	sld [smem:$0x3FA1]  }
0x30: {  	s3 =	sld [smem:$0x3FA4]  }
0x31: {  	[smem:$0x3FAD] =	sst s10  }
0x32: {  	s10 =	sld [smem:$0x3FAB];
	_ =	sdelay $0x3  }
0x33: {  	p0 =	seq.s32 s10, $0x1;
	s10 =	sld [smem:$0x3FAD];
	_ =	sdelay $0x3  }
0x34: {  	[smem:$0x3FAD] =	sst s10  }
0x35: {  	s10 =	sld [smem:$0x3FAC];
	_ =	sdelay $0x3  }
0x36: {  	p1 =	seq.s32 s10, $0x1;
	s10 =	sld [smem:$0x3FAD];
	_ =	sdelay $0x3  }
0x37: {  	[smem:$0x3FAD] =	sst s10  }
0x38: {  	s10 =	sld [smem:$0x3FAE]  }
0x39: {  	_ = 	snop;
	(pc) =	sbr.ind lr, $3  }
0x3a: {  	_ = 	snop  }
0x3b: {  	_ = 	snop  }
0x3c: {  	p2 =	seq.s32 s10, $0x1;
	s10 =	sld [smem:$0x3FAD]  }
0x3d: {  	_ =	shalt  }
0x3e: {  	_ =	shalt  }
0x3f: {  	_ =	shalt  }
0x40: {  	_ =	shalt  }
0x41: {  	_ =	shalt  }
0x42: {  	_ =	shalt  }
0x43: {  	_ =	shalt  }
0x44: {  	_ =	shalt  }
0x45: {  	_ =	shalt  }
0x46: {  	_ =	shalt  }
0x47: {  	_ =	shalt  }
0x48: {  	_ =	shalt  }
0x49: {  	_ =	shalt  }
0x4a: {  	_ =	shalt  }
0x4b: {  	_ =	shalt  }
0x4c: {  	_ =	shalt  }
0x4d: {  	_ =	shalt  }
0x4e: {  	_ =	shalt  }
0x4f: {  	_ =	shalt  }
0x50: {  	_ =	shalt  }
0x51: {  	_ =	shalt  }
0x52: {  	_ =	shalt  }
0x53: {  	_ =	shalt  }
0x54: {  	_ =	shalt  }
0x55: {  	_ =	shalt  }
0x56: {  	_ =	shalt  }
0x57: {  	_ =	shalt  }
0x58: {  	_ =	shalt  }
0x59: {  	_ =	shalt  }
0x5a: {  	_ =	shalt  }
0x5b: {  	_ =	shalt  }
0x5c: {  	_ =	shalt  }
0x5d: {  	_ =	shalt  }
0x5e: {  	_ =	shalt  }
0x5f: {  	_ =	shalt  }
0x60: {  	_ =	shalt  }
0x61: {  	_ =	shalt  }
0x62: {  	_ =	shalt  }
0x63: {  	_ =	shalt  }
0x64: {  	_ =	shalt  }
0x65: {  	_ =	shalt  }
0x66: {  	_ =	shalt  }
0x67: {  	_ =	shalt  }
0x68: {  	_ =	shalt  }
0x69: {  	_ =	shalt  }
0x6a: {  	_ =	shalt  }
0x6b: {  	_ =	shalt  }
0x6c: {  	_ =	shalt  }
0x6d: {  	_ =	shalt  }
0x6e: {  	_ =	shalt  }
0x6f: {  	_ =	shalt  }
0x70: {  	_ =	shalt  }
0x71: {  	_ =	shalt  }
0x72: {  	_ =	shalt  }
0x73: {  	_ =	shalt  }
0x74: {  	_ =	shalt  }
0x75: {  	_ =	shalt  }
0x76: {  	_ =	shalt  }
0x77: {  	_ =	shalt  }
0x78: {  	_ =	shalt  }
0x79: {  	_ =	shalt  }
0x7a: {  	_ =	shalt  }
0x7b: {  	_ =	shalt  }
0x7c: {  	_ =	shalt  }
0x7d: {  	_ =	shalt  }
0x7e: {  	_ =	shalt  }
0x7f: {  	_ =	shalt  }
0x80: {  	_ =	shalt  }
0x81: {  	_ =	shalt  }
0x82: {  	_ =	shalt  }
0x83: {  	_ =	shalt  }
0x84: {  	_ =	shalt  }
0x85: {  	_ =	shalt  }
0x86: {  	_ =	shalt  }
0x87: {  	_ =	shalt  }
.Lfunc_end0:
.L_simem_size_0:
called_computation_lowered:
.L_overlay_start_0:
0x88: {  	s2 =	sld [smem:$0x3FD9]  }
0x89: {  	s3 =	sld [smem:$0x3FFE];
	_ =	sdelay $0x1  }
0x8a: {  	s1 =	srdreg.scid  }
0x8b: {  	s0 =	sand.u32 $0x1, s1  }
0x8c: {  	s17 =	sshll.u32 s0, $0xA;
	s2 =	sadd.s32 s3, s2  }
0x8d: {  	s2 =	sadd.s32 s2, s17  }
0x8e: {  	[smem:$0x3FB9] =	sst s2  }
0x8f: {  	_ = 	snop  }
0x90: {  	s2 =	sld [smem:$0x3FD0];
	(tm) =	ssettm $0x1  }
0x91: {  	s18 =	sld [smem:$0x3FFB];
	_ =	sdelay $0x3  }
0x92: {  	_ =	strace s18  }
0x93: {  	s3 =	sld [smem:$0x3FFC];
	_ =	sdelay $0x3  }
0x94: {  	_ =	strace s3  }
0x95: {  	s3 =	sld [smem:$0x3FFD];
	_ =	sdelay $0x3  }
0x96: {  	_ =	strace s3  }
0x97: {  	_ =	strace $0x8FFFFFFF  }
0x98: {  	s19 =	sld [smem:$0x3FDB];
	_ =	sdelay $0x1  }
0x99: {  	s4 =	simm.s32 $_scs_section_size  }
0x9a: {  	s5 =	simm.s32 $_size__tile_overlayer_lowered;
	s6 =	simm.s32 $_tile_overlayer_lowered  }
0x9b: {  	s22 =	simm.s32 $0x1BFF;
	s21 =	sshll.u32 s6, $0x1;
	s3 =	sadd.s32 s4, s19  }
0x9c: {  	s7 =	simm.s32 $0x0;
	s20 =	sshll.u32 s5, $0x1;
	s5 =	sadd.s32 s21, s3  }
0x9d: {  	[timem:s7], [sflag:s22] =	dma.local [hbm:s5], s20  }
0x9e: {  	_ =	swait.ge [sflag:s22], s20  }
0x9f: {  	s4 =	ssub.s32 $0x0, s20;
	[sflag:s22] =	ssyncset.done $0x0  }
0xa0: {  	[sflag:s22] =	ssyncadd.s32 s4;
	_ =	sdelay $0x1  }
0xa1: {  	s23 =	simm.s32 $0x1B8B  }
0xa2: {  	_ =	swait.ge [sflag:s23], $0x1  }
0xa3: {  	[sflag:s23] =	ssyncset.done $0x0  }
0xa4: {  	s25 =	simm.s32 $0x1B8E;
	s24 =	sld [smem:$0x3FFE];
	[sflag:s23] =	ssyncadd.s32 $0xFFFFFFFF  }
0xa5: {  	s26 =	simm.s32 $execute0_lowered;
	[smem:$0x3FD2] =	sst s25  }
0xa6: {  	s5 =	sshll.u32 s26, $0x1;
	_ =	strace $0x80000046;
	[dreg:$0x1] =	wrdreg $0xFFFFFFFF  }
0xa7: {  	s28 =	simm.s32 $_size_execute0_lowered;
	s3 =	sadd.s32 s3, s5;
	[dreg:$0x0] =	wrdreg $0x0  }
0xa8: {  	s5 =	sshll.u32 s28, $0x1;
	[dreg:$0x2] =	wrdreg s3  }
0xa9: {  	[dreg:$0x3] =	wrdreg s5  }
0xaa: {  	[dreg:$0x4] =	wrdreg $0xC0  }
0xab: {  	_ =	task [dreg:s7], $0x5FFFF  }
0xac: {  	[dreg:$0x1] =	wrdreg $0xFFFFFFFF  }
0xad: {  	[dreg:$0x0] =	wrdreg $0x60  }
0xae: {  	[dreg:$0x2] =	wrdreg s24  }
0xaf: {  	[dreg:$0x3] =	wrdreg s2  }
0xb0: {  	[dreg:$0x4] =	wrdreg $0xE8000  }
0xb1: {  	[dreg:$0x5] =	wrdreg $0x9  }
0xb2: {  	_ =	task.clear_ibuf [dreg:s7], $0x6FFFF;
	_ =	strace $0x90000046  }
0xb3: {  	s29 =	simm.s32 $0x9;
	_ =	strace $0x80000048  }
0xb4: {  	_ =	swait.ge [sflag:s29], $0x1  }
0xb5: {  	[sflag:s29] =	ssyncadd.s32 $0xFFFFFFFF  }
0xb6: {  	_ =	strace $0x90000048  }
0xb7: {  	_ =	sfence  }
0xb8: {  	s30 =	sld [smem:$0x0];
	_ =	sdelay $0x2  }
0xb9: {  	s31 =	sshll.u32 s1, $0xD;
	s1 =	sshrl.u32 s1, $0x2  }
0xba: {  	s3 =	sand.u32 $0x4000, s31;
	s1 =	sadd.s32 s1, s30  }
0xbb: {  	s0 =	sor.u32 s3, s0;
	s1 =	sshll.u32 s1, $0x11  }
0xbc: {  	s0 =	sor.u32 s1, s0  }
0xbd: {  	s0 =	sadd.s32 $0x8F2B, s0  }
0xbe: {  	[sflag:s0] =	ssyncadd.remote.s32 $0x1  }
0xbf: {  	_ =	sfence.sel $0xFFFF  }
0xc0: {  	[dreg:$0x0] =	wrdreg $0xFFFFFFFF;
	(pc) =	sbr.abs _section_cstart, $3  }
0xc1: {  	[dreg:$0x1] =	wrdreg $0xFFFFFFFF  }
0xc2: {  	_ =	task.clear_ibuf [dreg:s7], $0x2FFFF;
	_ =	strace $0x9FFFFFFF  }
0xc3: {  	(tm) =	ssettm $0x7FFFFFFF  }
tec
execute0_lowered:
.L_overlay_start_1:
0x0: {  	(tag) =	ssettag $0x1  }
0x1: {  	s0 =	rddreg [dreg:$0x0];
	s1 =	srdreg.scid  }
0x2: {  	s4 =	stileid.u32;
	s3 =	rddreg [dreg:$0x2]  }
0x3: {  	s5 =	simm.s32 $0x0;
	s13 =	simm.s32 $0x11;
	s15 =	simm.s32 $0x80  }
0x4: {  	s16 =	simm.s32 $0xD000;
	s24 =	simm.s32 $0x2800;
	s17 =	simm.s32 $0x1  }
0x5: {  	s25 =	simm.s32 $0x4000;
	s18 =	simm.s32 $0x2;
	s26 =	simm.s32 $0x5800  }
0x6: {  	s19 =	simm.s32 $0x3;
	s28 =	simm.s32 $0x7000;
	s20 =	simm.s32 $0x4  }
0x7: {  	s29 =	simm.s32 $0x8800;
	s21 =	simm.s32 $0x5;
	[smem:$0x7FF] =	sst s5  }
0x8: {  	s30 =	simm.s32 $0xA000;
	_ =	strace $0x80000047;
	[dreg:$0x4] =	wrdreg s24  }
0x9: {  	s31 =	simm.s32 $0xB800;
	s1 =	sand.u32 $0x1, s1;
	[dreg:$0x5] =	wrdreg s25  }
0xa: {  	s2 =	smul.u32 $0x7800, s4;
	s5 =	sadd.s32 $0x2C00, s0;
	[dreg:$0x6] =	wrdreg s26  }
0xb: {  	s7 =	sadd.s32 $0x20C00, s0;
	s9 =	smul.u32 $0x5000, s4;
	[dreg:$0x7] =	wrdreg s28  }
0xc: {  	s11 =	sshll.u32 s4, $0x6;
	s6 =	smul.u32 $0x78000, s1;
	[dreg:$0x8] =	wrdreg s29  }
0xd: {  	s22 =	ssub.s32 $0x2, s1;
	s1 =	smul.u32 $0x50000, s1;
	[dreg:$0x9] =	wrdreg s30  }
0xe: {  	s4 =	sor.u32 $0x1C11, s11;
	[dreg:$0xa] =	wrdreg s31;
	s24 =	simm.s32 $0x8  }
0xf: {  	s10 =	sshrl.u32 s22, $0x1;
	[dreg:$0xb] =	wrdreg s4;
	s8 =	sadd.s32 s2, s6  }
0x10: {  	s6 =	sadd.s32 $0x34C00, s0;
	s2 =	sadd.s32 s2, s3;
	s8 =	sshrl.u32 s8, $0x3  }
0x11: {  	s9 =	sadd.s32 s1, s9;
	s1 =	sshrl.u32 s2, $0x3;
	s0 =	sadd.s32 s8, s0  }
0x12: {  	s8 =	ssub.s32 s22, s10;
	[dreg:$0xe] =	wrdreg s1;
	s0 =	sadd.s32 $0x5CC00, s0  }
0x13: {  	s2 =	simm.s32 $0x0;
	s23 =	smax.u32 s8, $0x1;
	[dreg:$0xc] =	wrdreg s0  }
0x14: {  	s22 =	simm.s32 $0x6;
	[dreg:$0xd] =	wrdreg s23;
	s23 =	simm.s32 $0x7  }
.LBB2_1:
0x15: {  	[dreg:$0xf] =	wrdreg s2  }
0x16: {  	s0 =	rddreg [dreg:$0x1]  }
0x17: {  	[spmem:s1], [sflag:s4] =	dma.local [hbm:s0], $0xF00  }
0x18: {  	_ =	swait.ge [sflag:s13], $0xF00  }
0x19: {  	[sflag:s13] =	ssyncset.done $0x0  }
0x1a: {  	[sflag:s13] =	ssyncadd.s32 $0xFFFFF100  }
0x1b: {  	s10 =	simm.s32 $0x0;
	[bflag:$0x0] =	sbarrier.arrive $0xFFFF  }
.LBB2_2:
0x1c: {  	p0 =	seq.s32 s10, $0x0  }
0x1d: {  	s0 =	simm.s32 @!p0 $0x9  }
0x1e: {  	_ =	swait.ge @!p0 [sflag:s0], $0x1800  }
0x1f: {  	[sflag:s0] =	ssyncset.done @!p0 $0x0  }
0x20: {  	[sflag:s0] =	ssyncadd.s32 @!p0 $0xFFFFE800;
	s0 =	simm.s32 @!p0 $0xA  }
0x21: {  	_ =	swait.ge @!p0 [sflag:s0], $0x1800  }
0x22: {  	[sflag:s0] =	ssyncset.done @!p0 $0x0  }
0x23: {  	[sflag:s0] =	ssyncadd.s32 @!p0 $0xFFFFE800;
	s0 =	simm.s32 @!p0 $0xB  }
0x24: {  	_ =	swait.ge @!p0 [sflag:s0], $0x1800  }
0x25: {  	[sflag:s0] =	ssyncset.done @!p0 $0x0  }
0x26: {  	[sflag:s0] =	ssyncadd.s32 @!p0 $0xFFFFE800;
	s0 =	simm.s32 @!p0 $0xC  }
0x27: {  	_ =	swait.ge @!p0 [sflag:s0], $0x1800  }
0x28: {  	[sflag:s0] =	ssyncset.done @!p0 $0x0  }
0x29: {  	[sflag:s0] =	ssyncadd.s32 @!p0 $0xFFFFE800;
	s0 =	simm.s32 @!p0 $0xD  }
0x2a: {  	_ =	swait.ge @!p0 [sflag:s0], $0x1800  }
0x2b: {  	[sflag:s0] =	ssyncset.done @!p0 $0x0  }
0x2c: {  	[sflag:s0] =	ssyncadd.s32 @!p0 $0xFFFFE800;
	s0 =	simm.s32 @!p0 $0xE  }
0x2d: {  	_ =	swait.ge @!p0 [sflag:s0], $0x1800  }
0x2e: {  	[sflag:s0] =	ssyncset.done @!p0 $0x0  }
0x2f: {  	[sflag:s0] =	ssyncadd.s32 @!p0 $0xFFFFE800;
	s0 =	simm.s32 @!p0 $0xF  }
0x30: {  	_ =	swait.ge @!p0 [sflag:s0], $0x1800  }
0x31: {  	s1 =	smul.u32 $0x1400, s10;
	[sflag:s0] =	ssyncset.done @!p0 $0x0  }
0x32: {  	[sflag:s0] =	ssyncadd.s32 @!p0 $0xFFFFE800;
	s0 =	simm.s32 @!p0 $0x10  }
0x33: {  	s1 =	sadd.s32 s9, s1;
	_ =	swait.ge @!p0 [sflag:s0], $0x1800  }
0x34: {  	s1 =	sshrl.u32 s1, $0x3;
	[sflag:s0] =	ssyncset.done @!p0 $0x0  }
0x35: {  	s2 =	simm.s32 $0x0;
	s31 =	sadd.s32 s6, s1;
	[sflag:s0] =	ssyncadd.s32 @!p0 $0xFFFFE800  }
0x36: {  	[tilespmem:s2], [sflag:$0x11] =	stream.linear.gather [hbm4b:s31+s2], $0x1400, $0x38;
	[tilespmem:$0x16000] =	vst v63  }
0x37: {  	_ =	swait.ge [sflag:s13], $0x1400  }
0x38: {  	[sflag:s13] =	ssyncset.done $0x0  }
0x39: {  	s8 =	simm.s32 $0x1400;
	s4 =	sadd.s32 s7, s1;
	[sflag:s13] =	ssyncadd.s32 $0xFFFFEC00  }
0x3a: {  	[tilespmem:s8], [sflag:$0x11] =	stream.linear.gather [hbm4b:s4+s2], $0x1400, $0x38;
	[tilespmem:$0x16000] =	vst v63  }
0x3b: {  	_ =	swait.ge [sflag:s13], $0x1400  }
0x3c: {  	p0 =	por $0x0, $0x0;
	[sflag:s13] =	ssyncset.done $0x0  }
0x3d: {  	s0 =	simm.s32 @p0 $0x9;
	[sflag:s13] =	ssyncadd.s32 $0xFFFFEC00  }
0x3e: {  	_ =	swait.ge @p0 [sflag:s0], $0x1800  }
0x3f: {  	s1 =	simm.s32 @p0 $0x0;
	s11 =	simm.s32 @p0 $0xA;
	[sflag:s0] =	ssyncset.done @p0 $0x0  }
0x40: {  	s8 =	simm.s32 @p0 $0x80;
	[sflag:s0] =	ssyncadd.s32 @p0 $0xFFFFE800;
	s0 =	simm.s32 @p0 $0x2800  }
0x41: {  	[tilespmem:s0], [sflag:$0x1] =	stream.indirect.gather @p0 [hbm4b:s5+s8], $0x30, s1, s8, $0xb8;
	[tilespmem:$0x16000] =	vst v63  }
0x42: {  	_ =	swait.ge @p0 [sflag:s11], $0x1800  }
0x43: {  	s0 =	simm.s32 @p0 $0x80;
	[sflag:s11] =	ssyncset.done @p0 $0x0  }
0x44: {  	s1 =	simm.s32 @p0 $0x4000;
	[sflag:s11] =	ssyncadd.s32 @p0 $0xFFFFE800;
	s11 =	simm.s32 @p0 $0xB  }
0x45: {  	[tilespmem:s1], [sflag:$0x2] =	stream.indirect.gather @p0 [hbm4b:s5+s8], $0x30, s0, s8, $0xb8;
	[tilespmem:$0x16000] =	vst v63  }
0x46: {  	_ =	swait.ge @p0 [sflag:s11], $0x1800  }
0x47: {  	s0 =	simm.s32 @p0 $0x100;
	[sflag:s11] =	ssyncset.done @p0 $0x0  }
0x48: {  	s1 =	simm.s32 @p0 $0x5800;
	[sflag:s11] =	ssyncadd.s32 @p0 $0xFFFFE800;
	s11 =	simm.s32 @p0 $0xC  }
0x49: {  	[tilespmem:s1], [sflag:$0x3] =	stream.indirect.gather @p0 [hbm4b:s5+s8], $0x30, s0, s8, $0xb8;
	[tilespmem:$0x16000] =	vst v63  }
0x4a: {  	_ =	swait.ge @p0 [sflag:s11], $0x1800  }
0x4b: {  	s0 =	simm.s32 @p0 $0x180;
	[sflag:s11] =	ssyncset.done @p0 $0x0  }
0x4c: {  	s1 =	simm.s32 @p0 $0x7000;
	[sflag:s11] =	ssyncadd.s32 @p0 $0xFFFFE800;
	s11 =	simm.s32 @p0 $0xD  }
0x4d: {  	[tilespmem:s1], [sflag:$0x4] =	stream.indirect.gather @p0 [hbm4b:s5+s8], $0x30, s0, s8, $0xb8;
	[tilespmem:$0x16000] =	vst v63  }
0x4e: {  	_ =	swait.ge @p0 [sflag:s11], $0x1800  }
0x4f: {  	s0 =	simm.s32 @p0 $0x200;
	[sflag:s11] =	ssyncset.done @p0 $0x0  }
0x50: {  	s1 =	simm.s32 @p0 $0x8800;
	[sflag:s11] =	ssyncadd.s32 @p0 $0xFFFFE800;
	s11 =	simm.s32 @p0 $0xE  }
0x51: {  	[tilespmem:s1], [sflag:$0x5] =	stream.indirect.gather @p0 [hbm4b:s5+s8], $0x30, s0, s8, $0xb8;
	[tilespmem:$0x16000] =	vst v63  }
0x52: {  	_ =	swait.ge @p0 [sflag:s11], $0x1800  }
0x53: {  	s0 =	simm.s32 @p0 $0x280;
	[sflag:s11] =	ssyncset.done @p0 $0x0  }
0x54: {  	s1 =	simm.s32 @p0 $0xA000;
	[sflag:s11] =	ssyncadd.s32 @p0 $0xFFFFE800;
	s11 =	simm.s32 @p0 $0xF  }
0x55: {  	[tilespmem:s1], [sflag:$0x6] =	stream.indirect.gather @p0 [hbm4b:s5+s8], $0x30, s0, s8, $0xb8;
	[tilespmem:$0x16000] =	vst v63  }
0x56: {  	_ =	swait.ge @p0 [sflag:s11], $0x1800  }
0x57: {  	s0 =	simm.s32 $0x300;
	[sflag:s11] =	ssyncset.done @p0 $0x0  }
0x58: {  	s1 =	simm.s32 @p0 $0xB800;
	[sflag:s11] =	ssyncadd.s32 @p0 $0xFFFFE800;
	s11 =	simm.s32 @p0 $0x10  }
0x59: {  	[tilespmem:s1], [sflag:$0x7] =	stream.indirect.gather @p0 [hbm4b:s5+s8], $0x30, s0, s8, $0xb8;
	[tilespmem:$0x16000] =	vst v63  }
0x5a: {  	_ =	swait.ge @p0 [sflag:s11], $0x1800  }
0x5b: {  	s1 =	simm.s32 @!p0 $0x80;
	[sflag:s11] =	ssyncset.done @p0 $0x0  }
0x5c: {  	s0 =	simm.s32 @!p0 $0x0;
	s8 =	simm.s32 @!p0 $0x2800;
	[sflag:s11] =	ssyncadd.s32 @p0 $0xFFFFE800  }
0x5d: {  	[tilespmem:s8], [sflag:$0x1] =	stream.indirect.gather @!p0 [hbm4b:s5+s1], $0x30, s0, s1, $0xb8;
	[tilespmem:$0x16000] =	vst v63  }
0x5e: {  	s0 =	simm.s32 @!p0 $0x4000  }
0x5f: {  	[tilespmem:s0], [sflag:$0x2] =	stream.indirect.gather @!p0 [hbm4b:s5+s1], $0x30, s1, s1, $0xb8;
	[tilespmem:$0x16000] =	vst v63  }
0x60: {  	s8 =	simm.s32 @!p0 $0x5800;
	s0 =	simm.s32 @!p0 $0x100  }
0x61: {  	[tilespmem:s8], [sflag:$0x3] =	stream.indirect.gather @!p0 [hbm4b:s5+s1], $0x30, s0, s1, $0xb8;
	[tilespmem:$0x16000] =	vst v63  }
0x62: {  	s0 =	simm.s32 @!p0 $0x180;
	s8 =	simm.s32 @!p0 $0x7000  }
0x63: {  	[tilespmem:s8], [sflag:$0x4] =	stream.indirect.gather @!p0 [hbm4b:s5+s1], $0x30, s0, s1, $0xb8;
	[tilespmem:$0x16000] =	vst v63  }
0x64: {  	s0 =	simm.s32 @!p0 $0x200;
	s8 =	simm.s32 @!p0 $0x8800  }
0x65: {  	[tilespmem:s8], [sflag:$0x5] =	stream.indirect.gather @!p0 [hbm4b:s5+s1], $0x30, s0, s1, $0xb8;
	[tilespmem:$0x16000] =	vst v63  }
0x66: {  	s11 =	simm.s32 @!p0 $0xA000;
	s0 =	simm.s32 @p0 $0x0;
	s8 =	simm.s32 @!p0 $0x280  }
0x67: {  	[tilespmem:s11], [sflag:$0x6] =	stream.indirect.gather @!p0 [hbm4b:s5+s1], $0x30, s8, s1, $0xb8;
	[tilespmem:$0x16000] =	vst v63  }
0x68: {  	s0 =	simm.s32 @!p0 $0x0;
	s8 =	simm.s32 @!p0 $0x300;
	s11 =	simm.s32 @!p0 $0xB800  }
0x69: {  	[tilespmem:s11], [sflag:$0x7] =	stream.indirect.gather @!p0 [hbm4b:s5+s1], $0x30, s8, s1, $0xb8;
	[tilespmem:$0x16000] =	vst v63  }
0x6a: {  	s11 =	sor.u32 $0x380, s0  }
0x6b: {  	[tilespmem:s16], [sflag:$0x8] =	stream.indirect.gather [hbm4b:s5+s15], $0x30, s11, s15, $0xb8;
	[tilespmem:$0x16000] =	vst v63  }
0x6c: {  	_ =	swait.ge [sflag:s17], $0x1800  }
0x6d: {  	[sflag:s17] =	ssyncset.done $0x0  }
0x6e: {  	s14 =	sadd.s32 $0x1400, s0;
	s12 =	rddreg [dreg:$0x4];
	[sflag:s17] =	ssyncadd.s32 $0xFFFFE800  }
0x6f: {  	[spmem:s3] =	stream.indirect.scatter.add.f32 [tilespmem:s12], [sflag:$0x9], $0x30, s14, s15, $0xb8;
	[tilespmem:$0x16000] =	vst v63  }
0x70: {  	s1 =	simm.s32 @p0 $0x80;
	_ =	swait.ge [sflag:s18], $0x1800  }
0x71: {  	s1 =	simm.s32 @!p0 $0x80;
	[sflag:s18] =	ssyncset.done $0x0  }
0x72: {  	s1 =	sadd.s32 $0x1400, s1;
	s25 =	rddreg [dreg:$0x5];
	[sflag:s18] =	ssyncadd.s32 $0xFFFFE800  }
0x73: {  	[spmem:s3] =	stream.indirect.scatter.add.f32 [tilespmem:s25], [sflag:$0xA], $0x30, s1, s15, $0xb8;
	[tilespmem:$0x16000] =	vst v63  }
0x74: {  	s1 =	simm.s32 @p0 $0x100;
	_ =	swait.ge [sflag:s19], $0x1800  }
0x75: {  	s1 =	simm.s32 @!p0 $0x100;
	[sflag:s19] =	ssyncset.done $0x0  }
0x76: {  	s26 =	rddreg [dreg:$0x6];
	s1 =	sadd.s32 $0x1400, s1;
	[sflag:s19] =	ssyncadd.s32 $0xFFFFE800  }
0x77: {  	[spmem:s3] =	stream.indirect.scatter.add.f32 [tilespmem:s26], [sflag:$0xB], $0x30, s1, s15, $0xb8;
	[tilespmem:$0x16000] =	vst v63  }
0x78: {  	s1 =	simm.s32 @p0 $0x180;
	_ =	swait.ge [sflag:s20], $0x1800  }
0x79: {  	s1 =	simm.s32 @!p0 $0x180;
	[sflag:s20] =	ssyncset.done $0x0  }
0x7a: {  	s28 =	rddreg [dreg:$0x7];
	s1 =	sadd.s32 $0x1400, s1;
	[sflag:s20] =	ssyncadd.s32 $0xFFFFE800  }
0x7b: {  	[spmem:s3] =	stream.indirect.scatter.add.f32 [tilespmem:s28], [sflag:$0xC], $0x30, s1, s15, $0xb8;
	[tilespmem:$0x16000] =	vst v63  }
0x7c: {  	s1 =	simm.s32 @p0 $0x200;
	_ =	swait.ge [sflag:s21], $0x1800  }
0x7d: {  	s0 =	sadd.s32 $0x1780, s0;
	s1 =	simm.s32 @!p0 $0x200;
	[sflag:s21] =	ssyncset.done $0x0  }
0x7e: {  	s29 =	rddreg [dreg:$0x8];
	s1 =	sadd.s32 $0x1400, s1;
	[sflag:s21] =	ssyncadd.s32 $0xFFFFE800  }
0x7f: {  	[spmem:s3] =	stream.indirect.scatter.add.f32 [tilespmem:s29], [sflag:$0xD], $0x30, s1, s15, $0xb8;
	[tilespmem:$0x16000] =	vst v63  }
0x80: {  	s11 =	simm.s32 $0x700;
	s1 =	simm.s32 @p0 $0x280;
	_ =	swait.ge [sflag:s22], $0x1800  }
0x81: {  	s25 =	simm.s32 $0x700;
	s1 =	simm.s32 @!p0 $0x280;
	[sflag:s22] =	ssyncset.done $0x0  }
0x82: {  	s30 =	rddreg [dreg:$0x9];
	s1 =	sadd.s32 $0x1400, s1;
	[sflag:s22] =	ssyncadd.s32 $0xFFFFE800  }
0x83: {  	[spmem:s3] =	stream.indirect.scatter.add.f32 [tilespmem:s30], [sflag:$0xE], $0x30, s1, s15, $0xb8;
	[tilespmem:$0x16000] =	vst v63  }
0x84: {  	s26 =	simm.s32 $0xB00;
	s1 =	simm.s32 $0x300;
	_ =	swait.ge [sflag:s23], $0x1800  }
0x85: {  	s1 =	simm.s32 @!p0 $0x300;
	p0 =	por $0x1, $0x1;
	[sflag:s23] =	ssyncset.done $0x0  }
0x86: {  	s31 =	rddreg [dreg:$0xa];
	s1 =	sadd.s32 $0x1400, s1;
	[sflag:s23] =	ssyncadd.s32 $0xFFFFE800  }
0x87: {  	[spmem:s3] =	stream.indirect.scatter.add.f32 [tilespmem:s31], [sflag:$0xF], $0x30, s1, s15, $0xb8;
	[tilespmem:$0x16000] =	vst v63  }
.LBB2_3:
0x88: {  	_ =	swait.ge [sflag:s24], $0x1800  }
0x89: {  	[sflag:s24] =	ssyncset.done $0x0  }
0x8a: {  	s1 =	simm.s32 @p0 $0x9;
	[sflag:s24] =	ssyncadd.s32 $0xFFFFE800  }
0x8b: {  	[spmem:s3] =	stream.indirect.scatter.add.f32 [tilespmem:s16], [sflag:$0x10], $0x30, s0, s15, $0xb8;
	[tilespmem:$0x16000] =	vst v63  }
0x8c: {  	_ =	swait.ge @p0 [sflag:s1], $0x1800  }
0x8d: {  	s12 =	simm.s32 @p0 $0x80;
	s29 =	simm.s32 @p0 $0xA;
	[sflag:s1] =	ssyncset.done @p0 $0x0  }
0x8e: {  	s0 =	sadd.s32 @p0 $0xFFFFFD00, s25;
	[sflag:s1] =	ssyncadd.s32 @p0 $0xFFFFE800;
	s1 =	simm.s32 @p0 $0x2800  }
0x8f: {  	[tilespmem:s1], [sflag:$0x1] =	stream.indirect.gather @p0 [hbm4b:s5+s12], $0x30, s0, s12, $0xb8;
	[tilespmem:$0x16000] =	vst v63  }
0x90: {  	_ =	swait.ge @p0 [sflag:s29], $0x1800  }
0x91: {  	s2 =	simm.s32 @p0 $0x4000;
	[sflag:s29] =	ssyncset.done @p0 $0x0  }
0x92: {  	s14 =	simm.s32 @p0 $0xB;
	s0 =	sadd.s32 @p0 $0xFFFFFD80, s25;
	[sflag:s29] =	ssyncadd.s32 @p0 $0xFFFFE800  }
0x93: {  	[tilespmem:s2], [sflag:$0x2] =	stream.indirect.gather @p0 [hbm4b:s5+s12], $0x30, s0, s12, $0xb8;
	[tilespmem:$0x16000] =	vst v63  }
0x94: {  	_ =	swait.ge @p0 [sflag:s14], $0x1800  }
0x95: {  	s4 =	simm.s32 @p0 $0x5800;
	[sflag:s14] =	ssyncset.done @p0 $0x0  }
0x96: {  	s2 =	sadd.s32 @p0 $0xFFFFFE00, s25;
	[sflag:s14] =	ssyncadd.s32 @p0 $0xFFFFE800;
	s14 =	simm.s32 @p0 $0xC  }
0x97: {  	[tilespmem:s4], [sflag:$0x3] =	stream.indirect.gather @p0 [hbm4b:s5+s12], $0x30, s2, s12, $0xb8;
	[tilespmem:$0x16000] =	vst v63  }
0x98: {  	_ =	swait.ge @p0 [sflag:s14], $0x1800  }
0x99: {  	s2 =	sadd.s32 @p0 $0xFFFFFE80, s25;
	[sflag:s14] =	ssyncset.done @p0 $0x0  }
0x9a: {  	s4 =	simm.s32 @p0 $0x7000;
	[sflag:s14] =	ssyncadd.s32 @p0 $0xFFFFE800;
	s14 =	simm.s32 @p0 $0xD  }
0x9b: {  	[tilespmem:s4], [sflag:$0x4] =	stream.indirect.gather @p0 [hbm4b:s5+s12], $0x30, s2, s12, $0xb8;
	[tilespmem:$0x16000] =	vst v63  }
0x9c: {  	_ =	swait.ge @p0 [sflag:s14], $0x1800  }
0x9d: {  	s2 =	sadd.s32 @p0 $0xFFFFFF00, s25;
	[sflag:s14] =	ssyncset.done @p0 $0x0  }
0x9e: {  	s4 =	simm.s32 @p0 $0x8800;
	[sflag:s14] =	ssyncadd.s32 @p0 $0xFFFFE800;
	s14 =	simm.s32 @p0 $0xE  }
0x9f: {  	[tilespmem:s4], [sflag:$0x5] =	stream.indirect.gather @p0 [hbm4b:s5+s12], $0x30, s2, s12, $0xb8;
	[tilespmem:$0x16000] =	vst v63  }
0xa0: {  	_ =	swait.ge @p0 [sflag:s14], $0x1800  }
0xa1: {  	s2 =	sadd.s32 @p0 $0xFFFFFF80, s25;
	[sflag:s14] =	ssyncset.done @p0 $0x0  }
0xa2: {  	s4 =	simm.s32 @p0 $0xA000;
	[sflag:s14] =	ssyncadd.s32 @p0 $0xFFFFE800;
	s14 =	simm.s32 @p0 $0xF  }
0xa3: {  	[tilespmem:s4], [sflag:$0x6] =	stream.indirect.gather @p0 [hbm4b:s5+s12], $0x30, s2, s12, $0xb8;
	[tilespmem:$0x16000] =	vst v63  }
0xa4: {  	_ =	swait.ge @p0 [sflag:s14], $0x1800  }
0xa5: {  	[sflag:s14] =	ssyncset.done @p0 $0x0  }
0xa6: {  	s2 =	simm.s32 @p0 $0xB800;
	s4 =	simm.s32 @p0 $0x10;
	[sflag:s14] =	ssyncadd.s32 @p0 $0xFFFFE800  }
0xa7: {  	[tilespmem:s2], [sflag:$0x7] =	stream.indirect.gather @p0 [hbm4b:s5+s12], $0x30, s25, s12, $0xb8;
	[tilespmem:$0x16000] =	vst v63  }
0xa8: {  	_ =	swait.ge @p0 [sflag:s4], $0x1800  }
0xa9: {  	s2 =	simm.s32 @!p0 $0x80;
	[sflag:s4] =	ssyncset.done @p0 $0x0  }
0xaa: {  	s12 =	simm.s32 @!p0 $0x0;
	[sflag:s4] =	ssyncadd.s32 @p0 $0xFFFFE800;
	s4 =	simm.s32 @!p0 $0x2800  }
0xab: {  	[tilespmem:s4], [sflag:$0x1] =	stream.indirect.gather @!p0 [hbm4b:s5+s2], $0x30, s12, s2, $0xb8;
	[tilespmem:$0x16000] =	vst v63  }
0xac: {  	s4 =	simm.s32 @!p0 $0x4000  }
0xad: {  	[tilespmem:s4], [sflag:$0x2] =	stream.indirect.gather @!p0 [hbm4b:s5+s2], $0x30, s2, s2, $0xb8;
	[tilespmem:$0x16000] =	vst v63  }
0xae: {  	s12 =	simm.s32 @!p0 $0x5800;
	s4 =	simm.s32 @!p0 $0x100  }
0xaf: {  	[tilespmem:s12], [sflag:$0x3] =	stream.indirect.gather @!p0 [hbm4b:s5+s2], $0x30, s4, s2, $0xb8;
	[tilespmem:$0x16000] =	vst v63  }
0xb0: {  	s4 =	simm.s32 @!p0 $0x180;
	s12 =	simm.s32 @!p0 $0x7000  }
0xb1: {  	[tilespmem:s12], [sflag:$0x4] =	stream.indirect.gather @!p0 [hbm4b:s5+s2], $0x30, s4, s2, $0xb8;
	[tilespmem:$0x16000] =	vst v63  }
0xb2: {  	s4 =	simm.s32 @!p0 $0x200;
	s12 =	simm.s32 @!p0 $0x8800  }
0xb3: {  	[tilespmem:s12], [sflag:$0x5] =	stream.indirect.gather @!p0 [hbm4b:s5+s2], $0x30, s4, s2, $0xb8;
	[tilespmem:$0x16000] =	vst v63  }
0xb4: {  	s28 =	sadd.s32 @p0 $0xFFFFFD00, s11;
	s4 =	simm.s32 @!p0 $0x280;
	s12 =	simm.s32 @!p0 $0xA000  }
0xb5: {  	[tilespmem:s12], [sflag:$0x6] =	stream.indirect.gather @!p0 [hbm4b:s5+s2], $0x30, s4, s2, $0xb8;
	[tilespmem:$0x16000] =	vst v63  }
0xb6: {  	s28 =	simm.s32 @!p0 $0x0;
	s4 =	simm.s32 @!p0 $0x300;
	s12 =	simm.s32 @!p0 $0xB800  }
0xb7: {  	[tilespmem:s12], [sflag:$0x7] =	stream.indirect.gather @!p0 [hbm4b:s5+s2], $0x30, s4, s2, $0xb8;
	[tilespmem:$0x16000] =	vst v63  }
0xb8: {  	s4 =	sor.u32 $0x380, s28  }
0xb9: {  	[tilespmem:s16], [sflag:$0x8] =	stream.indirect.gather [hbm4b:s5+s15], $0x30, s4, s15, $0xb8;
	[tilespmem:$0x16000] =	vst v63  }
0xba: {  	_ =	swait.ge [sflag:s17], $0x1800  }
0xbb: {  	[sflag:s17] =	ssyncset.done $0x0  }
0xbc: {  	s14 =	sadd.s32 $0x1400, s28;
	s12 =	rddreg [dreg:$0x4];
	[sflag:s17] =	ssyncadd.s32 $0xFFFFE800  }
0xbd: {  	[spmem:s3] =	stream.indirect.scatter.add.f32 [tilespmem:s12], [sflag:$0x9], $0x30, s14, s15, $0xb8;
	[tilespmem:$0x16000] =	vst v63  }
0xbe: {  	s8 =	sadd.s32 @p0 $0xFFFFFD80, s11;
	_ =	swait.ge [sflag:s18], $0x1800  }
0xbf: {  	s8 =	simm.s32 @!p0 $0x80;
	[sflag:s18] =	ssyncset.done $0x0  }
0xc0: {  	s12 =	sadd.s32 $0x1400, s8;
	s4 =	rddreg [dreg:$0x5];
	[sflag:s18] =	ssyncadd.s32 $0xFFFFE800  }
0xc1: {  	[spmem:s3] =	stream.indirect.scatter.add.f32 [tilespmem:s4], [sflag:$0xA], $0x30, s12, s15, $0xb8;
	[tilespmem:$0x16000] =	vst v63  }
0xc2: {  	s30 =	sadd.s32 @p0 $0xFFFFFE00, s11;
	_ =	swait.ge [sflag:s19], $0x1800  }
0xc3: {  	s30 =	simm.s32 @!p0 $0x100;
	[sflag:s19] =	ssyncset.done $0x0  }
0xc4: {  	s30 =	sadd.s32 $0x1400, s30;
	s14 =	rddreg [dreg:$0x6];
	[sflag:s19] =	ssyncadd.s32 $0xFFFFE800  }
0xc5: {  	[spmem:s3] =	stream.indirect.scatter.add.f32 [tilespmem:s14], [sflag:$0xB], $0x30, s30, s15, $0xb8;
	[tilespmem:$0x16000] =	vst v63  }
0xc6: {  	s31 =	sadd.s32 @p0 $0xFFFFFE80, s11;
	_ =	swait.ge [sflag:s20], $0x1800  }
0xc7: {  	s31 =	simm.s32 @!p0 $0x180;
	s1 =	sadd.s32 @p0 $0xFFFFFF00, s11;
	[sflag:s20] =	ssyncset.done $0x0  }
0xc8: {  	s8 =	sadd.s32 $0x1400, s31;
	s4 =	rddreg [dreg:$0x7];
	[sflag:s20] =	ssyncadd.s32 $0xFFFFE800  }
0xc9: {  	[spmem:s3] =	stream.indirect.scatter.add.f32 [tilespmem:s4], [sflag:$0xC], $0x30, s8, s15, $0xb8;
	[tilespmem:$0x16000] =	vst v63  }
0xca: {  	s1 =	simm.s32 @!p0 $0x200;
	_ =	swait.ge [sflag:s21], $0x1800  }
0xcb: {  	s1 =	sadd.s32 $0x1400, s1;
	s29 =	smov.u32 s11;
	[sflag:s21] =	ssyncset.done $0x0  }
0xcc: {  	s0 =	sadd.s32 @p0 $0xFFFFFF80, s11;
	s12 =	rddreg [dreg:$0x8];
	[sflag:s21] =	ssyncadd.s32 $0xFFFFE800  }
0xcd: {  	[spmem:s3] =	stream.indirect.scatter.add.f32 [tilespmem:s12], [sflag:$0xD], $0x30, s1, s15, $0xb8;
	[tilespmem:$0x16000] =	vst v63  }
0xce: {  	s11 =	smov.u32 s26;
	s26 =	sadd.s32 $0x400, s26;
	_ =	swait.ge [sflag:s22], $0x1800  }
0xcf: {  	s0 =	simm.s32 @!p0 $0x280;
	p1 =	sne.s32 s26, $0x1700;
	[sflag:s22] =	ssyncset.done $0x0  }
0xd0: {  	s0 =	sadd.s32 $0x1400, s0;
	s14 =	rddreg [dreg:$0x9];
	[sflag:s22] =	ssyncadd.s32 $0xFFFFE800  }
0xd1: {  	[spmem:s3] =	stream.indirect.scatter.add.f32 [tilespmem:s14], [sflag:$0xE], $0x30, s0, s15, $0xb8;
	[tilespmem:$0x16000] =	vst v63  }
.Ltmp0:
0xd2: {  	_ = 	snop;
	(pc) =	sbr.rel @p1 .LBB2_3-.Ltmp0, $4  }
0xd3: {  	s29 =	simm.s32 @!p0 $0x300;
	s25 =	sadd.s32 $0x400, s25;
	_ =	swait.ge [sflag:s23], $0x1800  }
0xd4: {  	p0 =	sne.s32 s11, $0x300;
	s31 =	sadd.s32 $0x1400, s29;
	[sflag:s23] =	ssyncset.done $0x0  }
0xd5: {  	s0 =	sadd.s32 $0x1780, s28;
	s30 =	rddreg [dreg:$0xa];
	[sflag:s23] =	ssyncadd.s32 $0xFFFFE800  }
0xd6: {  	[spmem:s3] =	stream.indirect.scatter.add.f32 [tilespmem:s30], [sflag:$0xF], $0x30, s31, s15, $0xb8;
	[tilespmem:$0x16000] =	vst v63  }
0xd7: {  	_ =	swait.ge [sflag:s24], $0x1800  }
0xd8: {  	[sflag:s24] =	ssyncset.done $0x0  }
0xd9: {  	s1 =	simm.s32 @p0 $0x9;
	[sflag:s24] =	ssyncadd.s32 $0xFFFFE800  }
0xda: {  	[spmem:s3] =	stream.indirect.scatter.add.f32 [tilespmem:s16], [sflag:$0x10], $0x30, s0, s15, $0xb8;
	[tilespmem:$0x16000] =	vst v63  }
0xdb: {  	_ =	swait.ge @p0 [sflag:s1], $0x1800  }
0xdc: {  	s2 =	simm.s32 @p0 $0x80;
	s4 =	simm.s32 @p0 $0xA;
	[sflag:s1] =	ssyncset.done @p0 $0x0  }
0xdd: {  	s0 =	sadd.s32 @p0 $0xFFFFFD00, s25;
	[sflag:s1] =	ssyncadd.s32 @p0 $0xFFFFE800;
	s1 =	simm.s32 @p0 $0x2800  }
0xde: {  	[tilespmem:s1], [sflag:$0x1] =	stream.indirect.gather @p0 [hbm4b:s5+s2], $0x30, s0, s2, $0xb8;
	[tilespmem:$0x16000] =	vst v63  }
0xdf: {  	_ =	swait.ge @p0 [sflag:s4], $0x1800  }
0xe0: {  	s0 =	sadd.s32 @p0 $0xFFFFFD80, s25;
	[sflag:s4] =	ssyncset.done @p0 $0x0  }
0xe1: {  	s1 =	simm.s32 @p0 $0x4000;
	[sflag:s4] =	ssyncadd.s32 @p0 $0xFFFFE800;
	s4 =	simm.s32 @p0 $0xB  }
0xe2: {  	[tilespmem:s1], [sflag:$0x2] =	stream.indirect.gather @p0 [hbm4b:s5+s2], $0x30, s0, s2, $0xb8;
	[tilespmem:$0x16000] =	vst v63  }
0xe3: {  	_ =	swait.ge @p0 [sflag:s4], $0x1800  }
0xe4: {  	s0 =	sadd.s32 @p0 $0xFFFFFE00, s25;
	[sflag:s4] =	ssyncset.done @p0 $0x0  }
0xe5: {  	s1 =	simm.s32 @p0 $0x5800;
	[sflag:s4] =	ssyncadd.s32 @p0 $0xFFFFE800;
	s4 =	simm.s32 @p0 $0xC  }
0xe6: {  	[tilespmem:s1], [sflag:$0x3] =	stream.indirect.gather @p0 [hbm4b:s5+s2], $0x30, s0, s2, $0xb8;
	[tilespmem:$0x16000] =	vst v63  }
0xe7: {  	_ =	swait.ge @p0 [sflag:s4], $0x1800  }
0xe8: {  	s0 =	sadd.s32 @p0 $0xFFFFFE80, s25;
	[sflag:s4] =	ssyncset.done @p0 $0x0  }
0xe9: {  	s1 =	simm.s32 @p0 $0x7000;
	[sflag:s4] =	ssyncadd.s32 @p0 $0xFFFFE800;
	s4 =	simm.s32 @p0 $0xD  }
0xea: {  	[tilespmem:s1], [sflag:$0x4] =	stream.indirect.gather @p0 [hbm4b:s5+s2], $0x30, s0, s2, $0xb8;
	[tilespmem:$0x16000] =	vst v63  }
0xeb: {  	_ =	swait.ge @p0 [sflag:s4], $0x1800  }
0xec: {  	s0 =	sadd.s32 @p0 $0xFFFFFF00, s25;
	[sflag:s4] =	ssyncset.done @p0 $0x0  }
0xed: {  	s1 =	simm.s32 @p0 $0x8800;
	[sflag:s4] =	ssyncadd.s32 @p0 $0xFFFFE800;
	s4 =	simm.s32 @p0 $0xE  }
0xee: {  	[tilespmem:s1], [sflag:$0x5] =	stream.indirect.gather @p0 [hbm4b:s5+s2], $0x30, s0, s2, $0xb8;
	[tilespmem:$0x16000] =	vst v63  }
0xef: {  	_ =	swait.ge @p0 [sflag:s4], $0x1800  }
0xf0: {  	s0 =	sadd.s32 @p0 $0xFFFFFF80, s25;
	[sflag:s4] =	ssyncset.done @p0 $0x0  }
0xf1: {  	s1 =	simm.s32 @p0 $0xA000;
	[sflag:s4] =	ssyncadd.s32 @p0 $0xFFFFE800;
	s4 =	simm.s32 @p0 $0xF  }
0xf2: {  	[tilespmem:s1], [sflag:$0x6] =	stream.indirect.gather @p0 [hbm4b:s5+s2], $0x30, s0, s2, $0xb8;
	[tilespmem:$0x16000] =	vst v63  }
0xf3: {  	_ =	swait.ge @p0 [sflag:s4], $0x1800  }
0xf4: {  	[sflag:s4] =	ssyncset.done @p0 $0x0  }
0xf5: {  	s0 =	simm.s32 @p0 $0xB800;
	s1 =	simm.s32 @p0 $0x10;
	[sflag:s4] =	ssyncadd.s32 @p0 $0xFFFFE800  }
0xf6: {  	[tilespmem:s0], [sflag:$0x7] =	stream.indirect.gather @p0 [hbm4b:s5+s2], $0x30, s25, s2, $0xb8;
	[tilespmem:$0x16000] =	vst v63  }
0xf7: {  	_ =	swait.ge @p0 [sflag:s1], $0x1800  }
0xf8: {  	s2 =	simm.s32 @!p0 $0x80;
	[sflag:s1] =	ssyncset.done @p0 $0x0  }
0xf9: {  	s0 =	simm.s32 @!p0 $0x0;
	[sflag:s1] =	ssyncadd.s32 @p0 $0xFFFFE800;
	s1 =	simm.s32 @!p0 $0x2800  }
0xfa: {  	[tilespmem:s1], [sflag:$0x1] =	stream.indirect.gather @!p0 [hbm4b:s5+s2], $0x30, s0, s2, $0xb8;
	[tilespmem:$0x16000] =	vst v63  }
0xfb: {  	s0 =	simm.s32 @!p0 $0x4000  }
0xfc: {  	[tilespmem:s0], [sflag:$0x2] =	stream.indirect.gather @!p0 [hbm4b:s5+s2], $0x30, s2, s2, $0xb8;
	[tilespmem:$0x16000] =	vst v63  }
0xfd: {  	s1 =	simm.s32 @!p0 $0x5800;
	s0 =	simm.s32 @!p0 $0x100  }
0xfe: {  	[tilespmem:s1], [sflag:$0x3] =	stream.indirect.gather @!p0 [hbm4b:s5+s2], $0x30, s0, s2, $0xb8;
	[tilespmem:$0x16000] =	vst v63  }
0xff: {  	s0 =	simm.s32 @!p0 $0x180;
	s1 =	simm.s32 @!p0 $0x7000  }
0x100: {  	[tilespmem:s1], [sflag:$0x4] =	stream.indirect.gather @!p0 [hbm4b:s5+s2], $0x30, s0, s2, $0xb8;
	[tilespmem:$0x16000] =	vst v63  }
0x101: {  	s0 =	simm.s32 @!p0 $0x200;
	s1 =	simm.s32 @!p0 $0x8800  }
0x102: {  	[tilespmem:s1], [sflag:$0x5] =	stream.indirect.gather @!p0 [hbm4b:s5+s2], $0x30, s0, s2, $0xb8;
	[tilespmem:$0x16000] =	vst v63  }
0x103: {  	s4 =	simm.s32 @!p0 $0xA000;
	s0 =	sadd.s32 @p0 $0xFFFFFD00, s11;
	s1 =	simm.s32 @!p0 $0x280  }
0x104: {  	[tilespmem:s4], [sflag:$0x6] =	stream.indirect.gather @!p0 [hbm4b:s5+s2], $0x30, s1, s2, $0xb8;
	[tilespmem:$0x16000] =	vst v63  }
0x105: {  	s0 =	simm.s32 @!p0 $0x0;
	s1 =	simm.s32 @!p0 $0x300;
	s4 =	simm.s32 @!p0 $0xB800  }
0x106: {  	[tilespmem:s4], [sflag:$0x7] =	stream.indirect.gather @!p0 [hbm4b:s5+s2], $0x30, s1, s2, $0xb8;
	[tilespmem:$0x16000] =	vst v63  }
0x107: {  	s4 =	sor.u32 $0x380, s0  }
0x108: {  	[tilespmem:s16], [sflag:$0x8] =	stream.indirect.gather [hbm4b:s5+s15], $0x30, s4, s15, $0xb8;
	[tilespmem:$0x16000] =	vst v63  }
0x109: {  	_ =	swait.ge [sflag:s17], $0x1800  }
0x10a: {  	[sflag:s17] =	ssyncset.done $0x0  }
0x10b: {  	s12 =	sadd.s32 $0x1400, s0;
	s8 =	rddreg [dreg:$0x4];
	[sflag:s17] =	ssyncadd.s32 $0xFFFFE800  }
0x10c: {  	[spmem:s3] =	stream.indirect.scatter.add.f32 [tilespmem:s8], [sflag:$0x9], $0x30, s12, s15, $0xb8;
	[tilespmem:$0x16000] =	vst v63  }
0x10d: {  	s1 =	sadd.s32 @p0 $0xFFFFFD80, s11;
	_ =	swait.ge [sflag:s18], $0x1800  }
0x10e: {  	s1 =	simm.s32 @!p0 $0x80;
	[sflag:s18] =	ssyncset.done $0x0  }
0x10f: {  	s1 =	sadd.s32 $0x1400, s1;
	s14 =	rddreg [dreg:$0x5];
	[sflag:s18] =	ssyncadd.s32 $0xFFFFE800  }
0x110: {  	[spmem:s3] =	stream.indirect.scatter.add.f32 [tilespmem:s14], [sflag:$0xA], $0x30, s1, s15, $0xb8;
	[tilespmem:$0x16000] =	vst v63  }
0x111: {  	s1 =	sadd.s32 @p0 $0xFFFFFE00, s11;
	_ =	swait.ge [sflag:s19], $0x1800  }
0x112: {  	s1 =	simm.s32 @!p0 $0x100;
	[sflag:s19] =	ssyncset.done $0x0  }
0x113: {  	s25 =	rddreg [dreg:$0x6];
	s1 =	sadd.s32 $0x1400, s1;
	[sflag:s19] =	ssyncadd.s32 $0xFFFFE800  }
0x114: {  	[spmem:s3] =	stream.indirect.scatter.add.f32 [tilespmem:s25], [sflag:$0xB], $0x30, s1, s15, $0xb8;
	[tilespmem:$0x16000] =	vst v63  }
0x115: {  	s1 =	sadd.s32 @p0 $0xFFFFFE80, s11;
	_ =	swait.ge [sflag:s20], $0x1800  }
0x116: {  	s1 =	simm.s32 @!p0 $0x180;
	[sflag:s20] =	ssyncset.done $0x0  }
0x117: {  	s26 =	rddreg [dreg:$0x7];
	s1 =	sadd.s32 $0x1400, s1;
	[sflag:s20] =	ssyncadd.s32 $0xFFFFE800  }
0x118: {  	[spmem:s3] =	stream.indirect.scatter.add.f32 [tilespmem:s26], [sflag:$0xC], $0x30, s1, s15, $0xb8;
	[tilespmem:$0x16000] =	vst v63  }
0x119: {  	s1 =	sadd.s32 @p0 $0xFFFFFF00, s11;
	_ =	swait.ge [sflag:s21], $0x1800  }
0x11a: {  	s1 =	simm.s32 @!p0 $0x200;
	[sflag:s21] =	ssyncset.done $0x0  }
0x11b: {  	s28 =	rddreg [dreg:$0x8];
	s1 =	sadd.s32 $0x1400, s1;
	[sflag:s21] =	ssyncadd.s32 $0xFFFFE800  }
0x11c: {  	[spmem:s3] =	stream.indirect.scatter.add.f32 [tilespmem:s28], [sflag:$0xD], $0x30, s1, s15, $0xb8;
	[tilespmem:$0x16000] =	vst v63  }
0x11d: {  	s1 =	sadd.s32 @p0 $0xFFFFFF80, s11;
	_ =	swait.ge [sflag:s22], $0x1800  }
0x11e: {  	s1 =	simm.s32 @!p0 $0x280;
	[sflag:s22] =	ssyncset.done $0x0  }
0x11f: {  	s29 =	rddreg [dreg:$0x9];
	s1 =	sadd.s32 $0x1400, s1;
	[sflag:s22] =	ssyncadd.s32 $0xFFFFE800  }
0x120: {  	[spmem:s3] =	stream.indirect.scatter.add.f32 [tilespmem:s29], [sflag:$0xE], $0x30, s1, s15, $0xb8;
	[tilespmem:$0x16000] =	vst v63  }
0x121: {  	s11 =	simm.s32 @!p0 $0x300;
	_ =	swait.ge [sflag:s23], $0x1800  }
0x122: {  	s10 =	sadd.s32 $0x1, s10;
	s31 =	sadd.s32 $0x1400, s11;
	[sflag:s23] =	ssyncset.done $0x0  }
0x123: {  	p0 =	sne.s32 s10, $0x4;
	s30 =	rddreg [dreg:$0xa];
	[sflag:s23] =	ssyncadd.s32 $0xFFFFE800  }
0x124: {  	[spmem:s3] =	stream.indirect.scatter.add.f32 [tilespmem:s30], [sflag:$0xF], $0x30, s31, s15, $0xb8;
	[tilespmem:$0x16000] =	vst v63  }
.Ltmp1:
0x125: {  	_ = 	snop;
	(pc) =	sbr.rel @p0 .LBB2_2-.Ltmp1, $4  }
0x126: {  	_ =	swait.ge [sflag:s24], $0x1800  }
0x127: {  	[sflag:s24] =	ssyncset.done $0x0  }
0x128: {  	s0 =	sadd.s32 $0x1780, s0;
	[sflag:s24] =	ssyncadd.s32 $0xFFFFE800  }
0x129: {  	[spmem:s3] =	stream.indirect.scatter.add.f32 [tilespmem:s16], [sflag:$0x10], $0x30, s0, s15, $0xb8;
	[tilespmem:$0x16000] =	vst v63  }
0x12a: {  	s0 =	simm.s32 $0x9  }
0x12b: {  	_ =	swait.ge [sflag:s0], $0x1800  }
0x12c: {  	[sflag:s0] =	ssyncset.done $0x0  }
0x12d: {  	s11 =	simm.s32 $0xA;
	[sflag:s0] =	ssyncadd.s32 $0xFFFFE800  }
0x12e: {  	_ =	swait.ge [sflag:s11], $0x1800  }
0x12f: {  	[sflag:s11] =	ssyncset.done $0x0  }
0x130: {  	s12 =	simm.s32 $0xB;
	[sflag:s11] =	ssyncadd.s32 $0xFFFFE800  }
0x131: {  	_ =	swait.ge [sflag:s12], $0x1800  }
0x132: {  	[sflag:s12] =	ssyncset.done $0x0  }
0x133: {  	s14 =	simm.s32 $0xC;
	[sflag:s12] =	ssyncadd.s32 $0xFFFFE800  }
0x134: {  	_ =	swait.ge [sflag:s14], $0x1800  }
0x135: {  	[sflag:s14] =	ssyncset.done $0x0  }
0x136: {  	s25 =	simm.s32 $0xD;
	[sflag:s14] =	ssyncadd.s32 $0xFFFFE800  }
0x137: {  	_ =	swait.ge [sflag:s25], $0x1800  }
0x138: {  	[sflag:s25] =	ssyncset.done $0x0  }
0x139: {  	s26 =	simm.s32 $0xE;
	[sflag:s25] =	ssyncadd.s32 $0xFFFFE800  }
0x13a: {  	_ =	swait.ge [sflag:s26], $0x1800  }
0x13b: {  	[sflag:s26] =	ssyncset.done $0x0  }
0x13c: {  	s28 =	simm.s32 $0xF;
	[sflag:s26] =	ssyncadd.s32 $0xFFFFE800  }
0x13d: {  	_ =	swait.ge [sflag:s28], $0x1800  }
0x13e: {  	[sflag:s28] =	ssyncset.done $0x0  }
0x13f: {  	s29 =	simm.s32 $0x10;
	[sflag:s28] =	ssyncadd.s32 $0xFFFFE800  }
0x140: {  	_ =	swait.ge [sflag:s29], $0x1800  }
0x141: {  	[sflag:s29] =	ssyncset.done $0x0  }
0x142: {  	[sflag:s29] =	ssyncadd.s32 $0xFFFFE800  }
0x143: {  	[bflag:$0x0] =	sbarrier.arrive $0xFFFF  }
0x144: {  	s4 =	rddreg [dreg:$0xb]  }
0x145: {  	s30 =	rddreg [dreg:$0xc]  }
0x146: {  	s1 =	rddreg [dreg:$0xe]  }
0x147: {  	[hbm:s30], [sflag:s4] =	dma.local [spmem:s1], $0xF00  }
0x148: {  	_ =	swait.ge [sflag:s13], $0xF00  }
0x149: {  	s2 =	rddreg [dreg:$0xf]  }
0x14a: {  	s31 =	rddreg [dreg:$0xd];
	s2 =	sadd.s32 $0x1, s2  }
0x14b: {  	p0 =	sne.s32 s2, s31  }
.Ltmp2:
0x14c: {  	_ = 	snop;
	(pc) =	sbr.rel @p0 .LBB2_1-.Ltmp2, $3  }
0x14d: {  	_ =	sdelay $0x1  }
0x14e: {  	[sflag:s13] =	ssyncset.done $0x0  }
0x14f: {  	[sflag:s13] =	ssyncadd.s32 $0xFFFFF100  }
0x150: {  	_ =	sfence.sel $0x180000  }
0x151: {  	[bflag:$0x0] =	sbarrier.arrive $0xFFFF  }
0x152: {  	_ =	strace $0x90000047  }
0x153: {  	s0 =	stileid.u32;
	[bflag:$0x2] =	sbarrier.arrive $0xFFFF  }
0x154: {  	p0 =	sne.s32 s0, $0x0;
	s0 =	rddreg [dreg:$0x3]  }
0x155: {  	s0 =	sadd.s32 @!p0 $0x100000, s0  }
0x156: {  	[sflag:s0] =	ssyncadd.tile.s32 @!p0 $0x1;
	_ =	shalt  }
.Lfunc_end2:
_tile_overlayer_lowered:
.L_overlay_start_2:
0x157: {  	(tag) =	ssettag $0x2  }
0x158: {  	s0 =	rddreg [dreg:$0x0];
	s2 =	stileid.u32  }
0x159: {  	s1 =	rddreg [dreg:$0x1];
	p0 =	sne.s32 s2, $0x0  }
0x15a: {  	s3 =	rddreg [dreg:$0x2];
	[bflag:$0x3] =	sbarrier.arrive $0xFFFF;
	s2 =	simm.s32 @!p0 $0x1C11  }
0x15b: {  	[timem:s3], [sflag:s2] =	dma.local @!p0 [hbm:s0], s1  }
0x15c: {  	s0 =	simm.s32 @!p0 $0x11  }
0x15d: {  	_ =	swait.ge @!p0 [sflag:s0], s1  }
0x15e: {  	s1 =	ssub.s32 @!p0 $0x0, s1;
	[sflag:s0] =	ssyncset.done @!p0 $0x0  }
0x15f: {  	[sflag:s0] =	ssyncadd.s32 @!p0 s1  }
0x160: {  	[bflag:$0x3] =	sbarrier.arrive $0xFFFF  }
0x161: {  	_ =	shalt  }

</sc_bundles>
